<compile_context>
chip_gen: v7x
topology: tpu7x:2x2x1
jax: 0.10.2.dev20260603
libtpu: 0.0.44.dev20260713+nightly
codegen_flags: <defaults>
</compile_context>

<pallas_src>
import functools

import jax
import jax.numpy as jnp
from jax import lax
from jax.experimental import pallas as pl
from jax.experimental.pallas import tpu as pltpu
from jax.experimental.pallas import tpu_sc as plsc

N = 10000
E = 320000
D = 128
G = 16

NC = 2
NS = 16
NW = NC * NS
NP = 10240
RPT = NP // NS
EPW = 10240
EP = NW * EPW
CH = 64
NCHUNK = EPW // CH
BN = 512
NB = NP // BN

f32 = jnp.float32
i32 = jnp.int32

_sc_mesh = plsc.VectorSubcoreMesh(core_axis_name="c", subcore_axis_name="s")



@functools.partial(
    pl.kernel,
    mesh=_sc_mesh,
    out_type=jax.ShapeDtypeStruct((NC, NP, 16), f32),
    scratch_types=[
        pltpu.VMEM((NCHUNK, 2, CH), i32),
        pltpu.VMEM((CH, 16), f32),
        pltpu.VMEM_SHARED((NP, 16), f32),
        pltpu.SemaphoreType.DMA,
    ],
)
def _deg_kernel(ei_hbm, out_hbm, idx_v, buf_v, acc_sh, sem):
    c = lax.axis_index("c")
    s = lax.axis_index("s")
    w = c * NS + s
    row0 = s * RPT

    pltpu.sync_copy(ei_hbm.at[pl.ds(w * NCHUNK, NCHUNK)], idx_v)

    def _fill(val):
        def body(j, _):
            buf_v[j, :] = jnp.full((16,), val, f32)
            return 0
        lax.fori_loop(0, CH, body, 0)

    _fill(0.0)

    def clr(k, _):
        pltpu.sync_copy(buf_v, acc_sh.at[pl.ds(row0 + k * CH, CH)])
        return 0
    lax.fori_loop(0, RPT // CH, clr, 0)
    plsc.subcore_barrier()

    _fill(1.0)

    def step(g, _):
        ds = [pltpu.async_copy(buf_v, acc_sh.at[idx_v.at[8 * g + u, 1]],
                               sem, add=True) for u in range(8)]
        for d in ds:
            d.wait()
        return 0
    lax.fori_loop(0, NCHUNK // 8, step, 0)
    plsc.subcore_barrier()

    def out(k, _):
        r = row0 + k * CH
        pltpu.sync_copy(acc_sh.at[pl.ds(r, CH)], buf_v)
        pltpu.sync_copy(buf_v, out_hbm.at[c, pl.ds(r, CH)])
        return 0
    lax.fori_loop(0, RPT // CH, out, 0)


PCH = 40
TOTC = EP // CH


@functools.partial(
    pl.kernel,
    mesh=_sc_mesh,
    out_type=jax.ShapeDtypeStruct((NC, NP, D), f32),
    scratch_types=[
        pltpu.VMEM((PCH, 2, CH), i32),
        pltpu.VMEM((CH, D), f32),
        pltpu.VMEM((CH, D), f32),
        pltpu.VMEM((CH, D), f32),
        pltpu.VMEM_SHARED((NP, D), f32),
        pltpu.SemaphoreType.DMA,
        pltpu.SemaphoreType.DMA,
        pltpu.SemaphoreType.DMA,
        pltpu.SemaphoreType.DMA,
        pltpu.SemaphoreType.DMA,
        pltpu.SemaphoreType.DMA,
    ],
)
def _edge_kernel(y_hbm, ei_hbm, out_hbm, idx_v, r0_v, r1_v, r2_v,
                 acc_sh, g0, g1, g2, s0, s1, s2):
    c = lax.axis_index("c")
    s = lax.axis_index("s")
    w = c * NS + s
    row0 = s * RPT
    rows = (r0_v, r1_v, r2_v)
    gsem = (g0, g1, g2)
    ssem = (s0, s1, s2)

    nch = NCHUNK
    base = w * NCHUNK

    def zrow(i, _):
        def zb(j, _):
            r1_v[i, pl.ds(j * 16, 16)] = jnp.zeros((16,), f32)
            return 0
        lax.fori_loop(0, D // 16, zb, 0)
        return 0
    lax.fori_loop(0, CH, zrow, 0)

    def clr(k, _):
        pltpu.sync_copy(r1_v, acc_sh.at[pl.ds(row0 + k * CH, CH)])
        return 0
    lax.fori_loop(0, RPT // CH, clr, 0)
    plsc.subcore_barrier()

    def step(g, _):
        @pl.when(g % (PCH // 8) == 0)
        def _():
            pltpu.sync_copy(ei_hbm.at[pl.ds(base + g * 8, PCH)], idx_v)

        k0 = (g % (PCH // 8)) * 8
        dg = [None] * 8
        ds = [None] * 8
        dg[0] = pltpu.async_copy(y_hbm.at[idx_v.at[k0, 0]],
                                 rows[0], gsem[0])
        dg[1] = pltpu.async_copy(y_hbm.at[idx_v.at[k0 + 1, 0]],
                                 rows[1], gsem[1])
        for u in range(8):
            b = u % 3
            if u >= 1 and u + 2 < 8:
                ds[u - 1].wait()
            if u + 2 < 8:
                dg[u + 2] = pltpu.async_copy(
                    y_hbm.at[idx_v.at[k0 + u + 2, 0]],
                    rows[(u + 2) % 3], gsem[(u + 2) % 3])
            dg[u].wait()
            ds[u] = pltpu.async_copy(
                rows[b], acc_sh.at[idx_v.at[k0 + u, 1]], ssem[b],
                add=True)
        for u in range(5, 8):
            ds[u].wait()
        return 0
    lax.fori_loop(0, nch // 8, step, 0)

    plsc.subcore_barrier()

    def out(p, _):
        r = row0 + 2 * p * CH
        pltpu.sync_copy(acc_sh.at[pl.ds(r, CH)], r0_v)
        d0 = pltpu.async_copy(r0_v, out_hbm.at[c, pl.ds(r, CH)], g0)
        pltpu.sync_copy(acc_sh.at[pl.ds(r + CH, CH)], r1_v)
        d1 = pltpu.async_copy(r1_v, out_hbm.at[c, pl.ds(r + CH, CH)], g1)
        d0.wait()
        d1.wait()
        return 0
    lax.fori_loop(0, RPT // CH // 2, out, 0)



def _k1_body(x_ref, w_ref, dp_ref, y_ref, dis_ref):
    i = pl.program_id(0)
    dp = dp_ref[...]
    dis = lax.rsqrt(dp[0] + dp[1] + 1.0)
    dis_ref[...] = dis
    y = dis[:, :1] * jnp.dot(x_ref[...], w_ref[...], preferred_element_type=f32)
    rows = i * BN + lax.broadcasted_iota(i32, (BN, 1), 0)
    y_ref[...] = jnp.where(rows < N, y, 0.0)


def _k1(xp, w1, degp):
    return pl.pallas_call(
        _k1_body,
        grid=(NB,),
        in_specs=[
            pl.BlockSpec((BN, D), lambda i: (i, 0)),
            pl.BlockSpec((D, D), lambda i: (0, 0)),
            pl.BlockSpec((NC, BN, 16), lambda i: (0, i, 0)),
        ],
        out_specs=[
            pl.BlockSpec((BN, D), lambda i: (i, 0)),
            pl.BlockSpec((BN, 16), lambda i: (i, 0)),
        ],
        out_shape=[
            jax.ShapeDtypeStruct((NP, D), f32),
            jax.ShapeDtypeStruct((NP, 16), f32),
        ],
    )(xp, w1, degp)


def _k23_body(sp_ref, y_ref, dis_ref, b_ref, w_ref, yn_ref):
    i = pl.program_id(0)
    sp = sp_ref[...]
    dis = dis_ref[...][:, :1]
    h = jnp.maximum(dis * (sp[0] + sp[1] + y_ref[...]) + b_ref[...], 0.0)
    yn = dis * jnp.dot(h, w_ref[...], preferred_element_type=f32)
    rows = i * BN + lax.broadcasted_iota(i32, (BN, 1), 0)
    yn_ref[...] = jnp.where(rows < N, yn, 0.0)


def _k23(sp, y, dis, b2d, w):
    return pl.pallas_call(
        _k23_body,
        grid=(NB,),
        in_specs=[
            pl.BlockSpec((NC, BN, D), lambda i: (0, i, 0)),
            pl.BlockSpec((BN, D), lambda i: (i, 0)),
            pl.BlockSpec((BN, 16), lambda i: (i, 0)),
            pl.BlockSpec((1, D), lambda i: (0, 0)),
            pl.BlockSpec((D, D), lambda i: (0, 0)),
        ],
        out_specs=pl.BlockSpec((BN, D), lambda i: (i, 0)),
        out_shape=jax.ShapeDtypeStruct((NP, D), f32),
    )(sp, y, dis, b2d, w)


def _k4_body(sp_ref, y_ref, dis_ref, b_ref, bat_ref, fw1_ref, fb1_ref,
             fw2_ref, fb2_ref, out_ref, acc_ref, cnt_ref):
    i = pl.program_id(0)

    @pl.when(i == 0)
    def _():
        acc_ref[...] = jnp.zeros((G, D), f32)
        cnt_ref[...] = jnp.zeros((G, 128), f32)

    sp = sp_ref[...]
    dis = dis_ref[...][:, :1]
    h = jnp.maximum(dis * (sp[0] + sp[1] + y_ref[...]) + b_ref[...], 0.0)
    onehot = (bat_ref[...][:, :1] == lax.broadcasted_iota(i32, (1, G), 1)
              ).astype(f32)
    acc_ref[...] += lax.dot_general(onehot, h, (((0,), (0,)), ((), ())),
                                    preferred_element_type=f32)
    cnt_ref[...] += jnp.broadcast_to(jnp.sum(onehot, axis=0)[:, None],
                                     (G, 128))

    @pl.when(i == NB - 1)
    def _():
        pooled = acc_ref[...] / jnp.maximum(cnt_ref[...], 1.0)
        z = jnp.maximum(jnp.dot(pooled, fw1_ref[...],
                                preferred_element_type=f32) + fb1_ref[...], 0.0)
        out_ref[...] = jnp.dot(z, fw2_ref[...],
                               preferred_element_type=f32) + fb2_ref[...]


def _k4(sp, y, dis, b2d, bat, fw1, fb1_2d, fw2, fb2_2d):
    return pl.pallas_call(
        _k4_body,
        grid=(NB,),
        in_specs=[
            pl.BlockSpec((NC, BN, D), lambda i: (0, i, 0)),
            pl.BlockSpec((BN, D), lambda i: (i, 0)),
            pl.BlockSpec((BN, 16), lambda i: (i, 0)),
            pl.BlockSpec((1, D), lambda i: (0, 0)),
            pl.BlockSpec((BN, 8), lambda i: (i, 0)),
            pl.BlockSpec((D, D), lambda i: (0, 0)),
            pl.BlockSpec((1, D), lambda i: (0, 0)),
            pl.BlockSpec((D, D), lambda i: (0, 0)),
            pl.BlockSpec((1, D), lambda i: (0, 0)),
        ],
        out_specs=pl.BlockSpec((G, D), lambda i: (0, 0)),
        out_shape=jax.ShapeDtypeStruct((G, D), f32),
        scratch_shapes=[pltpu.VMEM((G, D), f32), pltpu.VMEM((G, 128), f32)],
    )(sp, y, dis, b2d, bat, fw1, fb1_2d, fw2, fb2_2d)



def kernel(x, edge_index, batch, W1, b1, W2, b2, W3, b3, fW1, fb1, fW2, fb2):
    pad_e = EP - E
    srcp = jnp.concatenate([edge_index[0], jnp.full((pad_e,), N, i32)])
    dstp = jnp.concatenate([edge_index[1], jnp.full((pad_e,), N, i32)])
    ei_t = jnp.stack([srcp.reshape(TOTC, CH),
                      dstp.reshape(TOTC, CH)], axis=1)
    xp = jnp.zeros((NP, D), f32).at[:N, :].set(x)
    batp = jnp.broadcast_to(
        jnp.concatenate([batch, jnp.full((NP - N,), G, i32)])[:, None], (NP, 8))

    degp = _deg_kernel(ei_t)
    y1, dis = _k1(xp, W1, degp)
    s1 = _edge_kernel(y1, ei_t)
    y2 = _k23(s1, y1, dis, b1.reshape(1, D), W2)
    s2 = _edge_kernel(y2, ei_t)
    y3 = _k23(s2, y2, dis, b2.reshape(1, D), W3)
    s3 = _edge_kernel(y3, ei_t)
    out = _k4(s3, y3, dis, b3.reshape(1, D), batp,
              fW1, fb1.reshape(1, D), fW2, fb2.reshape(1, D))
    return out

# --- scband reference (transcript-rebuilt; emitter-appended) ---
"""Pipeline reference for scband-graph-neural-network-82961588290003 (READ-ONLY COPY).

The authoritative reference and input builder live on the scoring server;
editing this copy changes nothing except your own understanding.
"""

import jax, jax.numpy as jnp
import numpy as np

N = 10000
E = 320000
D = 128
H = 128
O = 128
G = 16


def setup_inputs(seed: int = 0) -> dict:
    key = jax.random.key(seed)
    ks = jax.random.split(key, 16)
    x = jax.random.normal(ks[0], (N, D), dtype=jnp.float32)
    edge_index = jax.random.randint(ks[1], (2, E), 0, N, dtype=jnp.int32)
    batch = jnp.sort(jax.random.randint(ks[2], (N,), 0, G, dtype=jnp.int32))
    s = 0.05
    W1 = jax.random.normal(ks[3], (D, H), dtype=jnp.float32) * s
    b1 = jnp.zeros((H,), dtype=jnp.float32)
    W2 = jax.random.normal(ks[4], (H, H), dtype=jnp.float32) * s
    b2 = jnp.zeros((H,), dtype=jnp.float32)
    W3 = jax.random.normal(ks[5], (H, H), dtype=jnp.float32) * s
    b3 = jnp.zeros((H,), dtype=jnp.float32)
    fW1 = jax.random.normal(ks[6], (H, H), dtype=jnp.float32) * s
    fb1 = jnp.zeros((H,), dtype=jnp.float32)
    fW2 = jax.random.normal(ks[7], (H, O), dtype=jnp.float32) * s
    fb2 = jnp.zeros((O,), dtype=jnp.float32)
    return {"x": x, "edge_index": edge_index, "batch": batch,
            "W1": W1, "b1": b1, "W2": W2, "b2": b2, "W3": W3, "b3": b3,
            "fW1": fW1, "fb1": fb1, "fW2": fW2, "fb2": fb2}


def _gcn_norm(edge_index):
    # add self loops, compute symmetric normalization (GCNConv semantics)
    loop = jnp.arange(N, dtype=edge_index.dtype)
    src = jnp.concatenate([edge_index[0], loop])
    dst = jnp.concatenate([edge_index[1], loop])
    deg = jnp.zeros((N,), dtype=jnp.float32).at[dst].add(1.0)
    dis = jnp.where(deg > 0, 1.0 / jnp.sqrt(deg), 0.0)
    norm = dis[src] * dis[dst]
    return src, dst, norm


def _gcn_conv(x, src, dst, norm, W, b):
    xw = x @ W
    msg = xw[src] * norm[:, None]
    agg = jnp.zeros((N, W.shape[1]), dtype=x.dtype).at[dst].add(msg)
    return agg + b


def reference(x, edge_index, batch, W1, b1, W2, b2, W3, b3, fW1, fb1, fW2, fb2):
    src, dst, norm = _gcn_norm(edge_index)
    h = jax.nn.relu(_gcn_conv(x, src, dst, norm, W1, b1))
    h = jax.nn.relu(_gcn_conv(h, src, dst, norm, W2, b2))
    h = jax.nn.relu(_gcn_conv(h, src, dst, norm, W3, b3))
    # global mean pool over graphs
    sums = jax.ops.segment_sum(h, batch, num_segments=G)
    cnts = jax.ops.segment_sum(jnp.ones((N,), dtype=h.dtype), batch, num_segments=G)
    pooled = sums / jnp.clip(cnts, 1.0)[:, None]
    z = jax.nn.relu(pooled @ fW1 + fb1)
    out = z @ fW2 + fb2
    return out

if __name__ == "__main__":
    import jax
    _d = setup_inputs()
    print(jax.jit(kernel)(*tuple(_d.values())))

</pallas_src>

<mosaic_0001>
#map = affine_map<(d0, d1) -> (0, 0)>
#map1 = affine_map<(d0, d1) -> (0, 0, 0)>
module attributes {stable_mosaic.version = 14 : i64} {
  func.func @_edge_kernel(%arg0: i32, %arg1: i32, %arg2: memref<10240x128xf32, #tpu.memory_space<hbm>>, %arg3: memref<5120x2x64xi32, #tpu.memory_space<hbm>>, %arg4: memref<2x10240x128xf32, #tpu.memory_space<hbm>>, %arg5: memref<40x2x64xi32, #tpu.memory_space<vmem>>, %arg6: memref<64x128xf32, #tpu.memory_space<vmem>>, %arg7: memref<64x128xf32, #tpu.memory_space<vmem>>, %arg8: memref<64x128xf32, #tpu.memory_space<vmem>>, %arg9: memref<10240x128xf32, #tpu.memory_space<vmem_shared>>, %arg10: memref<!tpu.dma_semaphore, #tpu.memory_space<semaphore_mem>>, %arg11: memref<!tpu.dma_semaphore, #tpu.memory_space<semaphore_mem>>, %arg12: memref<!tpu.dma_semaphore, #tpu.memory_space<semaphore_mem>>, %arg13: memref<!tpu.dma_semaphore, #tpu.memory_space<semaphore_mem>>, %arg14: memref<!tpu.dma_semaphore, #tpu.memory_space<semaphore_mem>>, %arg15: memref<!tpu.dma_semaphore, #tpu.memory_space<semaphore_mem>>) attributes {dimension_semantics = [#tpu.dimension_semantics<core_parallel>, #tpu.dimension_semantics<subcore_parallel>], iteration_bounds = array<i64: 2, 16>, scalar_prefetch = 0 : i64, scratch_operands = 11 : i64, tpu.core_type = #tpu.core_type<sc_vector_subcore>, window_params = [{transform_indices = #map}, {transform_indices = #map1}, {transform_indices = #map1}]} {
    %mul3A = arith.constant 16 : i32
    %mul3A_0 = arith.muli %arg0, %mul3A : i32
    %add3A = arith.addi %mul3A_0, %arg1 : i32
    %mul3A_1 = arith.constant 640 : i32
    %mul3A_2 = arith.muli %arg1, %mul3A_1 : i32
    %mul3A_3 = arith.constant 160 : i32
    %mul3A_4 = arith.muli %add3A, %mul3A_3 : i32
    %scan3A = arith.constant 0 : i32
    %scan3A_5 = arith.constant 0 : i32
    %scan3A_6 = arith.constant 64 : i32
    %scan3A_7 = arith.addi %scan3A_5, %scan3A_6 : i32
    %scan3A_8 = arith.constant 1 : i32
    %scan3A_9 = scf.for %scan3A_33 = %scan3A_5 to %scan3A_7 step %scan3A_8 iter_args(%scan3A_34 = %scan3A) -> (i32)  : i32 {
      %scan3A_35 = arith.constant 0 : i32
      %scan3A_36 = arith.constant 0 : i32
      %scan3A_37 = arith.constant 8 : i32
      %scan3A_38 = arith.addi %scan3A_36, %scan3A_37 : i32
      %scan3A_39 = arith.constant 1 : i32
      %scan3A_40 = scf.for %scan3A_43 = %scan3A_36 to %scan3A_38 step %scan3A_39 iter_args(%scan3A_44 = %scan3A_35) -> (i32)  : i32 {
        %broadcast_in_dim3A = arith.constant 0.000000e+00 : f32
        %broadcast_in_dim3A_45 = vector.broadcast %broadcast_in_dim3A : f32 to vector<16xf32>
        %mul3A_46 = arith.constant 16 : i32
        %mul3A_47 = arith.muli %scan3A_43, %mul3A_46 : i32
        %swap3A = arith.index_cast %scan3A_33 : i32 to index
        %swap3A_48 = arith.index_cast %mul3A_47 : i32 to index
        %swap3A_49 = tpu.vector_load %arg7[%swap3A, %swap3A_48] {strides = array<i32>} : memref<64x128xf32, #tpu.memory_space<vmem>>, vector<1x16xf32>,
        %swap3A_50 = vector.shape_cast %swap3A_49 : vector<1x16xf32> to vector<16xf32>
        %swap3A_51 = vector.shape_cast %broadcast_in_dim3A_45 : vector<16xf32> to vector<1x16xf32>
        tpu.vector_store %arg7[%swap3A, %swap3A_48], %swap3A_51 {strides = array<i32>} : memref<64x128xf32, #tpu.memory_space<vmem>>, vector<1x16xf32>,
        %scan3A_52 = arith.constant 0 : i32
        scf.yield %scan3A_52 : i32
      }
      %scan3A_41 = arith.constant 8 : i32
      %scan3A_42 = arith.constant 0 : i32
      scf.yield %scan3A_42 : i32
    }
    %scan3A_10 = arith.constant 64 : i32
    %scan3A_11 = arith.constant 0 : i32
    %scan3A_12 = arith.constant 0 : i32
    %scan3A_13 = arith.constant 10 : i32
    %scan3A_14 = arith.addi %scan3A_12, %scan3A_13 : i32
    %scan3A_15 = arith.constant 1 : i32
    %scan3A_16 = scf.for %scan3A_33 = %scan3A_12 to %scan3A_14 step %scan3A_15 iter_args(%scan3A_34 = %scan3A_11) -> (i32)  : i32 {
      %mul3A_35 = arith.constant 64 : i32
      %mul3A_36 = arith.muli %scan3A_33, %mul3A_35 : i32
      %add3A_37 = arith.addi %mul3A_2, %mul3A_36 : i32
      "tpu.region"() ({
        %run_scoped3A = tpu.sem_alloc : memref<!tpu.dma_semaphore, #tpu.memory_space<semaphore_mem>>
        %dma_start3A = arith.constant 0 : i32
        %dma_start3A_39 = tpu.memref_slice %arg9[%add3A_37, %dma_start3A] : memref<10240x128xf32, #tpu.memory_space<vmem_shared>> -> memref<64x128xf32, #tpu.memory_space<vmem_shared>>
        %dma_start3A_40 = arith.constant 0 : i32
        %dma_start3A_41 = tpu.memref_slice %arg9[%add3A_37, %dma_start3A_40] : memref<10240x128xf32, #tpu.memory_space<vmem_shared>> -> memref<64x128xf32, #tpu.memory_space<vmem_shared>>
        tpu.enqueue_dma source(%arg7 : memref<64x128xf32, #tpu.memory_space<vmem>>) target(%dma_start3A_41 : memref<64x128xf32, #tpu.memory_space<vmem_shared>>) target_semaphore(%run_scoped3A : memref<!tpu.dma_semaphore, #tpu.memory_space<semaphore_mem>>)
        %dma_wait3A = arith.constant 0 : i32
        %dma_wait3A_42 = tpu.memref_slice %arg9[%add3A_37, %dma_wait3A] : memref<10240x128xf32, #tpu.memory_space<vmem_shared>> -> memref<64x128xf32, #tpu.memory_space<vmem_shared>>
        %dma_wait3A_43 = arith.constant 0 : i32
        %dma_wait3A_44 = tpu.memref_slice %arg9[%add3A_37, %dma_wait3A_43] : memref<10240x128xf32, #tpu.memory_space<vmem_shared>> -> memref<64x128xf32, #tpu.memory_space<vmem_shared>>
        tpu.wait_dma2 semaphore(%run_scoped3A : memref<!tpu.dma_semaphore, #tpu.memory_space<semaphore_mem>>) src(%arg7 : memref<64x128xf32, #tpu.memory_space<vmem>>) dst(%dma_wait3A_44 : memref<64x128xf32, #tpu.memory_space<vmem_shared>>)
        tpu.yield
      }) : () -> ()
      %scan3A_38 = arith.constant 0 : i32
      scf.yield %scan3A_38 : i32
    }
    %scan3A_17 = arith.constant 10 : i32
    %barrier3A = arith.constant 0 : index
    tpu.barrier barrier_id(%barrier3A)
    %scan3A_18 = arith.constant 0 : i32
    %scan3A_19 = arith.constant 0 : i32
    %scan3A_20 = arith.constant 20 : i32
    %scan3A_21 = arith.addi %scan3A_19, %scan3A_20 : i32
    %scan3A_22 = arith.constant 1 : i32
    %scan3A_23 = scf.for %scan3A_33 = %scan3A_19 to %scan3A_21 step %scan3A_22 iter_args(%scan3A_34 = %scan3A_18) -> (i32)  : i32 {
      %jit3A = arith.constant 5 : i32
      %eq3A = arith.constant 0 : i32
      %eq3A_35 = arith.cmpi eq, %jit3A, %eq3A : i32
      %jit3A_36 = arith.constant 1 : i32
      %select_n3A = arith.select %eq3A_35, %jit3A_36, %jit3A : i32
      %rem3A = arith.remsi %scan3A_33, %select_n3A : i32
      %ne3A = arith.constant 0 : i32
      %ne3A_37 = arith.cmpi ne, %rem3A, %ne3A : i32
      %lt3A = arith.constant 0 : i32
      %lt3A_38 = arith.cmpi slt, %rem3A, %lt3A : i32
      %lt3A_39 = arith.constant 0 : i32
      %lt3A_40 = arith.cmpi slt, %select_n3A, %lt3A_39 : i32
      %ne3A_41 = arith.xori %lt3A_38, %lt3A_40 : i1
      %and3A = arith.andi %ne3A_41, %ne3A_37 : i1
      %add3A_42 = arith.addi %rem3A, %select_n3A : i32
      %select_n3A_43 = arith.select %and3A, %add3A_42, %rem3A : i32
      %eq3A_44 = arith.constant 0 : i32
      %eq3A_45 = arith.cmpi eq, %select_n3A_43, %eq3A_44 : i32
      %convert_element_type3A = arith.extui %eq3A_45 : i1 to i32
      %cond3A = arith.constant 0 : i32
      %cond3A_46 = arith.cmpi ne, %convert_element_type3A, %cond3A : i32
      scf.if %cond3A_46 {
        %mul3A_330 = arith.constant 8 : i32
        %mul3A_331 = arith.muli %scan3A_33, %mul3A_330 : i32
        %add3A_332 = arith.addi %mul3A_4, %mul3A_331 : i32
        "tpu.region"() ({
          %run_scoped3A = tpu.sem_alloc : memref<!tpu.dma_semaphore, #tpu.memory_space<semaphore_mem>>
          %dma_start3A_333 = arith.constant 0 : i32
          %dma_start3A_334 = arith.constant 0 : i32
          %dma_start3A_335 = tpu.memref_slice %arg3[%add3A_332, %dma_start3A_333, %dma_start3A_334] : memref<5120x2x64xi32, #tpu.memory_space<hbm>> -> memref<40x2x64xi32, #tpu.memory_space<hbm>>
          %dma_start3A_336 = arith.constant 0 : i32
          %dma_start3A_337 = arith.constant 0 : i32
          %dma_start3A_338 = tpu.memref_slice %arg3[%add3A_332, %dma_start3A_336, %dma_start3A_337] : memref<5120x2x64xi32, #tpu.memory_space<hbm>> -> memref<40x2x64xi32, #tpu.memory_space<hbm>>
          tpu.enqueue_dma source(%dma_start3A_338 : memref<40x2x64xi32, #tpu.memory_space<hbm>>) target(%arg5 : memref<40x2x64xi32, #tpu.memory_space<vmem>>) target_semaphore(%run_scoped3A : memref<!tpu.dma_semaphore, #tpu.memory_space<semaphore_mem>>)
          %dma_wait3A_339 = arith.constant 0 : i32
          %dma_wait3A_340 = arith.constant 0 : i32
          %dma_wait3A_341 = tpu.memref_slice %arg3[%add3A_332, %dma_wait3A_339, %dma_wait3A_340] : memref<5120x2x64xi32, #tpu.memory_space<hbm>> -> memref<40x2x64xi32, #tpu.memory_space<hbm>>
          %dma_wait3A_342 = arith.constant 0 : i32
          %dma_wait3A_343 = arith.constant 0 : i32
          %dma_wait3A_344 = tpu.memref_slice %arg3[%add3A_332, %dma_wait3A_342, %dma_wait3A_343] : memref<5120x2x64xi32, #tpu.memory_space<hbm>> -> memref<40x2x64xi32, #tpu.memory_space<hbm>>
          tpu.wait_dma2 semaphore(%run_scoped3A : memref<!tpu.dma_semaphore, #tpu.memory_space<semaphore_mem>>) src(%dma_wait3A_344 : memref<40x2x64xi32, #tpu.memory_space<hbm>>) dst(%arg5 : memref<40x2x64xi32, #tpu.memory_space<vmem>>)
          tpu.yield
        }) : () -> ()
      } else {
      }
      %jit3A_47 = arith.constant 5 : i32
      %eq3A_48 = arith.constant 0 : i32
      %eq3A_49 = arith.cmpi eq, %jit3A_47, %eq3A_48 : i32
      %jit3A_50 = arith.constant 1 : i32
      %select_n3A_51 = arith.select %eq3A_49, %jit3A_50, %jit3A_47 : i32
      %rem3A_52 = arith.remsi %scan3A_33, %select_n3A_51 : i32
      %ne3A_53 = arith.constant 0 : i32
      %ne3A_54 = arith.cmpi ne, %rem3A_52, %ne3A_53 : i32
      %lt3A_55 = arith.constant 0 : i32
      %lt3A_56 = arith.cmpi slt, %rem3A_52, %lt3A_55 : i32
      %lt3A_57 = arith.constant 0 : i32
      %lt3A_58 = arith.cmpi slt, %select_n3A_51, %lt3A_57 : i32
      %ne3A_59 = arith.xori %lt3A_56, %lt3A_58 : i1
      %and3A_60 = arith.andi %ne3A_59, %ne3A_54 : i1
      %add3A_61 = arith.addi %rem3A_52, %select_n3A_51 : i32
      %select_n3A_62 = arith.select %and3A_60, %add3A_61, %rem3A_52 : i32
      %mul3A_63 = arith.constant 8 : i32
      %mul3A_64 = arith.muli %select_n3A_62, %mul3A_63 : i32
      %dma_start3A = arith.constant 0 : i32
      %dma_start3A_65 = arith.constant 0 : i32
      %dma_start3A_66 = tpu.memref_slice %arg5[%mul3A_64, %dma_start3A, %dma_start3A_65] : memref<40x2x64xi32, #tpu.memory_space<vmem>> -> memref<1x1x64xi32, #tpu.memory_space<vmem>>
      %dma_start3A_67 = tpu.memref_squeeze %dma_start3A_66 : memref<1x1x64xi32, #tpu.memory_space<vmem>> -> memref<64xi32, #tpu.memory_space<vmem>>
      %dma_start3A_68 = arith.constant 0 : i32
      %dma_start3A_69 = arith.constant 0 : i32
      %dma_start3A_70 = tpu.memref_slice %arg2[%dma_start3A_68, %dma_start3A_69] : memref<10240x128xf32, #tpu.memory_space<hbm>> -> memref<10240x128xf32, #tpu.memory_space<hbm>>
      tpu.enqueue_indirect_dma source(%dma_start3A_70 : memref<10240x128xf32, #tpu.memory_space<hbm>>) target(%arg6 : memref<64x128xf32, #tpu.memory_space<vmem>>) offsets(%dma_start3A_67 : memref<64xi32, #tpu.memory_space<vmem>>) semaphore(%arg10 : memref<!tpu.dma_semaphore, #tpu.memory_space<semaphore_mem>>)
      %add3A_71 = arith.constant 1 : i32
      %add3A_72 = arith.addi %mul3A_64, %add3A_71 : i32
      %dma_start3A_73 = arith.constant 0 : i32
      %dma_start3A_74 = arith.constant 0 : i32
      %dma_start3A_75 = tpu.memref_slice %arg5[%add3A_72, %dma_start3A_73, %dma_start3A_74] : memref<40x2x64xi32, #tpu.memory_space<vmem>> -> memref<1x1x64xi32, #tpu.memory_space<vmem>>
      %dma_start3A_76 = tpu.memref_squeeze %dma_start3A_75 : memref<1x1x64xi32, #tpu.memory_space<vmem>> -> memref<64xi32, #tpu.memory_space<vmem>>
      %dma_start3A_77 = arith.constant 0 : i32
      %dma_start3A_78 = arith.constant 0 : i32
      %dma_start3A_79 = tpu.memref_slice %arg2[%dma_start3A_77, %dma_start3A_78] : memref<10240x128xf32, #tpu.memory_space<hbm>> -> memref<10240x128xf32, #tpu.memory_space<hbm>>
      tpu.enqueue_indirect_dma source(%dma_start3A_79 : memref<10240x128xf32, #tpu.memory_space<hbm>>) target(%arg7 : memref<64x128xf32, #tpu.memory_space<vmem>>) offsets(%dma_start3A_76 : memref<64xi32, #tpu.memory_space<vmem>>) semaphore(%arg11 : memref<!tpu.dma_semaphore, #tpu.memory_space<semaphore_mem>>)
      %add3A_80 = arith.constant 0 : i32
      %add3A_81 = arith.addi %mul3A_64, %add3A_80 : i32
      %add3A_82 = arith.constant 2 : i32
      %add3A_83 = arith.addi %add3A_81, %add3A_82 : i32
      %dma_start3A_84 = arith.constant 0 : i32
      %dma_start3A_85 = arith.constant 0 : i32
      %dma_start3A_86 = tpu.memref_slice %arg5[%add3A_83, %dma_start3A_84, %dma_start3A_85] : memref<40x2x64xi32, #tpu.memory_space<vmem>> -> memref<1x1x64xi32, #tpu.memory_space<vmem>>
      %dma_start3A_87 = tpu.memref_squeeze %dma_start3A_86 : memref<1x1x64xi32, #tpu.memory_space<vmem>> -> memref<64xi32, #tpu.memory_space<vmem>>
      %dma_start3A_88 = arith.constant 0 : i32
      %dma_start3A_89 = arith.constant 0 : i32
      %dma_start3A_90 = tpu.memref_slice %arg2[%dma_start3A_88, %dma_start3A_89] : memref<10240x128xf32, #tpu.memory_space<hbm>> -> memref<10240x128xf32, #tpu.memory_space<hbm>>
      tpu.enqueue_indirect_dma source(%dma_start3A_90 : memref<10240x128xf32, #tpu.memory_space<hbm>>) target(%arg8 : memref<64x128xf32, #tpu.memory_space<vmem>>) offsets(%dma_start3A_87 : memref<64xi32, #tpu.memory_space<vmem>>) semaphore(%arg12 : memref<!tpu.dma_semaphore, #tpu.memory_space<semaphore_mem>>)
      %dma_wait3A = arith.constant 0 : i32
      %dma_wait3A_91 = arith.constant 0 : i32
      %dma_wait3A_92 = tpu.memref_slice %arg5[%mul3A_64, %dma_wait3A, %dma_wait3A_91] : memref<40x2x64xi32, #tpu.memory_space<vmem>> -> memref<1x1x64xi32, #tpu.memory_space<vmem>>
      %dma_wait3A_93 = tpu.memref_squeeze %dma_wait3A_92 : memref<1x1x64xi32, #tpu.memory_space<vmem>> -> memref<64xi32, #tpu.memory_space<vmem>>
      %dma_wait3A_94 = arith.constant 0 : i32
      %dma_wait3A_95 = arith.constant 0 : i32
      %dma_wait3A_96 = tpu.memref_slice %arg2[%dma_wait3A_94, %dma_wait3A_95] : memref<10240x128xf32, #tpu.memory_space<hbm>> -> memref<10240x128xf32, #tpu.memory_space<hbm>>
      tpu.wait_indirect_dma semaphore(%arg10 : memref<!tpu.dma_semaphore, #tpu.memory_space<semaphore_mem>>) src(%dma_wait3A_96 : memref<10240x128xf32, #tpu.memory_space<hbm>>) dst(%arg6 : memref<64x128xf32, #tpu.memory_space<vmem>>)
      %add3A_97 = arith.constant 0 : i32
      %add3A_98 = arith.addi %mul3A_64, %add3A_97 : i32
      %dma_start3A_99 = arith.constant 1 : i32
      %dma_start3A_100 = arith.constant 0 : i32
      %dma_start3A_101 = tpu.memref_slice %arg5[%add3A_98, %dma_start3A_99, %dma_start3A_100] : memref<40x2x64xi32, #tpu.memory_space<vmem>> -> memref<1x1x64xi32, #tpu.memory_space<vmem>>
      %dma_start3A_102 = tpu.memref_squeeze %dma_start3A_101 : memref<1x1x64xi32, #tpu.memory_space<vmem>> -> memref<64xi32, #tpu.memory_space<vmem>>
      %dma_start3A_103 = arith.constant 0 : i32
      %dma_start3A_104 = arith.constant 0 : i32
      %dma_start3A_105 = tpu.memref_slice %arg9[%dma_start3A_103, %dma_start3A_104] : memref<10240x128xf32, #tpu.memory_space<vmem_shared>> -> memref<10240x128xf32, #tpu.memory_space<vmem_shared>>
      tpu.enqueue_indirect_dma source(%arg6 : memref<64x128xf32, #tpu.memory_space<vmem>>) target(%dma_start3A_105 : memref<10240x128xf32, #tpu.memory_space<vmem_shared>>) offsets(%dma_start3A_102 : memref<64xi32, #tpu.memory_space<vmem>>) semaphore(%arg13 : memref<!tpu.dma_semaphore, #tpu.memory_space<semaphore_mem>>) {add = true}
      %dma_wait3A_106 = arith.constant 1 : i32
      %dma_wait3A_107 = arith.constant 0 : i32
      %dma_wait3A_108 = tpu.memref_slice %arg5[%add3A_98, %dma_wait3A_106, %dma_wait3A_107] : memref<40x2x64xi32, #tpu.memory_space<vmem>> -> memref<1x1x64xi32, #tpu.memory_space<vmem>>
      %dma_wait3A_109 = tpu.memref_squeeze %dma_wait3A_108 : memref<1x1x64xi32, #tpu.memory_space<vmem>> -> memref<64xi32, #tpu.memory_space<vmem>>
      %dma_wait3A_110 = arith.constant 0 : i32
      %dma_wait3A_111 = arith.constant 0 : i32
      %dma_wait3A_112 = tpu.memref_slice %arg9[%dma_wait3A_110, %dma_wait3A_111] : memref<10240x128xf32, #tpu.memory_space<vmem_shared>> -> memref<10240x128xf32, #tpu.memory_space<vmem_shared>>
      tpu.wait_indirect_dma semaphore(%arg13 : memref<!tpu.dma_semaphore, #tpu.memory_space<semaphore_mem>>) src(%arg6 : memref<64x128xf32, #tpu.memory_space<vmem>>) dst(%dma_wait3A_112 : memref<10240x128xf32, #tpu.memory_space<vmem_shared>>)
      %add3A_113 = arith.constant 1 : i32
      %add3A_114 = arith.addi %mul3A_64, %add3A_113 : i32
      %add3A_115 = arith.constant 2 : i32
      %add3A_116 = arith.addi %add3A_114, %add3A_115 : i32
      %dma_start3A_117 = arith.constant 0 : i32
      %dma_start3A_118 = arith.constant 0 : i32
      %dma_start3A_119 = tpu.memref_slice %arg5[%add3A_116, %dma_start3A_117, %dma_start3A_118] : memref<40x2x64xi32, #tpu.memory_space<vmem>> -> memref<1x1x64xi32, #tpu.memory_space<vmem>>
      %dma_start3A_120 = tpu.memref_squeeze %dma_start3A_119 : memref<1x1x64xi32, #tpu.memory_space<vmem>> -> memref<64xi32, #tpu.memory_space<vmem>>
      %dma_start3A_121 = arith.constant 0 : i32
      %dma_start3A_122 = arith.constant 0 : i32
      %dma_start3A_123 = tpu.memref_slice %arg2[%dma_start3A_121, %dma_start3A_122] : memref<10240x128xf32, #tpu.memory_space<hbm>> -> memref<10240x128xf32, #tpu.memory_space<hbm>>
      tpu.enqueue_indirect_dma source(%dma_start3A_123 : memref<10240x128xf32, #tpu.memory_space<hbm>>) target(%arg6 : memref<64x128xf32, #tpu.memory_space<vmem>>) offsets(%dma_start3A_120 : memref<64xi32, #tpu.memory_space<vmem>>) semaphore(%arg10 : memref<!tpu.dma_semaphore, #tpu.memory_space<semaphore_mem>>)
      %dma_wait3A_124 = arith.constant 0 : i32
      %dma_wait3A_125 = arith.constant 0 : i32
      %dma_wait3A_126 = tpu.memref_slice %arg5[%add3A_72, %dma_wait3A_124, %dma_wait3A_125] : memref<40x2x64xi32, #tpu.memory_space<vmem>> -> memref<1x1x64xi32, #tpu.memory_space<vmem>>
      %dma_wait3A_127 = tpu.memref_squeeze %dma_wait3A_126 : memref<1x1x64xi32, #tpu.memory_space<vmem>> -> memref<64xi32, #tpu.memory_space<vmem>>
      %dma_wait3A_128 = arith.constant 0 : i32
      %dma_wait3A_129 = arith.constant 0 : i32
      %dma_wait3A_130 = tpu.memref_slice %arg2[%dma_wait3A_128, %dma_wait3A_129] : memref<10240x128xf32, #tpu.memory_space<hbm>> -> memref<10240x128xf32, #tpu.memory_space<hbm>>
      tpu.wait_indirect_dma semaphore(%arg11 : memref<!tpu.dma_semaphore, #tpu.memory_space<semaphore_mem>>) src(%dma_wait3A_130 : memref<10240x128xf32, #tpu.memory_space<hbm>>) dst(%arg7 : memref<64x128xf32, #tpu.memory_space<vmem>>)
      %add3A_131 = arith.constant 1 : i32
      %add3A_132 = arith.addi %mul3A_64, %add3A_131 : i32
      %dma_start3A_133 = arith.constant 1 : i32
      %dma_start3A_134 = arith.constant 0 : i32
      %dma_start3A_135 = tpu.memref_slice %arg5[%add3A_132, %dma_start3A_133, %dma_start3A_134] : memref<40x2x64xi32, #tpu.memory_space<vmem>> -> memref<1x1x64xi32, #tpu.memory_space<vmem>>
      %dma_start3A_136 = tpu.memref_squeeze %dma_start3A_135 : memref<1x1x64xi32, #tpu.memory_space<vmem>> -> memref<64xi32, #tpu.memory_space<vmem>>
      %dma_start3A_137 = arith.constant 0 : i32
      %dma_start3A_138 = arith.constant 0 : i32
      %dma_start3A_139 = tpu.memref_slice %arg9[%dma_start3A_137, %dma_start3A_138] : memref<10240x128xf32, #tpu.memory_space<vmem_shared>> -> memref<10240x128xf32, #tpu.memory_space<vmem_shared>>
      tpu.enqueue_indirect_dma source(%arg7 : memref<64x128xf32, #tpu.memory_space<vmem>>) target(%dma_start3A_139 : memref<10240x128xf32, #tpu.memory_space<vmem_shared>>) offsets(%dma_start3A_136 : memref<64xi32, #tpu.memory_space<vmem>>) semaphore(%arg14 : memref<!tpu.dma_semaphore, #tpu.memory_space<semaphore_mem>>) {add = true}
      %dma_wait3A_140 = arith.constant 1 : i32
      %dma_wait3A_141 = arith.constant 0 : i32
      %dma_wait3A_142 = tpu.memref_slice %arg5[%add3A_132, %dma_wait3A_140, %dma_wait3A_141] : memref<40x2x64xi32, #tpu.memory_space<vmem>> -> memref<1x1x64xi32, #tpu.memory_space<vmem>>
      %dma_wait3A_143 = tpu.memref_squeeze %dma_wait3A_142 : memref<1x1x64xi32, #tpu.memory_space<vmem>> -> memref<64xi32, #tpu.memory_space<vmem>>
      %dma_wait3A_144 = arith.constant 0 : i32
      %dma_wait3A_145 = arith.constant 0 : i32
      %dma_wait3A_146 = tpu.memref_slice %arg9[%dma_wait3A_144, %dma_wait3A_145] : memref<10240x128xf32, #tpu.memory_space<vmem_shared>> -> memref<10240x128xf32, #tpu.memory_space<vmem_shared>>
      tpu.wait_indirect_dma semaphore(%arg14 : memref<!tpu.dma_semaphore, #tpu.memory_space<semaphore_mem>>) src(%arg7 : memref<64x128xf32, #tpu.memory_space<vmem>>) dst(%dma_wait3A_146 : memref<10240x128xf32, #tpu.memory_space<vmem_shared>>)
      %add3A_147 = arith.constant 2 : i32
      %add3A_148 = arith.addi %mul3A_64, %add3A_147 : i32
      %add3A_149 = arith.constant 2 : i32
      %add3A_150 = arith.addi %add3A_148, %add3A_149 : i32
      %dma_start3A_151 = arith.constant 0 : i32
      %dma_start3A_152 = arith.constant 0 : i32
      %dma_start3A_153 = tpu.memref_slice %arg5[%add3A_150, %dma_start3A_151, %dma_start3A_152] : memref<40x2x64xi32, #tpu.memory_space<vmem>> -> memref<1x1x64xi32, #tpu.memory_space<vmem>>
      %dma_start3A_154 = tpu.memref_squeeze %dma_start3A_153 : memref<1x1x64xi32, #tpu.memory_space<vmem>> -> memref<64xi32, #tpu.memory_space<vmem>>
      %dma_start3A_155 = arith.constant 0 : i32
      %dma_start3A_156 = arith.constant 0 : i32
      %dma_start3A_157 = tpu.memref_slice %arg2[%dma_start3A_155, %dma_start3A_156] : memref<10240x128xf32, #tpu.memory_space<hbm>> -> memref<10240x128xf32, #tpu.memory_space<hbm>>
      tpu.enqueue_indirect_dma source(%dma_start3A_157 : memref<10240x128xf32, #tpu.memory_space<hbm>>) target(%arg7 : memref<64x128xf32, #tpu.memory_space<vmem>>) offsets(%dma_start3A_154 : memref<64xi32, #tpu.memory_space<vmem>>) semaphore(%arg11 : memref<!tpu.dma_semaphore, #tpu.memory_space<semaphore_mem>>)
      %dma_wait3A_158 = arith.constant 0 : i32
      %dma_wait3A_159 = arith.constant 0 : i32
      %dma_wait3A_160 = tpu.memref_slice %arg5[%add3A_83, %dma_wait3A_158, %dma_wait3A_159] : memref<40x2x64xi32, #tpu.memory_space<vmem>> -> memref<1x1x64xi32, #tpu.memory_space<vmem>>
      %dma_wait3A_161 = tpu.memref_squeeze %dma_wait3A_160 : memref<1x1x64xi32, #tpu.memory_space<vmem>> -> memref<64xi32, #tpu.memory_space<vmem>>
      %dma_wait3A_162 = arith.constant 0 : i32
      %dma_wait3A_163 = arith.constant 0 : i32
      %dma_wait3A_164 = tpu.memref_slice %arg2[%dma_wait3A_162, %dma_wait3A_163] : memref<10240x128xf32, #tpu.memory_space<hbm>> -> memref<10240x128xf32, #tpu.memory_space<hbm>>
      tpu.wait_indirect_dma semaphore(%arg12 : memref<!tpu.dma_semaphore, #tpu.memory_space<semaphore_mem>>) src(%dma_wait3A_164 : memref<10240x128xf32, #tpu.memory_space<hbm>>) dst(%arg8 : memref<64x128xf32, #tpu.memory_space<vmem>>)
      %add3A_165 = arith.constant 2 : i32
      %add3A_166 = arith.addi %mul3A_64, %add3A_165 : i32
      %dma_start3A_167 = arith.constant 1 : i32
      %dma_start3A_168 = arith.constant 0 : i32
      %dma_start3A_169 = tpu.memref_slice %arg5[%add3A_166, %dma_start3A_167, %dma_start3A_168] : memref<40x2x64xi32, #tpu.memory_space<vmem>> -> memref<1x1x64xi32, #tpu.memory_space<vmem>>
      %dma_start3A_170 = tpu.memref_squeeze %dma_start3A_169 : memref<1x1x64xi32, #tpu.memory_space<vmem>> -> memref<64xi32, #tpu.memory_space<vmem>>
      %dma_start3A_171 = arith.constant 0 : i32
      %dma_start3A_172 = arith.constant 0 : i32
      %dma_start3A_173 = tpu.memref_slice %arg9[%dma_start3A_171, %dma_start3A_172] : memref<10240x128xf32, #tpu.memory_space<vmem_shared>> -> memref<10240x128xf32, #tpu.memory_space<vmem_shared>>
      tpu.enqueue_indirect_dma source(%arg8 : memref<64x128xf32, #tpu.memory_space<vmem>>) target(%dma_start3A_173 : memref<10240x128xf32, #tpu.memory_space<vmem_shared>>) offsets(%dma_start3A_170 : memref<64xi32, #tpu.memory_space<vmem>>) semaphore(%arg15 : memref<!tpu.dma_semaphore, #tpu.memory_space<semaphore_mem>>) {add = true}
      %dma_wait3A_174 = arith.constant 1 : i32
      %dma_wait3A_175 = arith.constant 0 : i32
      %dma_wait3A_176 = tpu.memref_slice %arg5[%add3A_166, %dma_wait3A_174, %dma_wait3A_175] : memref<40x2x64xi32, #tpu.memory_space<vmem>> -> memref<1x1x64xi32, #tpu.memory_space<vmem>>
      %dma_wait3A_177 = tpu.memref_squeeze %dma_wait3A_176 : memref<1x1x64xi32, #tpu.memory_space<vmem>> -> memref<64xi32, #tpu.memory_space<vmem>>
      %dma_wait3A_178 = arith.constant 0 : i32
      %dma_wait3A_179 = arith.constant 0 : i32
      %dma_wait3A_180 = tpu.memref_slice %arg9[%dma_wait3A_178, %dma_wait3A_179] : memref<10240x128xf32, #tpu.memory_space<vmem_shared>> -> memref<10240x128xf32, #tpu.memory_space<vmem_shared>>
      tpu.wait_indirect_dma semaphore(%arg15 : memref<!tpu.dma_semaphore, #tpu.memory_space<semaphore_mem>>) src(%arg8 : memref<64x128xf32, #tpu.memory_space<vmem>>) dst(%dma_wait3A_180 : memref<10240x128xf32, #tpu.memory_space<vmem_shared>>)
      %add3A_181 = arith.constant 3 : i32
      %add3A_182 = arith.addi %mul3A_64, %add3A_181 : i32
      %add3A_183 = arith.constant 2 : i32
      %add3A_184 = arith.addi %add3A_182, %add3A_183 : i32
      %dma_start3A_185 = arith.constant 0 : i32
      %dma_start3A_186 = arith.constant 0 : i32
      %dma_start3A_187 = tpu.memref_slice %arg5[%add3A_184, %dma_start3A_185, %dma_start3A_186] : memref<40x2x64xi32, #tpu.memory_space<vmem>> -> memref<1x1x64xi32, #tpu.memory_space<vmem>>
      %dma_start3A_188 = tpu.memref_squeeze %dma_start3A_187 : memref<1x1x64xi32, #tpu.memory_space<vmem>> -> memref<64xi32, #tpu.memory_space<vmem>>
      %dma_start3A_189 = arith.constant 0 : i32
      %dma_start3A_190 = arith.constant 0 : i32
      %dma_start3A_191 = tpu.memref_slice %arg2[%dma_start3A_189, %dma_start3A_190] : memref<10240x128xf32, #tpu.memory_space<hbm>> -> memref<10240x128xf32, #tpu.memory_space<hbm>>
      tpu.enqueue_indirect_dma source(%dma_start3A_191 : memref<10240x128xf32, #tpu.memory_space<hbm>>) target(%arg8 : memref<64x128xf32, #tpu.memory_space<vmem>>) offsets(%dma_start3A_188 : memref<64xi32, #tpu.memory_space<vmem>>) semaphore(%arg12 : memref<!tpu.dma_semaphore, #tpu.memory_space<semaphore_mem>>)
      %dma_wait3A_192 = arith.constant 0 : i32
      %dma_wait3A_193 = arith.constant 0 : i32
      %dma_wait3A_194 = tpu.memref_slice %arg5[%add3A_116, %dma_wait3A_192, %dma_wait3A_193] : memref<40x2x64xi32, #tpu.memory_space<vmem>> -> memref<1x1x64xi32, #tpu.memory_space<vmem>>
      %dma_wait3A_195 = tpu.memref_squeeze %dma_wait3A_194 : memref<1x1x64xi32, #tpu.memory_space<vmem>> -> memref<64xi32, #tpu.memory_space<vmem>>
      %dma_wait3A_196 = arith.constant 0 : i32
      %dma_wait3A_197 = arith.constant 0 : i32
      %dma_wait3A_198 = tpu.memref_slice %arg2[%dma_wait3A_196, %dma_wait3A_197] : memref<10240x128xf32, #tpu.memory_space<hbm>> -> memref<10240x128xf32, #tpu.memory_space<hbm>>
      tpu.wait_indirect_dma semaphore(%arg10 : memref<!tpu.dma_semaphore, #tpu.memory_space<semaphore_mem>>) src(%dma_wait3A_198 : memref<10240x128xf32, #tpu.memory_space<hbm>>) dst(%arg6 : memref<64x128xf32, #tpu.memory_space<vmem>>)
      %add3A_199 = arith.constant 3 : i32
      %add3A_200 = arith.addi %mul3A_64, %add3A_199 : i32
      %dma_start3A_201 = arith.constant 1 : i32
      %dma_start3A_202 = arith.constant 0 : i32
      %dma_start3A_203 = tpu.memref_slice %arg5[%add3A_200, %dma_start3A_201, %dma_start3A_202] : memref<40x2x64xi32, #tpu.memory_space<vmem>> -> memref<1x1x64xi32, #tpu.memory_space<vmem>>
      %dma_start3A_204 = tpu.memref_squeeze %dma_start3A_203 : memref<1x1x64xi32, #tpu.memory_space<vmem>> -> memref<64xi32, #tpu.memory_space<vmem>>
      %dma_start3A_205 = arith.constant 0 : i32
      %dma_start3A_206 = arith.constant 0 : i32
      %dma_start3A_207 = tpu.memref_slice %arg9[%dma_start3A_205, %dma_start3A_206] : memref<10240x128xf32, #tpu.memory_space<vmem_shared>> -> memref<10240x128xf32, #tpu.memory_space<vmem_shared>>
      tpu.enqueue_indirect_dma source(%arg6 : memref<64x128xf32, #tpu.memory_space<vmem>>) target(%dma_start3A_207 : memref<10240x128xf32, #tpu.memory_space<vmem_shared>>) offsets(%dma_start3A_204 : memref<64xi32, #tpu.memory_space<vmem>>) semaphore(%arg13 : memref<!tpu.dma_semaphore, #tpu.memory_space<semaphore_mem>>) {add = true}
      %dma_wait3A_208 = arith.constant 1 : i32
      %dma_wait3A_209 = arith.constant 0 : i32
      %dma_wait3A_210 = tpu.memref_slice %arg5[%add3A_200, %dma_wait3A_208, %dma_wait3A_209] : memref<40x2x64xi32, #tpu.memory_space<vmem>> -> memref<1x1x64xi32, #tpu.memory_space<vmem>>
      %dma_wait3A_211 = tpu.memref_squeeze %dma_wait3A_210 : memref<1x1x64xi32, #tpu.memory_space<vmem>> -> memref<64xi32, #tpu.memory_space<vmem>>
      %dma_wait3A_212 = arith.constant 0 : i32
      %dma_wait3A_213 = arith.constant 0 : i32
      %dma_wait3A_214 = tpu.memref_slice %arg9[%dma_wait3A_212, %dma_wait3A_213] : memref<10240x128xf32, #tpu.memory_space<vmem_shared>> -> memref<10240x128xf32, #tpu.memory_space<vmem_shared>>
      tpu.wait_indirect_dma semaphore(%arg13 : memref<!tpu.dma_semaphore, #tpu.memory_space<semaphore_mem>>) src(%arg6 : memref<64x128xf32, #tpu.memory_space<vmem>>) dst(%dma_wait3A_214 : memref<10240x128xf32, #tpu.memory_space<vmem_shared>>)
      %add3A_215 = arith.constant 4 : i32
      %add3A_216 = arith.addi %mul3A_64, %add3A_215 : i32
      %add3A_217 = arith.constant 2 : i32
      %add3A_218 = arith.addi %add3A_216, %add3A_217 : i32
      %dma_start3A_219 = arith.constant 0 : i32
      %dma_start3A_220 = arith.constant 0 : i32
      %dma_start3A_221 = tpu.memref_slice %arg5[%add3A_218, %dma_start3A_219, %dma_start3A_220] : memref<40x2x64xi32, #tpu.memory_space<vmem>> -> memref<1x1x64xi32, #tpu.memory_space<vmem>>
      %dma_start3A_222 = tpu.memref_squeeze %dma_start3A_221 : memref<1x1x64xi32, #tpu.memory_space<vmem>> -> memref<64xi32, #tpu.memory_space<vmem>>
      %dma_start3A_223 = arith.constant 0 : i32
      %dma_start3A_224 = arith.constant 0 : i32
      %dma_start3A_225 = tpu.memref_slice %arg2[%dma_start3A_223, %dma_start3A_224] : memref<10240x128xf32, #tpu.memory_space<hbm>> -> memref<10240x128xf32, #tpu.memory_space<hbm>>
      tpu.enqueue_indirect_dma source(%dma_start3A_225 : memref<10240x128xf32, #tpu.memory_space<hbm>>) target(%arg6 : memref<64x128xf32, #tpu.memory_space<vmem>>) offsets(%dma_start3A_222 : memref<64xi32, #tpu.memory_space<vmem>>) semaphore(%arg10 : memref<!tpu.dma_semaphore, #tpu.memory_space<semaphore_mem>>)
      %dma_wait3A_226 = arith.constant 0 : i32
      %dma_wait3A_227 = arith.constant 0 : i32
      %dma_wait3A_228 = tpu.memref_slice %arg5[%add3A_150, %dma_wait3A_226, %dma_wait3A_227] : memref<40x2x64xi32, #tpu.memory_space<vmem>> -> memref<1x1x64xi32, #tpu.memory_space<vmem>>
      %dma_wait3A_229 = tpu.memref_squeeze %dma_wait3A_228 : memref<1x1x64xi32, #tpu.memory_space<vmem>> -> memref<64xi32, #tpu.memory_space<vmem>>
      %dma_wait3A_230 = arith.constant 0 : i32
      %dma_wait3A_231 = arith.constant 0 : i32
      %dma_wait3A_232 = tpu.memref_slice %arg2[%dma_wait3A_230, %dma_wait3A_231] : memref<10240x128xf32, #tpu.memory_space<hbm>> -> memref<10240x128xf32, #tpu.memory_space<hbm>>
      tpu.wait_indirect_dma semaphore(%arg11 : memref<!tpu.dma_semaphore, #tpu.memory_space<semaphore_mem>>) src(%dma_wait3A_232 : memref<10240x128xf32, #tpu.memory_space<hbm>>) dst(%arg7 : memref<64x128xf32, #tpu.memory_space<vmem>>)
      %add3A_233 = arith.constant 4 : i32
      %add3A_234 = arith.addi %mul3A_64, %add3A_233 : i32
      %dma_start3A_235 = arith.constant 1 : i32
      %dma_start3A_236 = arith.constant 0 : i32
      %dma_start3A_237 = tpu.memref_slice %arg5[%add3A_234, %dma_start3A_235, %dma_start3A_236] : memref<40x2x64xi32, #tpu.memory_space<vmem>> -> memref<1x1x64xi32, #tpu.memory_space<vmem>>
      %dma_start3A_238 = tpu.memref_squeeze %dma_start3A_237 : memref<1x1x64xi32, #tpu.memory_space<vmem>> -> memref<64xi32, #tpu.memory_space<vmem>>
      %dma_start3A_239 = arith.constant 0 : i32
      %dma_start3A_240 = arith.constant 0 : i32
      %dma_start3A_241 = tpu.memref_slice %arg9[%dma_start3A_239, %dma_start3A_240] : memref<10240x128xf32, #tpu.memory_space<vmem_shared>> -> memref<10240x128xf32, #tpu.memory_space<vmem_shared>>
      tpu.enqueue_indirect_dma source(%arg7 : memref<64x128xf32, #tpu.memory_space<vmem>>) target(%dma_start3A_241 : memref<10240x128xf32, #tpu.memory_space<vmem_shared>>) offsets(%dma_start3A_238 : memref<64xi32, #tpu.memory_space<vmem>>) semaphore(%arg14 : memref<!tpu.dma_semaphore, #tpu.memory_space<semaphore_mem>>) {add = true}
      %dma_wait3A_242 = arith.constant 1 : i32
      %dma_wait3A_243 = arith.constant 0 : i32
      %dma_wait3A_244 = tpu.memref_slice %arg5[%add3A_234, %dma_wait3A_242, %dma_wait3A_243] : memref<40x2x64xi32, #tpu.memory_space<vmem>> -> memref<1x1x64xi32, #tpu.memory_space<vmem>>
      %dma_wait3A_245 = tpu.memref_squeeze %dma_wait3A_244 : memref<1x1x64xi32, #tpu.memory_space<vmem>> -> memref<64xi32, #tpu.memory_space<vmem>>
      %dma_wait3A_246 = arith.constant 0 : i32
      %dma_wait3A_247 = arith.constant 0 : i32
      %dma_wait3A_248 = tpu.memref_slice %arg9[%dma_wait3A_246, %dma_wait3A_247] : memref<10240x128xf32, #tpu.memory_space<vmem_shared>> -> memref<10240x128xf32, #tpu.memory_space<vmem_shared>>
      tpu.wait_indirect_dma semaphore(%arg14 : memref<!tpu.dma_semaphore, #tpu.memory_space<semaphore_mem>>) src(%arg7 : memref<64x128xf32, #tpu.memory_space<vmem>>) dst(%dma_wait3A_248 : memref<10240x128xf32, #tpu.memory_space<vmem_shared>>)
      %add3A_249 = arith.constant 5 : i32
      %add3A_250 = arith.addi %mul3A_64, %add3A_249 : i32
      %add3A_251 = arith.constant 2 : i32
      %add3A_252 = arith.addi %add3A_250, %add3A_251 : i32
      %dma_start3A_253 = arith.constant 0 : i32
      %dma_start3A_254 = arith.constant 0 : i32
      %dma_start3A_255 = tpu.memref_slice %arg5[%add3A_252, %dma_start3A_253, %dma_start3A_254] : memref<40x2x64xi32, #tpu.memory_space<vmem>> -> memref<1x1x64xi32, #tpu.memory_space<vmem>>
      %dma_start3A_256 = tpu.memref_squeeze %dma_start3A_255 : memref<1x1x64xi32, #tpu.memory_space<vmem>> -> memref<64xi32, #tpu.memory_space<vmem>>
      %dma_start3A_257 = arith.constant 0 : i32
      %dma_start3A_258 = arith.constant 0 : i32
      %dma_start3A_259 = tpu.memref_slice %arg2[%dma_start3A_257, %dma_start3A_258] : memref<10240x128xf32, #tpu.memory_space<hbm>> -> memref<10240x128xf32, #tpu.memory_space<hbm>>
      tpu.enqueue_indirect_dma source(%dma_start3A_259 : memref<10240x128xf32, #tpu.memory_space<hbm>>) target(%arg7 : memref<64x128xf32, #tpu.memory_space<vmem>>) offsets(%dma_start3A_256 : memref<64xi32, #tpu.memory_space<vmem>>) semaphore(%arg11 : memref<!tpu.dma_semaphore, #tpu.memory_space<semaphore_mem>>)
      %dma_wait3A_260 = arith.constant 0 : i32
      %dma_wait3A_261 = arith.constant 0 : i32
      %dma_wait3A_262 = tpu.memref_slice %arg5[%add3A_184, %dma_wait3A_260, %dma_wait3A_261] : memref<40x2x64xi32, #tpu.memory_space<vmem>> -> memref<1x1x64xi32, #tpu.memory_space<vmem>>
      %dma_wait3A_263 = tpu.memref_squeeze %dma_wait3A_262 : memref<1x1x64xi32, #tpu.memory_space<vmem>> -> memref<64xi32, #tpu.memory_space<vmem>>
      %dma_wait3A_264 = arith.constant 0 : i32
      %dma_wait3A_265 = arith.constant 0 : i32
      %dma_wait3A_266 = tpu.memref_slice %arg2[%dma_wait3A_264, %dma_wait3A_265] : memref<10240x128xf32, #tpu.memory_space<hbm>> -> memref<10240x128xf32, #tpu.memory_space<hbm>>
      tpu.wait_indirect_dma semaphore(%arg12 : memref<!tpu.dma_semaphore, #tpu.memory_space<semaphore_mem>>) src(%dma_wait3A_266 : memref<10240x128xf32, #tpu.memory_space<hbm>>) dst(%arg8 : memref<64x128xf32, #tpu.memory_space<vmem>>)
      %add3A_267 = arith.constant 5 : i32
      %add3A_268 = arith.addi %mul3A_64, %add3A_267 : i32
      %dma_start3A_269 = arith.constant 1 : i32
      %dma_start3A_270 = arith.constant 0 : i32
      %dma_start3A_271 = tpu.memref_slice %arg5[%add3A_268, %dma_start3A_269, %dma_start3A_270] : memref<40x2x64xi32, #tpu.memory_space<vmem>> -> memref<1x1x64xi32, #tpu.memory_space<vmem>>
      %dma_start3A_272 = tpu.memref_squeeze %dma_start3A_271 : memref<1x1x64xi32, #tpu.memory_space<vmem>> -> memref<64xi32, #tpu.memory_space<vmem>>
      %dma_start3A_273 = arith.constant 0 : i32
      %dma_start3A_274 = arith.constant 0 : i32
      %dma_start3A_275 = tpu.memref_slice %arg9[%dma_start3A_273, %dma_start3A_274] : memref<10240x128xf32, #tpu.memory_space<vmem_shared>> -> memref<10240x128xf32, #tpu.memory_space<vmem_shared>>
      tpu.enqueue_indirect_dma source(%arg8 : memref<64x128xf32, #tpu.memory_space<vmem>>) target(%dma_start3A_275 : memref<10240x128xf32, #tpu.memory_space<vmem_shared>>) offsets(%dma_start3A_272 : memref<64xi32, #tpu.memory_space<vmem>>) semaphore(%arg15 : memref<!tpu.dma_semaphore, #tpu.memory_space<semaphore_mem>>) {add = true}
      %dma_wait3A_276 = arith.constant 0 : i32
      %dma_wait3A_277 = arith.constant 0 : i32
      %dma_wait3A_278 = tpu.memref_slice %arg5[%add3A_218, %dma_wait3A_276, %dma_wait3A_277] : memref<40x2x64xi32, #tpu.memory_space<vmem>> -> memref<1x1x64xi32, #tpu.memory_space<vmem>>
      %dma_wait3A_279 = tpu.memref_squeeze %dma_wait3A_278 : memref<1x1x64xi32, #tpu.memory_space<vmem>> -> memref<64xi32, #tpu.memory_space<vmem>>
      %dma_wait3A_280 = arith.constant 0 : i32
      %dma_wait3A_281 = arith.constant 0 : i32
      %dma_wait3A_282 = tpu.memref_slice %arg2[%dma_wait3A_280, %dma_wait3A_281] : memref<10240x128xf32, #tpu.memory_space<hbm>> -> memref<10240x128xf32, #tpu.memory_space<hbm>>
      tpu.wait_indirect_dma semaphore(%arg10 : memref<!tpu.dma_semaphore, #tpu.memory_space<semaphore_mem>>) src(%dma_wait3A_282 : memref<10240x128xf32, #tpu.memory_space<hbm>>) dst(%arg6 : memref<64x128xf32, #tpu.memory_space<vmem>>)
      %add3A_283 = arith.constant 6 : i32
      %add3A_284 = arith.addi %mul3A_64, %add3A_283 : i32
      %dma_start3A_285 = arith.constant 1 : i32
      %dma_start3A_286 = arith.constant 0 : i32
      %dma_start3A_287 = tpu.memref_slice %arg5[%add3A_284, %dma_start3A_285, %dma_start3A_286] : memref<40x2x64xi32, #tpu.memory_space<vmem>> -> memref<1x1x64xi32, #tpu.memory_space<vmem>>
      %dma_start3A_288 = tpu.memref_squeeze %dma_start3A_287 : memref<1x1x64xi32, #tpu.memory_space<vmem>> -> memref<64xi32, #tpu.memory_space<vmem>>
      %dma_start3A_289 = arith.constant 0 : i32
      %dma_start3A_290 = arith.constant 0 : i32
      %dma_start3A_291 = tpu.memref_slice %arg9[%dma_start3A_289, %dma_start3A_290] : memref<10240x128xf32, #tpu.memory_space<vmem_shared>> -> memref<10240x128xf32, #tpu.memory_space<vmem_shared>>
      tpu.enqueue_indirect_dma source(%arg6 : memref<64x128xf32, #tpu.memory_space<vmem>>) target(%dma_start3A_291 : memref<10240x128xf32, #tpu.memory_space<vmem_shared>>) offsets(%dma_start3A_288 : memref<64xi32, #tpu.memory_space<vmem>>) semaphore(%arg13 : memref<!tpu.dma_semaphore, #tpu.memory_space<semaphore_mem>>) {add = true}
      %dma_wait3A_292 = arith.constant 0 : i32
      %dma_wait3A_293 = arith.constant 0 : i32
      %dma_wait3A_294 = tpu.memref_slice %arg5[%add3A_252, %dma_wait3A_292, %dma_wait3A_293] : memref<40x2x64xi32, #tpu.memory_space<vmem>> -> memref<1x1x64xi32, #tpu.memory_space<vmem>>
      %dma_wait3A_295 = tpu.memref_squeeze %dma_wait3A_294 : memref<1x1x64xi32, #tpu.memory_space<vmem>> -> memref<64xi32, #tpu.memory_space<vmem>>
      %dma_wait3A_296 = arith.constant 0 : i32
      %dma_wait3A_297 = arith.constant 0 : i32
      %dma_wait3A_298 = tpu.memref_slice %arg2[%dma_wait3A_296, %dma_wait3A_297] : memref<10240x128xf32, #tpu.memory_space<hbm>> -> memref<10240x128xf32, #tpu.memory_space<hbm>>
      tpu.wait_indirect_dma semaphore(%arg11 : memref<!tpu.dma_semaphore, #tpu.memory_space<semaphore_mem>>) src(%dma_wait3A_298 : memref<10240x128xf32, #tpu.memory_space<hbm>>) dst(%arg7 : memref<64x128xf32, #tpu.memory_space<vmem>>)
      %add3A_299 = arith.constant 7 : i32
      %add3A_300 = arith.addi %mul3A_64, %add3A_299 : i32
      %dma_start3A_301 = arith.constant 1 : i32
      %dma_start3A_302 = arith.constant 0 : i32
      %dma_start3A_303 = tpu.memref_slice %arg5[%add3A_300, %dma_start3A_301, %dma_start3A_302] : memref<40x2x64xi32, #tpu.memory_space<vmem>> -> memref<1x1x64xi32, #tpu.memory_space<vmem>>
      %dma_start3A_304 = tpu.memref_squeeze %dma_start3A_303 : memref<1x1x64xi32, #tpu.memory_space<vmem>> -> memref<64xi32, #tpu.memory_space<vmem>>
      %dma_start3A_305 = arith.constant 0 : i32
      %dma_start3A_306 = arith.constant 0 : i32
      %dma_start3A_307 = tpu.memref_slice %arg9[%dma_start3A_305, %dma_start3A_306] : memref<10240x128xf32, #tpu.memory_space<vmem_shared>> -> memref<10240x128xf32, #tpu.memory_space<vmem_shared>>
      tpu.enqueue_indirect_dma source(%arg7 : memref<64x128xf32, #tpu.memory_space<vmem>>) target(%dma_start3A_307 : memref<10240x128xf32, #tpu.memory_space<vmem_shared>>) offsets(%dma_start3A_304 : memref<64xi32, #tpu.memory_space<vmem>>) semaphore(%arg14 : memref<!tpu.dma_semaphore, #tpu.memory_space<semaphore_mem>>) {add = true}
      %dma_wait3A_308 = arith.constant 1 : i32
      %dma_wait3A_309 = arith.constant 0 : i32
      %dma_wait3A_310 = tpu.memref_slice %arg5[%add3A_268, %dma_wait3A_308, %dma_wait3A_309] : memref<40x2x64xi32, #tpu.memory_space<vmem>> -> memref<1x1x64xi32, #tpu.memory_space<vmem>>
      %dma_wait3A_311 = tpu.memref_squeeze %dma_wait3A_310 : memref<1x1x64xi32, #tpu.memory_space<vmem>> -> memref<64xi32, #tpu.memory_space<vmem>>
      %dma_wait3A_312 = arith.constant 0 : i32
      %dma_wait3A_313 = arith.constant 0 : i32
      %dma_wait3A_314 = tpu.memref_slice %arg9[%dma_wait3A_312, %dma_wait3A_313] : memref<10240x128xf32, #tpu.memory_space<vmem_shared>> -> memref<10240x128xf32, #tpu.memory_space<vmem_shared>>
      tpu.wait_indirect_dma semaphore(%arg15 : memref<!tpu.dma_semaphore, #tpu.memory_space<semaphore_mem>>) src(%arg8 : memref<64x128xf32, #tpu.memory_space<vmem>>) dst(%dma_wait3A_314 : memref<10240x128xf32, #tpu.memory_space<vmem_shared>>)
      %dma_wait3A_315 = arith.constant 1 : i32
      %dma_wait3A_316 = arith.constant 0 : i32
      %dma_wait3A_317 = tpu.memref_slice %arg5[%add3A_284, %dma_wait3A_315, %dma_wait3A_316] : memref<40x2x64xi32, #tpu.memory_space<vmem>> -> memref<1x1x64xi32, #tpu.memory_space<vmem>>
      %dma_wait3A_318 = tpu.memref_squeeze %dma_wait3A_317 : memref<1x1x64xi32, #tpu.memory_space<vmem>> -> memref<64xi32, #tpu.memory_space<vmem>>
      %dma_wait3A_319 = arith.constant 0 : i32
      %dma_wait3A_320 = arith.constant 0 : i32
      %dma_wait3A_321 = tpu.memref_slice %arg9[%dma_wait3A_319, %dma_wait3A_320] : memref<10240x128xf32, #tpu.memory_space<vmem_shared>> -> memref<10240x128xf32, #tpu.memory_space<vmem_shared>>
      tpu.wait_indirect_dma semaphore(%arg13 : memref<!tpu.dma_semaphore, #tpu.memory_space<semaphore_mem>>) src(%arg6 : memref<64x128xf32, #tpu.memory_space<vmem>>) dst(%dma_wait3A_321 : memref<10240x128xf32, #tpu.memory_space<vmem_shared>>)
      %dma_wait3A_322 = arith.constant 1 : i32
      %dma_wait3A_323 = arith.constant 0 : i32
      %dma_wait3A_324 = tpu.memref_slice %arg5[%add3A_300, %dma_wait3A_322, %dma_wait3A_323] : memref<40x2x64xi32, #tpu.memory_space<vmem>> -> memref<1x1x64xi32, #tpu.memory_space<vmem>>
      %dma_wait3A_325 = tpu.memref_squeeze %dma_wait3A_324 : memref<1x1x64xi32, #tpu.memory_space<vmem>> -> memref<64xi32, #tpu.memory_space<vmem>>
      %dma_wait3A_326 = arith.constant 0 : i32
      %dma_wait3A_327 = arith.constant 0 : i32
      %dma_wait3A_328 = tpu.memref_slice %arg9[%dma_wait3A_326, %dma_wait3A_327] : memref<10240x128xf32, #tpu.memory_space<vmem_shared>> -> memref<10240x128xf32, #tpu.memory_space<vmem_shared>>
      tpu.wait_indirect_dma semaphore(%arg14 : memref<!tpu.dma_semaphore, #tpu.memory_space<semaphore_mem>>) src(%arg7 : memref<64x128xf32, #tpu.memory_space<vmem>>) dst(%dma_wait3A_328 : memref<10240x128xf32, #tpu.memory_space<vmem_shared>>)
      %scan3A_329 = arith.constant 0 : i32
      scf.yield %scan3A_329 : i32
    }
    %scan3A_24 = arith.constant 20 : i32
    %barrier3A_25 = arith.constant 0 : index
    tpu.barrier barrier_id(%barrier3A_25)
    %scan3A_26 = arith.constant 0 : i32
    %scan3A_27 = arith.constant 0 : i32
    %scan3A_28 = arith.constant 5 : i32
    %scan3A_29 = arith.addi %scan3A_27, %scan3A_28 : i32
    %scan3A_30 = arith.constant 1 : i32
    %scan3A_31 = scf.for %scan3A_33 = %scan3A_27 to %scan3A_29 step %scan3A_30 iter_args(%scan3A_34 = %scan3A_26) -> (i32)  : i32 {
      %mul3A_35 = arith.constant 2 : i32
      %mul3A_36 = arith.muli %mul3A_35, %scan3A_33 : i32
      %mul3A_37 = arith.constant 64 : i32
      %mul3A_38 = arith.muli %mul3A_36, %mul3A_37 : i32
      %add3A_39 = arith.addi %mul3A_2, %mul3A_38 : i32
      "tpu.region"() ({
        %run_scoped3A = tpu.sem_alloc : memref<!tpu.dma_semaphore, #tpu.memory_space<semaphore_mem>>
        %dma_start3A_67 = arith.constant 0 : i32
        %dma_start3A_68 = tpu.memref_slice %arg9[%add3A_39, %dma_start3A_67] : memref<10240x128xf32, #tpu.memory_space<vmem_shared>> -> memref<64x128xf32, #tpu.memory_space<vmem_shared>>
        %dma_start3A_69 = arith.constant 0 : i32
        %dma_start3A_70 = tpu.memref_slice %arg9[%add3A_39, %dma_start3A_69] : memref<10240x128xf32, #tpu.memory_space<vmem_shared>> -> memref<64x128xf32, #tpu.memory_space<vmem_shared>>
        tpu.enqueue_dma source(%dma_start3A_70 : memref<64x128xf32, #tpu.memory_space<vmem_shared>>) target(%arg6 : memref<64x128xf32, #tpu.memory_space<vmem>>) target_semaphore(%run_scoped3A : memref<!tpu.dma_semaphore, #tpu.memory_space<semaphore_mem>>)
        %dma_wait3A_71 = arith.constant 0 : i32
        %dma_wait3A_72 = tpu.memref_slice %arg9[%add3A_39, %dma_wait3A_71] : memref<10240x128xf32, #tpu.memory_space<vmem_shared>> -> memref<64x128xf32, #tpu.memory_space<vmem_shared>>
        %dma_wait3A_73 = arith.constant 0 : i32
        %dma_wait3A_74 = tpu.memref_slice %arg9[%add3A_39, %dma_wait3A_73] : memref<10240x128xf32, #tpu.memory_space<vmem_shared>> -> memref<64x128xf32, #tpu.memory_space<vmem_shared>>
        tpu.wait_dma2 semaphore(%run_scoped3A : memref<!tpu.dma_semaphore, #tpu.memory_space<semaphore_mem>>) src(%dma_wait3A_74 : memref<64x128xf32, #tpu.memory_space<vmem_shared>>) dst(%arg6 : memref<64x128xf32, #tpu.memory_space<vmem>>)
        tpu.yield
      }) : () -> ()
      %dma_start3A = arith.constant 0 : i32
      %dma_start3A_40 = tpu.memref_slice %arg4[%arg0, %add3A_39, %dma_start3A] : memref<2x10240x128xf32, #tpu.memory_space<hbm>> -> memref<1x64x128xf32, #tpu.memory_space<hbm>>
      %dma_start3A_41 = tpu.memref_squeeze %dma_start3A_40 : memref<1x64x128xf32, #tpu.memory_space<hbm>> -> memref<64x128xf32, #tpu.memory_space<hbm>>
      %dma_start3A_42 = arith.constant 0 : i32
      %dma_start3A_43 = tpu.memref_slice %arg4[%arg0, %add3A_39, %dma_start3A_42] : memref<2x10240x128xf32, #tpu.memory_space<hbm>> -> memref<1x64x128xf32, #tpu.memory_space<hbm>>
      %dma_start3A_44 = tpu.memref_squeeze %dma_start3A_43 : memref<1x64x128xf32, #tpu.memory_space<hbm>> -> memref<64x128xf32, #tpu.memory_space<hbm>>
      tpu.enqueue_dma source(%arg6 : memref<64x128xf32, #tpu.memory_space<vmem>>) target(%dma_start3A_44 : memref<64x128xf32, #tpu.memory_space<hbm>>) target_semaphore(%arg10 : memref<!tpu.dma_semaphore, #tpu.memory_space<semaphore_mem>>)
      %add3A_45 = arith.constant 64 : i32
      %add3A_46 = arith.addi %add3A_39, %add3A_45 : i32
      "tpu.region"() ({
        %run_scoped3A = tpu.sem_alloc : memref<!tpu.dma_semaphore, #tpu.memory_space<semaphore_mem>>
        %dma_start3A_67 = arith.constant 0 : i32
        %dma_start3A_68 = tpu.memref_slice %arg9[%add3A_46, %dma_start3A_67] : memref<10240x128xf32, #tpu.memory_space<vmem_shared>> -> memref<64x128xf32, #tpu.memory_space<vmem_shared>>
        %dma_start3A_69 = arith.constant 0 : i32
        %dma_start3A_70 = tpu.memref_slice %arg9[%add3A_46, %dma_start3A_69] : memref<10240x128xf32, #tpu.memory_space<vmem_shared>> -> memref<64x128xf32, #tpu.memory_space<vmem_shared>>
        tpu.enqueue_dma source(%dma_start3A_70 : memref<64x128xf32, #tpu.memory_space<vmem_shared>>) target(%arg7 : memref<64x128xf32, #tpu.memory_space<vmem>>) target_semaphore(%run_scoped3A : memref<!tpu.dma_semaphore, #tpu.memory_space<semaphore_mem>>)
        %dma_wait3A_71 = arith.constant 0 : i32
        %dma_wait3A_72 = tpu.memref_slice %arg9[%add3A_46, %dma_wait3A_71] : memref<10240x128xf32, #tpu.memory_space<vmem_shared>> -> memref<64x128xf32, #tpu.memory_space<vmem_shared>>
        %dma_wait3A_73 = arith.constant 0 : i32
        %dma_wait3A_74 = tpu.memref_slice %arg9[%add3A_46, %dma_wait3A_73] : memref<10240x128xf32, #tpu.memory_space<vmem_shared>> -> memref<64x128xf32, #tpu.memory_space<vmem_shared>>
        tpu.wait_dma2 semaphore(%run_scoped3A : memref<!tpu.dma_semaphore, #tpu.memory_space<semaphore_mem>>) src(%dma_wait3A_74 : memref<64x128xf32, #tpu.memory_space<vmem_shared>>) dst(%arg7 : memref<64x128xf32, #tpu.memory_space<vmem>>)
        tpu.yield
      }) : () -> ()
      %add3A_47 = arith.constant 64 : i32
      %add3A_48 = arith.addi %add3A_39, %add3A_47 : i32
      %dma_start3A_49 = arith.constant 0 : i32
      %dma_start3A_50 = tpu.memref_slice %arg4[%arg0, %add3A_48, %dma_start3A_49] : memref<2x10240x128xf32, #tpu.memory_space<hbm>> -> memref<1x64x128xf32, #tpu.memory_space<hbm>>
      %dma_start3A_51 = tpu.memref_squeeze %dma_start3A_50 : memref<1x64x128xf32, #tpu.memory_space<hbm>> -> memref<64x128xf32, #tpu.memory_space<hbm>>
      %dma_start3A_52 = arith.constant 0 : i32
      %dma_start3A_53 = tpu.memref_slice %arg4[%arg0, %add3A_48, %dma_start3A_52] : memref<2x10240x128xf32, #tpu.memory_space<hbm>> -> memref<1x64x128xf32, #tpu.memory_space<hbm>>
      %dma_start3A_54 = tpu.memref_squeeze %dma_start3A_53 : memref<1x64x128xf32, #tpu.memory_space<hbm>> -> memref<64x128xf32, #tpu.memory_space<hbm>>
      tpu.enqueue_dma source(%arg7 : memref<64x128xf32, #tpu.memory_space<vmem>>) target(%dma_start3A_54 : memref<64x128xf32, #tpu.memory_space<hbm>>) target_semaphore(%arg11 : memref<!tpu.dma_semaphore, #tpu.memory_space<semaphore_mem>>)
      %dma_wait3A = arith.constant 0 : i32
      %dma_wait3A_55 = tpu.memref_slice %arg4[%arg0, %add3A_39, %dma_wait3A] : memref<2x10240x128xf32, #tpu.memory_space<hbm>> -> memref<1x64x128xf32, #tpu.memory_space<hbm>>
      %dma_wait3A_56 = tpu.memref_squeeze %dma_wait3A_55 : memref<1x64x128xf32, #tpu.memory_space<hbm>> -> memref<64x128xf32, #tpu.memory_space<hbm>>
      %dma_wait3A_57 = arith.constant 0 : i32
      %dma_wait3A_58 = tpu.memref_slice %arg4[%arg0, %add3A_39, %dma_wait3A_57] : memref<2x10240x128xf32, #tpu.memory_space<hbm>> -> memref<1x64x128xf32, #tpu.memory_space<hbm>>
      %dma_wait3A_59 = tpu.memref_squeeze %dma_wait3A_58 : memref<1x64x128xf32, #tpu.memory_space<hbm>> -> memref<64x128xf32, #tpu.memory_space<hbm>>
      tpu.wait_dma2 semaphore(%arg10 : memref<!tpu.dma_semaphore, #tpu.memory_space<semaphore_mem>>) src(%arg6 : memref<64x128xf32, #tpu.memory_space<vmem>>) dst(%dma_wait3A_59 : memref<64x128xf32, #tpu.memory_space<hbm>>)
      %dma_wait3A_60 = arith.constant 0 : i32
      %dma_wait3A_61 = tpu.memref_slice %arg4[%arg0, %add3A_48, %dma_wait3A_60] : memref<2x10240x128xf32, #tpu.memory_space<hbm>> -> memref<1x64x128xf32, #tpu.memory_space<hbm>>
      %dma_wait3A_62 = tpu.memref_squeeze %dma_wait3A_61 : memref<1x64x128xf32, #tpu.memory_space<hbm>> -> memref<64x128xf32, #tpu.memory_space<hbm>>
      %dma_wait3A_63 = arith.constant 0 : i32
      %dma_wait3A_64 = tpu.memref_slice %arg4[%arg0, %add3A_48, %dma_wait3A_63] : memref<2x10240x128xf32, #tpu.memory_space<hbm>> -> memref<1x64x128xf32, #tpu.memory_space<hbm>>
      %dma_wait3A_65 = tpu.memref_squeeze %dma_wait3A_64 : memref<1x64x128xf32, #tpu.memory_space<hbm>> -> memref<64x128xf32, #tpu.memory_space<hbm>>
      tpu.wait_dma2 semaphore(%arg11 : memref<!tpu.dma_semaphore, #tpu.memory_space<semaphore_mem>>) src(%arg7 : memref<64x128xf32, #tpu.memory_space<vmem>>) dst(%dma_wait3A_65 : memref<64x128xf32, #tpu.memory_space<hbm>>)
      %scan3A_66 = arith.constant 0 : i32
      scf.yield %scan3A_66 : i32
    }
    %scan3A_32 = arith.constant 5 : i32
    return
  }
}

#map = affine_map<(d0, d1) -> (0, 0)>
#map1 = affine_map<(d0, d1) -> (0, 0, 0)>
module attributes {stable_mosaic.version = 14 : i64} {
  func.func @_edge_kernel(%arg0: i32, %arg1: i32, %arg2: memref<10240x128xf32, #tpu.memory_space<hbm>>, %arg3: memref<5120x2x64xi32, #tpu.memory_space<hbm>>, %arg4: memref<2x10240x128xf32, #tpu.memory_space<hbm>>, %arg5: memref<40x2x64xi32, #tpu.memory_space<vmem>>, %arg6: memref<64x128xf32, #tpu.memory_space<vmem>>, %arg7: memref<64x128xf32, #tpu.memory_space<vmem>>, %arg8: memref<64x128xf32, #tpu.memory_space<vmem>>, %arg9: memref<10240x128xf32, #tpu.memory_space<vmem_shared>>, %arg10: memref<!tpu.dma_semaphore, #tpu.memory_space<semaphore_mem>>, %arg11: memref<!tpu.dma_semaphore, #tpu.memory_space<semaphore_mem>>, %arg12: memref<!tpu.dma_semaphore, #tpu.memory_space<semaphore_mem>>, %arg13: memref<!tpu.dma_semaphore, #tpu.memory_space<semaphore_mem>>, %arg14: memref<!tpu.dma_semaphore, #tpu.memory_space<semaphore_mem>>, %arg15: memref<!tpu.dma_semaphore, #tpu.memory_space<semaphore_mem>>) attributes {dimension_semantics = [#tpu.dimension_semantics<core_parallel>, #tpu.dimension_semantics<subcore_parallel>], iteration_bounds = array<i64: 2, 16>, scalar_prefetch = 0 : i64, scratch_operands = 11 : i64, tpu.core_type = #tpu.core_type<sc_vector_subcore>, window_params = [{transform_indices = #map}, {transform_indices = #map1}, {transform_indices = #map1}]} {
    %mul3A = arith.constant 16 : i32
    %mul3A_0 = arith.muli %arg0, %mul3A : i32
    %add3A = arith.addi %mul3A_0, %arg1 : i32
    %mul3A_1 = arith.constant 640 : i32
    %mul3A_2 = arith.muli %arg1, %mul3A_1 : i32
    %mul3A_3 = arith.constant 160 : i32
    %mul3A_4 = arith.muli %add3A, %mul3A_3 : i32
    %scan3A = arith.constant 0 : i32
    %scan3A_5 = arith.constant 0 : i32
    %scan3A_6 = arith.constant 64 : i32
    %scan3A_7 = arith.addi %scan3A_5, %scan3A_6 : i32
    %scan3A_8 = arith.constant 1 : i32
    %scan3A_9 = scf.for %scan3A_33 = %scan3A_5 to %scan3A_7 step %scan3A_8 iter_args(%scan3A_34 = %scan3A) -> (i32)  : i32 {
      %scan3A_35 = arith.constant 0 : i32
      %scan3A_36 = arith.constant 0 : i32
      %scan3A_37 = arith.constant 8 : i32
      %scan3A_38 = arith.addi %scan3A_36, %scan3A_37 : i32
      %scan3A_39 = arith.constant 1 : i32
      %scan3A_40 = scf.for %scan3A_43 = %scan3A_36 to %scan3A_38 step %scan3A_39 iter_args(%scan3A_44 = %scan3A_35) -> (i32)  : i32 {
        %broadcast_in_dim3A = arith.constant 0.000000e+00 : f32
        %broadcast_in_dim3A_45 = vector.broadcast %broadcast_in_dim3A : f32 to vector<16xf32>
        %mul3A_46 = arith.constant 16 : i32
        %mul3A_47 = arith.muli %scan3A_43, %mul3A_46 : i32
        %swap3A = arith.index_cast %scan3A_33 : i32 to index
        %swap3A_48 = arith.index_cast %mul3A_47 : i32 to index
        %swap3A_49 = tpu.vector_load %arg7[%swap3A, %swap3A_48] {strides = array<i32>} : memref<64x128xf32, #tpu.memory_space<vmem>>, vector<1x16xf32>,
        %swap3A_50 = vector.shape_cast %swap3A_49 : vector<1x16xf32> to vector<16xf32>
        %swap3A_51 = vector.shape_cast %broadcast_in_dim3A_45 : vector<16xf32> to vector<1x16xf32>
        tpu.vector_store %arg7[%swap3A, %swap3A_48], %swap3A_51 {strides = array<i32>} : memref<64x128xf32, #tpu.memory_space<vmem>>, vector<1x16xf32>,
        %scan3A_52 = arith.constant 0 : i32
        scf.yield %scan3A_52 : i32
      }
      %scan3A_41 = arith.constant 8 : i32
      %scan3A_42 = arith.constant 0 : i32
      scf.yield %scan3A_42 : i32
    }
    %scan3A_10 = arith.constant 64 : i32
    %scan3A_11 = arith.constant 0 : i32
    %scan3A_12 = arith.constant 0 : i32
    %scan3A_13 = arith.constant 10 : i32
    %scan3A_14 = arith.addi %scan3A_12, %scan3A_13 : i32
    %scan3A_15 = arith.constant 1 : i32
    %scan3A_16 = scf.for %scan3A_33 = %scan3A_12 to %scan3A_14 step %scan3A_15 iter_args(%scan3A_34 = %scan3A_11) -> (i32)  : i32 {
      %mul3A_35 = arith.constant 64 : i32
      %mul3A_36 = arith.muli %scan3A_33, %mul3A_35 : i32
      %add3A_37 = arith.addi %mul3A_2, %mul3A_36 : i32
      "tpu.region"() ({
        %run_scoped3A = tpu.sem_alloc : memref<!tpu.dma_semaphore, #tpu.memory_space<semaphore_mem>>
        %dma_start3A = arith.constant 0 : i32
        %dma_start3A_39 = tpu.memref_slice %arg9[%add3A_37, %dma_start3A] : memref<10240x128xf32, #tpu.memory_space<vmem_shared>> -> memref<64x128xf32, #tpu.memory_space<vmem_shared>>
        %dma_start3A_40 = arith.constant 0 : i32
        %dma_start3A_41 = tpu.memref_slice %arg9[%add3A_37, %dma_start3A_40] : memref<10240x128xf32, #tpu.memory_space<vmem_shared>> -> memref<64x128xf32, #tpu.memory_space<vmem_shared>>
        tpu.enqueue_dma source(%arg7 : memref<64x128xf32, #tpu.memory_space<vmem>>) target(%dma_start3A_41 : memref<64x128xf32, #tpu.memory_space<vmem_shared>>) target_semaphore(%run_scoped3A : memref<!tpu.dma_semaphore, #tpu.memory_space<semaphore_mem>>)
        %dma_wait3A = arith.constant 0 : i32
        %dma_wait3A_42 = tpu.memref_slice %arg9[%add3A_37, %dma_wait3A] : memref<10240x128xf32, #tpu.memory_space<vmem_shared>> -> memref<64x128xf32, #tpu.memory_space<vmem_shared>>
        %dma_wait3A_43 = arith.constant 0 : i32
        %dma_wait3A_44 = tpu.memref_slice %arg9[%add3A_37, %dma_wait3A_43] : memref<10240x128xf32, #tpu.memory_space<vmem_shared>> -> memref<64x128xf32, #tpu.memory_space<vmem_shared>>
        tpu.wait_dma2 semaphore(%run_scoped3A : memref<!tpu.dma_semaphore, #tpu.memory_space<semaphore_mem>>) src(%arg7 : memref<64x128xf32, #tpu.memory_space<vmem>>) dst(%dma_wait3A_44 : memref<64x128xf32, #tpu.memory_space<vmem_shared>>)
        tpu.yield
      }) : () -> ()
      %scan3A_38 = arith.constant 0 : i32
      scf.yield %scan3A_38 : i32
    }
    %scan3A_17 = arith.constant 10 : i32
    %barrier3A = arith.constant 0 : index
    tpu.barrier barrier_id(%barrier3A)
    %scan3A_18 = arith.constant 0 : i32
    %scan3A_19 = arith.constant 0 : i32
    %scan3A_20 = arith.constant 20 : i32
    %scan3A_21 = arith.addi %scan3A_19, %scan3A_20 : i32
    %scan3A_22 = arith.constant 1 : i32
    %scan3A_23 = scf.for %scan3A_33 = %scan3A_19 to %scan3A_21 step %scan3A_22 iter_args(%scan3A_34 = %scan3A_18) -> (i32)  : i32 {
      %jit3A = arith.constant 5 : i32
      %eq3A = arith.constant 0 : i32
      %eq3A_35 = arith.cmpi eq, %jit3A, %eq3A : i32
      %jit3A_36 = arith.constant 1 : i32
      %select_n3A = arith.select %eq3A_35, %jit3A_36, %jit3A : i32
      %rem3A = arith.remsi %scan3A_33, %select_n3A : i32
      %ne3A = arith.constant 0 : i32
      %ne3A_37 = arith.cmpi ne, %rem3A, %ne3A : i32
      %lt3A = arith.constant 0 : i32
      %lt3A_38 = arith.cmpi slt, %rem3A, %lt3A : i32
      %lt3A_39 = arith.constant 0 : i32
      %lt3A_40 = arith.cmpi slt, %select_n3A, %lt3A_39 : i32
      %ne3A_41 = arith.xori %lt3A_38, %lt3A_40 : i1
      %and3A = arith.andi %ne3A_41, %ne3A_37 : i1
      %add3A_42 = arith.addi %rem3A, %select_n3A : i32
      %select_n3A_43 = arith.select %and3A, %add3A_42, %rem3A : i32
      %eq3A_44 = arith.constant 0 : i32
      %eq3A_45 = arith.cmpi eq, %select_n3A_43, %eq3A_44 : i32
      %convert_element_type3A = arith.extui %eq3A_45 : i1 to i32
      %cond3A = arith.constant 0 : i32
      %cond3A_46 = arith.cmpi ne, %convert_element_type3A, %cond3A : i32
      scf.if %cond3A_46 {
        %mul3A_330 = arith.constant 8 : i32
        %mul3A_331 = arith.muli %scan3A_33, %mul3A_330 : i32
        %add3A_332 = arith.addi %mul3A_4, %mul3A_331 : i32
        "tpu.region"() ({
          %run_scoped3A = tpu.sem_alloc : memref<!tpu.dma_semaphore, #tpu.memory_space<semaphore_mem>>
          %dma_start3A_333 = arith.constant 0 : i32
          %dma_start3A_334 = arith.constant 0 : i32
          %dma_start3A_335 = tpu.memref_slice %arg3[%add3A_332, %dma_start3A_333, %dma_start3A_334] : memref<5120x2x64xi32, #tpu.memory_space<hbm>> -> memref<40x2x64xi32, #tpu.memory_space<hbm>>
          %dma_start3A_336 = arith.constant 0 : i32
          %dma_start3A_337 = arith.constant 0 : i32
          %dma_start3A_338 = tpu.memref_slice %arg3[%add3A_332, %dma_start3A_336, %dma_start3A_337] : memref<5120x2x64xi32, #tpu.memory_space<hbm>> -> memref<40x2x64xi32, #tpu.memory_space<hbm>>
          tpu.enqueue_dma source(%dma_start3A_338 : memref<40x2x64xi32, #tpu.memory_space<hbm>>) target(%arg5 : memref<40x2x64xi32, #tpu.memory_space<vmem>>) target_semaphore(%run_scoped3A : memref<!tpu.dma_semaphore, #tpu.memory_space<semaphore_mem>>)
          %dma_wait3A_339 = arith.constant 0 : i32
          %dma_wait3A_340 = arith.constant 0 : i32
          %dma_wait3A_341 = tpu.memref_slice %arg3[%add3A_332, %dma_wait3A_339, %dma_wait3A_340] : memref<5120x2x64xi32, #tpu.memory_space<hbm>> -> memref<40x2x64xi32, #tpu.memory_space<hbm>>
          %dma_wait3A_342 = arith.constant 0 : i32
          %dma_wait3A_343 = arith.constant 0 : i32
          %dma_wait3A_344 = tpu.memref_slice %arg3[%add3A_332, %dma_wait3A_342, %dma_wait3A_343] : memref<5120x2x64xi32, #tpu.memory_space<hbm>> -> memref<40x2x64xi32, #tpu.memory_space<hbm>>
          tpu.wait_dma2 semaphore(%run_scoped3A : memref<!tpu.dma_semaphore, #tpu.memory_space<semaphore_mem>>) src(%dma_wait3A_344 : memref<40x2x64xi32, #tpu.memory_space<hbm>>) dst(%arg5 : memref<40x2x64xi32, #tpu.memory_space<vmem>>)
          tpu.yield
        }) : () -> ()
      } else {
      }
      %jit3A_47 = arith.constant 5 : i32
      %eq3A_48 = arith.constant 0 : i32
      %eq3A_49 = arith.cmpi eq, %jit3A_47, %eq3A_48 : i32
      %jit3A_50 = arith.constant 1 : i32
      %select_n3A_51 = arith.select %eq3A_49, %jit3A_50, %jit3A_47 : i32
      %rem3A_52 = arith.remsi %scan3A_33, %select_n3A_51 : i32
      %ne3A_53 = arith.constant 0 : i32
      %ne3A_54 = arith.cmpi ne, %rem3A_52, %ne3A_53 : i32
      %lt3A_55 = arith.constant 0 : i32
      %lt3A_56 = arith.cmpi slt, %rem3A_52, %lt3A_55 : i32
      %lt3A_57 = arith.constant 0 : i32
      %lt3A_58 = arith.cmpi slt, %select_n3A_51, %lt3A_57 : i32
      %ne3A_59 = arith.xori %lt3A_56, %lt3A_58 : i1
      %and3A_60 = arith.andi %ne3A_59, %ne3A_54 : i1
      %add3A_61 = arith.addi %rem3A_52, %select_n3A_51 : i32
      %select_n3A_62 = arith.select %and3A_60, %add3A_61, %rem3A_52 : i32
      %mul3A_63 = arith.constant 8 : i32
      %mul3A_64 = arith.muli %select_n3A_62, %mul3A_63 : i32
      %dma_start3A = arith.constant 0 : i32
      %dma_start3A_65 = arith.constant 0 : i32
      %dma_start3A_66 = tpu.memref_slice %arg5[%mul3A_64, %dma_start3A, %dma_start3A_65] : memref<40x2x64xi32, #tpu.memory_space<vmem>> -> memref<1x1x64xi32, #tpu.memory_space<vmem>>
      %dma_start3A_67 = tpu.memref_squeeze %dma_start3A_66 : memref<1x1x64xi32, #tpu.memory_space<vmem>> -> memref<64xi32, #tpu.memory_space<vmem>>
      %dma_start3A_68 = arith.constant 0 : i32
      %dma_start3A_69 = arith.constant 0 : i32
      %dma_start3A_70 = tpu.memref_slice %arg2[%dma_start3A_68, %dma_start3A_69] : memref<10240x128xf32, #tpu.memory_space<hbm>> -> memref<10240x128xf32, #tpu.memory_space<hbm>>
      tpu.enqueue_indirect_dma source(%dma_start3A_70 : memref<10240x128xf32, #tpu.memory_space<hbm>>) target(%arg6 : memref<64x128xf32, #tpu.memory_space<vmem>>) offsets(%dma_start3A_67 : memref<64xi32, #tpu.memory_space<vmem>>) semaphore(%arg10 : memref<!tpu.dma_semaphore, #tpu.memory_space<semaphore_mem>>)
      %add3A_71 = arith.constant 1 : i32
      %add3A_72 = arith.addi %mul3A_64, %add3A_71 : i32
      %dma_start3A_73 = arith.constant 0 : i32
      %dma_start3A_74 = arith.constant 0 : i32
      %dma_start3A_75 = tpu.memref_slice %arg5[%add3A_72, %dma_start3A_73, %dma_start3A_74] : memref<40x2x64xi32, #tpu.memory_space<vmem>> -> memref<1x1x64xi32, #tpu.memory_space<vmem>>
      %dma_start3A_76 = tpu.memref_squeeze %dma_start3A_75 : memref<1x1x64xi32, #tpu.memory_space<vmem>> -> memref<64xi32, #tpu.memory_space<vmem>>
      %dma_start3A_77 = arith.constant 0 : i32
      %dma_start3A_78 = arith.constant 0 : i32
      %dma_start3A_79 = tpu.memref_slice %arg2[%dma_start3A_77, %dma_start3A_78] : memref<10240x128xf32, #tpu.memory_space<hbm>> -> memref<10240x128xf32, #tpu.memory_space<hbm>>
      tpu.enqueue_indirect_dma source(%dma_start3A_79 : memref<10240x128xf32, #tpu.memory_space<hbm>>) target(%arg7 : memref<64x128xf32, #tpu.memory_space<vmem>>) offsets(%dma_start3A_76 : memref<64xi32, #tpu.memory_space<vmem>>) semaphore(%arg11 : memref<!tpu.dma_semaphore, #tpu.memory_space<semaphore_mem>>)
      %add3A_80 = arith.constant 0 : i32
      %add3A_81 = arith.addi %mul3A_64, %add3A_80 : i32
      %add3A_82 = arith.constant 2 : i32
      %add3A_83 = arith.addi %add3A_81, %add3A_82 : i32
      %dma_start3A_84 = arith.constant 0 : i32
      %dma_start3A_85 = arith.constant 0 : i32
      %dma_start3A_86 = tpu.memref_slice %arg5[%add3A_83, %dma_start3A_84, %dma_start3A_85] : memref<40x2x64xi32, #tpu.memory_space<vmem>> -> memref<1x1x64xi32, #tpu.memory_space<vmem>>
      %dma_start3A_87 = tpu.memref_squeeze %dma_start3A_86 : memref<1x1x64xi32, #tpu.memory_space<vmem>> -> memref<64xi32, #tpu.memory_space<vmem>>
      %dma_start3A_88 = arith.constant 0 : i32
      %dma_start3A_89 = arith.constant 0 : i32
      %dma_start3A_90 = tpu.memref_slice %arg2[%dma_start3A_88, %dma_start3A_89] : memref<10240x128xf32, #tpu.memory_space<hbm>> -> memref<10240x128xf32, #tpu.memory_space<hbm>>
      tpu.enqueue_indirect_dma source(%dma_start3A_90 : memref<10240x128xf32, #tpu.memory_space<hbm>>) target(%arg8 : memref<64x128xf32, #tpu.memory_space<vmem>>) offsets(%dma_start3A_87 : memref<64xi32, #tpu.memory_space<vmem>>) semaphore(%arg12 : memref<!tpu.dma_semaphore, #tpu.memory_space<semaphore_mem>>)
      %dma_wait3A = arith.constant 0 : i32
      %dma_wait3A_91 = arith.constant 0 : i32
      %dma_wait3A_92 = tpu.memref_slice %arg5[%mul3A_64, %dma_wait3A, %dma_wait3A_91] : memref<40x2x64xi32, #tpu.memory_space<vmem>> -> memref<1x1x64xi32, #tpu.memory_space<vmem>>
      %dma_wait3A_93 = tpu.memref_squeeze %dma_wait3A_92 : memref<1x1x64xi32, #tpu.memory_space<vmem>> -> memref<64xi32, #tpu.memory_space<vmem>>
      %dma_wait3A_94 = arith.constant 0 : i32
      %dma_wait3A_95 = arith.constant 0 : i32
      %dma_wait3A_96 = tpu.memref_slice %arg2[%dma_wait3A_94, %dma_wait3A_95] : memref<10240x128xf32, #tpu.memory_space<hbm>> -> memref<10240x128xf32, #tpu.memory_space<hbm>>
      tpu.wait_indirect_dma semaphore(%arg10 : memref<!tpu.dma_semaphore, #tpu.memory_space<semaphore_mem>>) src(%dma_wait3A_96 : memref<10240x128xf32, #tpu.memory_space<hbm>>) dst(%arg6 : memref<64x128xf32, #tpu.memory_space<vmem>>)
      %add3A_97 = arith.constant 0 : i32
      %add3A_98 = arith.addi %mul3A_64, %add3A_97 : i32
      %dma_start3A_99 = arith.constant 1 : i32
      %dma_start3A_100 = arith.constant 0 : i32
      %dma_start3A_101 = tpu.memref_slice %arg5[%add3A_98, %dma_start3A_99, %dma_start3A_100] : memref<40x2x64xi32, #tpu.memory_space<vmem>> -> memref<1x1x64xi32, #tpu.memory_space<vmem>>
      %dma_start3A_102 = tpu.memref_squeeze %dma_start3A_101 : memref<1x1x64xi32, #tpu.memory_space<vmem>> -> memref<64xi32, #tpu.memory_space<vmem>>
      %dma_start3A_103 = arith.constant 0 : i32
      %dma_start3A_104 = arith.constant 0 : i32
      %dma_start3A_105 = tpu.memref_slice %arg9[%dma_start3A_103, %dma_start3A_104] : memref<10240x128xf32, #tpu.memory_space<vmem_shared>> -> memref<10240x128xf32, #tpu.memory_space<vmem_shared>>
      tpu.enqueue_indirect_dma source(%arg6 : memref<64x128xf32, #tpu.memory_space<vmem>>) target(%dma_start3A_105 : memref<10240x128xf32, #tpu.memory_space<vmem_shared>>) offsets(%dma_start3A_102 : memref<64xi32, #tpu.memory_space<vmem>>) semaphore(%arg13 : memref<!tpu.dma_semaphore, #tpu.memory_space<semaphore_mem>>) {add = true}
      %dma_wait3A_106 = arith.constant 1 : i32
      %dma_wait3A_107 = arith.constant 0 : i32
      %dma_wait3A_108 = tpu.memref_slice %arg5[%add3A_98, %dma_wait3A_106, %dma_wait3A_107] : memref<40x2x64xi32, #tpu.memory_space<vmem>> -> memref<1x1x64xi32, #tpu.memory_space<vmem>>
      %dma_wait3A_109 = tpu.memref_squeeze %dma_wait3A_108 : memref<1x1x64xi32, #tpu.memory_space<vmem>> -> memref<64xi32, #tpu.memory_space<vmem>>
      %dma_wait3A_110 = arith.constant 0 : i32
      %dma_wait3A_111 = arith.constant 0 : i32
      %dma_wait3A_112 = tpu.memref_slice %arg9[%dma_wait3A_110, %dma_wait3A_111] : memref<10240x128xf32, #tpu.memory_space<vmem_shared>> -> memref<10240x128xf32, #tpu.memory_space<vmem_shared>>
      tpu.wait_indirect_dma semaphore(%arg13 : memref<!tpu.dma_semaphore, #tpu.memory_space<semaphore_mem>>) src(%arg6 : memref<64x128xf32, #tpu.memory_space<vmem>>) dst(%dma_wait3A_112 : memref<10240x128xf32, #tpu.memory_space<vmem_shared>>)
      %add3A_113 = arith.constant 1 : i32
      %add3A_114 = arith.addi %mul3A_64, %add3A_113 : i32
      %add3A_115 = arith.constant 2 : i32
      %add3A_116 = arith.addi %add3A_114, %add3A_115 : i32
      %dma_start3A_117 = arith.constant 0 : i32
      %dma_start3A_118 = arith.constant 0 : i32
      %dma_start3A_119 = tpu.memref_slice %arg5[%add3A_116, %dma_start3A_117, %dma_start3A_118] : memref<40x2x64xi32, #tpu.memory_space<vmem>> -> memref<1x1x64xi32, #tpu.memory_space<vmem>>
      %dma_start3A_120 = tpu.memref_squeeze %dma_start3A_119 : memref<1x1x64xi32, #tpu.memory_space<vmem>> -> memref<64xi32, #tpu.memory_space<vmem>>
      %dma_start3A_121 = arith.constant 0 : i32
      %dma_start3A_122 = arith.constant 0 : i32
      %dma_start3A_123 = tpu.memref_slice %arg2[%dma_start3A_121, %dma_start3A_122] : memref<10240x128xf32, #tpu.memory_space<hbm>> -> memref<10240x128xf32, #tpu.memory_space<hbm>>
      tpu.enqueue_indirect_dma source(%dma_start3A_123 : memref<10240x128xf32, #tpu.memory_space<hbm>>) target(%arg6 : memref<64x128xf32, #tpu.memory_space<vmem>>) offsets(%dma_start3A_120 : memref<64xi32, #tpu.memory_space<vmem>>) semaphore(%arg10 : memref<!tpu.dma_semaphore, #tpu.memory_space<semaphore_mem>>)
      %dma_wait3A_124 = arith.constant 0 : i32
      %dma_wait3A_125 = arith.constant 0 : i32
      %dma_wait3A_126 = tpu.memref_slice %arg5[%add3A_72, %dma_wait3A_124, %dma_wait3A_125] : memref<40x2x64xi32, #tpu.memory_space<vmem>> -> memref<1x1x64xi32, #tpu.memory_space<vmem>>
      %dma_wait3A_127 = tpu.memref_squeeze %dma_wait3A_126 : memref<1x1x64xi32, #tpu.memory_space<vmem>> -> memref<64xi32, #tpu.memory_space<vmem>>
      %dma_wait3A_128 = arith.constant 0 : i32
      %dma_wait3A_129 = arith.constant 0 : i32
      %dma_wait3A_130 = tpu.memref_slice %arg2[%dma_wait3A_128, %dma_wait3A_129] : memref<10240x128xf32, #tpu.memory_space<hbm>> -> memref<10240x128xf32, #tpu.memory_space<hbm>>
      tpu.wait_indirect_dma semaphore(%arg11 : memref<!tpu.dma_semaphore, #tpu.memory_space<semaphore_mem>>) src(%dma_wait3A_130 : memref<10240x128xf32, #tpu.memory_space<hbm>>) dst(%arg7 : memref<64x128xf32, #tpu.memory_space<vmem>>)
      %add3A_131 = arith.constant 1 : i32
      %add3A_132 = arith.addi %mul3A_64, %add3A_131 : i32
      %dma_start3A_133 = arith.constant 1 : i32
      %dma_start3A_134 = arith.constant 0 : i32
      %dma_start3A_135 = tpu.memref_slice %arg5[%add3A_132, %dma_start3A_133, %dma_start3A_134] : memref<40x2x64xi32, #tpu.memory_space<vmem>> -> memref<1x1x64xi32, #tpu.memory_space<vmem>>
      %dma_start3A_136 = tpu.memref_squeeze %dma_start3A_135 : memref<1x1x64xi32, #tpu.memory_space<vmem>> -> memref<64xi32, #tpu.memory_space<vmem>>
      %dma_start3A_137 = arith.constant 0 : i32
      %dma_start3A_138 = arith.constant 0 : i32
      %dma_start3A_139 = tpu.memref_slice %arg9[%dma_start3A_137, %dma_start3A_138] : memref<10240x128xf32, #tpu.memory_space<vmem_shared>> -> memref<10240x128xf32, #tpu.memory_space<vmem_shared>>
      tpu.enqueue_indirect_dma source(%arg7 : memref<64x128xf32, #tpu.memory_space<vmem>>) target(%dma_start3A_139 : memref<10240x128xf32, #tpu.memory_space<vmem_shared>>) offsets(%dma_start3A_136 : memref<64xi32, #tpu.memory_space<vmem>>) semaphore(%arg14 : memref<!tpu.dma_semaphore, #tpu.memory_space<semaphore_mem>>) {add = true}
      %dma_wait3A_140 = arith.constant 1 : i32
      %dma_wait3A_141 = arith.constant 0 : i32
      %dma_wait3A_142 = tpu.memref_slice %arg5[%add3A_132, %dma_wait3A_140, %dma_wait3A_141] : memref<40x2x64xi32, #tpu.memory_space<vmem>> -> memref<1x1x64xi32, #tpu.memory_space<vmem>>
      %dma_wait3A_143 = tpu.memref_squeeze %dma_wait3A_142 : memref<1x1x64xi32, #tpu.memory_space<vmem>> -> memref<64xi32, #tpu.memory_space<vmem>>
      %dma_wait3A_144 = arith.constant 0 : i32
      %dma_wait3A_145 = arith.constant 0 : i32
      %dma_wait3A_146 = tpu.memref_slice %arg9[%dma_wait3A_144, %dma_wait3A_145] : memref<10240x128xf32, #tpu.memory_space<vmem_shared>> -> memref<10240x128xf32, #tpu.memory_space<vmem_shared>>
      tpu.wait_indirect_dma semaphore(%arg14 : memref<!tpu.dma_semaphore, #tpu.memory_space<semaphore_mem>>) src(%arg7 : memref<64x128xf32, #tpu.memory_space<vmem>>) dst(%dma_wait3A_146 : memref<10240x128xf32, #tpu.memory_space<vmem_shared>>)
      %add3A_147 = arith.constant 2 : i32
      %add3A_148 = arith.addi %mul3A_64, %add3A_147 : i32
      %add3A_149 = arith.constant 2 : i32
      %add3A_150 = arith.addi %add3A_148, %add3A_149 : i32
      %dma_start3A_151 = arith.constant 0 : i32
      %dma_start3A_152 = arith.constant 0 : i32
      %dma_start3A_153 = tpu.memref_slice %arg5[%add3A_150, %dma_start3A_151, %dma_start3A_152] : memref<40x2x64xi32, #tpu.memory_space<vmem>> -> memref<1x1x64xi32, #tpu.memory_space<vmem>>
      %dma_start3A_154 = tpu.memref_squeeze %dma_start3A_153 : memref<1x1x64xi32, #tpu.memory_space<vmem>> -> memref<64xi32, #tpu.memory_space<vmem>>
      %dma_start3A_155 = arith.constant 0 : i32
      %dma_start3A_156 = arith.constant 0 : i32
      %dma_start3A_157 = tpu.memref_slice %arg2[%dma_start3A_155, %dma_start3A_156] : memref<10240x128xf32, #tpu.memory_space<hbm>> -> memref<10240x128xf32, #tpu.memory_space<hbm>>
      tpu.enqueue_indirect_dma source(%dma_start3A_157 : memref<10240x128xf32, #tpu.memory_space<hbm>>) target(%arg7 : memref<64x128xf32, #tpu.memory_space<vmem>>) offsets(%dma_start3A_154 : memref<64xi32, #tpu.memory_space<vmem>>) semaphore(%arg11 : memref<!tpu.dma_semaphore, #tpu.memory_space<semaphore_mem>>)
      %dma_wait3A_158 = arith.constant 0 : i32
      %dma_wait3A_159 = arith.constant 0 : i32
      %dma_wait3A_160 = tpu.memref_slice %arg5[%add3A_83, %dma_wait3A_158, %dma_wait3A_159] : memref<40x2x64xi32, #tpu.memory_space<vmem>> -> memref<1x1x64xi32, #tpu.memory_space<vmem>>
      %dma_wait3A_161 = tpu.memref_squeeze %dma_wait3A_160 : memref<1x1x64xi32, #tpu.memory_space<vmem>> -> memref<64xi32, #tpu.memory_space<vmem>>
      %dma_wait3A_162 = arith.constant 0 : i32
      %dma_wait3A_163 = arith.constant 0 : i32
      %dma_wait3A_164 = tpu.memref_slice %arg2[%dma_wait3A_162, %dma_wait3A_163] : memref<10240x128xf32, #tpu.memory_space<hbm>> -> memref<10240x128xf32, #tpu.memory_space<hbm>>
      tpu.wait_indirect_dma semaphore(%arg12 : memref<!tpu.dma_semaphore, #tpu.memory_space<semaphore_mem>>) src(%dma_wait3A_164 : memref<10240x128xf32, #tpu.memory_space<hbm>>) dst(%arg8 : memref<64x128xf32, #tpu.memory_space<vmem>>)
      %add3A_165 = arith.constant 2 : i32
      %add3A_166 = arith.addi %mul3A_64, %add3A_165 : i32
      %dma_start3A_167 = arith.constant 1 : i32
      %dma_start3A_168 = arith.constant 0 : i32
      %dma_start3A_169 = tpu.memref_slice %arg5[%add3A_166, %dma_start3A_167, %dma_start3A_168] : memref<40x2x64xi32, #tpu.memory_space<vmem>> -> memref<1x1x64xi32, #tpu.memory_space<vmem>>
      %dma_start3A_170 = tpu.memref_squeeze %dma_start3A_169 : memref<1x1x64xi32, #tpu.memory_space<vmem>> -> memref<64xi32, #tpu.memory_space<vmem>>
      %dma_start3A_171 = arith.constant 0 : i32
      %dma_start3A_172 = arith.constant 0 : i32
      %dma_start3A_173 = tpu.memref_slice %arg9[%dma_start3A_171, %dma_start3A_172] : memref<10240x128xf32, #tpu.memory_space<vmem_shared>> -> memref<10240x128xf32, #tpu.memory_space<vmem_shared>>
      tpu.enqueue_indirect_dma source(%arg8 : memref<64x128xf32, #tpu.memory_space<vmem>>) target(%dma_start3A_173 : memref<10240x128xf32, #tpu.memory_space<vmem_shared>>) offsets(%dma_start3A_170 : memref<64xi32, #tpu.memory_space<vmem>>) semaphore(%arg15 : memref<!tpu.dma_semaphore, #tpu.memory_space<semaphore_mem>>) {add = true}
      %dma_wait3A_174 = arith.constant 1 : i32
      %dma_wait3A_175 = arith.constant 0 : i32
      %dma_wait3A_176 = tpu.memref_slice %arg5[%add3A_166, %dma_wait3A_174, %dma_wait3A_175] : memref<40x2x64xi32, #tpu.memory_space<vmem>> -> memref<1x1x64xi32, #tpu.memory_space<vmem>>
      %dma_wait3A_177 = tpu.memref_squeeze %dma_wait3A_176 : memref<1x1x64xi32, #tpu.memory_space<vmem>> -> memref<64xi32, #tpu.memory_space<vmem>>
      %dma_wait3A_178 = arith.constant 0 : i32
      %dma_wait3A_179 = arith.constant 0 : i32
      %dma_wait3A_180 = tpu.memref_slice %arg9[%dma_wait3A_178, %dma_wait3A_179] : memref<10240x128xf32, #tpu.memory_space<vmem_shared>> -> memref<10240x128xf32, #tpu.memory_space<vmem_shared>>
      tpu.wait_indirect_dma semaphore(%arg15 : memref<!tpu.dma_semaphore, #tpu.memory_space<semaphore_mem>>) src(%arg8 : memref<64x128xf32, #tpu.memory_space<vmem>>) dst(%dma_wait3A_180 : memref<10240x128xf32, #tpu.memory_space<vmem_shared>>)
      %add3A_181 = arith.constant 3 : i32
      %add3A_182 = arith.addi %mul3A_64, %add3A_181 : i32
      %add3A_183 = arith.constant 2 : i32
      %add3A_184 = arith.addi %add3A_182, %add3A_183 : i32
      %dma_start3A_185 = arith.constant 0 : i32
      %dma_start3A_186 = arith.constant 0 : i32
      %dma_start3A_187 = tpu.memref_slice %arg5[%add3A_184, %dma_start3A_185, %dma_start3A_186] : memref<40x2x64xi32, #tpu.memory_space<vmem>> -> memref<1x1x64xi32, #tpu.memory_space<vmem>>
      %dma_start3A_188 = tpu.memref_squeeze %dma_start3A_187 : memref<1x1x64xi32, #tpu.memory_space<vmem>> -> memref<64xi32, #tpu.memory_space<vmem>>
      %dma_start3A_189 = arith.constant 0 : i32
      %dma_start3A_190 = arith.constant 0 : i32
      %dma_start3A_191 = tpu.memref_slice %arg2[%dma_start3A_189, %dma_start3A_190] : memref<10240x128xf32, #tpu.memory_space<hbm>> -> memref<10240x128xf32, #tpu.memory_space<hbm>>
      tpu.enqueue_indirect_dma source(%dma_start3A_191 : memref<10240x128xf32, #tpu.memory_space<hbm>>) target(%arg8 : memref<64x128xf32, #tpu.memory_space<vmem>>) offsets(%dma_start3A_188 : memref<64xi32, #tpu.memory_space<vmem>>) semaphore(%arg12 : memref<!tpu.dma_semaphore, #tpu.memory_space<semaphore_mem>>)
      %dma_wait3A_192 = arith.constant 0 : i32
      %dma_wait3A_193 = arith.constant 0 : i32
      %dma_wait3A_194 = tpu.memref_slice %arg5[%add3A_116, %dma_wait3A_192, %dma_wait3A_193] : memref<40x2x64xi32, #tpu.memory_space<vmem>> -> memref<1x1x64xi32, #tpu.memory_space<vmem>>
      %dma_wait3A_195 = tpu.memref_squeeze %dma_wait3A_194 : memref<1x1x64xi32, #tpu.memory_space<vmem>> -> memref<64xi32, #tpu.memory_space<vmem>>
      %dma_wait3A_196 = arith.constant 0 : i32
      %dma_wait3A_197 = arith.constant 0 : i32
      %dma_wait3A_198 = tpu.memref_slice %arg2[%dma_wait3A_196, %dma_wait3A_197] : memref<10240x128xf32, #tpu.memory_space<hbm>> -> memref<10240x128xf32, #tpu.memory_space<hbm>>
      tpu.wait_indirect_dma semaphore(%arg10 : memref<!tpu.dma_semaphore, #tpu.memory_space<semaphore_mem>>) src(%dma_wait3A_198 : memref<10240x128xf32, #tpu.memory_space<hbm>>) dst(%arg6 : memref<64x128xf32, #tpu.memory_space<vmem>>)
      %add3A_199 = arith.constant 3 : i32
      %add3A_200 = arith.addi %mul3A_64, %add3A_199 : i32
      %dma_start3A_201 = arith.constant 1 : i32
      %dma_start3A_202 = arith.constant 0 : i32
      %dma_start3A_203 = tpu.memref_slice %arg5[%add3A_200, %dma_start3A_201, %dma_start3A_202] : memref<40x2x64xi32, #tpu.memory_space<vmem>> -> memref<1x1x64xi32, #tpu.memory_space<vmem>>
      %dma_start3A_204 = tpu.memref_squeeze %dma_start3A_203 : memref<1x1x64xi32, #tpu.memory_space<vmem>> -> memref<64xi32, #tpu.memory_space<vmem>>
      %dma_start3A_205 = arith.constant 0 : i32
      %dma_start3A_206 = arith.constant 0 : i32
      %dma_start3A_207 = tpu.memref_slice %arg9[%dma_start3A_205, %dma_start3A_206] : memref<10240x128xf32, #tpu.memory_space<vmem_shared>> -> memref<10240x128xf32, #tpu.memory_space<vmem_shared>>
      tpu.enqueue_indirect_dma source(%arg6 : memref<64x128xf32, #tpu.memory_space<vmem>>) target(%dma_start3A_207 : memref<10240x128xf32, #tpu.memory_space<vmem_shared>>) offsets(%dma_start3A_204 : memref<64xi32, #tpu.memory_space<vmem>>) semaphore(%arg13 : memref<!tpu.dma_semaphore, #tpu.memory_space<semaphore_mem>>) {add = true}
      %dma_wait3A_208 = arith.constant 1 : i32
      %dma_wait3A_209 = arith.constant 0 : i32
      %dma_wait3A_210 = tpu.memref_slice %arg5[%add3A_200, %dma_wait3A_208, %dma_wait3A_209] : memref<40x2x64xi32, #tpu.memory_space<vmem>> -> memref<1x1x64xi32, #tpu.memory_space<vmem>>
      %dma_wait3A_211 = tpu.memref_squeeze %dma_wait3A_210 : memref<1x1x64xi32, #tpu.memory_space<vmem>> -> memref<64xi32, #tpu.memory_space<vmem>>
      %dma_wait3A_212 = arith.constant 0 : i32
      %dma_wait3A_213 = arith.constant 0 : i32
      %dma_wait3A_214 = tpu.memref_slice %arg9[%dma_wait3A_212, %dma_wait3A_213] : memref<10240x128xf32, #tpu.memory_space<vmem_shared>> -> memref<10240x128xf32, #tpu.memory_space<vmem_shared>>
      tpu.wait_indirect_dma semaphore(%arg13 : memref<!tpu.dma_semaphore, #tpu.memory_space<semaphore_mem>>) src(%arg6 : memref<64x128xf32, #tpu.memory_space<vmem>>) dst(%dma_wait3A_214 : memref<10240x128xf32, #tpu.memory_space<vmem_shared>>)
      %add3A_215 = arith.constant 4 : i32
      %add3A_216 = arith.addi %mul3A_64, %add3A_215 : i32
      %add3A_217 = arith.constant 2 : i32
      %add3A_218 = arith.addi %add3A_216, %add3A_217 : i32
      %dma_start3A_219 = arith.constant 0 : i32
      %dma_start3A_220 = arith.constant 0 : i32
      %dma_start3A_221 = tpu.memref_slice %arg5[%add3A_218, %dma_start3A_219, %dma_start3A_220] : memref<40x2x64xi32, #tpu.memory_space<vmem>> -> memref<1x1x64xi32, #tpu.memory_space<vmem>>
      %dma_start3A_222 = tpu.memref_squeeze %dma_start3A_221 : memref<1x1x64xi32, #tpu.memory_space<vmem>> -> memref<64xi32, #tpu.memory_space<vmem>>
      %dma_start3A_223 = arith.constant 0 : i32
      %dma_start3A_224 = arith.constant 0 : i32
      %dma_start3A_225 = tpu.memref_slice %arg2[%dma_start3A_223, %dma_start3A_224] : memref<10240x128xf32, #tpu.memory_space<hbm>> -> memref<10240x128xf32, #tpu.memory_space<hbm>>
      tpu.enqueue_indirect_dma source(%dma_start3A_225 : memref<10240x128xf32, #tpu.memory_space<hbm>>) target(%arg6 : memref<64x128xf32, #tpu.memory_space<vmem>>) offsets(%dma_start3A_222 : memref<64xi32, #tpu.memory_space<vmem>>) semaphore(%arg10 : memref<!tpu.dma_semaphore, #tpu.memory_space<semaphore_mem>>)
      %dma_wait3A_226 = arith.constant 0 : i32
      %dma_wait3A_227 = arith.constant 0 : i32
      %dma_wait3A_228 = tpu.memref_slice %arg5[%add3A_150, %dma_wait3A_226, %dma_wait3A_227] : memref<40x2x64xi32, #tpu.memory_space<vmem>> -> memref<1x1x64xi32, #tpu.memory_space<vmem>>
      %dma_wait3A_229 = tpu.memref_squeeze %dma_wait3A_228 : memref<1x1x64xi32, #tpu.memory_space<vmem>> -> memref<64xi32, #tpu.memory_space<vmem>>
      %dma_wait3A_230 = arith.constant 0 : i32
      %dma_wait3A_231 = arith.constant 0 : i32
      %dma_wait3A_232 = tpu.memref_slice %arg2[%dma_wait3A_230, %dma_wait3A_231] : memref<10240x128xf32, #tpu.memory_space<hbm>> -> memref<10240x128xf32, #tpu.memory_space<hbm>>
      tpu.wait_indirect_dma semaphore(%arg11 : memref<!tpu.dma_semaphore, #tpu.memory_space<semaphore_mem>>) src(%dma_wait3A_232 : memref<10240x128xf32, #tpu.memory_space<hbm>>) dst(%arg7 : memref<64x128xf32, #tpu.memory_space<vmem>>)
      %add3A_233 = arith.constant 4 : i32
      %add3A_234 = arith.addi %mul3A_64, %add3A_233 : i32
      %dma_start3A_235 = arith.constant 1 : i32
      %dma_start3A_236 = arith.constant 0 : i32
      %dma_start3A_237 = tpu.memref_slice %arg5[%add3A_234, %dma_start3A_235, %dma_start3A_236] : memref<40x2x64xi32, #tpu.memory_space<vmem>> -> memref<1x1x64xi32, #tpu.memory_space<vmem>>
      %dma_start3A_238 = tpu.memref_squeeze %dma_start3A_237 : memref<1x1x64xi32, #tpu.memory_space<vmem>> -> memref<64xi32, #tpu.memory_space<vmem>>
      %dma_start3A_239 = arith.constant 0 : i32
      %dma_start3A_240 = arith.constant 0 : i32
      %dma_start3A_241 = tpu.memref_slice %arg9[%dma_start3A_239, %dma_start3A_240] : memref<10240x128xf32, #tpu.memory_space<vmem_shared>> -> memref<10240x128xf32, #tpu.memory_space<vmem_shared>>
      tpu.enqueue_indirect_dma source(%arg7 : memref<64x128xf32, #tpu.memory_space<vmem>>) target(%dma_start3A_241 : memref<10240x128xf32, #tpu.memory_space<vmem_shared>>) offsets(%dma_start3A_238 : memref<64xi32, #tpu.memory_space<vmem>>) semaphore(%arg14 : memref<!tpu.dma_semaphore, #tpu.memory_space<semaphore_mem>>) {add = true}
      %dma_wait3A_242 = arith.constant 1 : i32
      %dma_wait3A_243 = arith.constant 0 : i32
      %dma_wait3A_244 = tpu.memref_slice %arg5[%add3A_234, %dma_wait3A_242, %dma_wait3A_243] : memref<40x2x64xi32, #tpu.memory_space<vmem>> -> memref<1x1x64xi32, #tpu.memory_space<vmem>>
      %dma_wait3A_245 = tpu.memref_squeeze %dma_wait3A_244 : memref<1x1x64xi32, #tpu.memory_space<vmem>> -> memref<64xi32, #tpu.memory_space<vmem>>
      %dma_wait3A_246 = arith.constant 0 : i32
      %dma_wait3A_247 = arith.constant 0 : i32
      %dma_wait3A_248 = tpu.memref_slice %arg9[%dma_wait3A_246, %dma_wait3A_247] : memref<10240x128xf32, #tpu.memory_space<vmem_shared>> -> memref<10240x128xf32, #tpu.memory_space<vmem_shared>>
      tpu.wait_indirect_dma semaphore(%arg14 : memref<!tpu.dma_semaphore, #tpu.memory_space<semaphore_mem>>) src(%arg7 : memref<64x128xf32, #tpu.memory_space<vmem>>) dst(%dma_wait3A_248 : memref<10240x128xf32, #tpu.memory_space<vmem_shared>>)
      %add3A_249 = arith.constant 5 : i32
      %add3A_250 = arith.addi %mul3A_64, %add3A_249 : i32
      %add3A_251 = arith.constant 2 : i32
      %add3A_252 = arith.addi %add3A_250, %add3A_251 : i32
      %dma_start3A_253 = arith.constant 0 : i32
      %dma_start3A_254 = arith.constant 0 : i32
      %dma_start3A_255 = tpu.memref_slice %arg5[%add3A_252, %dma_start3A_253, %dma_start3A_254] : memref<40x2x64xi32, #tpu.memory_space<vmem>> -> memref<1x1x64xi32, #tpu.memory_space<vmem>>
      %dma_start3A_256 = tpu.memref_squeeze %dma_start3A_255 : memref<1x1x64xi32, #tpu.memory_space<vmem>> -> memref<64xi32, #tpu.memory_space<vmem>>
      %dma_start3A_257 = arith.constant 0 : i32
      %dma_start3A_258 = arith.constant 0 : i32
      %dma_start3A_259 = tpu.memref_slice %arg2[%dma_start3A_257, %dma_start3A_258] : memref<10240x128xf32, #tpu.memory_space<hbm>> -> memref<10240x128xf32, #tpu.memory_space<hbm>>
      tpu.enqueue_indirect_dma source(%dma_start3A_259 : memref<10240x128xf32, #tpu.memory_space<hbm>>) target(%arg7 : memref<64x128xf32, #tpu.memory_space<vmem>>) offsets(%dma_start3A_256 : memref<64xi32, #tpu.memory_space<vmem>>) semaphore(%arg11 : memref<!tpu.dma_semaphore, #tpu.memory_space<semaphore_mem>>)
      %dma_wait3A_260 = arith.constant 0 : i32
      %dma_wait3A_261 = arith.constant 0 : i32
      %dma_wait3A_262 = tpu.memref_slice %arg5[%add3A_184, %dma_wait3A_260, %dma_wait3A_261] : memref<40x2x64xi32, #tpu.memory_space<vmem>> -> memref<1x1x64xi32, #tpu.memory_space<vmem>>
      %dma_wait3A_263 = tpu.memref_squeeze %dma_wait3A_262 : memref<1x1x64xi32, #tpu.memory_space<vmem>> -> memref<64xi32, #tpu.memory_space<vmem>>
      %dma_wait3A_264 = arith.constant 0 : i32
      %dma_wait3A_265 = arith.constant 0 : i32
      %dma_wait3A_266 = tpu.memref_slice %arg2[%dma_wait3A_264, %dma_wait3A_265] : memref<10240x128xf32, #tpu.memory_space<hbm>> -> memref<10240x128xf32, #tpu.memory_space<hbm>>
      tpu.wait_indirect_dma semaphore(%arg12 : memref<!tpu.dma_semaphore, #tpu.memory_space<semaphore_mem>>) src(%dma_wait3A_266 : memref<10240x128xf32, #tpu.memory_space<hbm>>) dst(%arg8 : memref<64x128xf32, #tpu.memory_space<vmem>>)
      %add3A_267 = arith.constant 5 : i32
      %add3A_268 = arith.addi %mul3A_64, %add3A_267 : i32
      %dma_start3A_269 = arith.constant 1 : i32
      %dma_start3A_270 = arith.constant 0 : i32
      %dma_start3A_271 = tpu.memref_slice %arg5[%add3A_268, %dma_start3A_269, %dma_start3A_270] : memref<40x2x64xi32, #tpu.memory_space<vmem>> -> memref<1x1x64xi32, #tpu.memory_space<vmem>>
      %dma_start3A_272 = tpu.memref_squeeze %dma_start3A_271 : memref<1x1x64xi32, #tpu.memory_space<vmem>> -> memref<64xi32, #tpu.memory_space<vmem>>
      %dma_start3A_273 = arith.constant 0 : i32
      %dma_start3A_274 = arith.constant 0 : i32
      %dma_start3A_275 = tpu.memref_slice %arg9[%dma_start3A_273, %dma_start3A_274] : memref<10240x128xf32, #tpu.memory_space<vmem_shared>> -> memref<10240x128xf32, #tpu.memory_space<vmem_shared>>
      tpu.enqueue_indirect_dma source(%arg8 : memref<64x128xf32, #tpu.memory_space<vmem>>) target(%dma_start3A_275 : memref<10240x128xf32, #tpu.memory_space<vmem_shared>>) offsets(%dma_start3A_272 : memref<64xi32, #tpu.memory_space<vmem>>) semaphore(%arg15 : memref<!tpu.dma_semaphore, #tpu.memory_space<semaphore_mem>>) {add = true}
      %dma_wait3A_276 = arith.constant 0 : i32
      %dma_wait3A_277 = arith.constant 0 : i32
      %dma_wait3A_278 = tpu.memref_slice %arg5[%add3A_218, %dma_wait3A_276, %dma_wait3A_277] : memref<40x2x64xi32, #tpu.memory_space<vmem>> -> memref<1x1x64xi32, #tpu.memory_space<vmem>>
      %dma_wait3A_279 = tpu.memref_squeeze %dma_wait3A_278 : memref<1x1x64xi32, #tpu.memory_space<vmem>> -> memref<64xi32, #tpu.memory_space<vmem>>
      %dma_wait3A_280 = arith.constant 0 : i32
      %dma_wait3A_281 = arith.constant 0 : i32
      %dma_wait3A_282 = tpu.memref_slice %arg2[%dma_wait3A_280, %dma_wait3A_281] : memref<10240x128xf32, #tpu.memory_space<hbm>> -> memref<10240x128xf32, #tpu.memory_space<hbm>>
      tpu.wait_indirect_dma semaphore(%arg10 : memref<!tpu.dma_semaphore, #tpu.memory_space<semaphore_mem>>) src(%dma_wait3A_282 : memref<10240x128xf32, #tpu.memory_space<hbm>>) dst(%arg6 : memref<64x128xf32, #tpu.memory_space<vmem>>)
      %add3A_283 = arith.constant 6 : i32
      %add3A_284 = arith.addi %mul3A_64, %add3A_283 : i32
      %dma_start3A_285 = arith.constant 1 : i32
      %dma_start3A_286 = arith.constant 0 : i32
      %dma_start3A_287 = tpu.memref_slice %arg5[%add3A_284, %dma_start3A_285, %dma_start3A_286] : memref<40x2x64xi32, #tpu.memory_space<vmem>> -> memref<1x1x64xi32, #tpu.memory_space<vmem>>
      %dma_start3A_288 = tpu.memref_squeeze %dma_start3A_287 : memref<1x1x64xi32, #tpu.memory_space<vmem>> -> memref<64xi32, #tpu.memory_space<vmem>>
      %dma_start3A_289 = arith.constant 0 : i32
      %dma_start3A_290 = arith.constant 0 : i32
      %dma_start3A_291 = tpu.memref_slice %arg9[%dma_start3A_289, %dma_start3A_290] : memref<10240x128xf32, #tpu.memory_space<vmem_shared>> -> memref<10240x128xf32, #tpu.memory_space<vmem_shared>>
      tpu.enqueue_indirect_dma source(%arg6 : memref<64x128xf32, #tpu.memory_space<vmem>>) target(%dma_start3A_291 : memref<10240x128xf32, #tpu.memory_space<vmem_shared>>) offsets(%dma_start3A_288 : memref<64xi32, #tpu.memory_space<vmem>>) semaphore(%arg13 : memref<!tpu.dma_semaphore, #tpu.memory_space<semaphore_mem>>) {add = true}
      %dma_wait3A_292 = arith.constant 0 : i32
      %dma_wait3A_293 = arith.constant 0 : i32
      %dma_wait3A_294 = tpu.memref_slice %arg5[%add3A_252, %dma_wait3A_292, %dma_wait3A_293] : memref<40x2x64xi32, #tpu.memory_space<vmem>> -> memref<1x1x64xi32, #tpu.memory_space<vmem>>
      %dma_wait3A_295 = tpu.memref_squeeze %dma_wait3A_294 : memref<1x1x64xi32, #tpu.memory_space<vmem>> -> memref<64xi32, #tpu.memory_space<vmem>>
      %dma_wait3A_296 = arith.constant 0 : i32
      %dma_wait3A_297 = arith.constant 0 : i32
      %dma_wait3A_298 = tpu.memref_slice %arg2[%dma_wait3A_296, %dma_wait3A_297] : memref<10240x128xf32, #tpu.memory_space<hbm>> -> memref<10240x128xf32, #tpu.memory_space<hbm>>
      tpu.wait_indirect_dma semaphore(%arg11 : memref<!tpu.dma_semaphore, #tpu.memory_space<semaphore_mem>>) src(%dma_wait3A_298 : memref<10240x128xf32, #tpu.memory_space<hbm>>) dst(%arg7 : memref<64x128xf32, #tpu.memory_space<vmem>>)
      %add3A_299 = arith.constant 7 : i32
      %add3A_300 = arith.addi %mul3A_64, %add3A_299 : i32
      %dma_start3A_301 = arith.constant 1 : i32
      %dma_start3A_302 = arith.constant 0 : i32
      %dma_start3A_303 = tpu.memref_slice %arg5[%add3A_300, %dma_start3A_301, %dma_start3A_302] : memref<40x2x64xi32, #tpu.memory_space<vmem>> -> memref<1x1x64xi32, #tpu.memory_space<vmem>>
      %dma_start3A_304 = tpu.memref_squeeze %dma_start3A_303 : memref<1x1x64xi32, #tpu.memory_space<vmem>> -> memref<64xi32, #tpu.memory_space<vmem>>
      %dma_start3A_305 = arith.constant 0 : i32
      %dma_start3A_306 = arith.constant 0 : i32
      %dma_start3A_307 = tpu.memref_slice %arg9[%dma_start3A_305, %dma_start3A_306] : memref<10240x128xf32, #tpu.memory_space<vmem_shared>> -> memref<10240x128xf32, #tpu.memory_space<vmem_shared>>
      tpu.enqueue_indirect_dma source(%arg7 : memref<64x128xf32, #tpu.memory_space<vmem>>) target(%dma_start3A_307 : memref<10240x128xf32, #tpu.memory_space<vmem_shared>>) offsets(%dma_start3A_304 : memref<64xi32, #tpu.memory_space<vmem>>) semaphore(%arg14 : memref<!tpu.dma_semaphore, #tpu.memory_space<semaphore_mem>>) {add = true}
      %dma_wait3A_308 = arith.constant 1 : i32
      %dma_wait3A_309 = arith.constant 0 : i32
      %dma_wait3A_310 = tpu.memref_slice %arg5[%add3A_268, %dma_wait3A_308, %dma_wait3A_309] : memref<40x2x64xi32, #tpu.memory_space<vmem>> -> memref<1x1x64xi32, #tpu.memory_space<vmem>>
      %dma_wait3A_311 = tpu.memref_squeeze %dma_wait3A_310 : memref<1x1x64xi32, #tpu.memory_space<vmem>> -> memref<64xi32, #tpu.memory_space<vmem>>
      %dma_wait3A_312 = arith.constant 0 : i32
      %dma_wait3A_313 = arith.constant 0 : i32
      %dma_wait3A_314 = tpu.memref_slice %arg9[%dma_wait3A_312, %dma_wait3A_313] : memref<10240x128xf32, #tpu.memory_space<vmem_shared>> -> memref<10240x128xf32, #tpu.memory_space<vmem_shared>>
      tpu.wait_indirect_dma semaphore(%arg15 : memref<!tpu.dma_semaphore, #tpu.memory_space<semaphore_mem>>) src(%arg8 : memref<64x128xf32, #tpu.memory_space<vmem>>) dst(%dma_wait3A_314 : memref<10240x128xf32, #tpu.memory_space<vmem_shared>>)
      %dma_wait3A_315 = arith.constant 1 : i32
      %dma_wait3A_316 = arith.constant 0 : i32
      %dma_wait3A_317 = tpu.memref_slice %arg5[%add3A_284, %dma_wait3A_315, %dma_wait3A_316] : memref<40x2x64xi32, #tpu.memory_space<vmem>> -> memref<1x1x64xi32, #tpu.memory_space<vmem>>
      %dma_wait3A_318 = tpu.memref_squeeze %dma_wait3A_317 : memref<1x1x64xi32, #tpu.memory_space<vmem>> -> memref<64xi32, #tpu.memory_space<vmem>>
      %dma_wait3A_319 = arith.constant 0 : i32
      %dma_wait3A_320 = arith.constant 0 : i32
      %dma_wait3A_321 = tpu.memref_slice %arg9[%dma_wait3A_319, %dma_wait3A_320] : memref<10240x128xf32, #tpu.memory_space<vmem_shared>> -> memref<10240x128xf32, #tpu.memory_space<vmem_shared>>
      tpu.wait_indirect_dma semaphore(%arg13 : memref<!tpu.dma_semaphore, #tpu.memory_space<semaphore_mem>>) src(%arg6 : memref<64x128xf32, #tpu.memory_space<vmem>>) dst(%dma_wait3A_321 : memref<10240x128xf32, #tpu.memory_space<vmem_shared>>)
      %dma_wait3A_322 = arith.constant 1 : i32
      %dma_wait3A_323 = arith.constant 0 : i32
      %dma_wait3A_324 = tpu.memref_slice %arg5[%add3A_300, %dma_wait3A_322, %dma_wait3A_323] : memref<40x2x64xi32, #tpu.memory_space<vmem>> -> memref<1x1x64xi32, #tpu.memory_space<vmem>>
      %dma_wait3A_325 = tpu.memref_squeeze %dma_wait3A_324 : memref<1x1x64xi32, #tpu.memory_space<vmem>> -> memref<64xi32, #tpu.memory_space<vmem>>
      %dma_wait3A_326 = arith.constant 0 : i32
      %dma_wait3A_327 = arith.constant 0 : i32
      %dma_wait3A_328 = tpu.memref_slice %arg9[%dma_wait3A_326, %dma_wait3A_327] : memref<10240x128xf32, #tpu.memory_space<vmem_shared>> -> memref<10240x128xf32, #tpu.memory_space<vmem_shared>>
      tpu.wait_indirect_dma semaphore(%arg14 : memref<!tpu.dma_semaphore, #tpu.memory_space<semaphore_mem>>) src(%arg7 : memref<64x128xf32, #tpu.memory_space<vmem>>) dst(%dma_wait3A_328 : memref<10240x128xf32, #tpu.memory_space<vmem_shared>>)
      %scan3A_329 = arith.constant 0 : i32
      scf.yield %scan3A_329 : i32
    }
    %scan3A_24 = arith.constant 20 : i32
    %barrier3A_25 = arith.constant 0 : index
    tpu.barrier barrier_id(%barrier3A_25)
    %scan3A_26 = arith.constant 0 : i32
    %scan3A_27 = arith.constant 0 : i32
    %scan3A_28 = arith.constant 5 : i32
    %scan3A_29 = arith.addi %scan3A_27, %scan3A_28 : i32
    %scan3A_30 = arith.constant 1 : i32
    %scan3A_31 = scf.for %scan3A_33 = %scan3A_27 to %scan3A_29 step %scan3A_30 iter_args(%scan3A_34 = %scan3A_26) -> (i32)  : i32 {
      %mul3A_35 = arith.constant 2 : i32
      %mul3A_36 = arith.muli %mul3A_35, %scan3A_33 : i32
      %mul3A_37 = arith.constant 64 : i32
      %mul3A_38 = arith.muli %mul3A_36, %mul3A_37 : i32
      %add3A_39 = arith.addi %mul3A_2, %mul3A_38 : i32
      "tpu.region"() ({
        %run_scoped3A = tpu.sem_alloc : memref<!tpu.dma_semaphore, #tpu.memory_space<semaphore_mem>>
        %dma_start3A_67 = arith.constant 0 : i32
        %dma_start3A_68 = tpu.memref_slice %arg9[%add3A_39, %dma_start3A_67] : memref<10240x128xf32, #tpu.memory_space<vmem_shared>> -> memref<64x128xf32, #tpu.memory_space<vmem_shared>>
        %dma_start3A_69 = arith.constant 0 : i32
        %dma_start3A_70 = tpu.memref_slice %arg9[%add3A_39, %dma_start3A_69] : memref<10240x128xf32, #tpu.memory_space<vmem_shared>> -> memref<64x128xf32, #tpu.memory_space<vmem_shared>>
        tpu.enqueue_dma source(%dma_start3A_70 : memref<64x128xf32, #tpu.memory_space<vmem_shared>>) target(%arg6 : memref<64x128xf32, #tpu.memory_space<vmem>>) target_semaphore(%run_scoped3A : memref<!tpu.dma_semaphore, #tpu.memory_space<semaphore_mem>>)
        %dma_wait3A_71 = arith.constant 0 : i32
        %dma_wait3A_72 = tpu.memref_slice %arg9[%add3A_39, %dma_wait3A_71] : memref<10240x128xf32, #tpu.memory_space<vmem_shared>> -> memref<64x128xf32, #tpu.memory_space<vmem_shared>>
        %dma_wait3A_73 = arith.constant 0 : i32
        %dma_wait3A_74 = tpu.memref_slice %arg9[%add3A_39, %dma_wait3A_73] : memref<10240x128xf32, #tpu.memory_space<vmem_shared>> -> memref<64x128xf32, #tpu.memory_space<vmem_shared>>
        tpu.wait_dma2 semaphore(%run_scoped3A : memref<!tpu.dma_semaphore, #tpu.memory_space<semaphore_mem>>) src(%dma_wait3A_74 : memref<64x128xf32, #tpu.memory_space<vmem_shared>>) dst(%arg6 : memref<64x128xf32, #tpu.memory_space<vmem>>)
        tpu.yield
      }) : () -> ()
      %dma_start3A = arith.constant 0 : i32
      %dma_start3A_40 = tpu.memref_slice %arg4[%arg0, %add3A_39, %dma_start3A] : memref<2x10240x128xf32, #tpu.memory_space<hbm>> -> memref<1x64x128xf32, #tpu.memory_space<hbm>>
      %dma_start3A_41 = tpu.memref_squeeze %dma_start3A_40 : memref<1x64x128xf32, #tpu.memory_space<hbm>> -> memref<64x128xf32, #tpu.memory_space<hbm>>
      %dma_start3A_42 = arith.constant 0 : i32
      %dma_start3A_43 = tpu.memref_slice %arg4[%arg0, %add3A_39, %dma_start3A_42] : memref<2x10240x128xf32, #tpu.memory_space<hbm>> -> memref<1x64x128xf32, #tpu.memory_space<hbm>>
      %dma_start3A_44 = tpu.memref_squeeze %dma_start3A_43 : memref<1x64x128xf32, #tpu.memory_space<hbm>> -> memref<64x128xf32, #tpu.memory_space<hbm>>
      tpu.enqueue_dma source(%arg6 : memref<64x128xf32, #tpu.memory_space<vmem>>) target(%dma_start3A_44 : memref<64x128xf32, #tpu.memory_space<hbm>>) target_semaphore(%arg10 : memref<!tpu.dma_semaphore, #tpu.memory_space<semaphore_mem>>)
      %add3A_45 = arith.constant 64 : i32
      %add3A_46 = arith.addi %add3A_39, %add3A_45 : i32
      "tpu.region"() ({
        %run_scoped3A = tpu.sem_alloc : memref<!tpu.dma_semaphore, #tpu.memory_space<semaphore_mem>>
        %dma_start3A_67 = arith.constant 0 : i32
        %dma_start3A_68 = tpu.memref_slice %arg9[%add3A_46, %dma_start3A_67] : memref<10240x128xf32, #tpu.memory_space<vmem_shared>> -> memref<64x128xf32, #tpu.memory_space<vmem_shared>>
        %dma_start3A_69 = arith.constant 0 : i32
        %dma_start3A_70 = tpu.memref_slice %arg9[%add3A_46, %dma_start3A_69] : memref<10240x128xf32, #tpu.memory_space<vmem_shared>> -> memref<64x128xf32, #tpu.memory_space<vmem_shared>>
        tpu.enqueue_dma source(%dma_start3A_70 : memref<64x128xf32, #tpu.memory_space<vmem_shared>>) target(%arg7 : memref<64x128xf32, #tpu.memory_space<vmem>>) target_semaphore(%run_scoped3A : memref<!tpu.dma_semaphore, #tpu.memory_space<semaphore_mem>>)
        %dma_wait3A_71 = arith.constant 0 : i32
        %dma_wait3A_72 = tpu.memref_slice %arg9[%add3A_46, %dma_wait3A_71] : memref<10240x128xf32, #tpu.memory_space<vmem_shared>> -> memref<64x128xf32, #tpu.memory_space<vmem_shared>>
        %dma_wait3A_73 = arith.constant 0 : i32
        %dma_wait3A_74 = tpu.memref_slice %arg9[%add3A_46, %dma_wait3A_73] : memref<10240x128xf32, #tpu.memory_space<vmem_shared>> -> memref<64x128xf32, #tpu.memory_space<vmem_shared>>
        tpu.wait_dma2 semaphore(%run_scoped3A : memref<!tpu.dma_semaphore, #tpu.memory_space<semaphore_mem>>) src(%dma_wait3A_74 : memref<64x128xf32, #tpu.memory_space<vmem_shared>>) dst(%arg7 : memref<64x128xf32, #tpu.memory_space<vmem>>)
        tpu.yield
      }) : () -> ()
      %add3A_47 = arith.constant 64 : i32
      %add3A_48 = arith.addi %add3A_39, %add3A_47 : i32
      %dma_start3A_49 = arith.constant 0 : i32
      %dma_start3A_50 = tpu.memref_slice %arg4[%arg0, %add3A_48, %dma_start3A_49] : memref<2x10240x128xf32, #tpu.memory_space<hbm>> -> memref<1x64x128xf32, #tpu.memory_space<hbm>>
      %dma_start3A_51 = tpu.memref_squeeze %dma_start3A_50 : memref<1x64x128xf32, #tpu.memory_space<hbm>> -> memref<64x128xf32, #tpu.memory_space<hbm>>
      %dma_start3A_52 = arith.constant 0 : i32
      %dma_start3A_53 = tpu.memref_slice %arg4[%arg0, %add3A_48, %dma_start3A_52] : memref<2x10240x128xf32, #tpu.memory_space<hbm>> -> memref<1x64x128xf32, #tpu.memory_space<hbm>>
      %dma_start3A_54 = tpu.memref_squeeze %dma_start3A_53 : memref<1x64x128xf32, #tpu.memory_space<hbm>> -> memref<64x128xf32, #tpu.memory_space<hbm>>
      tpu.enqueue_dma source(%arg7 : memref<64x128xf32, #tpu.memory_space<vmem>>) target(%dma_start3A_54 : memref<64x128xf32, #tpu.memory_space<hbm>>) target_semaphore(%arg11 : memref<!tpu.dma_semaphore, #tpu.memory_space<semaphore_mem>>)
      %dma_wait3A = arith.constant 0 : i32
      %dma_wait3A_55 = tpu.memref_slice %arg4[%arg0, %add3A_39, %dma_wait3A] : memref<2x10240x128xf32, #tpu.memory_space<hbm>> -> memref<1x64x128xf32, #tpu.memory_space<hbm>>
      %dma_wait3A_56 = tpu.memref_squeeze %dma_wait3A_55 : memref<1x64x128xf32, #tpu.memory_space<hbm>> -> memref<64x128xf32, #tpu.memory_space<hbm>>
      %dma_wait3A_57 = arith.constant 0 : i32
      %dma_wait3A_58 = tpu.memref_slice %arg4[%arg0, %add3A_39, %dma_wait3A_57] : memref<2x10240x128xf32, #tpu.memory_space<hbm>> -> memref<1x64x128xf32, #tpu.memory_space<hbm>>
      %dma_wait3A_59 = tpu.memref_squeeze %dma_wait3A_58 : memref<1x64x128xf32, #tpu.memory_space<hbm>> -> memref<64x128xf32, #tpu.memory_space<hbm>>
      tpu.wait_dma2 semaphore(%arg10 : memref<!tpu.dma_semaphore, #tpu.memory_space<semaphore_mem>>) src(%arg6 : memref<64x128xf32, #tpu.memory_space<vmem>>) dst(%dma_wait3A_59 : memref<64x128xf32, #tpu.memory_space<hbm>>)
      %dma_wait3A_60 = arith.constant 0 : i32
      %dma_wait3A_61 = tpu.memref_slice %arg4[%arg0, %add3A_48, %dma_wait3A_60] : memref<2x10240x128xf32, #tpu.memory_space<hbm>> -> memref<1x64x128xf32, #tpu.memory_space<hbm>>
      %dma_wait3A_62 = tpu.memref_squeeze %dma_wait3A_61 : memref<1x64x128xf32, #tpu.memory_space<hbm>> -> memref<64x128xf32, #tpu.memory_space<hbm>>
      %dma_wait3A_63 = arith.constant 0 : i32
      %dma_wait3A_64 = tpu.memref_slice %arg4[%arg0, %add3A_48, %dma_wait3A_63] : memref<2x10240x128xf32, #tpu.memory_space<hbm>> -> memref<1x64x128xf32, #tpu.memory_space<hbm>>
      %dma_wait3A_65 = tpu.memref_squeeze %dma_wait3A_64 : memref<1x64x128xf32, #tpu.memory_space<hbm>> -> memref<64x128xf32, #tpu.memory_space<hbm>>
      tpu.wait_dma2 semaphore(%arg11 : memref<!tpu.dma_semaphore, #tpu.memory_space<semaphore_mem>>) src(%arg7 : memref<64x128xf32, #tpu.memory_space<vmem>>) dst(%dma_wait3A_65 : memref<64x128xf32, #tpu.memory_space<hbm>>)
      %scan3A_66 = arith.constant 0 : i32
      scf.yield %scan3A_66 : i32
    }
    %scan3A_32 = arith.constant 5 : i32
    return
  }
}

#map = affine_map<(d0, d1) -> (0, 0, 0)>
module attributes {stable_mosaic.version = 14 : i64} {
  func.func @_deg_kernel(%arg0: i32, %arg1: i32, %arg2: memref<5120x2x64xi32, #tpu.memory_space<hbm>>, %arg3: memref<2x10240x16xf32, #tpu.memory_space<hbm>>, %arg4: memref<160x2x64xi32, #tpu.memory_space<vmem>>, %arg5: memref<64x16xf32, #tpu.memory_space<vmem>>, %arg6: memref<10240x16xf32, #tpu.memory_space<vmem_shared>>, %arg7: memref<!tpu.dma_semaphore, #tpu.memory_space<semaphore_mem>>) attributes {dimension_semantics = [#tpu.dimension_semantics<core_parallel>, #tpu.dimension_semantics<subcore_parallel>], iteration_bounds = array<i64: 2, 16>, scalar_prefetch = 0 : i64, scratch_operands = 4 : i64, tpu.core_type = #tpu.core_type<sc_vector_subcore>, window_params = [{transform_indices = #map}, {transform_indices = #map}]} {
    %mul3A = arith.constant 16 : i32
    %mul3A_0 = arith.muli %arg0, %mul3A : i32
    %add3A = arith.addi %mul3A_0, %arg1 : i32
    %mul3A_1 = arith.constant 640 : i32
    %mul3A_2 = arith.muli %arg1, %mul3A_1 : i32
    %mul3A_3 = arith.constant 160 : i32
    %mul3A_4 = arith.muli %add3A, %mul3A_3 : i32
    "tpu.region"() ({
      %run_scoped3A = tpu.sem_alloc : memref<!tpu.dma_semaphore, #tpu.memory_space<semaphore_mem>>
      %dma_start3A = arith.constant 0 : i32
      %dma_start3A_40 = arith.constant 0 : i32
      %dma_start3A_41 = tpu.memref_slice %arg2[%mul3A_4, %dma_start3A, %dma_start3A_40] : memref<5120x2x64xi32, #tpu.memory_space<hbm>> -> memref<160x2x64xi32, #tpu.memory_space<hbm>>
      %dma_start3A_42 = arith.constant 0 : i32
      %dma_start3A_43 = arith.constant 0 : i32
      %dma_start3A_44 = tpu.memref_slice %arg2[%mul3A_4, %dma_start3A_42, %dma_start3A_43] : memref<5120x2x64xi32, #tpu.memory_space<hbm>> -> memref<160x2x64xi32, #tpu.memory_space<hbm>>
      tpu.enqueue_dma source(%dma_start3A_44 : memref<160x2x64xi32, #tpu.memory_space<hbm>>) target(%arg4 : memref<160x2x64xi32, #tpu.memory_space<vmem>>) target_semaphore(%run_scoped3A : memref<!tpu.dma_semaphore, #tpu.memory_space<semaphore_mem>>)
      %dma_wait3A = arith.constant 0 : i32
      %dma_wait3A_45 = arith.constant 0 : i32
      %dma_wait3A_46 = tpu.memref_slice %arg2[%mul3A_4, %dma_wait3A, %dma_wait3A_45] : memref<5120x2x64xi32, #tpu.memory_space<hbm>> -> memref<160x2x64xi32, #tpu.memory_space<hbm>>
      %dma_wait3A_47 = arith.constant 0 : i32
      %dma_wait3A_48 = arith.constant 0 : i32
      %dma_wait3A_49 = tpu.memref_slice %arg2[%mul3A_4, %dma_wait3A_47, %dma_wait3A_48] : memref<5120x2x64xi32, #tpu.memory_space<hbm>> -> memref<160x2x64xi32, #tpu.memory_space<hbm>>
      tpu.wait_dma2 semaphore(%run_scoped3A : memref<!tpu.dma_semaphore, #tpu.memory_space<semaphore_mem>>) src(%dma_wait3A_49 : memref<160x2x64xi32, #tpu.memory_space<hbm>>) dst(%arg4 : memref<160x2x64xi32, #tpu.memory_space<vmem>>)
      tpu.yield
    }) : () -> ()
    %scan3A = arith.constant 0 : i32
    %scan3A_5 = arith.constant 0 : i32
    %scan3A_6 = arith.constant 64 : i32
    %scan3A_7 = arith.addi %scan3A_5, %scan3A_6 : i32
    %scan3A_8 = arith.constant 1 : i32
    %scan3A_9 = scf.for %scan3A_40 = %scan3A_5 to %scan3A_7 step %scan3A_8 iter_args(%scan3A_41 = %scan3A) -> (i32)  : i32 {
      %broadcast_in_dim3A = arith.constant 0.000000e+00 : f32
      %broadcast_in_dim3A_42 = vector.broadcast %broadcast_in_dim3A : f32 to vector<16xf32>
      %swap3A = arith.index_cast %scan3A_40 : i32 to index
      %swap3A_43 = arith.constant 0 : index
      %swap3A_44 = tpu.vector_load %arg5[%swap3A, %swap3A_43] {strides = array<i32>} : memref<64x16xf32, #tpu.memory_space<vmem>>, vector<1x16xf32>,
      %swap3A_45 = vector.shape_cast %swap3A_44 : vector<1x16xf32> to vector<16xf32>
      %swap3A_46 = vector.shape_cast %broadcast_in_dim3A_42 : vector<16xf32> to vector<1x16xf32>
      tpu.vector_store %arg5[%swap3A, %swap3A_43], %swap3A_46 {strides = array<i32>} : memref<64x16xf32, #tpu.memory_space<vmem>>, vector<1x16xf32>,
      %scan3A_47 = arith.constant 0 : i32
      scf.yield %scan3A_47 : i32
    }
    %scan3A_10 = arith.constant 64 : i32
    %scan3A_11 = arith.constant 0 : i32
    %scan3A_12 = arith.constant 0 : i32
    %scan3A_13 = arith.constant 10 : i32
    %scan3A_14 = arith.addi %scan3A_12, %scan3A_13 : i32
    %scan3A_15 = arith.constant 1 : i32
    %scan3A_16 = scf.for %scan3A_40 = %scan3A_12 to %scan3A_14 step %scan3A_15 iter_args(%scan3A_41 = %scan3A_11) -> (i32)  : i32 {
      %mul3A_42 = arith.constant 64 : i32
      %mul3A_43 = arith.muli %scan3A_40, %mul3A_42 : i32
      %add3A_44 = arith.addi %mul3A_2, %mul3A_43 : i32
      "tpu.region"() ({
        %run_scoped3A = tpu.sem_alloc : memref<!tpu.dma_semaphore, #tpu.memory_space<semaphore_mem>>
        %dma_start3A = arith.constant 0 : i32
        %dma_start3A_46 = tpu.memref_slice %arg6[%add3A_44, %dma_start3A] : memref<10240x16xf32, #tpu.memory_space<vmem_shared>> -> memref<64x16xf32, #tpu.memory_space<vmem_shared>>
        %dma_start3A_47 = arith.constant 0 : i32
        %dma_start3A_48 = tpu.memref_slice %arg6[%add3A_44, %dma_start3A_47] : memref<10240x16xf32, #tpu.memory_space<vmem_shared>> -> memref<64x16xf32, #tpu.memory_space<vmem_shared>>
        tpu.enqueue_dma source(%arg5 : memref<64x16xf32, #tpu.memory_space<vmem>>) target(%dma_start3A_48 : memref<64x16xf32, #tpu.memory_space<vmem_shared>>) target_semaphore(%run_scoped3A : memref<!tpu.dma_semaphore, #tpu.memory_space<semaphore_mem>>)
        %dma_wait3A = arith.constant 0 : i32
        %dma_wait3A_49 = tpu.memref_slice %arg6[%add3A_44, %dma_wait3A] : memref<10240x16xf32, #tpu.memory_space<vmem_shared>> -> memref<64x16xf32, #tpu.memory_space<vmem_shared>>
        %dma_wait3A_50 = arith.constant 0 : i32
        %dma_wait3A_51 = tpu.memref_slice %arg6[%add3A_44, %dma_wait3A_50] : memref<10240x16xf32, #tpu.memory_space<vmem_shared>> -> memref<64x16xf32, #tpu.memory_space<vmem_shared>>
        tpu.wait_dma2 semaphore(%run_scoped3A : memref<!tpu.dma_semaphore, #tpu.memory_space<semaphore_mem>>) src(%arg5 : memref<64x16xf32, #tpu.memory_space<vmem>>) dst(%dma_wait3A_51 : memref<64x16xf32, #tpu.memory_space<vmem_shared>>)
        tpu.yield
      }) : () -> ()
      %scan3A_45 = arith.constant 0 : i32
      scf.yield %scan3A_45 : i32
    }
    %scan3A_17 = arith.constant 10 : i32
    %barrier3A = arith.constant 0 : index
    tpu.barrier barrier_id(%barrier3A)
    %scan3A_18 = arith.constant 0 : i32
    %scan3A_19 = arith.constant 0 : i32
    %scan3A_20 = arith.constant 64 : i32
    %scan3A_21 = arith.addi %scan3A_19, %scan3A_20 : i32
    %scan3A_22 = arith.constant 1 : i32
    %scan3A_23 = scf.for %scan3A_40 = %scan3A_19 to %scan3A_21 step %scan3A_22 iter_args(%scan3A_41 = %scan3A_18) -> (i32)  : i32 {
      %broadcast_in_dim3A = arith.constant 1.000000e+00 : f32
      %broadcast_in_dim3A_42 = vector.broadcast %broadcast_in_dim3A : f32 to vector<16xf32>
      %swap3A = arith.index_cast %scan3A_40 : i32 to index
      %swap3A_43 = arith.constant 0 : index
      %swap3A_44 = tpu.vector_load %arg5[%swap3A, %swap3A_43] {strides = array<i32>} : memref<64x16xf32, #tpu.memory_space<vmem>>, vector<1x16xf32>,
      %swap3A_45 = vector.shape_cast %swap3A_44 : vector<1x16xf32> to vector<16xf32>
      %swap3A_46 = vector.shape_cast %broadcast_in_dim3A_42 : vector<16xf32> to vector<1x16xf32>
      tpu.vector_store %arg5[%swap3A, %swap3A_43], %swap3A_46 {strides = array<i32>} : memref<64x16xf32, #tpu.memory_space<vmem>>, vector<1x16xf32>,
      %scan3A_47 = arith.constant 0 : i32
      scf.yield %scan3A_47 : i32
    }
    %scan3A_24 = arith.constant 64 : i32
    %scan3A_25 = arith.constant 0 : i32
    %scan3A_26 = arith.constant 0 : i32
    %scan3A_27 = arith.constant 20 : i32
    %scan3A_28 = arith.addi %scan3A_26, %scan3A_27 : i32
    %scan3A_29 = arith.constant 1 : i32
    %scan3A_30 = scf.for %scan3A_40 = %scan3A_26 to %scan3A_28 step %scan3A_29 iter_args(%scan3A_41 = %scan3A_25) -> (i32)  : i32 {
      %mul3A_42 = arith.constant 8 : i32
      %mul3A_43 = arith.muli %mul3A_42, %scan3A_40 : i32
      %add3A_44 = arith.constant 0 : i32
      %add3A_45 = arith.addi %mul3A_43, %add3A_44 : i32
      %dma_start3A = arith.constant 1 : i32
      %dma_start3A_46 = arith.constant 0 : i32
      %dma_start3A_47 = tpu.memref_slice %arg4[%add3A_45, %dma_start3A, %dma_start3A_46] : memref<160x2x64xi32, #tpu.memory_space<vmem>> -> memref<1x1x64xi32, #tpu.memory_space<vmem>>
      %dma_start3A_48 = tpu.memref_squeeze %dma_start3A_47 : memref<1x1x64xi32, #tpu.memory_space<vmem>> -> memref<64xi32, #tpu.memory_space<vmem>>
      %dma_start3A_49 = arith.constant 0 : i32
      %dma_start3A_50 = arith.constant 0 : i32
      %dma_start3A_51 = tpu.memref_slice %arg6[%dma_start3A_49, %dma_start3A_50] : memref<10240x16xf32, #tpu.memory_space<vmem_shared>> -> memref<10240x16xf32, #tpu.memory_space<vmem_shared>>
      tpu.enqueue_indirect_dma source(%arg5 : memref<64x16xf32, #tpu.memory_space<vmem>>) target(%dma_start3A_51 : memref<10240x16xf32, #tpu.memory_space<vmem_shared>>) offsets(%dma_start3A_48 : memref<64xi32, #tpu.memory_space<vmem>>) semaphore(%arg7 : memref<!tpu.dma_semaphore, #tpu.memory_space<semaphore_mem>>) {add = true}
      %mul3A_52 = arith.constant 8 : i32
      %mul3A_53 = arith.muli %mul3A_52, %scan3A_40 : i32
      %add3A_54 = arith.constant 1 : i32
      %add3A_55 = arith.addi %mul3A_53, %add3A_54 : i32
      %dma_start3A_56 = arith.constant 1 : i32
      %dma_start3A_57 = arith.constant 0 : i32
      %dma_start3A_58 = tpu.memref_slice %arg4[%add3A_55, %dma_start3A_56, %dma_start3A_57] : memref<160x2x64xi32, #tpu.memory_space<vmem>> -> memref<1x1x64xi32, #tpu.memory_space<vmem>>
      %dma_start3A_59 = tpu.memref_squeeze %dma_start3A_58 : memref<1x1x64xi32, #tpu.memory_space<vmem>> -> memref<64xi32, #tpu.memory_space<vmem>>
      %dma_start3A_60 = arith.constant 0 : i32
      %dma_start3A_61 = arith.constant 0 : i32
      %dma_start3A_62 = tpu.memref_slice %arg6[%dma_start3A_60, %dma_start3A_61] : memref<10240x16xf32, #tpu.memory_space<vmem_shared>> -> memref<10240x16xf32, #tpu.memory_space<vmem_shared>>
      tpu.enqueue_indirect_dma source(%arg5 : memref<64x16xf32, #tpu.memory_space<vmem>>) target(%dma_start3A_62 : memref<10240x16xf32, #tpu.memory_space<vmem_shared>>) offsets(%dma_start3A_59 : memref<64xi32, #tpu.memory_space<vmem>>) semaphore(%arg7 : memref<!tpu.dma_semaphore, #tpu.memory_space<semaphore_mem>>) {add = true}
      %mul3A_63 = arith.constant 8 : i32
      %mul3A_64 = arith.muli %mul3A_63, %scan3A_40 : i32
      %add3A_65 = arith.constant 2 : i32
      %add3A_66 = arith.addi %mul3A_64, %add3A_65 : i32
      %dma_start3A_67 = arith.constant 1 : i32
      %dma_start3A_68 = arith.constant 0 : i32
      %dma_start3A_69 = tpu.memref_slice %arg4[%add3A_66, %dma_start3A_67, %dma_start3A_68] : memref<160x2x64xi32, #tpu.memory_space<vmem>> -> memref<1x1x64xi32, #tpu.memory_space<vmem>>
      %dma_start3A_70 = tpu.memref_squeeze %dma_start3A_69 : memref<1x1x64xi32, #tpu.memory_space<vmem>> -> memref<64xi32, #tpu.memory_space<vmem>>
      %dma_start3A_71 = arith.constant 0 : i32
      %dma_start3A_72 = arith.constant 0 : i32
      %dma_start3A_73 = tpu.memref_slice %arg6[%dma_start3A_71, %dma_start3A_72] : memref<10240x16xf32, #tpu.memory_space<vmem_shared>> -> memref<10240x16xf32, #tpu.memory_space<vmem_shared>>
      tpu.enqueue_indirect_dma source(%arg5 : memref<64x16xf32, #tpu.memory_space<vmem>>) target(%dma_start3A_73 : memref<10240x16xf32, #tpu.memory_space<vmem_shared>>) offsets(%dma_start3A_70 : memref<64xi32, #tpu.memory_space<vmem>>) semaphore(%arg7 : memref<!tpu.dma_semaphore, #tpu.memory_space<semaphore_mem>>) {add = true}
      %mul3A_74 = arith.constant 8 : i32
      %mul3A_75 = arith.muli %mul3A_74, %scan3A_40 : i32
      %add3A_76 = arith.constant 3 : i32
      %add3A_77 = arith.addi %mul3A_75, %add3A_76 : i32
      %dma_start3A_78 = arith.constant 1 : i32
      %dma_start3A_79 = arith.constant 0 : i32
      %dma_start3A_80 = tpu.memref_slice %arg4[%add3A_77, %dma_start3A_78, %dma_start3A_79] : memref<160x2x64xi32, #tpu.memory_space<vmem>> -> memref<1x1x64xi32, #tpu.memory_space<vmem>>
      %dma_start3A_81 = tpu.memref_squeeze %dma_start3A_80 : memref<1x1x64xi32, #tpu.memory_space<vmem>> -> memref<64xi32, #tpu.memory_space<vmem>>
      %dma_start3A_82 = arith.constant 0 : i32
      %dma_start3A_83 = arith.constant 0 : i32
      %dma_start3A_84 = tpu.memref_slice %arg6[%dma_start3A_82, %dma_start3A_83] : memref<10240x16xf32, #tpu.memory_space<vmem_shared>> -> memref<10240x16xf32, #tpu.memory_space<vmem_shared>>
      tpu.enqueue_indirect_dma source(%arg5 : memref<64x16xf32, #tpu.memory_space<vmem>>) target(%dma_start3A_84 : memref<10240x16xf32, #tpu.memory_space<vmem_shared>>) offsets(%dma_start3A_81 : memref<64xi32, #tpu.memory_space<vmem>>) semaphore(%arg7 : memref<!tpu.dma_semaphore, #tpu.memory_space<semaphore_mem>>) {add = true}
      %mul3A_85 = arith.constant 8 : i32
      %mul3A_86 = arith.muli %mul3A_85, %scan3A_40 : i32
      %add3A_87 = arith.constant 4 : i32
      %add3A_88 = arith.addi %mul3A_86, %add3A_87 : i32
      %dma_start3A_89 = arith.constant 1 : i32
      %dma_start3A_90 = arith.constant 0 : i32
      %dma_start3A_91 = tpu.memref_slice %arg4[%add3A_88, %dma_start3A_89, %dma_start3A_90] : memref<160x2x64xi32, #tpu.memory_space<vmem>> -> memref<1x1x64xi32, #tpu.memory_space<vmem>>
      %dma_start3A_92 = tpu.memref_squeeze %dma_start3A_91 : memref<1x1x64xi32, #tpu.memory_space<vmem>> -> memref<64xi32, #tpu.memory_space<vmem>>
      %dma_start3A_93 = arith.constant 0 : i32
      %dma_start3A_94 = arith.constant 0 : i32
      %dma_start3A_95 = tpu.memref_slice %arg6[%dma_start3A_93, %dma_start3A_94] : memref<10240x16xf32, #tpu.memory_space<vmem_shared>> -> memref<10240x16xf32, #tpu.memory_space<vmem_shared>>
      tpu.enqueue_indirect_dma source(%arg5 : memref<64x16xf32, #tpu.memory_space<vmem>>) target(%dma_start3A_95 : memref<10240x16xf32, #tpu.memory_space<vmem_shared>>) offsets(%dma_start3A_92 : memref<64xi32, #tpu.memory_space<vmem>>) semaphore(%arg7 : memref<!tpu.dma_semaphore, #tpu.memory_space<semaphore_mem>>) {add = true}
      %mul3A_96 = arith.constant 8 : i32
      %mul3A_97 = arith.muli %mul3A_96, %scan3A_40 : i32
      %add3A_98 = arith.constant 5 : i32
      %add3A_99 = arith.addi %mul3A_97, %add3A_98 : i32
      %dma_start3A_100 = arith.constant 1 : i32
      %dma_start3A_101 = arith.constant 0 : i32
      %dma_start3A_102 = tpu.memref_slice %arg4[%add3A_99, %dma_start3A_100, %dma_start3A_101] : memref<160x2x64xi32, #tpu.memory_space<vmem>> -> memref<1x1x64xi32, #tpu.memory_space<vmem>>
      %dma_start3A_103 = tpu.memref_squeeze %dma_start3A_102 : memref<1x1x64xi32, #tpu.memory_space<vmem>> -> memref<64xi32, #tpu.memory_space<vmem>>
      %dma_start3A_104 = arith.constant 0 : i32
      %dma_start3A_105 = arith.constant 0 : i32
      %dma_start3A_106 = tpu.memref_slice %arg6[%dma_start3A_104, %dma_start3A_105] : memref<10240x16xf32, #tpu.memory_space<vmem_shared>> -> memref<10240x16xf32, #tpu.memory_space<vmem_shared>>
      tpu.enqueue_indirect_dma source(%arg5 : memref<64x16xf32, #tpu.memory_space<vmem>>) target(%dma_start3A_106 : memref<10240x16xf32, #tpu.memory_space<vmem_shared>>) offsets(%dma_start3A_103 : memref<64xi32, #tpu.memory_space<vmem>>) semaphore(%arg7 : memref<!tpu.dma_semaphore, #tpu.memory_space<semaphore_mem>>) {add = true}
      %mul3A_107 = arith.constant 8 : i32
      %mul3A_108 = arith.muli %mul3A_107, %scan3A_40 : i32
      %add3A_109 = arith.constant 6 : i32
      %add3A_110 = arith.addi %mul3A_108, %add3A_109 : i32
      %dma_start3A_111 = arith.constant 1 : i32
      %dma_start3A_112 = arith.constant 0 : i32
      %dma_start3A_113 = tpu.memref_slice %arg4[%add3A_110, %dma_start3A_111, %dma_start3A_112] : memref<160x2x64xi32, #tpu.memory_space<vmem>> -> memref<1x1x64xi32, #tpu.memory_space<vmem>>
      %dma_start3A_114 = tpu.memref_squeeze %dma_start3A_113 : memref<1x1x64xi32, #tpu.memory_space<vmem>> -> memref<64xi32, #tpu.memory_space<vmem>>
      %dma_start3A_115 = arith.constant 0 : i32
      %dma_start3A_116 = arith.constant 0 : i32
      %dma_start3A_117 = tpu.memref_slice %arg6[%dma_start3A_115, %dma_start3A_116] : memref<10240x16xf32, #tpu.memory_space<vmem_shared>> -> memref<10240x16xf32, #tpu.memory_space<vmem_shared>>
      tpu.enqueue_indirect_dma source(%arg5 : memref<64x16xf32, #tpu.memory_space<vmem>>) target(%dma_start3A_117 : memref<10240x16xf32, #tpu.memory_space<vmem_shared>>) offsets(%dma_start3A_114 : memref<64xi32, #tpu.memory_space<vmem>>) semaphore(%arg7 : memref<!tpu.dma_semaphore, #tpu.memory_space<semaphore_mem>>) {add = true}
      %mul3A_118 = arith.constant 8 : i32
      %mul3A_119 = arith.muli %mul3A_118, %scan3A_40 : i32
      %add3A_120 = arith.constant 7 : i32
      %add3A_121 = arith.addi %mul3A_119, %add3A_120 : i32
      %dma_start3A_122 = arith.constant 1 : i32
      %dma_start3A_123 = arith.constant 0 : i32
      %dma_start3A_124 = tpu.memref_slice %arg4[%add3A_121, %dma_start3A_122, %dma_start3A_123] : memref<160x2x64xi32, #tpu.memory_space<vmem>> -> memref<1x1x64xi32, #tpu.memory_space<vmem>>
      %dma_start3A_125 = tpu.memref_squeeze %dma_start3A_124 : memref<1x1x64xi32, #tpu.memory_space<vmem>> -> memref<64xi32, #tpu.memory_space<vmem>>
      %dma_start3A_126 = arith.constant 0 : i32
      %dma_start3A_127 = arith.constant 0 : i32
      %dma_start3A_128 = tpu.memref_slice %arg6[%dma_start3A_126, %dma_start3A_127] : memref<10240x16xf32, #tpu.memory_space<vmem_shared>> -> memref<10240x16xf32, #tpu.memory_space<vmem_shared>>
      tpu.enqueue_indirect_dma source(%arg5 : memref<64x16xf32, #tpu.memory_space<vmem>>) target(%dma_start3A_128 : memref<10240x16xf32, #tpu.memory_space<vmem_shared>>) offsets(%dma_start3A_125 : memref<64xi32, #tpu.memory_space<vmem>>) semaphore(%arg7 : memref<!tpu.dma_semaphore, #tpu.memory_space<semaphore_mem>>) {add = true}
      %dma_wait3A = arith.constant 1 : i32
      %dma_wait3A_129 = arith.constant 0 : i32
      %dma_wait3A_130 = tpu.memref_slice %arg4[%add3A_45, %dma_wait3A, %dma_wait3A_129] : memref<160x2x64xi32, #tpu.memory_space<vmem>> -> memref<1x1x64xi32, #tpu.memory_space<vmem>>
      %dma_wait3A_131 = tpu.memref_squeeze %dma_wait3A_130 : memref<1x1x64xi32, #tpu.memory_space<vmem>> -> memref<64xi32, #tpu.memory_space<vmem>>
      %dma_wait3A_132 = arith.constant 0 : i32
      %dma_wait3A_133 = arith.constant 0 : i32
      %dma_wait3A_134 = tpu.memref_slice %arg6[%dma_wait3A_132, %dma_wait3A_133] : memref<10240x16xf32, #tpu.memory_space<vmem_shared>> -> memref<10240x16xf32, #tpu.memory_space<vmem_shared>>
      tpu.wait_indirect_dma semaphore(%arg7 : memref<!tpu.dma_semaphore, #tpu.memory_space<semaphore_mem>>) src(%arg5 : memref<64x16xf32, #tpu.memory_space<vmem>>) dst(%dma_wait3A_134 : memref<10240x16xf32, #tpu.memory_space<vmem_shared>>)
      %dma_wait3A_135 = arith.constant 1 : i32
      %dma_wait3A_136 = arith.constant 0 : i32
      %dma_wait3A_137 = tpu.memref_slice %arg4[%add3A_55, %dma_wait3A_135, %dma_wait3A_136] : memref<160x2x64xi32, #tpu.memory_space<vmem>> -> memref<1x1x64xi32, #tpu.memory_space<vmem>>
      %dma_wait3A_138 = tpu.memref_squeeze %dma_wait3A_137 : memref<1x1x64xi32, #tpu.memory_space<vmem>> -> memref<64xi32, #tpu.memory_space<vmem>>
      %dma_wait3A_139 = arith.constant 0 : i32
      %dma_wait3A_140 = arith.constant 0 : i32
      %dma_wait3A_141 = tpu.memref_slice %arg6[%dma_wait3A_139, %dma_wait3A_140] : memref<10240x16xf32, #tpu.memory_space<vmem_shared>> -> memref<10240x16xf32, #tpu.memory_space<vmem_shared>>
      tpu.wait_indirect_dma semaphore(%arg7 : memref<!tpu.dma_semaphore, #tpu.memory_space<semaphore_mem>>) src(%arg5 : memref<64x16xf32, #tpu.memory_space<vmem>>) dst(%dma_wait3A_141 : memref<10240x16xf32, #tpu.memory_space<vmem_shared>>)
      %dma_wait3A_142 = arith.constant 1 : i32
      %dma_wait3A_143 = arith.constant 0 : i32
      %dma_wait3A_144 = tpu.memref_slice %arg4[%add3A_66, %dma_wait3A_142, %dma_wait3A_143] : memref<160x2x64xi32, #tpu.memory_space<vmem>> -> memref<1x1x64xi32, #tpu.memory_space<vmem>>
      %dma_wait3A_145 = tpu.memref_squeeze %dma_wait3A_144 : memref<1x1x64xi32, #tpu.memory_space<vmem>> -> memref<64xi32, #tpu.memory_space<vmem>>
      %dma_wait3A_146 = arith.constant 0 : i32
      %dma_wait3A_147 = arith.constant 0 : i32
      %dma_wait3A_148 = tpu.memref_slice %arg6[%dma_wait3A_146, %dma_wait3A_147] : memref<10240x16xf32, #tpu.memory_space<vmem_shared>> -> memref<10240x16xf32, #tpu.memory_space<vmem_shared>>
      tpu.wait_indirect_dma semaphore(%arg7 : memref<!tpu.dma_semaphore, #tpu.memory_space<semaphore_mem>>) src(%arg5 : memref<64x16xf32, #tpu.memory_space<vmem>>) dst(%dma_wait3A_148 : memref<10240x16xf32, #tpu.memory_space<vmem_shared>>)
      %dma_wait3A_149 = arith.constant 1 : i32
      %dma_wait3A_150 = arith.constant 0 : i32
      %dma_wait3A_151 = tpu.memref_slice %arg4[%add3A_77, %dma_wait3A_149, %dma_wait3A_150] : memref<160x2x64xi32, #tpu.memory_space<vmem>> -> memref<1x1x64xi32, #tpu.memory_space<vmem>>
      %dma_wait3A_152 = tpu.memref_squeeze %dma_wait3A_151 : memref<1x1x64xi32, #tpu.memory_space<vmem>> -> memref<64xi32, #tpu.memory_space<vmem>>
      %dma_wait3A_153 = arith.constant 0 : i32
      %dma_wait3A_154 = arith.constant 0 : i32
      %dma_wait3A_155 = tpu.memref_slice %arg6[%dma_wait3A_153, %dma_wait3A_154] : memref<10240x16xf32, #tpu.memory_space<vmem_shared>> -> memref<10240x16xf32, #tpu.memory_space<vmem_shared>>
      tpu.wait_indirect_dma semaphore(%arg7 : memref<!tpu.dma_semaphore, #tpu.memory_space<semaphore_mem>>) src(%arg5 : memref<64x16xf32, #tpu.memory_space<vmem>>) dst(%dma_wait3A_155 : memref<10240x16xf32, #tpu.memory_space<vmem_shared>>)
      %dma_wait3A_156 = arith.constant 1 : i32
      %dma_wait3A_157 = arith.constant 0 : i32
      %dma_wait3A_158 = tpu.memref_slice %arg4[%add3A_88, %dma_wait3A_156, %dma_wait3A_157] : memref<160x2x64xi32, #tpu.memory_space<vmem>> -> memref<1x1x64xi32, #tpu.memory_space<vmem>>
      %dma_wait3A_159 = tpu.memref_squeeze %dma_wait3A_158 : memref<1x1x64xi32, #tpu.memory_space<vmem>> -> memref<64xi32, #tpu.memory_space<vmem>>
      %dma_wait3A_160 = arith.constant 0 : i32
      %dma_wait3A_161 = arith.constant 0 : i32
      %dma_wait3A_162 = tpu.memref_slice %arg6[%dma_wait3A_160, %dma_wait3A_161] : memref<10240x16xf32, #tpu.memory_space<vmem_shared>> -> memref<10240x16xf32, #tpu.memory_space<vmem_shared>>
      tpu.wait_indirect_dma semaphore(%arg7 : memref<!tpu.dma_semaphore, #tpu.memory_space<semaphore_mem>>) src(%arg5 : memref<64x16xf32, #tpu.memory_space<vmem>>) dst(%dma_wait3A_162 : memref<10240x16xf32, #tpu.memory_space<vmem_shared>>)
      %dma_wait3A_163 = arith.constant 1 : i32
      %dma_wait3A_164 = arith.constant 0 : i32
      %dma_wait3A_165 = tpu.memref_slice %arg4[%add3A_99, %dma_wait3A_163, %dma_wait3A_164] : memref<160x2x64xi32, #tpu.memory_space<vmem>> -> memref<1x1x64xi32, #tpu.memory_space<vmem>>
      %dma_wait3A_166 = tpu.memref_squeeze %dma_wait3A_165 : memref<1x1x64xi32, #tpu.memory_space<vmem>> -> memref<64xi32, #tpu.memory_space<vmem>>
      %dma_wait3A_167 = arith.constant 0 : i32
      %dma_wait3A_168 = arith.constant 0 : i32
      %dma_wait3A_169 = tpu.memref_slice %arg6[%dma_wait3A_167, %dma_wait3A_168] : memref<10240x16xf32, #tpu.memory_space<vmem_shared>> -> memref<10240x16xf32, #tpu.memory_space<vmem_shared>>
      tpu.wait_indirect_dma semaphore(%arg7 : memref<!tpu.dma_semaphore, #tpu.memory_space<semaphore_mem>>) src(%arg5 : memref<64x16xf32, #tpu.memory_space<vmem>>) dst(%dma_wait3A_169 : memref<10240x16xf32, #tpu.memory_space<vmem_shared>>)
      %dma_wait3A_170 = arith.constant 1 : i32
      %dma_wait3A_171 = arith.constant 0 : i32
      %dma_wait3A_172 = tpu.memref_slice %arg4[%add3A_110, %dma_wait3A_170, %dma_wait3A_171] : memref<160x2x64xi32, #tpu.memory_space<vmem>> -> memref<1x1x64xi32, #tpu.memory_space<vmem>>
      %dma_wait3A_173 = tpu.memref_squeeze %dma_wait3A_172 : memref<1x1x64xi32, #tpu.memory_space<vmem>> -> memref<64xi32, #tpu.memory_space<vmem>>
      %dma_wait3A_174 = arith.constant 0 : i32
      %dma_wait3A_175 = arith.constant 0 : i32
      %dma_wait3A_176 = tpu.memref_slice %arg6[%dma_wait3A_174, %dma_wait3A_175] : memref<10240x16xf32, #tpu.memory_space<vmem_shared>> -> memref<10240x16xf32, #tpu.memory_space<vmem_shared>>
      tpu.wait_indirect_dma semaphore(%arg7 : memref<!tpu.dma_semaphore, #tpu.memory_space<semaphore_mem>>) src(%arg5 : memref<64x16xf32, #tpu.memory_space<vmem>>) dst(%dma_wait3A_176 : memref<10240x16xf32, #tpu.memory_space<vmem_shared>>)
      %dma_wait3A_177 = arith.constant 1 : i32
      %dma_wait3A_178 = arith.constant 0 : i32
      %dma_wait3A_179 = tpu.memref_slice %arg4[%add3A_121, %dma_wait3A_177, %dma_wait3A_178] : memref<160x2x64xi32, #tpu.memory_space<vmem>> -> memref<1x1x64xi32, #tpu.memory_space<vmem>>
      %dma_wait3A_180 = tpu.memref_squeeze %dma_wait3A_179 : memref<1x1x64xi32, #tpu.memory_space<vmem>> -> memref<64xi32, #tpu.memory_space<vmem>>
      %dma_wait3A_181 = arith.constant 0 : i32
      %dma_wait3A_182 = arith.constant 0 : i32
      %dma_wait3A_183 = tpu.memref_slice %arg6[%dma_wait3A_181, %dma_wait3A_182] : memref<10240x16xf32, #tpu.memory_space<vmem_shared>> -> memref<10240x16xf32, #tpu.memory_space<vmem_shared>>
      tpu.wait_indirect_dma semaphore(%arg7 : memref<!tpu.dma_semaphore, #tpu.memory_space<semaphore_mem>>) src(%arg5 : memref<64x16xf32, #tpu.memory_space<vmem>>) dst(%dma_wait3A_183 : memref<10240x16xf32, #tpu.memory_space<vmem_shared>>)
      %scan3A_184 = arith.constant 0 : i32
      scf.yield %scan3A_184 : i32
    }
    %scan3A_31 = arith.constant 20 : i32
    %barrier3A_32 = arith.constant 0 : index
    tpu.barrier barrier_id(%barrier3A_32)
    %scan3A_33 = arith.constant 0 : i32
    %scan3A_34 = arith.constant 0 : i32
    %scan3A_35 = arith.constant 10 : i32
    %scan3A_36 = arith.addi %scan3A_34, %scan3A_35 : i32
    %scan3A_37 = arith.constant 1 : i32
    %scan3A_38 = scf.for %scan3A_40 = %scan3A_34 to %scan3A_36 step %scan3A_37 iter_args(%scan3A_41 = %scan3A_33) -> (i32)  : i32 {
      %mul3A_42 = arith.constant 64 : i32
      %mul3A_43 = arith.muli %scan3A_40, %mul3A_42 : i32
      %add3A_44 = arith.addi %mul3A_2, %mul3A_43 : i32
      "tpu.region"() ({
        %run_scoped3A = tpu.sem_alloc : memref<!tpu.dma_semaphore, #tpu.memory_space<semaphore_mem>>
        %dma_start3A = arith.constant 0 : i32
        %dma_start3A_46 = tpu.memref_slice %arg6[%add3A_44, %dma_start3A] : memref<10240x16xf32, #tpu.memory_space<vmem_shared>> -> memref<64x16xf32, #tpu.memory_space<vmem_shared>>
        %dma_start3A_47 = arith.constant 0 : i32
        %dma_start3A_48 = tpu.memref_slice %arg6[%add3A_44, %dma_start3A_47] : memref<10240x16xf32, #tpu.memory_space<vmem_shared>> -> memref<64x16xf32, #tpu.memory_space<vmem_shared>>
        tpu.enqueue_dma source(%dma_start3A_48 : memref<64x16xf32, #tpu.memory_space<vmem_shared>>) target(%arg5 : memref<64x16xf32, #tpu.memory_space<vmem>>) target_semaphore(%run_scoped3A : memref<!tpu.dma_semaphore, #tpu.memory_space<semaphore_mem>>)
        %dma_wait3A = arith.constant 0 : i32
        %dma_wait3A_49 = tpu.memref_slice %arg6[%add3A_44, %dma_wait3A] : memref<10240x16xf32, #tpu.memory_space<vmem_shared>> -> memref<64x16xf32, #tpu.memory_space<vmem_shared>>
        %dma_wait3A_50 = arith.constant 0 : i32
        %dma_wait3A_51 = tpu.memref_slice %arg6[%add3A_44, %dma_wait3A_50] : memref<10240x16xf32, #tpu.memory_space<vmem_shared>> -> memref<64x16xf32, #tpu.memory_space<vmem_shared>>
        tpu.wait_dma2 semaphore(%run_scoped3A : memref<!tpu.dma_semaphore, #tpu.memory_space<semaphore_mem>>) src(%dma_wait3A_51 : memref<64x16xf32, #tpu.memory_space<vmem_shared>>) dst(%arg5 : memref<64x16xf32, #tpu.memory_space<vmem>>)
        tpu.yield
      }) : () -> ()
      "tpu.region"() ({
        %run_scoped3A = tpu.sem_alloc : memref<!tpu.dma_semaphore, #tpu.memory_space<semaphore_mem>>
        %dma_start3A = arith.constant 0 : i32
        %dma_start3A_46 = tpu.memref_slice %arg3[%arg0, %add3A_44, %dma_start3A] : memref<2x10240x16xf32, #tpu.memory_space<hbm>> -> memref<1x64x16xf32, #tpu.memory_space<hbm>>
        %dma_start3A_47 = tpu.memref_squeeze %dma_start3A_46 : memref<1x64x16xf32, #tpu.memory_space<hbm>> -> memref<64x16xf32, #tpu.memory_space<hbm>>
        %dma_start3A_48 = arith.constant 0 : i32
        %dma_start3A_49 = tpu.memref_slice %arg3[%arg0, %add3A_44, %dma_start3A_48] : memref<2x10240x16xf32, #tpu.memory_space<hbm>> -> memref<1x64x16xf32, #tpu.memory_space<hbm>>
        %dma_start3A_50 = tpu.memref_squeeze %dma_start3A_49 : memref<1x64x16xf32, #tpu.memory_space<hbm>> -> memref<64x16xf32, #tpu.memory_space<hbm>>
        tpu.enqueue_dma source(%arg5 : memref<64x16xf32, #tpu.memory_space<vmem>>) target(%dma_start3A_50 : memref<64x16xf32, #tpu.memory_space<hbm>>) target_semaphore(%run_scoped3A : memref<!tpu.dma_semaphore, #tpu.memory_space<semaphore_mem>>)
        %dma_wait3A = arith.constant 0 : i32
        %dma_wait3A_51 = tpu.memref_slice %arg3[%arg0, %add3A_44, %dma_wait3A] : memref<2x10240x16xf32, #tpu.memory_space<hbm>> -> memref<1x64x16xf32, #tpu.memory_space<hbm>>
        %dma_wait3A_52 = tpu.memref_squeeze %dma_wait3A_51 : memref<1x64x16xf32, #tpu.memory_space<hbm>> -> memref<64x16xf32, #tpu.memory_space<hbm>>
        %dma_wait3A_53 = arith.constant 0 : i32
        %dma_wait3A_54 = tpu.memref_slice %arg3[%arg0, %add3A_44, %dma_wait3A_53] : memref<2x10240x16xf32, #tpu.memory_space<hbm>> -> memref<1x64x16xf32, #tpu.memory_space<hbm>>
        %dma_wait3A_55 = tpu.memref_squeeze %dma_wait3A_54 : memref<1x64x16xf32, #tpu.memory_space<hbm>> -> memref<64x16xf32, #tpu.memory_space<hbm>>
        tpu.wait_dma2 semaphore(%run_scoped3A : memref<!tpu.dma_semaphore, #tpu.memory_space<semaphore_mem>>) src(%arg5 : memref<64x16xf32, #tpu.memory_space<vmem>>) dst(%dma_wait3A_55 : memref<64x16xf32, #tpu.memory_space<hbm>>)
        tpu.yield
      }) : () -> ()
      %scan3A_45 = arith.constant 0 : i32
      scf.yield %scan3A_45 : i32
    }
    %scan3A_39 = arith.constant 10 : i32
    return
  }
}

#map = affine_map<(d0, d1) -> (0, 0)>
#map1 = affine_map<(d0, d1) -> (0, 0, 0)>
module attributes {stable_mosaic.version = 14 : i64} {
  func.func @_edge_kernel(%arg0: i32, %arg1: i32, %arg2: memref<10240x128xf32, #tpu.memory_space<hbm>>, %arg3: memref<5120x2x64xi32, #tpu.memory_space<hbm>>, %arg4: memref<2x10240x128xf32, #tpu.memory_space<hbm>>, %arg5: memref<40x2x64xi32, #tpu.memory_space<vmem>>, %arg6: memref<64x128xf32, #tpu.memory_space<vmem>>, %arg7: memref<64x128xf32, #tpu.memory_space<vmem>>, %arg8: memref<64x128xf32, #tpu.memory_space<vmem>>, %arg9: memref<10240x128xf32, #tpu.memory_space<vmem_shared>>, %arg10: memref<!tpu.dma_semaphore, #tpu.memory_space<semaphore_mem>>, %arg11: memref<!tpu.dma_semaphore, #tpu.memory_space<semaphore_mem>>, %arg12: memref<!tpu.dma_semaphore, #tpu.memory_space<semaphore_mem>>, %arg13: memref<!tpu.dma_semaphore, #tpu.memory_space<semaphore_mem>>, %arg14: memref<!tpu.dma_semaphore, #tpu.memory_space<semaphore_mem>>, %arg15: memref<!tpu.dma_semaphore, #tpu.memory_space<semaphore_mem>>) attributes {dimension_semantics = [#tpu.dimension_semantics<core_parallel>, #tpu.dimension_semantics<subcore_parallel>], iteration_bounds = array<i64: 2, 16>, scalar_prefetch = 0 : i64, scratch_operands = 11 : i64, tpu.core_type = #tpu.core_type<sc_vector_subcore>, window_params = [{transform_indices = #map}, {transform_indices = #map1}, {transform_indices = #map1}]} {
    %mul3A = arith.constant 16 : i32
    %mul3A_0 = arith.muli %arg0, %mul3A : i32
    %add3A = arith.addi %mul3A_0, %arg1 : i32
    %mul3A_1 = arith.constant 640 : i32
    %mul3A_2 = arith.muli %arg1, %mul3A_1 : i32
    %mul3A_3 = arith.constant 160 : i32
    %mul3A_4 = arith.muli %add3A, %mul3A_3 : i32
    %scan3A = arith.constant 0 : i32
    %scan3A_5 = arith.constant 0 : i32
    %scan3A_6 = arith.constant 64 : i32
    %scan3A_7 = arith.addi %scan3A_5, %scan3A_6 : i32
    %scan3A_8 = arith.constant 1 : i32
    %scan3A_9 = scf.for %scan3A_33 = %scan3A_5 to %scan3A_7 step %scan3A_8 iter_args(%scan3A_34 = %scan3A) -> (i32)  : i32 {
      %scan3A_35 = arith.constant 0 : i32
      %scan3A_36 = arith.constant 0 : i32
      %scan3A_37 = arith.constant 8 : i32
      %scan3A_38 = arith.addi %scan3A_36, %scan3A_37 : i32
      %scan3A_39 = arith.constant 1 : i32
      %scan3A_40 = scf.for %scan3A_43 = %scan3A_36 to %scan3A_38 step %scan3A_39 iter_args(%scan3A_44 = %scan3A_35) -> (i32)  : i32 {
        %broadcast_in_dim3A = arith.constant 0.000000e+00 : f32
        %broadcast_in_dim3A_45 = vector.broadcast %broadcast_in_dim3A : f32 to vector<16xf32>
        %mul3A_46 = arith.constant 16 : i32
        %mul3A_47 = arith.muli %scan3A_43, %mul3A_46 : i32
        %swap3A = arith.index_cast %scan3A_33 : i32 to index
        %swap3A_48 = arith.index_cast %mul3A_47 : i32 to index
        %swap3A_49 = tpu.vector_load %arg7[%swap3A, %swap3A_48] {strides = array<i32>} : memref<64x128xf32, #tpu.memory_space<vmem>>, vector<1x16xf32>,
        %swap3A_50 = vector.shape_cast %swap3A_49 : vector<1x16xf32> to vector<16xf32>
        %swap3A_51 = vector.shape_cast %broadcast_in_dim3A_45 : vector<16xf32> to vector<1x16xf32>
        tpu.vector_store %arg7[%swap3A, %swap3A_48], %swap3A_51 {strides = array<i32>} : memref<64x128xf32, #tpu.memory_space<vmem>>, vector<1x16xf32>,
        %scan3A_52 = arith.constant 0 : i32
        scf.yield %scan3A_52 : i32
      }
      %scan3A_41 = arith.constant 8 : i32
      %scan3A_42 = arith.constant 0 : i32
      scf.yield %scan3A_42 : i32
    }
    %scan3A_10 = arith.constant 64 : i32
    %scan3A_11 = arith.constant 0 : i32
    %scan3A_12 = arith.constant 0 : i32
    %scan3A_13 = arith.constant 10 : i32
    %scan3A_14 = arith.addi %scan3A_12, %scan3A_13 : i32
    %scan3A_15 = arith.constant 1 : i32
    %scan3A_16 = scf.for %scan3A_33 = %scan3A_12 to %scan3A_14 step %scan3A_15 iter_args(%scan3A_34 = %scan3A_11) -> (i32)  : i32 {
      %mul3A_35 = arith.constant 64 : i32
      %mul3A_36 = arith.muli %scan3A_33, %mul3A_35 : i32
      %add3A_37 = arith.addi %mul3A_2, %mul3A_36 : i32
      "tpu.region"() ({
        %run_scoped3A = tpu.sem_alloc : memref<!tpu.dma_semaphore, #tpu.memory_space<semaphore_mem>>
        %dma_start3A = arith.constant 0 : i32
        %dma_start3A_39 = tpu.memref_slice %arg9[%add3A_37, %dma_start3A] : memref<10240x128xf32, #tpu.memory_space<vmem_shared>> -> memref<64x128xf32, #tpu.memory_space<vmem_shared>>
        %dma_start3A_40 = arith.constant 0 : i32
        %dma_start3A_41 = tpu.memref_slice %arg9[%add3A_37, %dma_start3A_40] : memref<10240x128xf32, #tpu.memory_space<vmem_shared>> -> memref<64x128xf32, #tpu.memory_space<vmem_shared>>
        tpu.enqueue_dma source(%arg7 : memref<64x128xf32, #tpu.memory_space<vmem>>) target(%dma_start3A_41 : memref<64x128xf32, #tpu.memory_space<vmem_shared>>) target_semaphore(%run_scoped3A : memref<!tpu.dma_semaphore, #tpu.memory_space<semaphore_mem>>)
        %dma_wait3A = arith.constant 0 : i32
        %dma_wait3A_42 = tpu.memref_slice %arg9[%add3A_37, %dma_wait3A] : memref<10240x128xf32, #tpu.memory_space<vmem_shared>> -> memref<64x128xf32, #tpu.memory_space<vmem_shared>>
        %dma_wait3A_43 = arith.constant 0 : i32
        %dma_wait3A_44 = tpu.memref_slice %arg9[%add3A_37, %dma_wait3A_43] : memref<10240x128xf32, #tpu.memory_space<vmem_shared>> -> memref<64x128xf32, #tpu.memory_space<vmem_shared>>
        tpu.wait_dma2 semaphore(%run_scoped3A : memref<!tpu.dma_semaphore, #tpu.memory_space<semaphore_mem>>) src(%arg7 : memref<64x128xf32, #tpu.memory_space<vmem>>) dst(%dma_wait3A_44 : memref<64x128xf32, #tpu.memory_space<vmem_shared>>)
        tpu.yield
      }) : () -> ()
      %scan3A_38 = arith.constant 0 : i32
      scf.yield %scan3A_38 : i32
    }
    %scan3A_17 = arith.constant 10 : i32
    %barrier3A = arith.constant 0 : index
    tpu.barrier barrier_id(%barrier3A)
    %scan3A_18 = arith.constant 0 : i32
    %scan3A_19 = arith.constant 0 : i32
    %scan3A_20 = arith.constant 20 : i32
    %scan3A_21 = arith.addi %scan3A_19, %scan3A_20 : i32
    %scan3A_22 = arith.constant 1 : i32
    %scan3A_23 = scf.for %scan3A_33 = %scan3A_19 to %scan3A_21 step %scan3A_22 iter_args(%scan3A_34 = %scan3A_18) -> (i32)  : i32 {
      %jit3A = arith.constant 5 : i32
      %eq3A = arith.constant 0 : i32
      %eq3A_35 = arith.cmpi eq, %jit3A, %eq3A : i32
      %jit3A_36 = arith.constant 1 : i32
      %select_n3A = arith.select %eq3A_35, %jit3A_36, %jit3A : i32
      %rem3A = arith.remsi %scan3A_33, %select_n3A : i32
      %ne3A = arith.constant 0 : i32
      %ne3A_37 = arith.cmpi ne, %rem3A, %ne3A : i32
      %lt3A = arith.constant 0 : i32
      %lt3A_38 = arith.cmpi slt, %rem3A, %lt3A : i32
      %lt3A_39 = arith.constant 0 : i32
      %lt3A_40 = arith.cmpi slt, %select_n3A, %lt3A_39 : i32
      %ne3A_41 = arith.xori %lt3A_38, %lt3A_40 : i1
      %and3A = arith.andi %ne3A_41, %ne3A_37 : i1
      %add3A_42 = arith.addi %rem3A, %select_n3A : i32
      %select_n3A_43 = arith.select %and3A, %add3A_42, %rem3A : i32
      %eq3A_44 = arith.constant 0 : i32
      %eq3A_45 = arith.cmpi eq, %select_n3A_43, %eq3A_44 : i32
      %convert_element_type3A = arith.extui %eq3A_45 : i1 to i32
      %cond3A = arith.constant 0 : i32
      %cond3A_46 = arith.cmpi ne, %convert_element_type3A, %cond3A : i32
      scf.if %cond3A_46 {
        %mul3A_330 = arith.constant 8 : i32
        %mul3A_331 = arith.muli %scan3A_33, %mul3A_330 : i32
        %add3A_332 = arith.addi %mul3A_4, %mul3A_331 : i32
        "tpu.region"() ({
          %run_scoped3A = tpu.sem_alloc : memref<!tpu.dma_semaphore, #tpu.memory_space<semaphore_mem>>
          %dma_start3A_333 = arith.constant 0 : i32
          %dma_start3A_334 = arith.constant 0 : i32
          %dma_start3A_335 = tpu.memref_slice %arg3[%add3A_332, %dma_start3A_333, %dma_start3A_334] : memref<5120x2x64xi32, #tpu.memory_space<hbm>> -> memref<40x2x64xi32, #tpu.memory_space<hbm>>
          %dma_start3A_336 = arith.constant 0 : i32
          %dma_start3A_337 = arith.constant 0 : i32
          %dma_start3A_338 = tpu.memref_slice %arg3[%add3A_332, %dma_start3A_336, %dma_start3A_337] : memref<5120x2x64xi32, #tpu.memory_space<hbm>> -> memref<40x2x64xi32, #tpu.memory_space<hbm>>
          tpu.enqueue_dma source(%dma_start3A_338 : memref<40x2x64xi32, #tpu.memory_space<hbm>>) target(%arg5 : memref<40x2x64xi32, #tpu.memory_space<vmem>>) target_semaphore(%run_scoped3A : memref<!tpu.dma_semaphore, #tpu.memory_space<semaphore_mem>>)
          %dma_wait3A_339 = arith.constant 0 : i32
          %dma_wait3A_340 = arith.constant 0 : i32
          %dma_wait3A_341 = tpu.memref_slice %arg3[%add3A_332, %dma_wait3A_339, %dma_wait3A_340] : memref<5120x2x64xi32, #tpu.memory_space<hbm>> -> memref<40x2x64xi32, #tpu.memory_space<hbm>>
          %dma_wait3A_342 = arith.constant 0 : i32
          %dma_wait3A_343 = arith.constant 0 : i32
          %dma_wait3A_344 = tpu.memref_slice %arg3[%add3A_332, %dma_wait3A_342, %dma_wait3A_343] : memref<5120x2x64xi32, #tpu.memory_space<hbm>> -> memref<40x2x64xi32, #tpu.memory_space<hbm>>
          tpu.wait_dma2 semaphore(%run_scoped3A : memref<!tpu.dma_semaphore, #tpu.memory_space<semaphore_mem>>) src(%dma_wait3A_344 : memref<40x2x64xi32, #tpu.memory_space<hbm>>) dst(%arg5 : memref<40x2x64xi32, #tpu.memory_space<vmem>>)
          tpu.yield
        }) : () -> ()
      } else {
      }
      %jit3A_47 = arith.constant 5 : i32
      %eq3A_48 = arith.constant 0 : i32
      %eq3A_49 = arith.cmpi eq, %jit3A_47, %eq3A_48 : i32
      %jit3A_50 = arith.constant 1 : i32
      %select_n3A_51 = arith.select %eq3A_49, %jit3A_50, %jit3A_47 : i32
      %rem3A_52 = arith.remsi %scan3A_33, %select_n3A_51 : i32
      %ne3A_53 = arith.constant 0 : i32
      %ne3A_54 = arith.cmpi ne, %rem3A_52, %ne3A_53 : i32
      %lt3A_55 = arith.constant 0 : i32
      %lt3A_56 = arith.cmpi slt, %rem3A_52, %lt3A_55 : i32
      %lt3A_57 = arith.constant 0 : i32
      %lt3A_58 = arith.cmpi slt, %select_n3A_51, %lt3A_57 : i32
      %ne3A_59 = arith.xori %lt3A_56, %lt3A_58 : i1
      %and3A_60 = arith.andi %ne3A_59, %ne3A_54 : i1
      %add3A_61 = arith.addi %rem3A_52, %select_n3A_51 : i32
      %select_n3A_62 = arith.select %and3A_60, %add3A_61, %rem3A_52 : i32
      %mul3A_63 = arith.constant 8 : i32
      %mul3A_64 = arith.muli %select_n3A_62, %mul3A_63 : i32
      %dma_start3A = arith.constant 0 : i32
      %dma_start3A_65 = arith.constant 0 : i32
      %dma_start3A_66 = tpu.memref_slice %arg5[%mul3A_64, %dma_start3A, %dma_start3A_65] : memref<40x2x64xi32, #tpu.memory_space<vmem>> -> memref<1x1x64xi32, #tpu.memory_space<vmem>>
      %dma_start3A_67 = tpu.memref_squeeze %dma_start3A_66 : memref<1x1x64xi32, #tpu.memory_space<vmem>> -> memref<64xi32, #tpu.memory_space<vmem>>
      %dma_start3A_68 = arith.constant 0 : i32
      %dma_start3A_69 = arith.constant 0 : i32
      %dma_start3A_70 = tpu.memref_slice %arg2[%dma_start3A_68, %dma_start3A_69] : memref<10240x128xf32, #tpu.memory_space<hbm>> -> memref<10240x128xf32, #tpu.memory_space<hbm>>
      tpu.enqueue_indirect_dma source(%dma_start3A_70 : memref<10240x128xf32, #tpu.memory_space<hbm>>) target(%arg6 : memref<64x128xf32, #tpu.memory_space<vmem>>) offsets(%dma_start3A_67 : memref<64xi32, #tpu.memory_space<vmem>>) semaphore(%arg10 : memref<!tpu.dma_semaphore, #tpu.memory_space<semaphore_mem>>)
      %add3A_71 = arith.constant 1 : i32
      %add3A_72 = arith.addi %mul3A_64, %add3A_71 : i32
      %dma_start3A_73 = arith.constant 0 : i32
      %dma_start3A_74 = arith.constant 0 : i32
      %dma_start3A_75 = tpu.memref_slice %arg5[%add3A_72, %dma_start3A_73, %dma_start3A_74] : memref<40x2x64xi32, #tpu.memory_space<vmem>> -> memref<1x1x64xi32, #tpu.memory_space<vmem>>
      %dma_start3A_76 = tpu.memref_squeeze %dma_start3A_75 : memref<1x1x64xi32, #tpu.memory_space<vmem>> -> memref<64xi32, #tpu.memory_space<vmem>>
      %dma_start3A_77 = arith.constant 0 : i32
      %dma_start3A_78 = arith.constant 0 : i32
      %dma_start3A_79 = tpu.memref_slice %arg2[%dma_start3A_77, %dma_start3A_78] : memref<10240x128xf32, #tpu.memory_space<hbm>> -> memref<10240x128xf32, #tpu.memory_space<hbm>>
      tpu.enqueue_indirect_dma source(%dma_start3A_79 : memref<10240x128xf32, #tpu.memory_space<hbm>>) target(%arg7 : memref<64x128xf32, #tpu.memory_space<vmem>>) offsets(%dma_start3A_76 : memref<64xi32, #tpu.memory_space<vmem>>) semaphore(%arg11 : memref<!tpu.dma_semaphore, #tpu.memory_space<semaphore_mem>>)
      %add3A_80 = arith.constant 0 : i32
      %add3A_81 = arith.addi %mul3A_64, %add3A_80 : i32
      %add3A_82 = arith.constant 2 : i32
      %add3A_83 = arith.addi %add3A_81, %add3A_82 : i32
      %dma_start3A_84 = arith.constant 0 : i32
      %dma_start3A_85 = arith.constant 0 : i32
      %dma_start3A_86 = tpu.memref_slice %arg5[%add3A_83, %dma_start3A_84, %dma_start3A_85] : memref<40x2x64xi32, #tpu.memory_space<vmem>> -> memref<1x1x64xi32, #tpu.memory_space<vmem>>
      %dma_start3A_87 = tpu.memref_squeeze %dma_start3A_86 : memref<1x1x64xi32, #tpu.memory_space<vmem>> -> memref<64xi32, #tpu.memory_space<vmem>>
      %dma_start3A_88 = arith.constant 0 : i32
      %dma_start3A_89 = arith.constant 0 : i32
      %dma_start3A_90 = tpu.memref_slice %arg2[%dma_start3A_88, %dma_start3A_89] : memref<10240x128xf32, #tpu.memory_space<hbm>> -> memref<10240x128xf32, #tpu.memory_space<hbm>>
      tpu.enqueue_indirect_dma source(%dma_start3A_90 : memref<10240x128xf32, #tpu.memory_space<hbm>>) target(%arg8 : memref<64x128xf32, #tpu.memory_space<vmem>>) offsets(%dma_start3A_87 : memref<64xi32, #tpu.memory_space<vmem>>) semaphore(%arg12 : memref<!tpu.dma_semaphore, #tpu.memory_space<semaphore_mem>>)
      %dma_wait3A = arith.constant 0 : i32
      %dma_wait3A_91 = arith.constant 0 : i32
      %dma_wait3A_92 = tpu.memref_slice %arg5[%mul3A_64, %dma_wait3A, %dma_wait3A_91] : memref<40x2x64xi32, #tpu.memory_space<vmem>> -> memref<1x1x64xi32, #tpu.memory_space<vmem>>
      %dma_wait3A_93 = tpu.memref_squeeze %dma_wait3A_92 : memref<1x1x64xi32, #tpu.memory_space<vmem>> -> memref<64xi32, #tpu.memory_space<vmem>>
      %dma_wait3A_94 = arith.constant 0 : i32
      %dma_wait3A_95 = arith.constant 0 : i32
      %dma_wait3A_96 = tpu.memref_slice %arg2[%dma_wait3A_94, %dma_wait3A_95] : memref<10240x128xf32, #tpu.memory_space<hbm>> -> memref<10240x128xf32, #tpu.memory_space<hbm>>
      tpu.wait_indirect_dma semaphore(%arg10 : memref<!tpu.dma_semaphore, #tpu.memory_space<semaphore_mem>>) src(%dma_wait3A_96 : memref<10240x128xf32, #tpu.memory_space<hbm>>) dst(%arg6 : memref<64x128xf32, #tpu.memory_space<vmem>>)
      %add3A_97 = arith.constant 0 : i32
      %add3A_98 = arith.addi %mul3A_64, %add3A_97 : i32
      %dma_start3A_99 = arith.constant 1 : i32
      %dma_start3A_100 = arith.constant 0 : i32
      %dma_start3A_101 = tpu.memref_slice %arg5[%add3A_98, %dma_start3A_99, %dma_start3A_100] : memref<40x2x64xi32, #tpu.memory_space<vmem>> -> memref<1x1x64xi32, #tpu.memory_space<vmem>>
      %dma_start3A_102 = tpu.memref_squeeze %dma_start3A_101 : memref<1x1x64xi32, #tpu.memory_space<vmem>> -> memref<64xi32, #tpu.memory_space<vmem>>
      %dma_start3A_103 = arith.constant 0 : i32
      %dma_start3A_104 = arith.constant 0 : i32
      %dma_start3A_105 = tpu.memref_slice %arg9[%dma_start3A_103, %dma_start3A_104] : memref<10240x128xf32, #tpu.memory_space<vmem_shared>> -> memref<10240x128xf32, #tpu.memory_space<vmem_shared>>
      tpu.enqueue_indirect_dma source(%arg6 : memref<64x128xf32, #tpu.memory_space<vmem>>) target(%dma_start3A_105 : memref<10240x128xf32, #tpu.memory_space<vmem_shared>>) offsets(%dma_start3A_102 : memref<64xi32, #tpu.memory_space<vmem>>) semaphore(%arg13 : memref<!tpu.dma_semaphore, #tpu.memory_space<semaphore_mem>>) {add = true}
      %dma_wait3A_106 = arith.constant 1 : i32
      %dma_wait3A_107 = arith.constant 0 : i32
      %dma_wait3A_108 = tpu.memref_slice %arg5[%add3A_98, %dma_wait3A_106, %dma_wait3A_107] : memref<40x2x64xi32, #tpu.memory_space<vmem>> -> memref<1x1x64xi32, #tpu.memory_space<vmem>>
      %dma_wait3A_109 = tpu.memref_squeeze %dma_wait3A_108 : memref<1x1x64xi32, #tpu.memory_space<vmem>> -> memref<64xi32, #tpu.memory_space<vmem>>
      %dma_wait3A_110 = arith.constant 0 : i32
      %dma_wait3A_111 = arith.constant 0 : i32
      %dma_wait3A_112 = tpu.memref_slice %arg9[%dma_wait3A_110, %dma_wait3A_111] : memref<10240x128xf32, #tpu.memory_space<vmem_shared>> -> memref<10240x128xf32, #tpu.memory_space<vmem_shared>>
      tpu.wait_indirect_dma semaphore(%arg13 : memref<!tpu.dma_semaphore, #tpu.memory_space<semaphore_mem>>) src(%arg6 : memref<64x128xf32, #tpu.memory_space<vmem>>) dst(%dma_wait3A_112 : memref<10240x128xf32, #tpu.memory_space<vmem_shared>>)
      %add3A_113 = arith.constant 1 : i32
      %add3A_114 = arith.addi %mul3A_64, %add3A_113 : i32
      %add3A_115 = arith.constant 2 : i32
      %add3A_116 = arith.addi %add3A_114, %add3A_115 : i32
      %dma_start3A_117 = arith.constant 0 : i32
      %dma_start3A_118 = arith.constant 0 : i32
      %dma_start3A_119 = tpu.memref_slice %arg5[%add3A_116, %dma_start3A_117, %dma_start3A_118] : memref<40x2x64xi32, #tpu.memory_space<vmem>> -> memref<1x1x64xi32, #tpu.memory_space<vmem>>
      %dma_start3A_120 = tpu.memref_squeeze %dma_start3A_119 : memref<1x1x64xi32, #tpu.memory_space<vmem>> -> memref<64xi32, #tpu.memory_space<vmem>>
      %dma_start3A_121 = arith.constant 0 : i32
      %dma_start3A_122 = arith.constant 0 : i32
      %dma_start3A_123 = tpu.memref_slice %arg2[%dma_start3A_121, %dma_start3A_122] : memref<10240x128xf32, #tpu.memory_space<hbm>> -> memref<10240x128xf32, #tpu.memory_space<hbm>>
      tpu.enqueue_indirect_dma source(%dma_start3A_123 : memref<10240x128xf32, #tpu.memory_space<hbm>>) target(%arg6 : memref<64x128xf32, #tpu.memory_space<vmem>>) offsets(%dma_start3A_120 : memref<64xi32, #tpu.memory_space<vmem>>) semaphore(%arg10 : memref<!tpu.dma_semaphore, #tpu.memory_space<semaphore_mem>>)
      %dma_wait3A_124 = arith.constant 0 : i32
      %dma_wait3A_125 = arith.constant 0 : i32
      %dma_wait3A_126 = tpu.memref_slice %arg5[%add3A_72, %dma_wait3A_124, %dma_wait3A_125] : memref<40x2x64xi32, #tpu.memory_space<vmem>> -> memref<1x1x64xi32, #tpu.memory_space<vmem>>
      %dma_wait3A_127 = tpu.memref_squeeze %dma_wait3A_126 : memref<1x1x64xi32, #tpu.memory_space<vmem>> -> memref<64xi32, #tpu.memory_space<vmem>>
      %dma_wait3A_128 = arith.constant 0 : i32
      %dma_wait3A_129 = arith.constant 0 : i32
      %dma_wait3A_130 = tpu.memref_slice %arg2[%dma_wait3A_128, %dma_wait3A_129] : memref<10240x128xf32, #tpu.memory_space<hbm>> -> memref<10240x128xf32, #tpu.memory_space<hbm>>
      tpu.wait_indirect_dma semaphore(%arg11 : memref<!tpu.dma_semaphore, #tpu.memory_space<semaphore_mem>>) src(%dma_wait3A_130 : memref<10240x128xf32, #tpu.memory_space<hbm>>) dst(%arg7 : memref<64x128xf32, #tpu.memory_space<vmem>>)
      %add3A_131 = arith.constant 1 : i32
      %add3A_132 = arith.addi %mul3A_64, %add3A_131 : i32
      %dma_start3A_133 = arith.constant 1 : i32
      %dma_start3A_134 = arith.constant 0 : i32
      %dma_start3A_135 = tpu.memref_slice %arg5[%add3A_132, %dma_start3A_133, %dma_start3A_134] : memref<40x2x64xi32, #tpu.memory_space<vmem>> -> memref<1x1x64xi32, #tpu.memory_space<vmem>>
      %dma_start3A_136 = tpu.memref_squeeze %dma_start3A_135 : memref<1x1x64xi32, #tpu.memory_space<vmem>> -> memref<64xi32, #tpu.memory_space<vmem>>
      %dma_start3A_137 = arith.constant 0 : i32
      %dma_start3A_138 = arith.constant 0 : i32
      %dma_start3A_139 = tpu.memref_slice %arg9[%dma_start3A_137, %dma_start3A_138] : memref<10240x128xf32, #tpu.memory_space<vmem_shared>> -> memref<10240x128xf32, #tpu.memory_space<vmem_shared>>
      tpu.enqueue_indirect_dma source(%arg7 : memref<64x128xf32, #tpu.memory_space<vmem>>) target(%dma_start3A_139 : memref<10240x128xf32, #tpu.memory_space<vmem_shared>>) offsets(%dma_start3A_136 : memref<64xi32, #tpu.memory_space<vmem>>) semaphore(%arg14 : memref<!tpu.dma_semaphore, #tpu.memory_space<semaphore_mem>>) {add = true}
      %dma_wait3A_140 = arith.constant 1 : i32
      %dma_wait3A_141 = arith.constant 0 : i32
      %dma_wait3A_142 = tpu.memref_slice %arg5[%add3A_132, %dma_wait3A_140, %dma_wait3A_141] : memref<40x2x64xi32, #tpu.memory_space<vmem>> -> memref<1x1x64xi32, #tpu.memory_space<vmem>>
      %dma_wait3A_143 = tpu.memref_squeeze %dma_wait3A_142 : memref<1x1x64xi32, #tpu.memory_space<vmem>> -> memref<64xi32, #tpu.memory_space<vmem>>
      %dma_wait3A_144 = arith.constant 0 : i32
      %dma_wait3A_145 = arith.constant 0 : i32
      %dma_wait3A_146 = tpu.memref_slice %arg9[%dma_wait3A_144, %dma_wait3A_145] : memref<10240x128xf32, #tpu.memory_space<vmem_shared>> -> memref<10240x128xf32, #tpu.memory_space<vmem_shared>>
      tpu.wait_indirect_dma semaphore(%arg14 : memref<!tpu.dma_semaphore, #tpu.memory_space<semaphore_mem>>) src(%arg7 : memref<64x128xf32, #tpu.memory_space<vmem>>) dst(%dma_wait3A_146 : memref<10240x128xf32, #tpu.memory_space<vmem_shared>>)
      %add3A_147 = arith.constant 2 : i32
      %add3A_148 = arith.addi %mul3A_64, %add3A_147 : i32
      %add3A_149 = arith.constant 2 : i32
      %add3A_150 = arith.addi %add3A_148, %add3A_149 : i32
      %dma_start3A_151 = arith.constant 0 : i32
      %dma_start3A_152 = arith.constant 0 : i32
      %dma_start3A_153 = tpu.memref_slice %arg5[%add3A_150, %dma_start3A_151, %dma_start3A_152] : memref<40x2x64xi32, #tpu.memory_space<vmem>> -> memref<1x1x64xi32, #tpu.memory_space<vmem>>
      %dma_start3A_154 = tpu.memref_squeeze %dma_start3A_153 : memref<1x1x64xi32, #tpu.memory_space<vmem>> -> memref<64xi32, #tpu.memory_space<vmem>>
      %dma_start3A_155 = arith.constant 0 : i32
      %dma_start3A_156 = arith.constant 0 : i32
      %dma_start3A_157 = tpu.memref_slice %arg2[%dma_start3A_155, %dma_start3A_156] : memref<10240x128xf32, #tpu.memory_space<hbm>> -> memref<10240x128xf32, #tpu.memory_space<hbm>>
      tpu.enqueue_indirect_dma source(%dma_start3A_157 : memref<10240x128xf32, #tpu.memory_space<hbm>>) target(%arg7 : memref<64x128xf32, #tpu.memory_space<vmem>>) offsets(%dma_start3A_154 : memref<64xi32, #tpu.memory_space<vmem>>) semaphore(%arg11 : memref<!tpu.dma_semaphore, #tpu.memory_space<semaphore_mem>>)
      %dma_wait3A_158 = arith.constant 0 : i32
      %dma_wait3A_159 = arith.constant 0 : i32
      %dma_wait3A_160 = tpu.memref_slice %arg5[%add3A_83, %dma_wait3A_158, %dma_wait3A_159] : memref<40x2x64xi32, #tpu.memory_space<vmem>> -> memref<1x1x64xi32, #tpu.memory_space<vmem>>
      %dma_wait3A_161 = tpu.memref_squeeze %dma_wait3A_160 : memref<1x1x64xi32, #tpu.memory_space<vmem>> -> memref<64xi32, #tpu.memory_space<vmem>>
      %dma_wait3A_162 = arith.constant 0 : i32
      %dma_wait3A_163 = arith.constant 0 : i32
      %dma_wait3A_164 = tpu.memref_slice %arg2[%dma_wait3A_162, %dma_wait3A_163] : memref<10240x128xf32, #tpu.memory_space<hbm>> -> memref<10240x128xf32, #tpu.memory_space<hbm>>
      tpu.wait_indirect_dma semaphore(%arg12 : memref<!tpu.dma_semaphore, #tpu.memory_space<semaphore_mem>>) src(%dma_wait3A_164 : memref<10240x128xf32, #tpu.memory_space<hbm>>) dst(%arg8 : memref<64x128xf32, #tpu.memory_space<vmem>>)
      %add3A_165 = arith.constant 2 : i32
      %add3A_166 = arith.addi %mul3A_64, %add3A_165 : i32
      %dma_start3A_167 = arith.constant 1 : i32
      %dma_start3A_168 = arith.constant 0 : i32
      %dma_start3A_169 = tpu.memref_slice %arg5[%add3A_166, %dma_start3A_167, %dma_start3A_168] : memref<40x2x64xi32, #tpu.memory_space<vmem>> -> memref<1x1x64xi32, #tpu.memory_space<vmem>>
      %dma_start3A_170 = tpu.memref_squeeze %dma_start3A_169 : memref<1x1x64xi32, #tpu.memory_space<vmem>> -> memref<64xi32, #tpu.memory_space<vmem>>
      %dma_start3A_171 = arith.constant 0 : i32
      %dma_start3A_172 = arith.constant 0 : i32
      %dma_start3A_173 = tpu.memref_slice %arg9[%dma_start3A_171, %dma_start3A_172] : memref<10240x128xf32, #tpu.memory_space<vmem_shared>> -> memref<10240x128xf32, #tpu.memory_space<vmem_shared>>
      tpu.enqueue_indirect_dma source(%arg8 : memref<64x128xf32, #tpu.memory_space<vmem>>) target(%dma_start3A_173 : memref<10240x128xf32, #tpu.memory_space<vmem_shared>>) offsets(%dma_start3A_170 : memref<64xi32, #tpu.memory_space<vmem>>) semaphore(%arg15 : memref<!tpu.dma_semaphore, #tpu.memory_space<semaphore_mem>>) {add = true}
      %dma_wait3A_174 = arith.constant 1 : i32
      %dma_wait3A_175 = arith.constant 0 : i32
      %dma_wait3A_176 = tpu.memref_slice %arg5[%add3A_166, %dma_wait3A_174, %dma_wait3A_175] : memref<40x2x64xi32, #tpu.memory_space<vmem>> -> memref<1x1x64xi32, #tpu.memory_space<vmem>>
      %dma_wait3A_177 = tpu.memref_squeeze %dma_wait3A_176 : memref<1x1x64xi32, #tpu.memory_space<vmem>> -> memref<64xi32, #tpu.memory_space<vmem>>
      %dma_wait3A_178 = arith.constant 0 : i32
      %dma_wait3A_179 = arith.constant 0 : i32
      %dma_wait3A_180 = tpu.memref_slice %arg9[%dma_wait3A_178, %dma_wait3A_179] : memref<10240x128xf32, #tpu.memory_space<vmem_shared>> -> memref<10240x128xf32, #tpu.memory_space<vmem_shared>>
      tpu.wait_indirect_dma semaphore(%arg15 : memref<!tpu.dma_semaphore, #tpu.memory_space<semaphore_mem>>) src(%arg8 : memref<64x128xf32, #tpu.memory_space<vmem>>) dst(%dma_wait3A_180 : memref<10240x128xf32, #tpu.memory_space<vmem_shared>>)
      %add3A_181 = arith.constant 3 : i32
      %add3A_182 = arith.addi %mul3A_64, %add3A_181 : i32
      %add3A_183 = arith.constant 2 : i32
      %add3A_184 = arith.addi %add3A_182, %add3A_183 : i32
      %dma_start3A_185 = arith.constant 0 : i32
      %dma_start3A_186 = arith.constant 0 : i32
      %dma_start3A_187 = tpu.memref_slice %arg5[%add3A_184, %dma_start3A_185, %dma_start3A_186] : memref<40x2x64xi32, #tpu.memory_space<vmem>> -> memref<1x1x64xi32, #tpu.memory_space<vmem>>
      %dma_start3A_188 = tpu.memref_squeeze %dma_start3A_187 : memref<1x1x64xi32, #tpu.memory_space<vmem>> -> memref<64xi32, #tpu.memory_space<vmem>>
      %dma_start3A_189 = arith.constant 0 : i32
      %dma_start3A_190 = arith.constant 0 : i32
      %dma_start3A_191 = tpu.memref_slice %arg2[%dma_start3A_189, %dma_start3A_190] : memref<10240x128xf32, #tpu.memory_space<hbm>> -> memref<10240x128xf32, #tpu.memory_space<hbm>>
      tpu.enqueue_indirect_dma source(%dma_start3A_191 : memref<10240x128xf32, #tpu.memory_space<hbm>>) target(%arg8 : memref<64x128xf32, #tpu.memory_space<vmem>>) offsets(%dma_start3A_188 : memref<64xi32, #tpu.memory_space<vmem>>) semaphore(%arg12 : memref<!tpu.dma_semaphore, #tpu.memory_space<semaphore_mem>>)
      %dma_wait3A_192 = arith.constant 0 : i32
      %dma_wait3A_193 = arith.constant 0 : i32
      %dma_wait3A_194 = tpu.memref_slice %arg5[%add3A_116, %dma_wait3A_192, %dma_wait3A_193] : memref<40x2x64xi32, #tpu.memory_space<vmem>> -> memref<1x1x64xi32, #tpu.memory_space<vmem>>
      %dma_wait3A_195 = tpu.memref_squeeze %dma_wait3A_194 : memref<1x1x64xi32, #tpu.memory_space<vmem>> -> memref<64xi32, #tpu.memory_space<vmem>>
      %dma_wait3A_196 = arith.constant 0 : i32
      %dma_wait3A_197 = arith.constant 0 : i32
      %dma_wait3A_198 = tpu.memref_slice %arg2[%dma_wait3A_196, %dma_wait3A_197] : memref<10240x128xf32, #tpu.memory_space<hbm>> -> memref<10240x128xf32, #tpu.memory_space<hbm>>
      tpu.wait_indirect_dma semaphore(%arg10 : memref<!tpu.dma_semaphore, #tpu.memory_space<semaphore_mem>>) src(%dma_wait3A_198 : memref<10240x128xf32, #tpu.memory_space<hbm>>) dst(%arg6 : memref<64x128xf32, #tpu.memory_space<vmem>>)
      %add3A_199 = arith.constant 3 : i32
      %add3A_200 = arith.addi %mul3A_64, %add3A_199 : i32
      %dma_start3A_201 = arith.constant 1 : i32
      %dma_start3A_202 = arith.constant 0 : i32
      %dma_start3A_203 = tpu.memref_slice %arg5[%add3A_200, %dma_start3A_201, %dma_start3A_202] : memref<40x2x64xi32, #tpu.memory_space<vmem>> -> memref<1x1x64xi32, #tpu.memory_space<vmem>>
      %dma_start3A_204 = tpu.memref_squeeze %dma_start3A_203 : memref<1x1x64xi32, #tpu.memory_space<vmem>> -> memref<64xi32, #tpu.memory_space<vmem>>
      %dma_start3A_205 = arith.constant 0 : i32
      %dma_start3A_206 = arith.constant 0 : i32
      %dma_start3A_207 = tpu.memref_slice %arg9[%dma_start3A_205, %dma_start3A_206] : memref<10240x128xf32, #tpu.memory_space<vmem_shared>> -> memref<10240x128xf32, #tpu.memory_space<vmem_shared>>
      tpu.enqueue_indirect_dma source(%arg6 : memref<64x128xf32, #tpu.memory_space<vmem>>) target(%dma_start3A_207 : memref<10240x128xf32, #tpu.memory_space<vmem_shared>>) offsets(%dma_start3A_204 : memref<64xi32, #tpu.memory_space<vmem>>) semaphore(%arg13 : memref<!tpu.dma_semaphore, #tpu.memory_space<semaphore_mem>>) {add = true}
      %dma_wait3A_208 = arith.constant 1 : i32
      %dma_wait3A_209 = arith.constant 0 : i32
      %dma_wait3A_210 = tpu.memref_slice %arg5[%add3A_200, %dma_wait3A_208, %dma_wait3A_209] : memref<40x2x64xi32, #tpu.memory_space<vmem>> -> memref<1x1x64xi32, #tpu.memory_space<vmem>>
      %dma_wait3A_211 = tpu.memref_squeeze %dma_wait3A_210 : memref<1x1x64xi32, #tpu.memory_space<vmem>> -> memref<64xi32, #tpu.memory_space<vmem>>
      %dma_wait3A_212 = arith.constant 0 : i32
      %dma_wait3A_213 = arith.constant 0 : i32
      %dma_wait3A_214 = tpu.memref_slice %arg9[%dma_wait3A_212, %dma_wait3A_213] : memref<10240x128xf32, #tpu.memory_space<vmem_shared>> -> memref<10240x128xf32, #tpu.memory_space<vmem_shared>>
      tpu.wait_indirect_dma semaphore(%arg13 : memref<!tpu.dma_semaphore, #tpu.memory_space<semaphore_mem>>) src(%arg6 : memref<64x128xf32, #tpu.memory_space<vmem>>) dst(%dma_wait3A_214 : memref<10240x128xf32, #tpu.memory_space<vmem_shared>>)
      %add3A_215 = arith.constant 4 : i32
      %add3A_216 = arith.addi %mul3A_64, %add3A_215 : i32
      %add3A_217 = arith.constant 2 : i32
      %add3A_218 = arith.addi %add3A_216, %add3A_217 : i32
      %dma_start3A_219 = arith.constant 0 : i32
      %dma_start3A_220 = arith.constant 0 : i32
      %dma_start3A_221 = tpu.memref_slice %arg5[%add3A_218, %dma_start3A_219, %dma_start3A_220] : memref<40x2x64xi32, #tpu.memory_space<vmem>> -> memref<1x1x64xi32, #tpu.memory_space<vmem>>
      %dma_start3A_222 = tpu.memref_squeeze %dma_start3A_221 : memref<1x1x64xi32, #tpu.memory_space<vmem>> -> memref<64xi32, #tpu.memory_space<vmem>>
      %dma_start3A_223 = arith.constant 0 : i32
      %dma_start3A_224 = arith.constant 0 : i32
      %dma_start3A_225 = tpu.memref_slice %arg2[%dma_start3A_223, %dma_start3A_224] : memref<10240x128xf32, #tpu.memory_space<hbm>> -> memref<10240x128xf32, #tpu.memory_space<hbm>>
      tpu.enqueue_indirect_dma source(%dma_start3A_225 : memref<10240x128xf32, #tpu.memory_space<hbm>>) target(%arg6 : memref<64x128xf32, #tpu.memory_space<vmem>>) offsets(%dma_start3A_222 : memref<64xi32, #tpu.memory_space<vmem>>) semaphore(%arg10 : memref<!tpu.dma_semaphore, #tpu.memory_space<semaphore_mem>>)
      %dma_wait3A_226 = arith.constant 0 : i32
      %dma_wait3A_227 = arith.constant 0 : i32
      %dma_wait3A_228 = tpu.memref_slice %arg5[%add3A_150, %dma_wait3A_226, %dma_wait3A_227] : memref<40x2x64xi32, #tpu.memory_space<vmem>> -> memref<1x1x64xi32, #tpu.memory_space<vmem>>
      %dma_wait3A_229 = tpu.memref_squeeze %dma_wait3A_228 : memref<1x1x64xi32, #tpu.memory_space<vmem>> -> memref<64xi32, #tpu.memory_space<vmem>>
      %dma_wait3A_230 = arith.constant 0 : i32
      %dma_wait3A_231 = arith.constant 0 : i32
      %dma_wait3A_232 = tpu.memref_slice %arg2[%dma_wait3A_230, %dma_wait3A_231] : memref<10240x128xf32, #tpu.memory_space<hbm>> -> memref<10240x128xf32, #tpu.memory_space<hbm>>
      tpu.wait_indirect_dma semaphore(%arg11 : memref<!tpu.dma_semaphore, #tpu.memory_space<semaphore_mem>>) src(%dma_wait3A_232 : memref<10240x128xf32, #tpu.memory_space<hbm>>) dst(%arg7 : memref<64x128xf32, #tpu.memory_space<vmem>>)
      %add3A_233 = arith.constant 4 : i32
      %add3A_234 = arith.addi %mul3A_64, %add3A_233 : i32
      %dma_start3A_235 = arith.constant 1 : i32
      %dma_start3A_236 = arith.constant 0 : i32
      %dma_start3A_237 = tpu.memref_slice %arg5[%add3A_234, %dma_start3A_235, %dma_start3A_236] : memref<40x2x64xi32, #tpu.memory_space<vmem>> -> memref<1x1x64xi32, #tpu.memory_space<vmem>>
      %dma_start3A_238 = tpu.memref_squeeze %dma_start3A_237 : memref<1x1x64xi32, #tpu.memory_space<vmem>> -> memref<64xi32, #tpu.memory_space<vmem>>
      %dma_start3A_239 = arith.constant 0 : i32
      %dma_start3A_240 = arith.constant 0 : i32
      %dma_start3A_241 = tpu.memref_slice %arg9[%dma_start3A_239, %dma_start3A_240] : memref<10240x128xf32, #tpu.memory_space<vmem_shared>> -> memref<10240x128xf32, #tpu.memory_space<vmem_shared>>
      tpu.enqueue_indirect_dma source(%arg7 : memref<64x128xf32, #tpu.memory_space<vmem>>) target(%dma_start3A_241 : memref<10240x128xf32, #tpu.memory_space<vmem_shared>>) offsets(%dma_start3A_238 : memref<64xi32, #tpu.memory_space<vmem>>) semaphore(%arg14 : memref<!tpu.dma_semaphore, #tpu.memory_space<semaphore_mem>>) {add = true}
      %dma_wait3A_242 = arith.constant 1 : i32
      %dma_wait3A_243 = arith.constant 0 : i32
      %dma_wait3A_244 = tpu.memref_slice %arg5[%add3A_234, %dma_wait3A_242, %dma_wait3A_243] : memref<40x2x64xi32, #tpu.memory_space<vmem>> -> memref<1x1x64xi32, #tpu.memory_space<vmem>>
      %dma_wait3A_245 = tpu.memref_squeeze %dma_wait3A_244 : memref<1x1x64xi32, #tpu.memory_space<vmem>> -> memref<64xi32, #tpu.memory_space<vmem>>
      %dma_wait3A_246 = arith.constant 0 : i32
      %dma_wait3A_247 = arith.constant 0 : i32
      %dma_wait3A_248 = tpu.memref_slice %arg9[%dma_wait3A_246, %dma_wait3A_247] : memref<10240x128xf32, #tpu.memory_space<vmem_shared>> -> memref<10240x128xf32, #tpu.memory_space<vmem_shared>>
      tpu.wait_indirect_dma semaphore(%arg14 : memref<!tpu.dma_semaphore, #tpu.memory_space<semaphore_mem>>) src(%arg7 : memref<64x128xf32, #tpu.memory_space<vmem>>) dst(%dma_wait3A_248 : memref<10240x128xf32, #tpu.memory_space<vmem_shared>>)
      %add3A_249 = arith.constant 5 : i32
      %add3A_250 = arith.addi %mul3A_64, %add3A_249 : i32
      %add3A_251 = arith.constant 2 : i32
      %add3A_252 = arith.addi %add3A_250, %add3A_251 : i32
      %dma_start3A_253 = arith.constant 0 : i32
      %dma_start3A_254 = arith.constant 0 : i32
      %dma_start3A_255 = tpu.memref_slice %arg5[%add3A_252, %dma_start3A_253, %dma_start3A_254] : memref<40x2x64xi32, #tpu.memory_space<vmem>> -> memref<1x1x64xi32, #tpu.memory_space<vmem>>
      %dma_start3A_256 = tpu.memref_squeeze %dma_start3A_255 : memref<1x1x64xi32, #tpu.memory_space<vmem>> -> memref<64xi32, #tpu.memory_space<vmem>>
      %dma_start3A_257 = arith.constant 0 : i32
      %dma_start3A_258 = arith.constant 0 : i32
      %dma_start3A_259 = tpu.memref_slice %arg2[%dma_start3A_257, %dma_start3A_258] : memref<10240x128xf32, #tpu.memory_space<hbm>> -> memref<10240x128xf32, #tpu.memory_space<hbm>>
      tpu.enqueue_indirect_dma source(%dma_start3A_259 : memref<10240x128xf32, #tpu.memory_space<hbm>>) target(%arg7 : memref<64x128xf32, #tpu.memory_space<vmem>>) offsets(%dma_start3A_256 : memref<64xi32, #tpu.memory_space<vmem>>) semaphore(%arg11 : memref<!tpu.dma_semaphore, #tpu.memory_space<semaphore_mem>>)
      %dma_wait3A_260 = arith.constant 0 : i32
      %dma_wait3A_261 = arith.constant 0 : i32
      %dma_wait3A_262 = tpu.memref_slice %arg5[%add3A_184, %dma_wait3A_260, %dma_wait3A_261] : memref<40x2x64xi32, #tpu.memory_space<vmem>> -> memref<1x1x64xi32, #tpu.memory_space<vmem>>
      %dma_wait3A_263 = tpu.memref_squeeze %dma_wait3A_262 : memref<1x1x64xi32, #tpu.memory_space<vmem>> -> memref<64xi32, #tpu.memory_space<vmem>>
      %dma_wait3A_264 = arith.constant 0 : i32
      %dma_wait3A_265 = arith.constant 0 : i32
      %dma_wait3A_266 = tpu.memref_slice %arg2[%dma_wait3A_264, %dma_wait3A_265] : memref<10240x128xf32, #tpu.memory_space<hbm>> -> memref<10240x128xf32, #tpu.memory_space<hbm>>
      tpu.wait_indirect_dma semaphore(%arg12 : memref<!tpu.dma_semaphore, #tpu.memory_space<semaphore_mem>>) src(%dma_wait3A_266 : memref<10240x128xf32, #tpu.memory_space<hbm>>) dst(%arg8 : memref<64x128xf32, #tpu.memory_space<vmem>>)
      %add3A_267 = arith.constant 5 : i32
      %add3A_268 = arith.addi %mul3A_64, %add3A_267 : i32
      %dma_start3A_269 = arith.constant 1 : i32
      %dma_start3A_270 = arith.constant 0 : i32
      %dma_start3A_271 = tpu.memref_slice %arg5[%add3A_268, %dma_start3A_269, %dma_start3A_270] : memref<40x2x64xi32, #tpu.memory_space<vmem>> -> memref<1x1x64xi32, #tpu.memory_space<vmem>>
      %dma_start3A_272 = tpu.memref_squeeze %dma_start3A_271 : memref<1x1x64xi32, #tpu.memory_space<vmem>> -> memref<64xi32, #tpu.memory_space<vmem>>
      %dma_start3A_273 = arith.constant 0 : i32
      %dma_start3A_274 = arith.constant 0 : i32
      %dma_start3A_275 = tpu.memref_slice %arg9[%dma_start3A_273, %dma_start3A_274] : memref<10240x128xf32, #tpu.memory_space<vmem_shared>> -> memref<10240x128xf32, #tpu.memory_space<vmem_shared>>
      tpu.enqueue_indirect_dma source(%arg8 : memref<64x128xf32, #tpu.memory_space<vmem>>) target(%dma_start3A_275 : memref<10240x128xf32, #tpu.memory_space<vmem_shared>>) offsets(%dma_start3A_272 : memref<64xi32, #tpu.memory_space<vmem>>) semaphore(%arg15 : memref<!tpu.dma_semaphore, #tpu.memory_space<semaphore_mem>>) {add = true}
      %dma_wait3A_276 = arith.constant 0 : i32
      %dma_wait3A_277 = arith.constant 0 : i32
      %dma_wait3A_278 = tpu.memref_slice %arg5[%add3A_218, %dma_wait3A_276, %dma_wait3A_277] : memref<40x2x64xi32, #tpu.memory_space<vmem>> -> memref<1x1x64xi32, #tpu.memory_space<vmem>>
      %dma_wait3A_279 = tpu.memref_squeeze %dma_wait3A_278 : memref<1x1x64xi32, #tpu.memory_space<vmem>> -> memref<64xi32, #tpu.memory_space<vmem>>
      %dma_wait3A_280 = arith.constant 0 : i32
      %dma_wait3A_281 = arith.constant 0 : i32
      %dma_wait3A_282 = tpu.memref_slice %arg2[%dma_wait3A_280, %dma_wait3A_281] : memref<10240x128xf32, #tpu.memory_space<hbm>> -> memref<10240x128xf32, #tpu.memory_space<hbm>>
      tpu.wait_indirect_dma semaphore(%arg10 : memref<!tpu.dma_semaphore, #tpu.memory_space<semaphore_mem>>) src(%dma_wait3A_282 : memref<10240x128xf32, #tpu.memory_space<hbm>>) dst(%arg6 : memref<64x128xf32, #tpu.memory_space<vmem>>)
      %add3A_283 = arith.constant 6 : i32
      %add3A_284 = arith.addi %mul3A_64, %add3A_283 : i32
      %dma_start3A_285 = arith.constant 1 : i32
      %dma_start3A_286 = arith.constant 0 : i32
      %dma_start3A_287 = tpu.memref_slice %arg5[%add3A_284, %dma_start3A_285, %dma_start3A_286] : memref<40x2x64xi32, #tpu.memory_space<vmem>> -> memref<1x1x64xi32, #tpu.memory_space<vmem>>
      %dma_start3A_288 = tpu.memref_squeeze %dma_start3A_287 : memref<1x1x64xi32, #tpu.memory_space<vmem>> -> memref<64xi32, #tpu.memory_space<vmem>>
      %dma_start3A_289 = arith.constant 0 : i32
      %dma_start3A_290 = arith.constant 0 : i32
      %dma_start3A_291 = tpu.memref_slice %arg9[%dma_start3A_289, %dma_start3A_290] : memref<10240x128xf32, #tpu.memory_space<vmem_shared>> -> memref<10240x128xf32, #tpu.memory_space<vmem_shared>>
      tpu.enqueue_indirect_dma source(%arg6 : memref<64x128xf32, #tpu.memory_space<vmem>>) target(%dma_start3A_291 : memref<10240x128xf32, #tpu.memory_space<vmem_shared>>) offsets(%dma_start3A_288 : memref<64xi32, #tpu.memory_space<vmem>>) semaphore(%arg13 : memref<!tpu.dma_semaphore, #tpu.memory_space<semaphore_mem>>) {add = true}
      %dma_wait3A_292 = arith.constant 0 : i32
      %dma_wait3A_293 = arith.constant 0 : i32
      %dma_wait3A_294 = tpu.memref_slice %arg5[%add3A_252, %dma_wait3A_292, %dma_wait3A_293] : memref<40x2x64xi32, #tpu.memory_space<vmem>> -> memref<1x1x64xi32, #tpu.memory_space<vmem>>
      %dma_wait3A_295 = tpu.memref_squeeze %dma_wait3A_294 : memref<1x1x64xi32, #tpu.memory_space<vmem>> -> memref<64xi32, #tpu.memory_space<vmem>>
      %dma_wait3A_296 = arith.constant 0 : i32
      %dma_wait3A_297 = arith.constant 0 : i32
      %dma_wait3A_298 = tpu.memref_slice %arg2[%dma_wait3A_296, %dma_wait3A_297] : memref<10240x128xf32, #tpu.memory_space<hbm>> -> memref<10240x128xf32, #tpu.memory_space<hbm>>
      tpu.wait_indirect_dma semaphore(%arg11 : memref<!tpu.dma_semaphore, #tpu.memory_space<semaphore_mem>>) src(%dma_wait3A_298 : memref<10240x128xf32, #tpu.memory_space<hbm>>) dst(%arg7 : memref<64x128xf32, #tpu.memory_space<vmem>>)
      %add3A_299 = arith.constant 7 : i32
      %add3A_300 = arith.addi %mul3A_64, %add3A_299 : i32
      %dma_start3A_301 = arith.constant 1 : i32
      %dma_start3A_302 = arith.constant 0 : i32
      %dma_start3A_303 = tpu.memref_slice %arg5[%add3A_300, %dma_start3A_301, %dma_start3A_302] : memref<40x2x64xi32, #tpu.memory_space<vmem>> -> memref<1x1x64xi32, #tpu.memory_space<vmem>>
      %dma_start3A_304 = tpu.memref_squeeze %dma_start3A_303 : memref<1x1x64xi32, #tpu.memory_space<vmem>> -> memref<64xi32, #tpu.memory_space<vmem>>
      %dma_start3A_305 = arith.constant 0 : i32
      %dma_start3A_306 = arith.constant 0 : i32
      %dma_start3A_307 = tpu.memref_slice %arg9[%dma_start3A_305, %dma_start3A_306] : memref<10240x128xf32, #tpu.memory_space<vmem_shared>> -> memref<10240x128xf32, #tpu.memory_space<vmem_shared>>
      tpu.enqueue_indirect_dma source(%arg7 : memref<64x128xf32, #tpu.memory_space<vmem>>) target(%dma_start3A_307 : memref<10240x128xf32, #tpu.memory_space<vmem_shared>>) offsets(%dma_start3A_304 : memref<64xi32, #tpu.memory_space<vmem>>) semaphore(%arg14 : memref<!tpu.dma_semaphore, #tpu.memory_space<semaphore_mem>>) {add = true}
      %dma_wait3A_308 = arith.constant 1 : i32
      %dma_wait3A_309 = arith.constant 0 : i32
      %dma_wait3A_310 = tpu.memref_slice %arg5[%add3A_268, %dma_wait3A_308, %dma_wait3A_309] : memref<40x2x64xi32, #tpu.memory_space<vmem>> -> memref<1x1x64xi32, #tpu.memory_space<vmem>>
      %dma_wait3A_311 = tpu.memref_squeeze %dma_wait3A_310 : memref<1x1x64xi32, #tpu.memory_space<vmem>> -> memref<64xi32, #tpu.memory_space<vmem>>
      %dma_wait3A_312 = arith.constant 0 : i32
      %dma_wait3A_313 = arith.constant 0 : i32
      %dma_wait3A_314 = tpu.memref_slice %arg9[%dma_wait3A_312, %dma_wait3A_313] : memref<10240x128xf32, #tpu.memory_space<vmem_shared>> -> memref<10240x128xf32, #tpu.memory_space<vmem_shared>>
      tpu.wait_indirect_dma semaphore(%arg15 : memref<!tpu.dma_semaphore, #tpu.memory_space<semaphore_mem>>) src(%arg8 : memref<64x128xf32, #tpu.memory_space<vmem>>) dst(%dma_wait3A_314 : memref<10240x128xf32, #tpu.memory_space<vmem_shared>>)
      %dma_wait3A_315 = arith.constant 1 : i32
      %dma_wait3A_316 = arith.constant 0 : i32
      %dma_wait3A_317 = tpu.memref_slice %arg5[%add3A_284, %dma_wait3A_315, %dma_wait3A_316] : memref<40x2x64xi32, #tpu.memory_space<vmem>> -> memref<1x1x64xi32, #tpu.memory_space<vmem>>
      %dma_wait3A_318 = tpu.memref_squeeze %dma_wait3A_317 : memref<1x1x64xi32, #tpu.memory_space<vmem>> -> memref<64xi32, #tpu.memory_space<vmem>>
      %dma_wait3A_319 = arith.constant 0 : i32
      %dma_wait3A_320 = arith.constant 0 : i32
      %dma_wait3A_321 = tpu.memref_slice %arg9[%dma_wait3A_319, %dma_wait3A_320] : memref<10240x128xf32, #tpu.memory_space<vmem_shared>> -> memref<10240x128xf32, #tpu.memory_space<vmem_shared>>
      tpu.wait_indirect_dma semaphore(%arg13 : memref<!tpu.dma_semaphore, #tpu.memory_space<semaphore_mem>>) src(%arg6 : memref<64x128xf32, #tpu.memory_space<vmem>>) dst(%dma_wait3A_321 : memref<10240x128xf32, #tpu.memory_space<vmem_shared>>)
      %dma_wait3A_322 = arith.constant 1 : i32
      %dma_wait3A_323 = arith.constant 0 : i32
      %dma_wait3A_324 = tpu.memref_slice %arg5[%add3A_300, %dma_wait3A_322, %dma_wait3A_323] : memref<40x2x64xi32, #tpu.memory_space<vmem>> -> memref<1x1x64xi32, #tpu.memory_space<vmem>>
      %dma_wait3A_325 = tpu.memref_squeeze %dma_wait3A_324 : memref<1x1x64xi32, #tpu.memory_space<vmem>> -> memref<64xi32, #tpu.memory_space<vmem>>
      %dma_wait3A_326 = arith.constant 0 : i32
      %dma_wait3A_327 = arith.constant 0 : i32
      %dma_wait3A_328 = tpu.memref_slice %arg9[%dma_wait3A_326, %dma_wait3A_327] : memref<10240x128xf32, #tpu.memory_space<vmem_shared>> -> memref<10240x128xf32, #tpu.memory_space<vmem_shared>>
      tpu.wait_indirect_dma semaphore(%arg14 : memref<!tpu.dma_semaphore, #tpu.memory_space<semaphore_mem>>) src(%arg7 : memref<64x128xf32, #tpu.memory_space<vmem>>) dst(%dma_wait3A_328 : memref<10240x128xf32, #tpu.memory_space<vmem_shared>>)
      %scan3A_329 = arith.constant 0 : i32
      scf.yield %scan3A_329 : i32
    }
    %scan3A_24 = arith.constant 20 : i32
    %barrier3A_25 = arith.constant 0 : index
    tpu.barrier barrier_id(%barrier3A_25)
    %scan3A_26 = arith.constant 0 : i32
    %scan3A_27 = arith.constant 0 : i32
    %scan3A_28 = arith.constant 5 : i32
    %scan3A_29 = arith.addi %scan3A_27, %scan3A_28 : i32
    %scan3A_30 = arith.constant 1 : i32
    %scan3A_31 = scf.for %scan3A_33 = %scan3A_27 to %scan3A_29 step %scan3A_30 iter_args(%scan3A_34 = %scan3A_26) -> (i32)  : i32 {
      %mul3A_35 = arith.constant 2 : i32
      %mul3A_36 = arith.muli %mul3A_35, %scan3A_33 : i32
      %mul3A_37 = arith.constant 64 : i32
      %mul3A_38 = arith.muli %mul3A_36, %mul3A_37 : i32
      %add3A_39 = arith.addi %mul3A_2, %mul3A_38 : i32
      "tpu.region"() ({
        %run_scoped3A = tpu.sem_alloc : memref<!tpu.dma_semaphore, #tpu.memory_space<semaphore_mem>>
        %dma_start3A_67 = arith.constant 0 : i32
        %dma_start3A_68 = tpu.memref_slice %arg9[%add3A_39, %dma_start3A_67] : memref<10240x128xf32, #tpu.memory_space<vmem_shared>> -> memref<64x128xf32, #tpu.memory_space<vmem_shared>>
        %dma_start3A_69 = arith.constant 0 : i32
        %dma_start3A_70 = tpu.memref_slice %arg9[%add3A_39, %dma_start3A_69] : memref<10240x128xf32, #tpu.memory_space<vmem_shared>> -> memref<64x128xf32, #tpu.memory_space<vmem_shared>>
        tpu.enqueue_dma source(%dma_start3A_70 : memref<64x128xf32, #tpu.memory_space<vmem_shared>>) target(%arg6 : memref<64x128xf32, #tpu.memory_space<vmem>>) target_semaphore(%run_scoped3A : memref<!tpu.dma_semaphore, #tpu.memory_space<semaphore_mem>>)
        %dma_wait3A_71 = arith.constant 0 : i32
        %dma_wait3A_72 = tpu.memref_slice %arg9[%add3A_39, %dma_wait3A_71] : memref<10240x128xf32, #tpu.memory_space<vmem_shared>> -> memref<64x128xf32, #tpu.memory_space<vmem_shared>>
        %dma_wait3A_73 = arith.constant 0 : i32
        %dma_wait3A_74 = tpu.memref_slice %arg9[%add3A_39, %dma_wait3A_73] : memref<10240x128xf32, #tpu.memory_space<vmem_shared>> -> memref<64x128xf32, #tpu.memory_space<vmem_shared>>
        tpu.wait_dma2 semaphore(%run_scoped3A : memref<!tpu.dma_semaphore, #tpu.memory_space<semaphore_mem>>) src(%dma_wait3A_74 : memref<64x128xf32, #tpu.memory_space<vmem_shared>>) dst(%arg6 : memref<64x128xf32, #tpu.memory_space<vmem>>)
        tpu.yield
      }) : () -> ()
      %dma_start3A = arith.constant 0 : i32
      %dma_start3A_40 = tpu.memref_slice %arg4[%arg0, %add3A_39, %dma_start3A] : memref<2x10240x128xf32, #tpu.memory_space<hbm>> -> memref<1x64x128xf32, #tpu.memory_space<hbm>>
      %dma_start3A_41 = tpu.memref_squeeze %dma_start3A_40 : memref<1x64x128xf32, #tpu.memory_space<hbm>> -> memref<64x128xf32, #tpu.memory_space<hbm>>
      %dma_start3A_42 = arith.constant 0 : i32
      %dma_start3A_43 = tpu.memref_slice %arg4[%arg0, %add3A_39, %dma_start3A_42] : memref<2x10240x128xf32, #tpu.memory_space<hbm>> -> memref<1x64x128xf32, #tpu.memory_space<hbm>>
      %dma_start3A_44 = tpu.memref_squeeze %dma_start3A_43 : memref<1x64x128xf32, #tpu.memory_space<hbm>> -> memref<64x128xf32, #tpu.memory_space<hbm>>
      tpu.enqueue_dma source(%arg6 : memref<64x128xf32, #tpu.memory_space<vmem>>) target(%dma_start3A_44 : memref<64x128xf32, #tpu.memory_space<hbm>>) target_semaphore(%arg10 : memref<!tpu.dma_semaphore, #tpu.memory_space<semaphore_mem>>)
      %add3A_45 = arith.constant 64 : i32
      %add3A_46 = arith.addi %add3A_39, %add3A_45 : i32
      "tpu.region"() ({
        %run_scoped3A = tpu.sem_alloc : memref<!tpu.dma_semaphore, #tpu.memory_space<semaphore_mem>>
        %dma_start3A_67 = arith.constant 0 : i32
        %dma_start3A_68 = tpu.memref_slice %arg9[%add3A_46, %dma_start3A_67] : memref<10240x128xf32, #tpu.memory_space<vmem_shared>> -> memref<64x128xf32, #tpu.memory_space<vmem_shared>>
        %dma_start3A_69 = arith.constant 0 : i32
        %dma_start3A_70 = tpu.memref_slice %arg9[%add3A_46, %dma_start3A_69] : memref<10240x128xf32, #tpu.memory_space<vmem_shared>> -> memref<64x128xf32, #tpu.memory_space<vmem_shared>>
        tpu.enqueue_dma source(%dma_start3A_70 : memref<64x128xf32, #tpu.memory_space<vmem_shared>>) target(%arg7 : memref<64x128xf32, #tpu.memory_space<vmem>>) target_semaphore(%run_scoped3A : memref<!tpu.dma_semaphore, #tpu.memory_space<semaphore_mem>>)
        %dma_wait3A_71 = arith.constant 0 : i32
        %dma_wait3A_72 = tpu.memref_slice %arg9[%add3A_46, %dma_wait3A_71] : memref<10240x128xf32, #tpu.memory_space<vmem_shared>> -> memref<64x128xf32, #tpu.memory_space<vmem_shared>>
        %dma_wait3A_73 = arith.constant 0 : i32
        %dma_wait3A_74 = tpu.memref_slice %arg9[%add3A_46, %dma_wait3A_73] : memref<10240x128xf32, #tpu.memory_space<vmem_shared>> -> memref<64x128xf32, #tpu.memory_space<vmem_shared>>
        tpu.wait_dma2 semaphore(%run_scoped3A : memref<!tpu.dma_semaphore, #tpu.memory_space<semaphore_mem>>) src(%dma_wait3A_74 : memref<64x128xf32, #tpu.memory_space<vmem_shared>>) dst(%arg7 : memref<64x128xf32, #tpu.memory_space<vmem>>)
        tpu.yield
      }) : () -> ()
      %add3A_47 = arith.constant 64 : i32
      %add3A_48 = arith.addi %add3A_39, %add3A_47 : i32
      %dma_start3A_49 = arith.constant 0 : i32
      %dma_start3A_50 = tpu.memref_slice %arg4[%arg0, %add3A_48, %dma_start3A_49] : memref<2x10240x128xf32, #tpu.memory_space<hbm>> -> memref<1x64x128xf32, #tpu.memory_space<hbm>>
      %dma_start3A_51 = tpu.memref_squeeze %dma_start3A_50 : memref<1x64x128xf32, #tpu.memory_space<hbm>> -> memref<64x128xf32, #tpu.memory_space<hbm>>
      %dma_start3A_52 = arith.constant 0 : i32
      %dma_start3A_53 = tpu.memref_slice %arg4[%arg0, %add3A_48, %dma_start3A_52] : memref<2x10240x128xf32, #tpu.memory_space<hbm>> -> memref<1x64x128xf32, #tpu.memory_space<hbm>>
      %dma_start3A_54 = tpu.memref_squeeze %dma_start3A_53 : memref<1x64x128xf32, #tpu.memory_space<hbm>> -> memref<64x128xf32, #tpu.memory_space<hbm>>
      tpu.enqueue_dma source(%arg7 : memref<64x128xf32, #tpu.memory_space<vmem>>) target(%dma_start3A_54 : memref<64x128xf32, #tpu.memory_space<hbm>>) target_semaphore(%arg11 : memref<!tpu.dma_semaphore, #tpu.memory_space<semaphore_mem>>)
      %dma_wait3A = arith.constant 0 : i32
      %dma_wait3A_55 = tpu.memref_slice %arg4[%arg0, %add3A_39, %dma_wait3A] : memref<2x10240x128xf32, #tpu.memory_space<hbm>> -> memref<1x64x128xf32, #tpu.memory_space<hbm>>
      %dma_wait3A_56 = tpu.memref_squeeze %dma_wait3A_55 : memref<1x64x128xf32, #tpu.memory_space<hbm>> -> memref<64x128xf32, #tpu.memory_space<hbm>>
      %dma_wait3A_57 = arith.constant 0 : i32
      %dma_wait3A_58 = tpu.memref_slice %arg4[%arg0, %add3A_39, %dma_wait3A_57] : memref<2x10240x128xf32, #tpu.memory_space<hbm>> -> memref<1x64x128xf32, #tpu.memory_space<hbm>>
      %dma_wait3A_59 = tpu.memref_squeeze %dma_wait3A_58 : memref<1x64x128xf32, #tpu.memory_space<hbm>> -> memref<64x128xf32, #tpu.memory_space<hbm>>
      tpu.wait_dma2 semaphore(%arg10 : memref<!tpu.dma_semaphore, #tpu.memory_space<semaphore_mem>>) src(%arg6 : memref<64x128xf32, #tpu.memory_space<vmem>>) dst(%dma_wait3A_59 : memref<64x128xf32, #tpu.memory_space<hbm>>)
      %dma_wait3A_60 = arith.constant 0 : i32
      %dma_wait3A_61 = tpu.memref_slice %arg4[%arg0, %add3A_48, %dma_wait3A_60] : memref<2x10240x128xf32, #tpu.memory_space<hbm>> -> memref<1x64x128xf32, #tpu.memory_space<hbm>>
      %dma_wait3A_62 = tpu.memref_squeeze %dma_wait3A_61 : memref<1x64x128xf32, #tpu.memory_space<hbm>> -> memref<64x128xf32, #tpu.memory_space<hbm>>
      %dma_wait3A_63 = arith.constant 0 : i32
      %dma_wait3A_64 = tpu.memref_slice %arg4[%arg0, %add3A_48, %dma_wait3A_63] : memref<2x10240x128xf32, #tpu.memory_space<hbm>> -> memref<1x64x128xf32, #tpu.memory_space<hbm>>
      %dma_wait3A_65 = tpu.memref_squeeze %dma_wait3A_64 : memref<1x64x128xf32, #tpu.memory_space<hbm>> -> memref<64x128xf32, #tpu.memory_space<hbm>>
      tpu.wait_dma2 semaphore(%arg11 : memref<!tpu.dma_semaphore, #tpu.memory_space<semaphore_mem>>) src(%arg7 : memref<64x128xf32, #tpu.memory_space<vmem>>) dst(%dma_wait3A_65 : memref<64x128xf32, #tpu.memory_space<hbm>>)
      %scan3A_66 = arith.constant 0 : i32
      scf.yield %scan3A_66 : i32
    }
    %scan3A_32 = arith.constant 5 : i32
    return
  }
}

module attributes {stable_mosaic.version = 14 : i64} {
  func.func @_k1_body(%arg0: i32, %arg1: memref<512x128xf32, #tpu.memory_space<vmem>>, %arg2: memref<128x128xf32, #tpu.memory_space<vmem>>, %arg3: memref<2x512x16xf32, #tpu.memory_space<vmem>>, %arg4: memref<512x128xf32, #tpu.memory_space<vmem>>, %arg5: memref<512x16xf32, #tpu.memory_space<vmem>>) attributes {dimension_semantics = [#tpu.dimension_semantics<arbitrary>], iteration_bounds = array<i64: 20>, scalar_prefetch = 0 : i64, scratch_operands = 0 : i64, tpu.core_type = #tpu.core_type<tc>, window_params = [{transform_indices = @transform_0, window_bounds = array<i64: 512, 128>}, {pipeline_mode = #tpu.pipeline_mode<synchronous>, transform_indices = @transform_1, window_bounds = array<i64: 128, 128>}, {transform_indices = @transform_2, window_bounds = array<i64: 2, 512, 16>}, {transform_indices = @transform_3, window_bounds = array<i64: 512, 128>}, {transform_indices = @transform_4, window_bounds = array<i64: 512, 16>}]} {
    %get3A = arith.constant 0 : index
    %get3A_0 = arith.constant 0 : index
    %get3A_1 = arith.constant 0 : index
    %get3A_2 = vector.load %arg3[%get3A, %get3A_0, %get3A_1] : memref<2x512x16xf32, #tpu.memory_space<vmem>>, vector<2x512x16xf32>
    %slice3A = vector.extract_strided_slice %get3A_2 {offsets = [0, 0, 0], sizes = [1, 512, 16], strides = [1, 1, 1]} : vector<2x512x16xf32> to vector<1x512x16xf32>
    %squeeze3A = vector.shape_cast %slice3A : vector<1x512x16xf32> to vector<512x16xf32>
    %slice3A_3 = vector.extract_strided_slice %get3A_2 {offsets = [1, 0, 0], sizes = [1, 512, 16], strides = [1, 1, 1]} : vector<2x512x16xf32> to vector<1x512x16xf32>
    %squeeze3A_4 = vector.shape_cast %slice3A_3 : vector<1x512x16xf32> to vector<512x16xf32>
    %add3A = arith.addf %squeeze3A, %squeeze3A_4 : vector<512x16xf32>
    %add3A_5 = arith.constant 1.000000e+00 : f32
    %add3A_6 = vector.broadcast %add3A_5 : f32 to vector<512x16xf32>
    %add3A_7 = arith.addf %add3A, %add3A_6 : vector<512x16xf32>
    %rsqrt3A = math.rsqrt %add3A_7 : vector<512x16xf32>
    %swap3A = arith.constant 0 : index
    %swap3A_8 = arith.constant 0 : index
    %swap3A_9 = vector.load %arg5[%swap3A, %swap3A_8] : memref<512x16xf32, #tpu.memory_space<vmem>>, vector<512x16xf32>
    tpu.vector_store %arg5[%swap3A, %swap3A_8], %rsqrt3A {strides = array<i32>} : memref<512x16xf32, #tpu.memory_space<vmem>>, vector<512x16xf32>,
    %slice3A_10 = vector.extract_strided_slice %rsqrt3A {offsets = [0, 0], sizes = [512, 1], strides = [1, 1]} : vector<512x16xf32> to vector<512x1xf32>
    %get3A_11 = arith.constant 0 : index
    %get3A_12 = arith.constant 0 : index
    %get3A_13 = vector.load %arg1[%get3A_11, %get3A_12] : memref<512x128xf32, #tpu.memory_space<vmem>>, vector<512x128xf32>
    %get3A_14 = arith.constant 0 : index
    %get3A_15 = arith.constant 0 : index
    %get3A_16 = vector.load %arg2[%get3A_14, %get3A_15] : memref<128x128xf32, #tpu.memory_space<vmem>>, vector<128x128xf32>
    %dot_general3A = arith.constant dense<0.000000e+00> : vector<512x128xf32>
    %dot_general3A_17 = tpu.matmul %get3A_13, %get3A_16, %dot_general3A {dimension_numbers = #tpu.dot_dimension_numbers<[1], [0], [0], [1], [0, 0, 1, 1], [], []>, transpose_lhs_hint = false} : vector<512x128xf32>, vector<128x128xf32>, vector<512x128xf32> -> vector<512x128xf32>
    %mul3A = vector.broadcast %slice3A_10 : vector<512x1xf32> to vector<512x128xf32>
    %mul3A_18 = arith.mulf %mul3A, %dot_general3A_17 : vector<512x128xf32>
    %mul3A_19 = arith.constant 512 : i32
    %mul3A_20 = arith.muli %arg0, %mul3A_19 : i32
    %iota3A = tpu.iota {dimensions = array<i32: 0>} : vector<512x1xi32>
    %add3A_21 = vector.broadcast %mul3A_20 : i32 to vector<512x1xi32>
    %add3A_22 = arith.addi %add3A_21, %iota3A : vector<512x1xi32>
    %lt3A = arith.constant 10000 : i32
    %lt3A_23 = vector.broadcast %lt3A : i32 to vector<512x1xi32>
    %lt3A_24 = arith.cmpi slt, %add3A_22, %lt3A_23 : vector<512x1xi32>
    %jit3A = arith.constant 0.000000e+00 : f32
    %broadcast_in_dim3A = vector.shape_cast %lt3A_24 : vector<512x1xi1> to vector<512x1xi1>
    %broadcast_in_dim3A_25 = vector.broadcast %broadcast_in_dim3A : vector<512x1xi1> to vector<512x128xi1>
    %broadcast_in_dim3A_26 = vector.broadcast %jit3A : f32 to vector<512x128xf32>
    %select_n3A = arith.select %broadcast_in_dim3A_25, %mul3A_18, %broadcast_in_dim3A_26 : vector<512x128xi1>, vector<512x128xf32>
    %swap3A_27 = arith.constant 0 : index
    %swap3A_28 = arith.constant 0 : index
    %swap3A_29 = vector.load %arg4[%swap3A_27, %swap3A_28] : memref<512x128xf32, #tpu.memory_space<vmem>>, vector<512x128xf32>
    tpu.vector_store %arg4[%swap3A_27, %swap3A_28], %select_n3A {strides = array<i32>} : memref<512x128xf32, #tpu.memory_space<vmem>>, vector<512x128xf32>,
    return
  }
  func.func @transform_0(%arg0: i32) -> (i32, i32) {
    %c0_i32 = arith.constant 0 : i32
    %c0_i32_0 = arith.constant 0 : i32
    return %arg0, %c0_i32 : i32, i32
  }
  func.func @transform_1(%arg0: i32) -> (i32, i32) {
    %c0_i32 = arith.constant 0 : i32
    %c0_i32_0 = arith.constant 0 : i32
    %c0_i32_1 = arith.constant 0 : i32
    return %c0_i32, %c0_i32_0 : i32, i32
  }
  func.func @transform_2(%arg0: i32) -> (i32, i32, i32) {
    %c0_i32 = arith.constant 0 : i32
    %c0_i32_0 = arith.constant 0 : i32
    %c0_i32_1 = arith.constant 0 : i32
    return %c0_i32, %arg0, %c0_i32_0 : i32, i32, i32
  }
  func.func @transform_3(%arg0: i32) -> (i32, i32) {
    %c0_i32 = arith.constant 0 : i32
    %c0_i32_0 = arith.constant 0 : i32
    return %arg0, %c0_i32 : i32, i32
  }
  func.func @transform_4(%arg0: i32) -> (i32, i32) {
    %c0_i32 = arith.constant 0 : i32
    %c0_i32_0 = arith.constant 0 : i32
    return %arg0, %c0_i32 : i32, i32
  }
}

module attributes {stable_mosaic.version = 14 : i64} {
  func.func @_k23_body(%arg0: i32, %arg1: memref<2x512x128xf32, #tpu.memory_space<vmem>>, %arg2: memref<512x128xf32, #tpu.memory_space<vmem>>, %arg3: memref<512x16xf32, #tpu.memory_space<vmem>>, %arg4: memref<1x128xf32, #tpu.memory_space<vmem>>, %arg5: memref<128x128xf32, #tpu.memory_space<vmem>>, %arg6: memref<512x128xf32, #tpu.memory_space<vmem>>) attributes {dimension_semantics = [#tpu.dimension_semantics<arbitrary>], iteration_bounds = array<i64: 20>, scalar_prefetch = 0 : i64, scratch_operands = 0 : i64, tpu.core_type = #tpu.core_type<tc>, window_params = [{transform_indices = @transform_0, window_bounds = array<i64: 2, 512, 128>}, {transform_indices = @transform_1, window_bounds = array<i64: 512, 128>}, {transform_indices = @transform_2, window_bounds = array<i64: 512, 16>}, {pipeline_mode = #tpu.pipeline_mode<synchronous>, transform_indices = @transform_3, window_bounds = array<i64: 1, 128>}, {pipeline_mode = #tpu.pipeline_mode<synchronous>, transform_indices = @transform_4, window_bounds = array<i64: 128, 128>}, {transform_indices = @transform_5, window_bounds = array<i64: 512, 128>}]} {
    %get3A = arith.constant 0 : index
    %get3A_0 = arith.constant 0 : index
    %get3A_1 = arith.constant 0 : index
    %get3A_2 = vector.load %arg1[%get3A, %get3A_0, %get3A_1] : memref<2x512x128xf32, #tpu.memory_space<vmem>>, vector<2x512x128xf32>
    %get3A_3 = arith.constant 0 : index
    %get3A_4 = arith.constant 0 : index
    %get3A_5 = vector.load %arg3[%get3A_3, %get3A_4] : memref<512x16xf32, #tpu.memory_space<vmem>>, vector<512x16xf32>
    %slice3A = vector.extract_strided_slice %get3A_5 {offsets = [0, 0], sizes = [512, 1], strides = [1, 1]} : vector<512x16xf32> to vector<512x1xf32>
    %slice3A_6 = vector.extract_strided_slice %get3A_2 {offsets = [0, 0, 0], sizes = [1, 512, 128], strides = [1, 1, 1]} : vector<2x512x128xf32> to vector<1x512x128xf32>
    %squeeze3A = vector.shape_cast %slice3A_6 : vector<1x512x128xf32> to vector<512x128xf32>
    %slice3A_7 = vector.extract_strided_slice %get3A_2 {offsets = [1, 0, 0], sizes = [1, 512, 128], strides = [1, 1, 1]} : vector<2x512x128xf32> to vector<1x512x128xf32>
    %squeeze3A_8 = vector.shape_cast %slice3A_7 : vector<1x512x128xf32> to vector<512x128xf32>
    %add3A = arith.addf %squeeze3A, %squeeze3A_8 : vector<512x128xf32>
    %get3A_9 = arith.constant 0 : index
    %get3A_10 = arith.constant 0 : index
    %get3A_11 = vector.load %arg2[%get3A_9, %get3A_10] : memref<512x128xf32, #tpu.memory_space<vmem>>, vector<512x128xf32>
    %add3A_12 = arith.addf %add3A, %get3A_11 : vector<512x128xf32>
    %mul3A = vector.broadcast %slice3A : vector<512x1xf32> to vector<512x128xf32>
    %mul3A_13 = arith.mulf %mul3A, %add3A_12 : vector<512x128xf32>
    %get3A_14 = arith.constant 0 : index
    %get3A_15 = arith.constant 0 : index
    %get3A_16 = vector.load %arg4[%get3A_14, %get3A_15] : memref<1x128xf32, #tpu.memory_space<vmem>>, vector<1x128xf32>
    %add3A_17 = vector.broadcast %get3A_16 : vector<1x128xf32> to vector<512x128xf32>
    %add3A_18 = arith.addf %mul3A_13, %add3A_17 : vector<512x128xf32>
    %max3A = arith.constant 0.000000e+00 : f32
    %max3A_19 = vector.broadcast %max3A : f32 to vector<512x128xf32>
    %max3A_20 = arith.maximumf %add3A_18, %max3A_19 : vector<512x128xf32>
    %get3A_21 = arith.constant 0 : index
    %get3A_22 = arith.constant 0 : index
    %get3A_23 = vector.load %arg5[%get3A_21, %get3A_22] : memref<128x128xf32, #tpu.memory_space<vmem>>, vector<128x128xf32>
    %dot_general3A = arith.constant dense<0.000000e+00> : vector<512x128xf32>
    %dot_general3A_24 = tpu.matmul %max3A_20, %get3A_23, %dot_general3A {dimension_numbers = #tpu.dot_dimension_numbers<[1], [0], [0], [1], [0, 0, 1, 1], [], []>, transpose_lhs_hint = false} : vector<512x128xf32>, vector<128x128xf32>, vector<512x128xf32> -> vector<512x128xf32>
    %mul3A_25 = vector.broadcast %slice3A : vector<512x1xf32> to vector<512x128xf32>
    %mul3A_26 = arith.mulf %mul3A_25, %dot_general3A_24 : vector<512x128xf32>
    %mul3A_27 = arith.constant 512 : i32
    %mul3A_28 = arith.muli %arg0, %mul3A_27 : i32
    %iota3A = tpu.iota {dimensions = array<i32: 0>} : vector<512x1xi32>
    %add3A_29 = vector.broadcast %mul3A_28 : i32 to vector<512x1xi32>
    %add3A_30 = arith.addi %add3A_29, %iota3A : vector<512x1xi32>
    %lt3A = arith.constant 10000 : i32
    %lt3A_31 = vector.broadcast %lt3A : i32 to vector<512x1xi32>
    %lt3A_32 = arith.cmpi slt, %add3A_30, %lt3A_31 : vector<512x1xi32>
    %jit3A = arith.constant 0.000000e+00 : f32
    %broadcast_in_dim3A = vector.shape_cast %lt3A_32 : vector<512x1xi1> to vector<512x1xi1>
    %broadcast_in_dim3A_33 = vector.broadcast %broadcast_in_dim3A : vector<512x1xi1> to vector<512x128xi1>
    %broadcast_in_dim3A_34 = vector.broadcast %jit3A : f32 to vector<512x128xf32>
    %select_n3A = arith.select %broadcast_in_dim3A_33, %mul3A_26, %broadcast_in_dim3A_34 : vector<512x128xi1>, vector<512x128xf32>
    %swap3A = arith.constant 0 : index
    %swap3A_35 = arith.constant 0 : index
    %swap3A_36 = vector.load %arg6[%swap3A, %swap3A_35] : memref<512x128xf32, #tpu.memory_space<vmem>>, vector<512x128xf32>
    tpu.vector_store %arg6[%swap3A, %swap3A_35], %select_n3A {strides = array<i32>} : memref<512x128xf32, #tpu.memory_space<vmem>>, vector<512x128xf32>,
    return
  }
  func.func @transform_0(%arg0: i32) -> (i32, i32, i32) {
    %c0_i32 = arith.constant 0 : i32
    %c0_i32_0 = arith.constant 0 : i32
    %c0_i32_1 = arith.constant 0 : i32
    return %c0_i32, %arg0, %c0_i32_0 : i32, i32, i32
  }
  func.func @transform_1(%arg0: i32) -> (i32, i32) {
    %c0_i32 = arith.constant 0 : i32
    %c0_i32_0 = arith.constant 0 : i32
    return %arg0, %c0_i32 : i32, i32
  }
  func.func @transform_2(%arg0: i32) -> (i32, i32) {
    %c0_i32 = arith.constant 0 : i32
    %c0_i32_0 = arith.constant 0 : i32
    return %arg0, %c0_i32 : i32, i32
  }
  func.func @transform_3(%arg0: i32) -> (i32, i32) {
    %c0_i32 = arith.constant 0 : i32
    %c0_i32_0 = arith.constant 0 : i32
    %c0_i32_1 = arith.constant 0 : i32
    return %c0_i32, %c0_i32_0 : i32, i32
  }
  func.func @transform_4(%arg0: i32) -> (i32, i32) {
    %c0_i32 = arith.constant 0 : i32
    %c0_i32_0 = arith.constant 0 : i32
    %c0_i32_1 = arith.constant 0 : i32
    return %c0_i32, %c0_i32_0 : i32, i32
  }
  func.func @transform_5(%arg0: i32) -> (i32, i32) {
    %c0_i32 = arith.constant 0 : i32
    %c0_i32_0 = arith.constant 0 : i32
    return %arg0, %c0_i32 : i32, i32
  }
}

module attributes {stable_mosaic.version = 14 : i64} {
  func.func @_k4_body(%arg0: i32, %arg1: memref<2x512x128xf32, #tpu.memory_space<vmem>>, %arg2: memref<512x128xf32, #tpu.memory_space<vmem>>, %arg3: memref<512x16xf32, #tpu.memory_space<vmem>>, %arg4: memref<1x128xf32, #tpu.memory_space<vmem>>, %arg5: memref<512x8xi32, #tpu.memory_space<vmem>>, %arg6: memref<128x128xf32, #tpu.memory_space<vmem>>, %arg7: memref<1x128xf32, #tpu.memory_space<vmem>>, %arg8: memref<128x128xf32, #tpu.memory_space<vmem>>, %arg9: memref<1x128xf32, #tpu.memory_space<vmem>>, %arg10: memref<16x128xf32, #tpu.memory_space<vmem>>, %arg11: memref<16x128xf32, #tpu.memory_space<vmem>>, %arg12: memref<16x128xf32, #tpu.memory_space<vmem>>) attributes {dimension_semantics = [#tpu.dimension_semantics<arbitrary>], iteration_bounds = array<i64: 20>, scalar_prefetch = 0 : i64, scratch_operands = 2 : i64, tpu.core_type = #tpu.core_type<tc>, window_params = [{transform_indices = @transform_0, window_bounds = array<i64: 2, 512, 128>}, {transform_indices = @transform_1, window_bounds = array<i64: 512, 128>}, {transform_indices = @transform_2, window_bounds = array<i64: 512, 16>}, {pipeline_mode = #tpu.pipeline_mode<synchronous>, transform_indices = @transform_3, window_bounds = array<i64: 1, 128>}, {transform_indices = @transform_4, window_bounds = array<i64: 512, 8>}, {pipeline_mode = #tpu.pipeline_mode<synchronous>, transform_indices = @transform_5, window_bounds = array<i64: 128, 128>}, {pipeline_mode = #tpu.pipeline_mode<synchronous>, transform_indices = @transform_6, window_bounds = array<i64: 1, 128>}, {pipeline_mode = #tpu.pipeline_mode<synchronous>, transform_indices = @transform_7, window_bounds = array<i64: 128, 128>}, {pipeline_mode = #tpu.pipeline_mode<synchronous>, transform_indices = @transform_8, window_bounds = array<i64: 1, 128>}, {pipeline_mode = #tpu.pipeline_mode<synchronous>, transform_indices = @transform_9, window_bounds = array<i64: 16, 128>}]} {
    %eq3A = arith.constant 0 : i32
    %eq3A_0 = arith.cmpi eq, %arg0, %eq3A : i32
    %convert_element_type3A = arith.extui %eq3A_0 : i1 to i32
    %cond3A = arith.constant 0 : i32
    %cond3A_1 = arith.cmpi ne, %convert_element_type3A, %cond3A : i32
    scf.if %cond3A_1 {
      %broadcast_in_dim3A_54 = arith.constant 0.000000e+00 : f32
      %broadcast_in_dim3A_55 = vector.broadcast %broadcast_in_dim3A_54 : f32 to vector<16x128xf32>
      %swap3A_56 = arith.constant 0 : index
      %swap3A_57 = arith.constant 0 : index
      %swap3A_58 = vector.load %arg11[%swap3A_56, %swap3A_57] : memref<16x128xf32, #tpu.memory_space<vmem>>, vector<16x128xf32>
      tpu.vector_store %arg11[%swap3A_56, %swap3A_57], %broadcast_in_dim3A_55 {strides = array<i32>} : memref<16x128xf32, #tpu.memory_space<vmem>>, vector<16x128xf32>,
      %broadcast_in_dim3A_59 = arith.constant 0.000000e+00 : f32
      %broadcast_in_dim3A_60 = vector.broadcast %broadcast_in_dim3A_59 : f32 to vector<16x128xf32>
      %swap3A_61 = arith.constant 0 : index
      %swap3A_62 = arith.constant 0 : index
      %swap3A_63 = vector.load %arg12[%swap3A_61, %swap3A_62] : memref<16x128xf32, #tpu.memory_space<vmem>>, vector<16x128xf32>
      tpu.vector_store %arg12[%swap3A_61, %swap3A_62], %broadcast_in_dim3A_60 {strides = array<i32>} : memref<16x128xf32, #tpu.memory_space<vmem>>, vector<16x128xf32>,
    } else {
    }
    %get3A = arith.constant 0 : index
    %get3A_2 = arith.constant 0 : index
    %get3A_3 = arith.constant 0 : index
    %get3A_4 = vector.load %arg1[%get3A, %get3A_2, %get3A_3] : memref<2x512x128xf32, #tpu.memory_space<vmem>>, vector<2x512x128xf32>
    %get3A_5 = arith.constant 0 : index
    %get3A_6 = arith.constant 0 : index
    %get3A_7 = vector.load %arg3[%get3A_5, %get3A_6] : memref<512x16xf32, #tpu.memory_space<vmem>>, vector<512x16xf32>
    %slice3A = vector.extract_strided_slice %get3A_7 {offsets = [0, 0], sizes = [512, 1], strides = [1, 1]} : vector<512x16xf32> to vector<512x1xf32>
    %slice3A_8 = vector.extract_strided_slice %get3A_4 {offsets = [0, 0, 0], sizes = [1, 512, 128], strides = [1, 1, 1]} : vector<2x512x128xf32> to vector<1x512x128xf32>
    %squeeze3A = vector.shape_cast %slice3A_8 : vector<1x512x128xf32> to vector<512x128xf32>
    %slice3A_9 = vector.extract_strided_slice %get3A_4 {offsets = [1, 0, 0], sizes = [1, 512, 128], strides = [1, 1, 1]} : vector<2x512x128xf32> to vector<1x512x128xf32>
    %squeeze3A_10 = vector.shape_cast %slice3A_9 : vector<1x512x128xf32> to vector<512x128xf32>
    %add3A = arith.addf %squeeze3A, %squeeze3A_10 : vector<512x128xf32>
    %get3A_11 = arith.constant 0 : index
    %get3A_12 = arith.constant 0 : index
    %get3A_13 = vector.load %arg2[%get3A_11, %get3A_12] : memref<512x128xf32, #tpu.memory_space<vmem>>, vector<512x128xf32>
    %add3A_14 = arith.addf %add3A, %get3A_13 : vector<512x128xf32>
    %mul3A = vector.broadcast %slice3A : vector<512x1xf32> to vector<512x128xf32>
    %mul3A_15 = arith.mulf %mul3A, %add3A_14 : vector<512x128xf32>
    %get3A_16 = arith.constant 0 : index
    %get3A_17 = arith.constant 0 : index
    %get3A_18 = vector.load %arg4[%get3A_16, %get3A_17] : memref<1x128xf32, #tpu.memory_space<vmem>>, vector<1x128xf32>
    %add3A_19 = vector.broadcast %get3A_18 : vector<1x128xf32> to vector<512x128xf32>
    %add3A_20 = arith.addf %mul3A_15, %add3A_19 : vector<512x128xf32>
    %max3A = arith.constant 0.000000e+00 : f32
    %max3A_21 = vector.broadcast %max3A : f32 to vector<512x128xf32>
    %max3A_22 = arith.maximumf %add3A_20, %max3A_21 : vector<512x128xf32>
    %get3A_23 = arith.constant 0 : index
    %get3A_24 = arith.constant 0 : index
    %get3A_25 = vector.load %arg5[%get3A_23, %get3A_24] : memref<512x8xi32, #tpu.memory_space<vmem>>, vector<512x8xi32>
    %slice3A_26 = vector.extract_strided_slice %get3A_25 {offsets = [0, 0], sizes = [512, 1], strides = [1, 1]} : vector<512x8xi32> to vector<512x1xi32>
    %iota3A = tpu.iota {dimensions = array<i32: 1>} : vector<1x16xi32>
    %eq3A_27 = vector.broadcast %slice3A_26 : vector<512x1xi32> to vector<512x16xi32>
    %eq3A_28 = vector.broadcast %iota3A : vector<1x16xi32> to vector<512x16xi32>
    %eq3A_29 = arith.cmpi eq, %eq3A_27, %eq3A_28 : vector<512x16xi32>
    %convert_element_type3A_30 = arith.extui %eq3A_29 : vector<512x16xi1> to vector<512x16xi32>
    %convert_element_type3A_31 = arith.sitofp %convert_element_type3A_30 : vector<512x16xi32> to vector<512x16xf32>
    %get3A_32 = arith.constant 0 : index
    %get3A_33 = arith.constant 0 : index
    %get3A_34 = vector.load %arg11[%get3A_32, %get3A_33] : memref<16x128xf32, #tpu.memory_space<vmem>>, vector<16x128xf32>
    %dot_general3A = arith.constant dense<0.000000e+00> : vector<16x128xf32>
    %dot_general3A_35 = tpu.matmul %convert_element_type3A_31, %max3A_22, %dot_general3A {dimension_numbers = #tpu.dot_dimension_numbers<[0], [0], [1], [1], [0, 1, 1, 1], [], []>, transpose_lhs_hint = false} : vector<512x16xf32>, vector<512x128xf32>, vector<16x128xf32> -> vector<16x128xf32>
    %add3A_36 = arith.addf %get3A_34, %dot_general3A_35 : vector<16x128xf32>
    %swap3A = arith.constant 0 : index
    %swap3A_37 = arith.constant 0 : index
    %swap3A_38 = vector.load %arg11[%swap3A, %swap3A_37] : memref<16x128xf32, #tpu.memory_space<vmem>>, vector<16x128xf32>
    tpu.vector_store %arg11[%swap3A, %swap3A_37], %add3A_36 {strides = array<i32>} : memref<16x128xf32, #tpu.memory_space<vmem>>, vector<16x128xf32>,
    %get3A_39 = arith.constant 0 : index
    %get3A_40 = arith.constant 0 : index
    %get3A_41 = vector.load %arg12[%get3A_39, %get3A_40] : memref<16x128xf32, #tpu.memory_space<vmem>>, vector<16x128xf32>
    %reduce_sum3A = arith.constant dense<0.000000e+00> : vector<16xf32>
    %reduce_sum3A_42 = vector.multi_reduction <add>, %convert_element_type3A_31, %reduce_sum3A [0] : vector<512x16xf32> to vector<16xf32>
    %broadcast_in_dim3A = vector.shape_cast %reduce_sum3A_42 : vector<16xf32> to vector<16x1xf32>
    %broadcast_in_dim3A_43 = vector.shape_cast %broadcast_in_dim3A : vector<16x1xf32> to vector<16x1xf32>
    %broadcast_in_dim3A_44 = vector.broadcast %broadcast_in_dim3A_43 : vector<16x1xf32> to vector<16x128xf32>
    %add3A_45 = arith.addf %get3A_41, %broadcast_in_dim3A_44 : vector<16x128xf32>
    %swap3A_46 = arith.constant 0 : index
    %swap3A_47 = arith.constant 0 : index
    %swap3A_48 = vector.load %arg12[%swap3A_46, %swap3A_47] : memref<16x128xf32, #tpu.memory_space<vmem>>, vector<16x128xf32>
    tpu.vector_store %arg12[%swap3A_46, %swap3A_47], %add3A_45 {strides = array<i32>} : memref<16x128xf32, #tpu.memory_space<vmem>>, vector<16x128xf32>,
    %eq3A_49 = arith.constant 19 : i32
    %eq3A_50 = arith.cmpi eq, %arg0, %eq3A_49 : i32
    %convert_element_type3A_51 = arith.extui %eq3A_50 : i1 to i32
    %cond3A_52 = arith.constant 0 : i32
    %cond3A_53 = arith.cmpi ne, %convert_element_type3A_51, %cond3A_52 : i32
    scf.if %cond3A_53 {
      %get3A_54 = arith.constant 0 : index
      %get3A_55 = arith.constant 0 : index
      %get3A_56 = vector.load %arg11[%get3A_54, %get3A_55] : memref<16x128xf32, #tpu.memory_space<vmem>>, vector<16x128xf32>
      %get3A_57 = arith.constant 0 : index
      %get3A_58 = arith.constant 0 : index
      %get3A_59 = vector.load %arg12[%get3A_57, %get3A_58] : memref<16x128xf32, #tpu.memory_space<vmem>>, vector<16x128xf32>
      %max3A_60 = arith.constant 1.000000e+00 : f32
      %max3A_61 = vector.broadcast %max3A_60 : f32 to vector<16x128xf32>
      %max3A_62 = arith.maximumf %get3A_59, %max3A_61 : vector<16x128xf32>
      %div3A = arith.divf %get3A_56, %max3A_62 : vector<16x128xf32>
      %get3A_63 = arith.constant 0 : index
      %get3A_64 = arith.constant 0 : index
      %get3A_65 = vector.load %arg6[%get3A_63, %get3A_64] : memref<128x128xf32, #tpu.memory_space<vmem>>, vector<128x128xf32>
      %dot_general3A_66 = arith.constant dense<0.000000e+00> : vector<16x128xf32>
      %dot_general3A_67 = tpu.matmul %div3A, %get3A_65, %dot_general3A_66 {dimension_numbers = #tpu.dot_dimension_numbers<[1], [0], [0], [1], [0, 0, 1, 1], [], []>, transpose_lhs_hint = false} : vector<16x128xf32>, vector<128x128xf32>, vector<16x128xf32> -> vector<16x128xf32>
      %get3A_68 = arith.constant 0 : index
      %get3A_69 = arith.constant 0 : index
      %get3A_70 = vector.load %arg7[%get3A_68, %get3A_69] : memref<1x128xf32, #tpu.memory_space<vmem>>, vector<1x128xf32>
      %add3A_71 = vector.broadcast %get3A_70 : vector<1x128xf32> to vector<16x128xf32>
      %add3A_72 = arith.addf %dot_general3A_67, %add3A_71 : vector<16x128xf32>
      %max3A_73 = arith.constant 0.000000e+00 : f32
      %max3A_74 = vector.broadcast %max3A_73 : f32 to vector<16x128xf32>
      %max3A_75 = arith.maximumf %add3A_72, %max3A_74 : vector<16x128xf32>
      %get3A_76 = arith.constant 0 : index
      %get3A_77 = arith.constant 0 : index
      %get3A_78 = vector.load %arg8[%get3A_76, %get3A_77] : memref<128x128xf32, #tpu.memory_space<vmem>>, vector<128x128xf32>
      %dot_general3A_79 = arith.constant dense<0.000000e+00> : vector<16x128xf32>
      %dot_general3A_80 = tpu.matmul %max3A_75, %get3A_78, %dot_general3A_79 {dimension_numbers = #tpu.dot_dimension_numbers<[1], [0], [0], [1], [0, 0, 1, 1], [], []>, transpose_lhs_hint = false} : vector<16x128xf32>, vector<128x128xf32>, vector<16x128xf32> -> vector<16x128xf32>
      %get3A_81 = arith.constant 0 : index
      %get3A_82 = arith.constant 0 : index
      %get3A_83 = vector.load %arg9[%get3A_81, %get3A_82] : memref<1x128xf32, #tpu.memory_space<vmem>>, vector<1x128xf32>
      %add3A_84 = vector.broadcast %get3A_83 : vector<1x128xf32> to vector<16x128xf32>
      %add3A_85 = arith.addf %dot_general3A_80, %add3A_84 : vector<16x128xf32>
      %swap3A_86 = arith.constant 0 : index
      %swap3A_87 = arith.constant 0 : index
      %swap3A_88 = vector.load %arg10[%swap3A_86, %swap3A_87] : memref<16x128xf32, #tpu.memory_space<vmem>>, vector<16x128xf32>
      tpu.vector_store %arg10[%swap3A_86, %swap3A_87], %add3A_85 {strides = array<i32>} : memref<16x128xf32, #tpu.memory_space<vmem>>, vector<16x128xf32>,
    } else {
    }
    return
  }
  func.func @transform_0(%arg0: i32) -> (i32, i32, i32) {
    %c0_i32 = arith.constant 0 : i32
    %c0_i32_0 = arith.constant 0 : i32
    %c0_i32_1 = arith.constant 0 : i32
    return %c0_i32, %arg0, %c0_i32_0 : i32, i32, i32
  }
  func.func @transform_1(%arg0: i32) -> (i32, i32) {
    %c0_i32 = arith.constant 0 : i32
    %c0_i32_0 = arith.constant 0 : i32
    return %arg0, %c0_i32 : i32, i32
  }
  func.func @transform_2(%arg0: i32) -> (i32, i32) {
    %c0_i32 = arith.constant 0 : i32
    %c0_i32_0 = arith.constant 0 : i32
    return %arg0, %c0_i32 : i32, i32
  }
  func.func @transform_3(%arg0: i32) -> (i32, i32) {
    %c0_i32 = arith.constant 0 : i32
    %c0_i32_0 = arith.constant 0 : i32
    %c0_i32_1 = arith.constant 0 : i32
    return %c0_i32, %c0_i32_0 : i32, i32
  }
  func.func @transform_4(%arg0: i32) -> (i32, i32) {
    %c0_i32 = arith.constant 0 : i32
    %c0_i32_0 = arith.constant 0 : i32
    return %arg0, %c0_i32 : i32, i32
  }
  func.func @transform_5(%arg0: i32) -> (i32, i32) {
    %c0_i32 = arith.constant 0 : i32
    %c0_i32_0 = arith.constant 0 : i32
    %c0_i32_1 = arith.constant 0 : i32
    return %c0_i32, %c0_i32_0 : i32, i32
  }
  func.func @transform_6(%arg0: i32) -> (i32, i32) {
    %c0_i32 = arith.constant 0 : i32
    %c0_i32_0 = arith.constant 0 : i32
    %c0_i32_1 = arith.constant 0 : i32
    return %c0_i32, %c0_i32_0 : i32, i32
  }
  func.func @transform_7(%arg0: i32) -> (i32, i32) {
    %c0_i32 = arith.constant 0 : i32
    %c0_i32_0 = arith.constant 0 : i32
    %c0_i32_1 = arith.constant 0 : i32
    return %c0_i32, %c0_i32_0 : i32, i32
  }
  func.func @transform_8(%arg0: i32) -> (i32, i32) {
    %c0_i32 = arith.constant 0 : i32
    %c0_i32_0 = arith.constant 0 : i32
    %c0_i32_1 = arith.constant 0 : i32
    return %c0_i32, %c0_i32_0 : i32, i32
  }
  func.func @transform_9(%arg0: i32) -> (i32, i32) {
    %c0_i32 = arith.constant 0 : i32
    %c0_i32_0 = arith.constant 0 : i32
    %c0_i32_1 = arith.constant 0 : i32
    return %c0_i32, %c0_i32_0 : i32, i32
  }
}

</mosaic_0001>

<sc_bundles>
// kernel: kernel.10.cloned.1.call-start
scs
__scs_entry_jumppad:
0x0: {  	(pc) =	sbr.rel $0x88, $3  }
0x1: {  	(tag) =	ssettag $0x0;
	lr =	simm.s32 $0x1  }
0x2: {  	[smem:$0x3F94] =	sst lr;
	_ =	strace $0xD0000000  }
0x3: {  	_ = 	snop  }
0x4: {  	_ = 	snop  }
0x5: {  	_ = 	snop  }
0x6: {  	_ = 	snop  }
0x7: {  	_ = 	snop  }
__scs_overlays_trampoline_lowered:
0x8: {  	[smem:$0x3FA3] =	sst s0  }
0x9: {  	[smem:$0x3FA4] =	sst s1  }
0xa: {  	[smem:$0x3FA5] =	sst s2  }
0xb: {  	[smem:$0x3FA6] =	sst s3  }
0xc: {  	[smem:$0x3FA7] =	sst s4  }
0xd: {  	[smem:$0x3FA8] =	sst s5  }
0xe: {  	[smem:$0x3FA9] =	sst s6  }
0xf: {  	[smem:$0x3FAA] =	sst s7  }
0x10: {  	[smem:$0x3FAB] =	sst s8  }
0x11: {  	[smem:$0x3FAC] =	sst s9;
	s0 =	simm.s32 @!p0 $0x0  }
0x12: {  	s1 =	sld [smem:$0x3F92];
	s0 =	simm.s32 @p0 $0x1  }
0x13: {  	[smem:$0x3FAD] =	sst s0;
	s0 =	simm.s32 @!p1 $0x0  }
0x14: {  	s2 =	sld [smem:$0x3F91];
	s0 =	simm.s32 @p1 $0x1  }
0x15: {  	[smem:$0x3FAE] =	sst s0;
	s0 =	simm.s32 @!p2 $0x0  }
0x16: {  	s3 =	sld [smem:$0x3FDB];
	s0 =	simm.s32 @p2 $0x1  }
0x17: {  	s4 =	simm.s32 $0x1BF5;
	[smem:$0x3FB0] =	sst s0  }
0x18: {  	s0 =	sld [smem:$0x3F93];
	_ =	swait.ge [sflag:s4], $0x0  }
0x19: {  	s7 =	sld [smem:$0x3F94]  }
0x1a: {  	s8 =	sadd.s32 $0xFFFFE003, lr  }
0x1b: {  	s9 =	sadd.s32 $0xFFFFFEF7, lr;
	s5 =	simm.s32 $0xFFFFFFFF;
	p2 =	slt.u32 s8, $0xFFFFF086  }
0x1c: {  	p1 =	slt.u32 s9, $0xF7A;
	s5 =	simm.s32 @!p2 $0x0  }
0x1d: {  	s5 =	simm.s32 @p1 $0x1;
	p0 =	seq.s32 s7, s2  }
0x1e: {  	s7 =	smul.u32 @!p0 $0xF7A, s2;
	p2 =	seq.s32 @!p0 s5, $0x0  }
0x1f: {  	s9 =	smul.u32 $0xF7A, s1;
	s8 =	simm.s32 @!p0 $0x1BF5;
	p2 =	por !p2, p0  }
0x20: {  	[sflag:s8] =	ssyncset.s32 @!p0 $0xFFFFF086;
	s6 =	sadd.s32 @!p0 s3, s7;
	s7 =	simm.s32 @!p0 $0x108  }
0x21: {  	s3 =	sadd.s32 s3, s9;
	s6 =	sadd.s32 @!p0 $0x88, s6;
	s7 =	simm.s32 @p2 $0x1082  }
0x22: {  	[simem:s7], [sflag:s8] =	dma.local @!p0 [hbm:s6], $0xF7A  }
0x23: {  	s9 =	sor.u32 $0xD0000000, s2;
	s6 =	simm.s32 $0x108;
	_ =	swait.ge @!p0 [sflag:s8], $0x0  }
0x24: {  	s3 =	sadd.s32 $0x88, s3;
	s6 =	simm.s32 @!p1 $0x1082;
	[sflag:s4] =	ssyncset.s32 $0xFFFFF086  }
0x25: {  	[simem:s6], [sflag:s4] =	dma.local [hbm:s3], $0xF7A  }
0x26: {  	[smem:$0x3F94] =	sst s1;
	(tag) =	ssettag s2;
	_ =	strace s9  }
0x27: {  	s1 =	sld [smem:$0x3FA4]  }
0x28: {  	s2 =	sld [smem:$0x3FA5]  }
0x29: {  	s4 =	sld [smem:$0x3FA7]  }
0x2a: {  	p0 =	seq.s32 s5, $0x0;
	s5 =	sld [smem:$0x3FA8]  }
0x2b: {  	s6 =	sld [smem:$0x3FA9]  }
0x2c: {  	s7 =	sld [smem:$0x3FAA]  }
0x2d: {  	s3 =	simm.s32 $0x108;
	s8 =	sld [smem:$0x3FAB]  }
0x2e: {  	s3 =	simm.s32 @!p0 $0x1082;
	s9 =	sld [smem:$0x3FAC]  }
0x2f: {  	lr =	sadd.s32 s0, s3;
	s0 =	sld [smem:$0x3FA3]  }
0x30: {  	s3 =	sld [smem:$0x3FA6]  }
0x31: {  	[smem:$0x3FAF] =	sst s10  }
0x32: {  	s10 =	sld [smem:$0x3FAD];
	_ =	sdelay $0x3  }
0x33: {  	p0 =	seq.s32 s10, $0x1;
	s10 =	sld [smem:$0x3FAF];
	_ =	sdelay $0x3  }
0x34: {  	[smem:$0x3FAF] =	sst s10  }
0x35: {  	s10 =	sld [smem:$0x3FAE];
	_ =	sdelay $0x3  }
0x36: {  	p1 =	seq.s32 s10, $0x1;
	s10 =	sld [smem:$0x3FAF];
	_ =	sdelay $0x3  }
0x37: {  	[smem:$0x3FAF] =	sst s10  }
0x38: {  	s10 =	sld [smem:$0x3FB0]  }
0x39: {  	_ = 	snop;
	(pc) =	sbr.ind lr, $3  }
0x3a: {  	_ = 	snop  }
0x3b: {  	_ = 	snop  }
0x3c: {  	p2 =	seq.s32 s10, $0x1;
	s10 =	sld [smem:$0x3FAF]  }
0x3d: {  	_ =	shalt  }
0x3e: {  	_ =	shalt  }
0x3f: {  	_ =	shalt  }
0x40: {  	_ =	shalt  }
0x41: {  	_ =	shalt  }
0x42: {  	_ =	shalt  }
0x43: {  	_ =	shalt  }
0x44: {  	_ =	shalt  }
0x45: {  	_ =	shalt  }
0x46: {  	_ =	shalt  }
0x47: {  	_ =	shalt  }
0x48: {  	_ =	shalt  }
0x49: {  	_ =	shalt  }
0x4a: {  	_ =	shalt  }
0x4b: {  	_ =	shalt  }
0x4c: {  	_ =	shalt  }
0x4d: {  	_ =	shalt  }
0x4e: {  	_ =	shalt  }
0x4f: {  	_ =	shalt  }
0x50: {  	_ =	shalt  }
0x51: {  	_ =	shalt  }
0x52: {  	_ =	shalt  }
0x53: {  	_ =	shalt  }
0x54: {  	_ =	shalt  }
0x55: {  	_ =	shalt  }
0x56: {  	_ =	shalt  }
0x57: {  	_ =	shalt  }
0x58: {  	_ =	shalt  }
0x59: {  	_ =	shalt  }
0x5a: {  	_ =	shalt  }
0x5b: {  	_ =	shalt  }
0x5c: {  	_ =	shalt  }
0x5d: {  	_ =	shalt  }
0x5e: {  	_ =	shalt  }
0x5f: {  	_ =	shalt  }
0x60: {  	_ =	shalt  }
0x61: {  	_ =	shalt  }
0x62: {  	_ =	shalt  }
0x63: {  	_ =	shalt  }
0x64: {  	_ =	shalt  }
0x65: {  	_ =	shalt  }
0x66: {  	_ =	shalt  }
0x67: {  	_ =	shalt  }
0x68: {  	_ =	shalt  }
0x69: {  	_ =	shalt  }
0x6a: {  	_ =	shalt  }
0x6b: {  	_ =	shalt  }
0x6c: {  	_ =	shalt  }
0x6d: {  	_ =	shalt  }
0x6e: {  	_ =	shalt  }
0x6f: {  	_ =	shalt  }
0x70: {  	_ =	shalt  }
0x71: {  	_ =	shalt  }
0x72: {  	_ =	shalt  }
0x73: {  	_ =	shalt  }
0x74: {  	_ =	shalt  }
0x75: {  	_ =	shalt  }
0x76: {  	_ =	shalt  }
0x77: {  	_ =	shalt  }
0x78: {  	_ =	shalt  }
0x79: {  	_ =	shalt  }
0x7a: {  	_ =	shalt  }
0x7b: {  	_ =	shalt  }
0x7c: {  	_ =	shalt  }
0x7d: {  	_ =	shalt  }
0x7e: {  	_ =	shalt  }
0x7f: {  	_ =	shalt  }
0x80: {  	_ =	shalt  }
0x81: {  	_ =	shalt  }
0x82: {  	_ =	shalt  }
0x83: {  	_ =	shalt  }
0x84: {  	_ =	shalt  }
0x85: {  	_ =	shalt  }
0x86: {  	_ =	shalt  }
0x87: {  	_ =	shalt  }
.Lfunc_end0:
.L_simem_size_0:
called_computation_lowered:
.L_overlay_start_0:
0x88: {  	s2 =	sld [smem:$0x3FD9]  }
0x89: {  	s3 =	sld [smem:$0x3FFE];
	_ =	sdelay $0x1  }
0x8a: {  	s1 =	srdreg.scid  }
0x8b: {  	s0 =	sand.u32 $0x1, s1  }
0x8c: {  	s16 =	sshll.u32 s0, $0xA;
	s2 =	sadd.s32 s3, s2  }
0x8d: {  	s2 =	sadd.s32 s2, s16  }
0x8e: {  	[smem:$0x3FBB] =	sst s2  }
0x8f: {  	_ = 	snop  }
0x90: {  	(tm) =	ssettm $0x1  }
0x91: {  	s17 =	sld [smem:$0x3FFB];
	_ =	sdelay $0x3  }
0x92: {  	_ =	strace s17  }
0x93: {  	s2 =	sld [smem:$0x3FFC];
	_ =	sdelay $0x3  }
0x94: {  	_ =	strace s2  }
0x95: {  	s2 =	sld [smem:$0x3FFD];
	_ =	sdelay $0x3  }
0x96: {  	_ =	strace s2  }
0x97: {  	_ =	strace $0x8FFFFFFF  }
0x98: {  	s18 =	sld [smem:$0x3FDB];
	_ =	sdelay $0x1  }
0x99: {  	s19 =	simm.s32 $_scs_section_size  }
0x9a: {  	s4 =	simm.s32 $_size__tile_overlayer_lowered;
	s5 =	simm.s32 $_tile_overlayer_lowered  }
0x9b: {  	s22 =	simm.s32 $0x1BFF;
	s21 =	sshll.u32 s5, $0x1;
	s2 =	sadd.s32 s19, s18  }
0x9c: {  	s6 =	simm.s32 $0x0;
	s20 =	sshll.u32 s4, $0x1;
	s4 =	sadd.s32 s21, s2  }
0x9d: {  	[timem:s6], [sflag:s22] =	dma.local [hbm:s4], s20  }
0x9e: {  	_ =	swait.ge [sflag:s22], s20  }
0x9f: {  	s3 =	ssub.s32 $0x0, s20;
	[sflag:s22] =	ssyncset.done $0x0  }
0xa0: {  	[sflag:s22] =	ssyncadd.s32 s3;
	_ =	sdelay $0x1  }
0xa1: {  	s23 =	simm.s32 $0x1B8B  }
0xa2: {  	_ =	swait.ge [sflag:s23], $0x1  }
0xa3: {  	[sflag:s23] =	ssyncset.done $0x0  }
0xa4: {  	s25 =	simm.s32 $0x1B8E;
	s24 =	sld [smem:$0x3FFE];
	[sflag:s23] =	ssyncadd.s32 $0xFFFFFFFF  }
0xa5: {  	s26 =	simm.s32 $execute0_lowered;
	[smem:$0x3FD2] =	sst s25  }
0xa6: {  	s4 =	sshll.u32 s26, $0x1;
	_ =	strace $0x80000046;
	[dreg:$0x1] =	wrdreg $0xFFFFFFFF  }
0xa7: {  	s28 =	simm.s32 $_size_execute0_lowered;
	s2 =	sadd.s32 s2, s4;
	[dreg:$0x0] =	wrdreg $0x0  }
0xa8: {  	s4 =	sshll.u32 s28, $0x1;
	[dreg:$0x2] =	wrdreg s2  }
0xa9: {  	[dreg:$0x3] =	wrdreg s4  }
0xaa: {  	[dreg:$0x4] =	wrdreg $0xC0  }
0xab: {  	_ =	task [dreg:s6], $0x5FFFF  }
0xac: {  	[dreg:$0x1] =	wrdreg $0xFFFFFFFF  }
0xad: {  	[dreg:$0x0] =	wrdreg $0x60  }
0xae: {  	[dreg:$0x2] =	wrdreg s24  }
0xaf: {  	[dreg:$0x3] =	wrdreg $0xC0000  }
0xb0: {  	[dreg:$0x4] =	wrdreg $0x9  }
0xb1: {  	_ =	task.clear_ibuf [dreg:s6], $0x5FFFF;
	_ =	strace $0x90000046  }
0xb2: {  	s29 =	simm.s32 $0x9;
	_ =	strace $0x80000048  }
0xb3: {  	_ =	swait.ge [sflag:s29], $0x1  }
0xb4: {  	[sflag:s29] =	ssyncadd.s32 $0xFFFFFFFF  }
0xb5: {  	_ =	strace $0x90000048  }
0xb6: {  	_ =	sfence  }
0xb7: {  	s30 =	sld [smem:$0x0];
	_ =	sdelay $0x2  }
0xb8: {  	s31 =	sshll.u32 s1, $0xD;
	s1 =	sshrl.u32 s1, $0x2  }
0xb9: {  	s3 =	sand.u32 $0x4000, s31;
	s1 =	sadd.s32 s1, s30  }
0xba: {  	s0 =	sor.u32 s3, s0;
	s1 =	sshll.u32 s1, $0x11  }
0xbb: {  	s0 =	sor.u32 s1, s0  }
0xbc: {  	s0 =	sadd.s32 $0x8F2B, s0  }
0xbd: {  	[sflag:s0] =	ssyncadd.remote.s32 $0x1  }
0xbe: {  	_ =	sfence.sel $0xFFFF  }
0xbf: {  	[dreg:$0x0] =	wrdreg $0xFFFFFFFF;
	(pc) =	sbr.abs _section_cstart, $3  }
0xc0: {  	[dreg:$0x1] =	wrdreg $0xFFFFFFFF  }
0xc1: {  	_ =	task.clear_ibuf [dreg:s6], $0x2FFFF;
	_ =	strace $0x9FFFFFFF  }
0xc2: {  	(tm) =	ssettm $0x7FFFFFFF  }
0xc3: {  	_ =	shalt  }
tec
execute0_lowered:
.L_overlay_start_1:
0x0: {  	(tag) =	ssettag $0x1  }
0x1: {  	s0 =	srdreg.scid  }
0x2: {  	s7 =	stileid.u32;
	s3 =	rddreg [dreg:$0x0];
	s0 =	sand.u32 $0x1, s0  }
0x3: {  	s2 =	rddreg [dreg:$0x1];
	s5 =	smul.u32 $0x14000, s7;
	s1 =	sshll.u32 s0, $0x4  }
0x4: {  	s4 =	smul.u32 $0x140000, s0;
	s0 =	ssub.s32 $0x2, s0;
	s1 =	sor.u32 s7, s1  }
0x5: {  	s6 =	sshrl.u32 s0, $0x1;
	s7 =	smul.u32 $0x50000, s7;
	s8 =	sor.u32 $0x2000, s5  }
0x6: {  	s9 =	sadd.s32 $0x4000, s5;
	s16 =	sadd.s32 $0x8000, s5;
	s23 =	sadd.s32 $0xE000, s5  }
0x7: {  	s24 =	sadd.s32 $0x10000, s5;
	s1 =	smul.u32 $0x1400, s1;
	s0 =	ssub.s32 s0, s6  }
0x8: {  	s11 =	sadd.s32 s4, s5;
	s12 =	sadd.s32 s4, s8;
	s10 =	sadd.s32 s4, s9  }
0x9: {  	s17 =	sadd.s32 s4, s16;
	s21 =	sadd.s32 s4, s23;
	s22 =	sadd.s32 s4, s24  }
0xa: {  	s23 =	sadd.s32 s23, s2;
	s24 =	sadd.s32 s24, s2;
	s6 =	sshrl.u32 s11, $0x3  }
0xb: {  	s11 =	sadd.s32 $0x6000, s5;
	s13 =	sshrl.u32 s10, $0x3;
	s25 =	sshrl.u32 s22, $0x3  }
0xc: {  	s26 =	sshrl.u32 s7, $0x2;
	s0 =	smax.u32 s0, $0x1;
	s7 =	simm.s32 $0x40  }
0xd: {  	s1 =	sadd.s32 s1, s3;
	s3 =	sadd.s32 $0x2B400, s3;
	s14 =	sadd.s32 s4, s11  }
0xe: {  	s6 =	sadd.s32 s3, s6;
	s15 =	sshrl.u32 s14, $0x3;
	s14 =	sadd.s32 $0xC000, s5  }
0xf: {  	s1 =	sadd.s32 $0x3400, s1;
	[dreg:$0x3] =	wrdreg s6;
	s6 =	sshrl.u32 s12, $0x3  }
0x10: {  	s19 =	sadd.s32 s4, s14;
	s22 =	sadd.s32 s14, s2;
	s6 =	sadd.s32 s3, s6  }
0x11: {  	s20 =	sshrl.u32 s19, $0x3;
	s19 =	sadd.s32 s11, s2;
	[dreg:$0x4] =	wrdreg s6  }
0x12: {  	s6 =	sadd.s32 s3, s13;
	s13 =	sadd.s32 $0xA000, s5;
	s5 =	sadd.s32 $0x12000, s5  }
0x13: {  	[dreg:$0x5] =	wrdreg s6;
	s6 =	sadd.s32 s3, s15;
	s12 =	sadd.s32 s4, s13  }
0x14: {  	s4 =	sadd.s32 s4, s5;
	s15 =	sadd.s32 s26, s2;
	[dreg:$0x6] =	wrdreg s6  }
0x15: {  	s6 =	sshrl.u32 s17, $0x3;
	s18 =	sshrl.u32 s12, $0x3;
	s4 =	sshrl.u32 s4, $0x3  }
0x16: {  	s12 =	simm.s32 $0x0;
	s17 =	sadd.s32 s8, s2;
	s26 =	sadd.s32 $0x2000, s15  }
0x17: {  	s28 =	sadd.s32 $0x4000, s15;
	s29 =	sadd.s32 $0x6000, s15;
	s30 =	sadd.s32 $0x8000, s15  }
0x18: {  	s31 =	sadd.s32 $0xA000, s15;
	s6 =	sadd.s32 s3, s6;
	[smem:$0x7FF] =	sst s12  }
0x19: {  	s8 =	simm.s32 $0x1;
	[dreg:$0x7] =	wrdreg s6;
	s6 =	sadd.s32 s3, s18  }
0x1a: {  	s18 =	sadd.s32 s9, s2;
	[dreg:$0x8] =	wrdreg s6;
	s6 =	sadd.s32 s3, s20  }
0x1b: {  	s9 =	simm.s32 $0x0;
	[dreg:$0x9] =	wrdreg s6;
	s6 =	sshrl.u32 s21, $0x3  }
0x1c: {  	s20 =	sadd.s32 s16, s2;
	s21 =	sadd.s32 s13, s2;
	s6 =	sadd.s32 s3, s6  }
0x1d: {  	[dreg:$0xa] =	wrdreg s6;
	s6 =	sadd.s32 s3, s25;
	s3 =	sadd.s32 s3, s4  }
0x1e: {  	s25 =	sadd.s32 s5, s2;
	s4 =	sadd.s32 $0x12000, s15;
	[dreg:$0xb] =	wrdreg s6  }
0x1f: {  	s5 =	simm.s32 $0x2;
	[dreg:$0xc] =	wrdreg s3;
	s3 =	sadd.s32 $0x10000, s15  }
0x20: {  	s6 =	simm.s32 $0xA000;
	_ =	strace $0x80000047;
	[dreg:$0xd] =	wrdreg s1  }
0x21: {  	v0 =	vimm.f32 $0.0e+00;
	v1 =	vimm.f32 $1.000000000e+00;
	[dreg:$0xe] =	wrdreg s0;
	s1 =	sadd.s32 $0xC000, s15;
	s0 =	sadd.s32 $0xE000, s15  }
.LBB2_1:
0x22: {  	s10 =	rddreg [dreg:$0xd]  }
0x23: {  	[tilespmem:s12], [sflag:$0x2] =	stream.linear.gather [hbm4b:s10+s12], $0xA000, $0x38;
	[tilespmem:$0xE800] =	vst v63  }
0x24: {  	_ =	swait.ge [sflag:s5], $0xA000  }
0x25: {  	[sflag:s5] =	ssyncset.done $0x0  }
0x26: {  	s11 =	simm.s32 $0x0;
	s10 =	simm.s32 $0x200;
	[sflag:s5] =	ssyncadd.s32 $0xFFFF6000  }
.LBB2_2:
0x27: {  	p0 =	sne.s32 s10, $0x7E00;
	[tilespmem:s11+$0xA000] =	vst v0;
	s11 =	smov.u32 s10;
	s10 =	sadd.s32 $0x200, s10  }
.Ltmp0:
0x28: {  	(pc) =	sbr.rel @p0 .LBB2_2-.Ltmp0, $2  }
0x29: {  	_ =	sdelay $0x2  }
0x2a: {  	s11 =	sshra.s32 s11, $0x2  }
0x2b: {  	[tilespmem:s11+$0xA000] =	vst v0  }
0x2c: {  	[spmem:s15] =	stream.linear.scatter [tilespmem:s6], [sflag:$0x2], $0x2000, $0x38;
	[tilespmem:$0xE800] =	vst v63  }
0x2d: {  	_ =	swait.ge [sflag:s5], $0x2000  }
0x2e: {  	[sflag:s5] =	ssyncset.done $0x0  }
0x2f: {  	[sflag:s5] =	ssyncadd.s32 $0xFFFFE000  }
0x30: {  	[spmem:s26] =	stream.linear.scatter [tilespmem:s6], [sflag:$0x2], $0x2000, $0x38;
	[tilespmem:$0xE800] =	vst v63  }
0x31: {  	_ =	swait.ge [sflag:s5], $0x2000  }
0x32: {  	[sflag:s5] =	ssyncset.done $0x0  }
0x33: {  	[sflag:s5] =	ssyncadd.s32 $0xFFFFE000  }
0x34: {  	[spmem:s28] =	stream.linear.scatter [tilespmem:s6], [sflag:$0x2], $0x2000, $0x38;
	[tilespmem:$0xE800] =	vst v63  }
0x35: {  	_ =	swait.ge [sflag:s5], $0x2000  }
0x36: {  	[sflag:s5] =	ssyncset.done $0x0  }
0x37: {  	[sflag:s5] =	ssyncadd.s32 $0xFFFFE000  }
0x38: {  	[spmem:s29] =	stream.linear.scatter [tilespmem:s6], [sflag:$0x2], $0x2000, $0x38;
	[tilespmem:$0xE800] =	vst v63  }
0x39: {  	_ =	swait.ge [sflag:s5], $0x2000  }
0x3a: {  	[sflag:s5] =	ssyncset.done $0x0  }
0x3b: {  	[sflag:s5] =	ssyncadd.s32 $0xFFFFE000  }
0x3c: {  	[spmem:s30] =	stream.linear.scatter [tilespmem:s6], [sflag:$0x2], $0x2000, $0x38;
	[tilespmem:$0xE800] =	vst v63  }
0x3d: {  	_ =	swait.ge [sflag:s5], $0x2000  }
0x3e: {  	[sflag:s5] =	ssyncset.done $0x0  }
0x3f: {  	[sflag:s5] =	ssyncadd.s32 $0xFFFFE000  }
0x40: {  	[spmem:s31] =	stream.linear.scatter [tilespmem:s6], [sflag:$0x2], $0x2000, $0x38;
	[tilespmem:$0xE800] =	vst v63  }
0x41: {  	_ =	swait.ge [sflag:s5], $0x2000  }
0x42: {  	[sflag:s5] =	ssyncset.done $0x0  }
0x43: {  	[sflag:s5] =	ssyncadd.s32 $0xFFFFE000  }
0x44: {  	[spmem:s1] =	stream.linear.scatter [tilespmem:s6], [sflag:$0x2], $0x2000, $0x38;
	[tilespmem:$0xE800] =	vst v63  }
0x45: {  	_ =	swait.ge [sflag:s5], $0x2000  }
0x46: {  	[sflag:s5] =	ssyncset.done $0x0  }
0x47: {  	[sflag:s5] =	ssyncadd.s32 $0xFFFFE000  }
0x48: {  	[spmem:s0] =	stream.linear.scatter [tilespmem:s6], [sflag:$0x2], $0x2000, $0x38;
	[tilespmem:$0xE800] =	vst v63  }
0x49: {  	_ =	swait.ge [sflag:s5], $0x2000  }
0x4a: {  	[sflag:s5] =	ssyncset.done $0x0  }
0x4b: {  	[sflag:s5] =	ssyncadd.s32 $0xFFFFE000  }
0x4c: {  	[spmem:s3] =	stream.linear.scatter [tilespmem:s6], [sflag:$0x2], $0x2000, $0x38;
	[tilespmem:$0xE800] =	vst v63  }
0x4d: {  	_ =	swait.ge [sflag:s5], $0x2000  }
0x4e: {  	[sflag:s5] =	ssyncset.done $0x0  }
0x4f: {  	[sflag:s5] =	ssyncadd.s32 $0xFFFFE000  }
0x50: {  	[spmem:s4] =	stream.linear.scatter [tilespmem:s6], [sflag:$0x2], $0x2000, $0x38;
	[tilespmem:$0xE800] =	vst v63  }
0x51: {  	_ =	swait.ge [sflag:s5], $0x2000  }
0x52: {  	[sflag:s5] =	ssyncset.done $0x0  }
0x53: {  	[sflag:s5] =	ssyncadd.s32 $0xFFFFE000  }
0x54: {  	s10 =	simm.s32 $0x200;
	s11 =	simm.s32 $0x0;
	[bflag:$0x0] =	sbarrier.arrive $0xFFFF  }
.LBB2_4:
0x55: {  	p0 =	sne.s32 s10, $0x7E00;
	[tilespmem:s11+$0xA000] =	vst v1;
	s11 =	smov.u32 s10;
	s10 =	sadd.s32 $0x200, s10  }
.Ltmp1:
0x56: {  	(pc) =	sbr.rel @p0 .LBB2_4-.Ltmp1, $2  }
0x57: {  	_ =	sdelay $0x2  }
0x58: {  	s11 =	sshra.s32 s11, $0x2  }
0x59: {  	[tilespmem:s11+$0xA000] =	vst v1;
	s10 =	simm.s32 $0x80  }
0x5a: {  	[spmem:s2] =	stream.indirect.scatter.add.f32 [tilespmem:s6], [sflag:$0x1], $0x10, s10, s7, $0xb8;
	[tilespmem:$0xE800] =	vst v63  }
0x5b: {  	s13 =	simm.s32 $0x180  }
0x5c: {  	[spmem:s2] =	stream.indirect.scatter.add.f32 [tilespmem:s6], [sflag:$0x1], $0x10, s13, s7, $0xb8;
	[tilespmem:$0xE800] =	vst v63  }
0x5d: {  	s14 =	simm.s32 $0x280  }
0x5e: {  	[spmem:s2] =	stream.indirect.scatter.add.f32 [tilespmem:s6], [sflag:$0x1], $0x10, s14, s7, $0xb8;
	[tilespmem:$0xE800] =	vst v63  }
0x5f: {  	s16 =	simm.s32 $0x380  }
0x60: {  	[spmem:s2] =	stream.indirect.scatter.add.f32 [tilespmem:s6], [sflag:$0x1], $0x10, s16, s7, $0xb8;
	[tilespmem:$0xE800] =	vst v63  }
0x61: {  	s11 =	simm.s32 $0x480  }
0x62: {  	[spmem:s2] =	stream.indirect.scatter.add.f32 [tilespmem:s6], [sflag:$0x1], $0x10, s11, s7, $0xb8;
	[tilespmem:$0xE800] =	vst v63  }
0x63: {  	s13 =	simm.s32 $0x580  }
0x64: {  	[spmem:s2] =	stream.indirect.scatter.add.f32 [tilespmem:s6], [sflag:$0x1], $0x10, s13, s7, $0xb8;
	[tilespmem:$0xE800] =	vst v63  }
0x65: {  	s14 =	simm.s32 $0x680  }
0x66: {  	[spmem:s2] =	stream.indirect.scatter.add.f32 [tilespmem:s6], [sflag:$0x1], $0x10, s14, s7, $0xb8;
	[tilespmem:$0xE800] =	vst v63  }
0x67: {  	s16 =	simm.s32 $0x780  }
0x68: {  	[spmem:s2] =	stream.indirect.scatter.add.f32 [tilespmem:s6], [sflag:$0x1], $0x10, s16, s7, $0xb8;
	[tilespmem:$0xE800] =	vst v63  }
0x69: {  	_ =	swait.ge [sflag:s8], $0x400  }
0x6a: {  	[sflag:s8] =	ssyncset.done $0x0  }
0x6b: {  	[sflag:s8] =	ssyncadd.s32 $0xFFFFFC00  }
0x6c: {  	_ =	swait.ge [sflag:s8], $0x400  }
0x6d: {  	[sflag:s8] =	ssyncset.done $0x0  }
0x6e: {  	[sflag:s8] =	ssyncadd.s32 $0xFFFFFC00  }
0x6f: {  	_ =	swait.ge [sflag:s8], $0x400  }
0x70: {  	[sflag:s8] =	ssyncset.done $0x0  }
0x71: {  	[sflag:s8] =	ssyncadd.s32 $0xFFFFFC00  }
0x72: {  	_ =	swait.ge [sflag:s8], $0x400  }
0x73: {  	[sflag:s8] =	ssyncset.done $0x0  }
0x74: {  	[sflag:s8] =	ssyncadd.s32 $0xFFFFFC00  }
0x75: {  	_ =	swait.ge [sflag:s8], $0x400  }
0x76: {  	[sflag:s8] =	ssyncset.done $0x0  }
0x77: {  	[sflag:s8] =	ssyncadd.s32 $0xFFFFFC00  }
0x78: {  	_ =	swait.ge [sflag:s8], $0x400  }
0x79: {  	[sflag:s8] =	ssyncset.done $0x0  }
0x7a: {  	[sflag:s8] =	ssyncadd.s32 $0xFFFFFC00  }
0x7b: {  	_ =	swait.ge [sflag:s8], $0x400  }
0x7c: {  	[sflag:s8] =	ssyncset.done $0x0  }
0x7d: {  	[sflag:s8] =	ssyncadd.s32 $0xFFFFFC00  }
0x7e: {  	_ =	swait.ge [sflag:s8], $0x400  }
0x7f: {  	s10 =	simm.s32 $0x4000;
	s13 =	simm.s32 $0x800;
	[sflag:s8] =	ssyncset.done $0x0  }
.LBB2_6:
0x80: {  	s16 =	sadd.s32 $0x80, s13  }
0x81: {  	[sflag:s8] =	ssyncadd.s32 $0xFFFFFC00;
	s11 =	smov.u32 s10;
	s14 =	sadd.s32 $0x2000, s10  }
0x82: {  	[spmem:s2] =	stream.indirect.scatter.add.f32 [tilespmem:s6], [sflag:$0x1], $0x10, s16, s7, $0xb8;
	[tilespmem:$0xE800] =	vst v63  }
0x83: {  	p0 =	sne.s32 s10, $0x26000;
	s10 =	sadd.s32 $0x180, s13  }
0x84: {  	[spmem:s2] =	stream.indirect.scatter.add.f32 [tilespmem:s6], [sflag:$0x1], $0x10, s10, s7, $0xb8;
	[tilespmem:$0xE800] =	vst v63  }
0x85: {  	s10 =	sadd.s32 $0x280, s13  }
0x86: {  	[spmem:s2] =	stream.indirect.scatter.add.f32 [tilespmem:s6], [sflag:$0x1], $0x10, s10, s7, $0xb8;
	[tilespmem:$0xE800] =	vst v63  }
0x87: {  	s10 =	sadd.s32 $0x380, s13  }
0x88: {  	[spmem:s2] =	stream.indirect.scatter.add.f32 [tilespmem:s6], [sflag:$0x1], $0x10, s10, s7, $0xb8;
	[tilespmem:$0xE800] =	vst v63  }
0x89: {  	s10 =	sadd.s32 $0x480, s13  }
0x8a: {  	[spmem:s2] =	stream.indirect.scatter.add.f32 [tilespmem:s6], [sflag:$0x1], $0x10, s10, s7, $0xb8;
	[tilespmem:$0xE800] =	vst v63  }
0x8b: {  	s10 =	sadd.s32 $0x580, s13  }
0x8c: {  	[spmem:s2] =	stream.indirect.scatter.add.f32 [tilespmem:s6], [sflag:$0x1], $0x10, s10, s7, $0xb8;
	[tilespmem:$0xE800] =	vst v63  }
0x8d: {  	s10 =	sadd.s32 $0x680, s13  }
0x8e: {  	[spmem:s2] =	stream.indirect.scatter.add.f32 [tilespmem:s6], [sflag:$0x1], $0x10, s10, s7, $0xb8;
	[tilespmem:$0xE800] =	vst v63  }
0x8f: {  	s10 =	sadd.s32 $0x780, s13  }
0x90: {  	[spmem:s2] =	stream.indirect.scatter.add.f32 [tilespmem:s6], [sflag:$0x1], $0x10, s10, s7, $0xb8;
	[tilespmem:$0xE800] =	vst v63  }
0x91: {  	_ =	swait.ge [sflag:s8], $0x400  }
0x92: {  	[sflag:s8] =	ssyncset.done $0x0  }
0x93: {  	[sflag:s8] =	ssyncadd.s32 $0xFFFFFC00  }
0x94: {  	_ =	swait.ge [sflag:s8], $0x400  }
0x95: {  	[sflag:s8] =	ssyncset.done $0x0  }
0x96: {  	[sflag:s8] =	ssyncadd.s32 $0xFFFFFC00  }
0x97: {  	_ =	swait.ge [sflag:s8], $0x400  }
0x98: {  	[sflag:s8] =	ssyncset.done $0x0  }
0x99: {  	[sflag:s8] =	ssyncadd.s32 $0xFFFFFC00  }
0x9a: {  	_ =	swait.ge [sflag:s8], $0x400  }
0x9b: {  	[sflag:s8] =	ssyncset.done $0x0  }
0x9c: {  	[sflag:s8] =	ssyncadd.s32 $0xFFFFFC00  }
0x9d: {  	_ =	swait.ge [sflag:s8], $0x400  }
0x9e: {  	[sflag:s8] =	ssyncset.done $0x0  }
0x9f: {  	[sflag:s8] =	ssyncadd.s32 $0xFFFFFC00  }
0xa0: {  	_ =	swait.ge [sflag:s8], $0x400  }
0xa1: {  	[sflag:s8] =	ssyncset.done $0x0  }
0xa2: {  	[sflag:s8] =	ssyncadd.s32 $0xFFFFFC00  }
.Ltmp2:
0xa3: {  	_ =	swait.ge [sflag:s8], $0x400;
	(pc) =	sbr.rel @p0 .LBB2_6-.Ltmp2, $4  }
0xa4: {  	[sflag:s8] =	ssyncset.done $0x0  }
0xa5: {  	[sflag:s8] =	ssyncadd.s32 $0xFFFFFC00  }
0xa6: {  	_ =	swait.ge [sflag:s8], $0x400  }
0xa7: {  	s13 =	sshra.s32 s11, $0x2;
	s10 =	smov.u32 s14;
	[sflag:s8] =	ssyncset.done $0x0  }
0xa8: {  	s10 =	sadd.s32 $0x80, s13;
	[sflag:s8] =	ssyncadd.s32 $0xFFFFFC00  }
0xa9: {  	[spmem:s2] =	stream.indirect.scatter.add.f32 [tilespmem:s6], [sflag:$0x1], $0x10, s10, s7, $0xb8;
	[tilespmem:$0xE800] =	vst v63  }
0xaa: {  	s11 =	sadd.s32 $0x180, s13  }
0xab: {  	[spmem:s2] =	stream.indirect.scatter.add.f32 [tilespmem:s6], [sflag:$0x1], $0x10, s11, s7, $0xb8;
	[tilespmem:$0xE800] =	vst v63  }
0xac: {  	s14 =	sadd.s32 $0x280, s13  }
0xad: {  	[spmem:s2] =	stream.indirect.scatter.add.f32 [tilespmem:s6], [sflag:$0x1], $0x10, s14, s7, $0xb8;
	[tilespmem:$0xE800] =	vst v63  }
0xae: {  	s16 =	sadd.s32 $0x380, s13  }
0xaf: {  	[spmem:s2] =	stream.indirect.scatter.add.f32 [tilespmem:s6], [sflag:$0x1], $0x10, s16, s7, $0xb8;
	[tilespmem:$0xE800] =	vst v63  }
0xb0: {  	s11 =	sadd.s32 $0x480, s13  }
0xb1: {  	[spmem:s2] =	stream.indirect.scatter.add.f32 [tilespmem:s6], [sflag:$0x1], $0x10, s11, s7, $0xb8;
	[tilespmem:$0xE800] =	vst v63  }
0xb2: {  	s14 =	sadd.s32 $0x580, s13  }
0xb3: {  	[spmem:s2] =	stream.indirect.scatter.add.f32 [tilespmem:s6], [sflag:$0x1], $0x10, s14, s7, $0xb8;
	[tilespmem:$0xE800] =	vst v63  }
0xb4: {  	s16 =	sadd.s32 $0x680, s13  }
0xb5: {  	[spmem:s2] =	stream.indirect.scatter.add.f32 [tilespmem:s6], [sflag:$0x1], $0x10, s16, s7, $0xb8;
	[tilespmem:$0xE800] =	vst v63  }
0xb6: {  	s11 =	sadd.s32 $0x780, s13  }
0xb7: {  	[spmem:s2] =	stream.indirect.scatter.add.f32 [tilespmem:s6], [sflag:$0x1], $0x10, s11, s7, $0xb8;
	[tilespmem:$0xE800] =	vst v63  }
0xb8: {  	_ =	swait.ge [sflag:s8], $0x400  }
0xb9: {  	[sflag:s8] =	ssyncset.done $0x0  }
0xba: {  	[sflag:s8] =	ssyncadd.s32 $0xFFFFFC00  }
0xbb: {  	_ =	swait.ge [sflag:s8], $0x400  }
0xbc: {  	[sflag:s8] =	ssyncset.done $0x0  }
0xbd: {  	[sflag:s8] =	ssyncadd.s32 $0xFFFFFC00  }
0xbe: {  	_ =	swait.ge [sflag:s8], $0x400  }
0xbf: {  	[sflag:s8] =	ssyncset.done $0x0  }
0xc0: {  	[sflag:s8] =	ssyncadd.s32 $0xFFFFFC00  }
0xc1: {  	_ =	swait.ge [sflag:s8], $0x400  }
0xc2: {  	[sflag:s8] =	ssyncset.done $0x0  }
0xc3: {  	[sflag:s8] =	ssyncadd.s32 $0xFFFFFC00  }
0xc4: {  	_ =	swait.ge [sflag:s8], $0x400  }
0xc5: {  	[sflag:s8] =	ssyncset.done $0x0  }
0xc6: {  	[sflag:s8] =	ssyncadd.s32 $0xFFFFFC00  }
0xc7: {  	_ =	swait.ge [sflag:s8], $0x400  }
0xc8: {  	[sflag:s8] =	ssyncset.done $0x0  }
0xc9: {  	[sflag:s8] =	ssyncadd.s32 $0xFFFFFC00  }
0xca: {  	_ =	swait.ge [sflag:s8], $0x400  }
0xcb: {  	[sflag:s8] =	ssyncset.done $0x0  }
0xcc: {  	[sflag:s8] =	ssyncadd.s32 $0xFFFFFC00  }
0xcd: {  	_ =	swait.ge [sflag:s8], $0x400  }
0xce: {  	[sflag:s8] =	ssyncset.done $0x0  }
0xcf: {  	[sflag:s8] =	ssyncadd.s32 $0xFFFFFC00  }
0xd0: {  	[bflag:$0x0] =	sbarrier.arrive $0xFFFF  }
0xd1: {  	[tilespmem:s6], [sflag:$0x2] =	stream.linear.gather [spmem:s15], $0x2000, $0x38;
	[tilespmem:$0xE800] =	vst v63  }
0xd2: {  	_ =	swait.ge [sflag:s5], $0x2000  }
0xd3: {  	[sflag:s5] =	ssyncset.done $0x0  }
0xd4: {  	s13 =	rddreg [dreg:$0x3];
	[sflag:s5] =	ssyncadd.s32 $0xFFFFE000  }
0xd5: {  	[hbm4b:s13+s12] =	stream.linear.scatter [tilespmem:s6], [sflag:$0x2], $0x2000, $0x38;
	[tilespmem:$0xE800] =	vst v63  }
0xd6: {  	_ =	swait.ge [sflag:s5], $0x2000  }
0xd7: {  	[sflag:s5] =	ssyncset.done $0x0  }
0xd8: {  	[sflag:s5] =	ssyncadd.s32 $0xFFFFE000  }
0xd9: {  	[tilespmem:s6], [sflag:$0x2] =	stream.linear.gather [spmem:s17], $0x2000, $0x38;
	[tilespmem:$0xE800] =	vst v63  }
0xda: {  	_ =	swait.ge [sflag:s5], $0x2000  }
0xdb: {  	[sflag:s5] =	ssyncset.done $0x0  }
0xdc: {  	s14 =	rddreg [dreg:$0x4];
	[sflag:s5] =	ssyncadd.s32 $0xFFFFE000  }
0xdd: {  	[hbm4b:s14+s12] =	stream.linear.scatter [tilespmem:s6], [sflag:$0x2], $0x2000, $0x38;
	[tilespmem:$0xE800] =	vst v63  }
0xde: {  	_ =	swait.ge [sflag:s5], $0x2000  }
0xdf: {  	[sflag:s5] =	ssyncset.done $0x0  }
0xe0: {  	[sflag:s5] =	ssyncadd.s32 $0xFFFFE000  }
0xe1: {  	[tilespmem:s6], [sflag:$0x2] =	stream.linear.gather [spmem:s18], $0x2000, $0x38;
	[tilespmem:$0xE800] =	vst v63  }
0xe2: {  	_ =	swait.ge [sflag:s5], $0x2000  }
0xe3: {  	[sflag:s5] =	ssyncset.done $0x0  }
0xe4: {  	s16 =	rddreg [dreg:$0x5];
	[sflag:s5] =	ssyncadd.s32 $0xFFFFE000  }
0xe5: {  	[hbm4b:s16+s12] =	stream.linear.scatter [tilespmem:s6], [sflag:$0x2], $0x2000, $0x38;
	[tilespmem:$0xE800] =	vst v63  }
0xe6: {  	_ =	swait.ge [sflag:s5], $0x2000  }
0xe7: {  	[sflag:s5] =	ssyncset.done $0x0  }
0xe8: {  	[sflag:s5] =	ssyncadd.s32 $0xFFFFE000  }
0xe9: {  	[tilespmem:s6], [sflag:$0x2] =	stream.linear.gather [spmem:s19], $0x2000, $0x38;
	[tilespmem:$0xE800] =	vst v63  }
0xea: {  	_ =	swait.ge [sflag:s5], $0x2000  }
0xeb: {  	[sflag:s5] =	ssyncset.done $0x0  }
0xec: {  	s11 =	rddreg [dreg:$0x6];
	[sflag:s5] =	ssyncadd.s32 $0xFFFFE000  }
0xed: {  	[hbm4b:s11+s12] =	stream.linear.scatter [tilespmem:s6], [sflag:$0x2], $0x2000, $0x38;
	[tilespmem:$0xE800] =	vst v63  }
0xee: {  	_ =	swait.ge [sflag:s5], $0x2000  }
0xef: {  	[sflag:s5] =	ssyncset.done $0x0  }
0xf0: {  	[sflag:s5] =	ssyncadd.s32 $0xFFFFE000  }
0xf1: {  	[tilespmem:s6], [sflag:$0x2] =	stream.linear.gather [spmem:s20], $0x2000, $0x38;
	[tilespmem:$0xE800] =	vst v63  }
0xf2: {  	_ =	swait.ge [sflag:s5], $0x2000  }
0xf3: {  	[sflag:s5] =	ssyncset.done $0x0  }
0xf4: {  	s13 =	rddreg [dreg:$0x7];
	[sflag:s5] =	ssyncadd.s32 $0xFFFFE000  }
0xf5: {  	[hbm4b:s13+s12] =	stream.linear.scatter [tilespmem:s6], [sflag:$0x2], $0x2000, $0x38;
	[tilespmem:$0xE800] =	vst v63  }
0xf6: {  	_ =	swait.ge [sflag:s5], $0x2000  }
0xf7: {  	[sflag:s5] =	ssyncset.done $0x0  }
0xf8: {  	[sflag:s5] =	ssyncadd.s32 $0xFFFFE000  }
0xf9: {  	[tilespmem:s6], [sflag:$0x2] =	stream.linear.gather [spmem:s21], $0x2000, $0x38;
	[tilespmem:$0xE800] =	vst v63  }
0xfa: {  	_ =	swait.ge [sflag:s5], $0x2000  }
0xfb: {  	[sflag:s5] =	ssyncset.done $0x0  }
0xfc: {  	s14 =	rddreg [dreg:$0x8];
	[sflag:s5] =	ssyncadd.s32 $0xFFFFE000  }
0xfd: {  	[hbm4b:s14+s12] =	stream.linear.scatter [tilespmem:s6], [sflag:$0x2], $0x2000, $0x38;
	[tilespmem:$0xE800] =	vst v63  }
0xfe: {  	_ =	swait.ge [sflag:s5], $0x2000  }
0xff: {  	[sflag:s5] =	ssyncset.done $0x0  }
0x100: {  	[sflag:s5] =	ssyncadd.s32 $0xFFFFE000  }
0x101: {  	[tilespmem:s6], [sflag:$0x2] =	stream.linear.gather [spmem:s22], $0x2000, $0x38;
	[tilespmem:$0xE800] =	vst v63  }
0x102: {  	_ =	swait.ge [sflag:s5], $0x2000  }
0x103: {  	[sflag:s5] =	ssyncset.done $0x0  }
0x104: {  	s16 =	rddreg [dreg:$0x9];
	[sflag:s5] =	ssyncadd.s32 $0xFFFFE000  }
0x105: {  	[hbm4b:s16+s12] =	stream.linear.scatter [tilespmem:s6], [sflag:$0x2], $0x2000, $0x38;
	[tilespmem:$0xE800] =	vst v63  }
0x106: {  	_ =	swait.ge [sflag:s5], $0x2000  }
0x107: {  	[sflag:s5] =	ssyncset.done $0x0  }
0x108: {  	[sflag:s5] =	ssyncadd.s32 $0xFFFFE000  }
0x109: {  	[tilespmem:s6], [sflag:$0x2] =	stream.linear.gather [spmem:s23], $0x2000, $0x38;
	[tilespmem:$0xE800] =	vst v63  }
0x10a: {  	_ =	swait.ge [sflag:s5], $0x2000  }
0x10b: {  	[sflag:s5] =	ssyncset.done $0x0  }
0x10c: {  	s11 =	rddreg [dreg:$0xa];
	[sflag:s5] =	ssyncadd.s32 $0xFFFFE000  }
0x10d: {  	[hbm4b:s11+s12] =	stream.linear.scatter [tilespmem:s6], [sflag:$0x2], $0x2000, $0x38;
	[tilespmem:$0xE800] =	vst v63  }
0x10e: {  	_ =	swait.ge [sflag:s5], $0x2000  }
0x10f: {  	[sflag:s5] =	ssyncset.done $0x0  }
0x110: {  	[sflag:s5] =	ssyncadd.s32 $0xFFFFE000  }
0x111: {  	[tilespmem:s6], [sflag:$0x2] =	stream.linear.gather [spmem:s24], $0x2000, $0x38;
	[tilespmem:$0xE800] =	vst v63  }
0x112: {  	_ =	swait.ge [sflag:s5], $0x2000  }
0x113: {  	[sflag:s5] =	ssyncset.done $0x0  }
0x114: {  	s13 =	rddreg [dreg:$0xb];
	[sflag:s5] =	ssyncadd.s32 $0xFFFFE000  }
0x115: {  	[hbm4b:s13+s12] =	stream.linear.scatter [tilespmem:s6], [sflag:$0x2], $0x2000, $0x38;
	[tilespmem:$0xE800] =	vst v63  }
0x116: {  	_ =	swait.ge [sflag:s5], $0x2000  }
0x117: {  	[sflag:s5] =	ssyncset.done $0x0  }
0x118: {  	[sflag:s5] =	ssyncadd.s32 $0xFFFFE000  }
0x119: {  	[tilespmem:s6], [sflag:$0x2] =	stream.linear.gather [spmem:s25], $0x2000, $0x38;
	[tilespmem:$0xE800] =	vst v63  }
0x11a: {  	_ =	swait.ge [sflag:s5], $0x2000  }
0x11b: {  	[sflag:s5] =	ssyncset.done $0x0  }
0x11c: {  	s14 =	rddreg [dreg:$0xc];
	[sflag:s5] =	ssyncadd.s32 $0xFFFFE000  }
0x11d: {  	[hbm4b:s14+s12] =	stream.linear.scatter [tilespmem:s6], [sflag:$0x2], $0x2000, $0x38;
	[tilespmem:$0xE800] =	vst v63  }
0x11e: {  	_ =	swait.ge [sflag:s5], $0x2000  }
0x11f: {  	s9 =	sadd.s32 $0x1, s9;
	s16 =	rddreg [dreg:$0xe]  }
0x120: {  	p0 =	sne.s32 s9, s16  }
.Ltmp3:
0x121: {  	_ = 	snop;
	(pc) =	sbr.rel @p0 .LBB2_1-.Ltmp3, $3  }
0x122: {  	_ =	sdelay $0x1  }
0x123: {  	[sflag:s5] =	ssyncset.done $0x0  }
0x124: {  	[sflag:s5] =	ssyncadd.s32 $0xFFFFE000  }
0x125: {  	_ =	sfence.sel $0x180000  }
0x126: {  	[bflag:$0x0] =	sbarrier.arrive $0xFFFF  }
0x127: {  	_ =	strace $0x90000047  }
0x128: {  	s0 =	stileid.u32;
	[bflag:$0x2] =	sbarrier.arrive $0xFFFF  }
0x129: {  	p0 =	sne.s32 s0, $0x0;
	s0 =	rddreg [dreg:$0x2]  }
0x12a: {  	s0 =	sadd.s32 @!p0 $0x100000, s0  }
0x12b: {  	[sflag:s0] =	ssyncadd.tile.s32 @!p0 $0x1;
	_ =	shalt  }
.Lfunc_end2:
_tile_overlayer_lowered:
.L_overlay_start_2:
0x12c: {  	(tag) =	ssettag $0x2  }
0x12d: {  	s0 =	rddreg [dreg:$0x0];
	s2 =	stileid.u32  }
0x12e: {  	s1 =	rddreg [dreg:$0x1];
	p0 =	sne.s32 s2, $0x0  }
0x12f: {  	s3 =	rddreg [dreg:$0x2];
	[bflag:$0x3] =	sbarrier.arrive $0xFFFF;
	s2 =	simm.s32 @!p0 $0x1C02  }
0x130: {  	[timem:s3], [sflag:s2] =	dma.local @!p0 [hbm:s0], s1  }
0x131: {  	s0 =	simm.s32 @!p0 $0x2  }
0x132: {  	_ =	swait.ge @!p0 [sflag:s0], s1  }
0x133: {  	s1 =	ssub.s32 @!p0 $0x0, s1;
	[sflag:s0] =	ssyncset.done @!p0 $0x0  }
0x134: {  	[sflag:s0] =	ssyncadd.s32 @!p0 s1  }
0x135: {  	[bflag:$0x3] =	sbarrier.arrive $0xFFFF  }
0x136: {  	_ =	shalt  }

// kernel: kernel.13.cloned.1.call-start
scs
__scs_entry_jumppad:
0x0: {  	(pc) =	sbr.rel $0x88, $3  }
0x1: {  	(tag) =	ssettag $0x0;
	lr =	simm.s32 $0x1  }
0x2: {  	[smem:$0x3F94] =	sst lr;
	_ =	strace $0xD0000000  }
0x3: {  	_ = 	snop  }
0x4: {  	_ = 	snop  }
0x5: {  	_ = 	snop  }
0x6: {  	_ = 	snop  }
0x7: {  	_ = 	snop  }
__scs_overlays_trampoline_lowered:
0x8: {  	[smem:$0x3FA3] =	sst s0  }
0x9: {  	[smem:$0x3FA4] =	sst s1  }
0xa: {  	[smem:$0x3FA5] =	sst s2  }
0xb: {  	[smem:$0x3FA6] =	sst s3  }
0xc: {  	[smem:$0x3FA7] =	sst s4  }
0xd: {  	[smem:$0x3FA8] =	sst s5  }
0xe: {  	[smem:$0x3FA9] =	sst s6  }
0xf: {  	[smem:$0x3FAA] =	sst s7  }
0x10: {  	[smem:$0x3FAB] =	sst s8  }
0x11: {  	[smem:$0x3FAC] =	sst s9;
	s0 =	simm.s32 @!p0 $0x0  }
0x12: {  	s1 =	sld [smem:$0x3F92];
	s0 =	simm.s32 @p0 $0x1  }
0x13: {  	[smem:$0x3FAD] =	sst s0;
	s0 =	simm.s32 @!p1 $0x0  }
0x14: {  	s2 =	sld [smem:$0x3F91];
	s0 =	simm.s32 @p1 $0x1  }
0x15: {  	[smem:$0x3FAE] =	sst s0;
	s0 =	simm.s32 @!p2 $0x0  }
0x16: {  	s3 =	sld [smem:$0x3FDB];
	s0 =	simm.s32 @p2 $0x1  }
0x17: {  	s4 =	simm.s32 $0x1BF5;
	[smem:$0x3FB0] =	sst s0  }
0x18: {  	s0 =	sld [smem:$0x3F93];
	_ =	swait.ge [sflag:s4], $0x0  }
0x19: {  	s7 =	sld [smem:$0x3F94]  }
0x1a: {  	s8 =	sadd.s32 $0xFFFFE003, lr  }
0x1b: {  	s9 =	sadd.s32 $0xFFFFFEF7, lr;
	s5 =	simm.s32 $0xFFFFFFFF;
	p2 =	slt.u32 s8, $0xFFFFF086  }
0x1c: {  	p1 =	slt.u32 s9, $0xF7A;
	s5 =	simm.s32 @!p2 $0x0  }
0x1d: {  	s5 =	simm.s32 @p1 $0x1;
	p0 =	seq.s32 s7, s2  }
0x1e: {  	s7 =	smul.u32 @!p0 $0xF7A, s2;
	p2 =	seq.s32 @!p0 s5, $0x0  }
0x1f: {  	s9 =	smul.u32 $0xF7A, s1;
	s8 =	simm.s32 @!p0 $0x1BF5;
	p2 =	por !p2, p0  }
0x20: {  	[sflag:s8] =	ssyncset.s32 @!p0 $0xFFFFF086;
	s6 =	sadd.s32 @!p0 s3, s7;
	s7 =	simm.s32 @!p0 $0x108  }
0x21: {  	s3 =	sadd.s32 s3, s9;
	s6 =	sadd.s32 @!p0 $0x88, s6;
	s7 =	simm.s32 @p2 $0x1082  }
0x22: {  	[simem:s7], [sflag:s8] =	dma.local @!p0 [hbm:s6], $0xF7A  }
0x23: {  	s9 =	sor.u32 $0xD0000000, s2;
	s6 =	simm.s32 $0x108;
	_ =	swait.ge @!p0 [sflag:s8], $0x0  }
0x24: {  	s3 =	sadd.s32 $0x88, s3;
	s6 =	simm.s32 @!p1 $0x1082;
	[sflag:s4] =	ssyncset.s32 $0xFFFFF086  }
0x25: {  	[simem:s6], [sflag:s4] =	dma.local [hbm:s3], $0xF7A  }
0x26: {  	[smem:$0x3F94] =	sst s1;
	(tag) =	ssettag s2;
	_ =	strace s9  }
0x27: {  	s1 =	sld [smem:$0x3FA4]  }
0x28: {  	s2 =	sld [smem:$0x3FA5]  }
0x29: {  	s4 =	sld [smem:$0x3FA7]  }
0x2a: {  	p0 =	seq.s32 s5, $0x0;
	s5 =	sld [smem:$0x3FA8]  }
0x2b: {  	s6 =	sld [smem:$0x3FA9]  }
0x2c: {  	s7 =	sld [smem:$0x3FAA]  }
0x2d: {  	s3 =	simm.s32 $0x108;
	s8 =	sld [smem:$0x3FAB]  }
0x2e: {  	s3 =	simm.s32 @!p0 $0x1082;
	s9 =	sld [smem:$0x3FAC]  }
0x2f: {  	lr =	sadd.s32 s0, s3;
	s0 =	sld [smem:$0x3FA3]  }
0x30: {  	s3 =	sld [smem:$0x3FA6]  }
0x31: {  	[smem:$0x3FAF] =	sst s10  }
0x32: {  	s10 =	sld [smem:$0x3FAD];
	_ =	sdelay $0x3  }
0x33: {  	p0 =	seq.s32 s10, $0x1;
	s10 =	sld [smem:$0x3FAF];
	_ =	sdelay $0x3  }
0x34: {  	[smem:$0x3FAF] =	sst s10  }
0x35: {  	s10 =	sld [smem:$0x3FAE];
	_ =	sdelay $0x3  }
0x36: {  	p1 =	seq.s32 s10, $0x1;
	s10 =	sld [smem:$0x3FAF];
	_ =	sdelay $0x3  }
0x37: {  	[smem:$0x3FAF] =	sst s10  }
0x38: {  	s10 =	sld [smem:$0x3FB0]  }
0x39: {  	_ = 	snop;
	(pc) =	sbr.ind lr, $3  }
0x3a: {  	_ = 	snop  }
0x3b: {  	_ = 	snop  }
0x3c: {  	p2 =	seq.s32 s10, $0x1;
	s10 =	sld [smem:$0x3FAF]  }
0x3d: {  	_ =	shalt  }
0x3e: {  	_ =	shalt  }
0x3f: {  	_ =	shalt  }
0x40: {  	_ =	shalt  }
0x41: {  	_ =	shalt  }
0x42: {  	_ =	shalt  }
0x43: {  	_ =	shalt  }
0x44: {  	_ =	shalt  }
0x45: {  	_ =	shalt  }
0x46: {  	_ =	shalt  }
0x47: {  	_ =	shalt  }
0x48: {  	_ =	shalt  }
0x49: {  	_ =	shalt  }
0x4a: {  	_ =	shalt  }
0x4b: {  	_ =	shalt  }
0x4c: {  	_ =	shalt  }
0x4d: {  	_ =	shalt  }
0x4e: {  	_ =	shalt  }
0x4f: {  	_ =	shalt  }
0x50: {  	_ =	shalt  }
0x51: {  	_ =	shalt  }
0x52: {  	_ =	shalt  }
0x53: {  	_ =	shalt  }
0x54: {  	_ =	shalt  }
0x55: {  	_ =	shalt  }
0x56: {  	_ =	shalt  }
0x57: {  	_ =	shalt  }
0x58: {  	_ =	shalt  }
0x59: {  	_ =	shalt  }
0x5a: {  	_ =	shalt  }
0x5b: {  	_ =	shalt  }
0x5c: {  	_ =	shalt  }
0x5d: {  	_ =	shalt  }
0x5e: {  	_ =	shalt  }
0x5f: {  	_ =	shalt  }
0x60: {  	_ =	shalt  }
0x61: {  	_ =	shalt  }
0x62: {  	_ =	shalt  }
0x63: {  	_ =	shalt  }
0x64: {  	_ =	shalt  }
0x65: {  	_ =	shalt  }
0x66: {  	_ =	shalt  }
0x67: {  	_ =	shalt  }
0x68: {  	_ =	shalt  }
0x69: {  	_ =	shalt  }
0x6a: {  	_ =	shalt  }
0x6b: {  	_ =	shalt  }
0x6c: {  	_ =	shalt  }
0x6d: {  	_ =	shalt  }
0x6e: {  	_ =	shalt  }
0x6f: {  	_ =	shalt  }
0x70: {  	_ =	shalt  }
0x71: {  	_ =	shalt  }
0x72: {  	_ =	shalt  }
0x73: {  	_ =	shalt  }
0x74: {  	_ =	shalt  }
0x75: {  	_ =	shalt  }
0x76: {  	_ =	shalt  }
0x77: {  	_ =	shalt  }
0x78: {  	_ =	shalt  }
0x79: {  	_ =	shalt  }
0x7a: {  	_ =	shalt  }
0x7b: {  	_ =	shalt  }
0x7c: {  	_ =	shalt  }
0x7d: {  	_ =	shalt  }
0x7e: {  	_ =	shalt  }
0x7f: {  	_ =	shalt  }
0x80: {  	_ =	shalt  }
0x81: {  	_ =	shalt  }
0x82: {  	_ =	shalt  }
0x83: {  	_ =	shalt  }
0x84: {  	_ =	shalt  }
0x85: {  	_ =	shalt  }
0x86: {  	_ =	shalt  }
0x87: {  	_ =	shalt  }
.Lfunc_end0:
.L_simem_size_0:
called_computation.1_lowered:
.L_overlay_start_0:
0x88: {  	s2 =	sld [smem:$0x3FD9]  }
0x89: {  	s3 =	sld [smem:$0x3FFE];
	_ =	sdelay $0x1  }
0x8a: {  	s1 =	srdreg.scid  }
0x8b: {  	s0 =	sand.u32 $0x1, s1  }
0x8c: {  	s16 =	sshll.u32 s0, $0xA;
	s2 =	sadd.s32 s3, s2  }
0x8d: {  	s2 =	sadd.s32 s2, s16  }
0x8e: {  	[smem:$0x3FBB] =	sst s2  }
0x8f: {  	_ = 	snop  }
0x90: {  	(tm) =	ssettm $0x1  }
0x91: {  	s17 =	sld [smem:$0x3FFB];
	_ =	sdelay $0x3  }
0x92: {  	_ =	strace s17  }
0x93: {  	s2 =	sld [smem:$0x3FFC];
	_ =	sdelay $0x3  }
0x94: {  	_ =	strace s2  }
0x95: {  	s2 =	sld [smem:$0x3FFD];
	_ =	sdelay $0x3  }
0x96: {  	_ =	strace s2  }
0x97: {  	_ =	strace $0x8FFFFFFF  }
0x98: {  	s18 =	sld [smem:$0x3FDB];
	_ =	sdelay $0x1  }
0x99: {  	s19 =	simm.s32 $_scs_section_size  }
0x9a: {  	s4 =	simm.s32 $_size__tile_overlayer_lowered;
	s5 =	simm.s32 $_tile_overlayer_lowered  }
0x9b: {  	s22 =	simm.s32 $0x1BFF;
	s21 =	sshll.u32 s5, $0x1;
	s2 =	sadd.s32 s19, s18  }
0x9c: {  	s6 =	simm.s32 $0x0;
	s20 =	sshll.u32 s4, $0x1;
	s4 =	sadd.s32 s21, s2  }
0x9d: {  	[timem:s6], [sflag:s22] =	dma.local [hbm:s4], s20  }
0x9e: {  	_ =	swait.ge [sflag:s22], s20  }
0x9f: {  	s3 =	ssub.s32 $0x0, s20;
	[sflag:s22] =	ssyncset.done $0x0  }
0xa0: {  	[sflag:s22] =	ssyncadd.s32 s3;
	_ =	sdelay $0x1  }
0xa1: {  	s23 =	simm.s32 $0x1B8B  }
0xa2: {  	_ =	swait.ge [sflag:s23], $0x1  }
0xa3: {  	[sflag:s23] =	ssyncset.done $0x0  }
0xa4: {  	s25 =	simm.s32 $0x1B8E;
	s24 =	sld [smem:$0x3FFE];
	[sflag:s23] =	ssyncadd.s32 $0xFFFFFFFF  }
0xa5: {  	s26 =	simm.s32 $execute0_lowered;
	[smem:$0x3FD2] =	sst s25  }
0xa6: {  	s4 =	sshll.u32 s26, $0x1;
	_ =	strace $0x80000049;
	[dreg:$0x1] =	wrdreg $0xFFFFFFFF  }
0xa7: {  	s28 =	simm.s32 $_size_execute0_lowered;
	s2 =	sadd.s32 s2, s4;
	[dreg:$0x0] =	wrdreg $0x0  }
0xa8: {  	s4 =	sshll.u32 s28, $0x1;
	[dreg:$0x2] =	wrdreg s2  }
0xa9: {  	[dreg:$0x3] =	wrdreg s4  }
0xaa: {  	[dreg:$0x4] =	wrdreg $0xC0  }
0xab: {  	_ =	task [dreg:s6], $0x5FFFF  }
0xac: {  	[dreg:$0x1] =	wrdreg $0xFFFFFFFF  }
0xad: {  	[dreg:$0x0] =	wrdreg $0x60  }
0xae: {  	[dreg:$0x2] =	wrdreg s24  }
0xaf: {  	[dreg:$0x3] =	wrdreg $0x88000  }
0xb0: {  	[dreg:$0x4] =	wrdreg $0x9  }
0xb1: {  	_ =	task.clear_ibuf [dreg:s6], $0x5FFFF;
	_ =	strace $0x90000049  }
0xb2: {  	s29 =	simm.s32 $0x9;
	_ =	strace $0x8000004B  }
0xb3: {  	_ =	swait.ge [sflag:s29], $0x1  }
0xb4: {  	[sflag:s29] =	ssyncadd.s32 $0xFFFFFFFF  }
0xb5: {  	_ =	strace $0x9000004B  }
0xb6: {  	_ =	sfence  }
0xb7: {  	s30 =	sld [smem:$0x0];
	_ =	sdelay $0x2  }
0xb8: {  	s31 =	sshll.u32 s1, $0xD;
	s1 =	sshrl.u32 s1, $0x2  }
0xb9: {  	s3 =	sand.u32 $0x4000, s31;
	s1 =	sadd.s32 s1, s30  }
0xba: {  	s0 =	sor.u32 s3, s0;
	s1 =	sshll.u32 s1, $0x11  }
0xbb: {  	s0 =	sor.u32 s1, s0  }
0xbc: {  	s0 =	sadd.s32 $0x8F2B, s0  }
0xbd: {  	[sflag:s0] =	ssyncadd.remote.s32 $0x1  }
0xbe: {  	_ =	sfence.sel $0xFFFF  }
0xbf: {  	[dreg:$0x0] =	wrdreg $0xFFFFFFFF;
	(pc) =	sbr.abs _section_cstart, $3  }
0xc0: {  	[dreg:$0x1] =	wrdreg $0xFFFFFFFF  }
0xc1: {  	_ =	task.clear_ibuf [dreg:s6], $0x2FFFF;
	_ =	strace $0x9FFFFFFF  }
0xc2: {  	(tm) =	ssettm $0x7FFFFFFF  }
0xc3: {  	_ =	shalt  }
tec
execute0_lowered:
.L_overlay_start_1:
0x0: {  	(tag) =	ssettag $0x1  }
0x1: {  	s0 =	srdreg.scid;
	s1 =	rddreg [dreg:$0x0]  }
0x2: {  	s9 =	stileid.u32;
	s2 =	rddreg [dreg:$0x1]  }
0x3: {  	s3 =	simm.s32 $0x0;
	s19 =	simm.s32 $0x4800;
	s20 =	simm.s32 $0x7  }
0x4: {  	s21 =	simm.s32 $0x40;
	s28 =	simm.s32 $0x5;
	s5 =	smul.u32 $0xA000, s9  }
0x5: {  	s29 =	simm.s32 $0x3;
	s30 =	simm.s32 $0x6;
	s6 =	smul.u32 $0x50000, s9  }
0x6: {  	s31 =	simm.s32 $0x0;
	s0 =	sand.u32 $0x1, s0;
	s24 =	smul.u32 $0x14000, s9  }
0x7: {  	[smem:$0x7FF] =	sst s3;
	s4 =	smul.u32 $0xA0000, s0;
	s22 =	ssub.s32 $0x2, s0  }
0x8: {  	_ =	strace $0x8000004A;
	s0 =	smul.u32 $0x140000, s0;
	s7 =	sshrl.u32 s22, $0x1  }
0x9: {  	s6 =	sshrl.u32 s6, $0x2;
	s4 =	sadd.s32 s5, s4;
	s7 =	ssub.s32 s22, s7  }
0xa: {  	s0 =	sadd.s32 s24, s0;
	s22 =	simm.s32 $0x2800;
	s24 =	simm.s32 $0x1  }
0xb: {  	s5 =	sshrl.u32 s4, $0x3;
	s4 =	sadd.s32 $0x2B400, s1;
	s23 =	smax.u32 s7, $0x1  }
0xc: {  	s16 =	sshrl.u32 s0, $0x3;
	s8 =	sadd.s32 s5, s1;
	s1 =	sadd.s32 $0x53400, s1  }
0xd: {  	s5 =	sadd.s32 s6, s2;
	[dreg:$0x3] =	wrdreg s23;
	s6 =	sor.u32 $0x2000, s0  }
0xe: {  	s23 =	simm.s32 $0x6800;
	s7 =	sadd.s32 $0x2000, s5;
	s25 =	sadd.s32 $0x4000, s5  }
0xf: {  	s26 =	sadd.s32 $0x6000, s5;
	s10 =	sadd.s32 $0x8000, s5;
	s11 =	sadd.s32 $0xA000, s5  }
0x10: {  	s12 =	sadd.s32 $0xC000, s5;
	s13 =	sadd.s32 $0xE000, s5;
	s14 =	sadd.s32 $0x10000, s5  }
0x11: {  	s15 =	sadd.s32 $0x12000, s5;
	s6 =	sshrl.u32 s6, $0x3;
	[dreg:$0x4] =	wrdreg s25  }
0x12: {  	s0 =	sadd.s32 $0x3400, s8;
	s17 =	sadd.s32 s16, s1;
	[dreg:$0x5] =	wrdreg s26  }
0x13: {  	v0 =	vimm.f32 $0.0e+00;
	s18 =	sadd.s32 s6, s1;
	s25 =	simm.s32 $0x4;
	s26 =	simm.s32 $0x2  }
.LBB2_1:
0x14: {  	s1 =	simm.s32 $0x0;
	s6 =	simm.s32 $0x200  }
.LBB2_2:
0x15: {  	p0 =	sne.s32 s6, $0x7E00;
	[tilespmem:s1+$0x4870] =	vst v0  }
0x16: {  	[tilespmem:s1+$0x4800] =	vst v0  }
0x17: {  	[tilespmem:s1+$0x4810] =	vst v0  }
.Ltmp0:
0x18: {  	[tilespmem:s1+$0x4820] =	vst v0;
	(pc) =	sbr.rel @p0 .LBB2_2-.Ltmp0, $4  }
0x19: {  	[tilespmem:s1+$0x4830] =	vst v0  }
0x1a: {  	[tilespmem:s1+$0x4840] =	vst v0  }
0x1b: {  	[tilespmem:s1+$0x4850] =	vst v0  }
0x1c: {  	[tilespmem:s1+$0x4860] =	vst v0;
	s1 =	sshra.s32 s6, $0x2;
	s6 =	sadd.s32 $0x200, s6  }
0x1d: {  	[tilespmem:s1+$0x4870] =	vst v0  }
0x1e: {  	[tilespmem:s1+$0x4800] =	vst v0  }
0x1f: {  	[tilespmem:s1+$0x4810] =	vst v0  }
0x20: {  	[tilespmem:s1+$0x4820] =	vst v0  }
0x21: {  	[tilespmem:s1+$0x4830] =	vst v0  }
0x22: {  	[tilespmem:s1+$0x4840] =	vst v0  }
0x23: {  	[tilespmem:s1+$0x4850] =	vst v0  }
0x24: {  	[tilespmem:s1+$0x4860] =	vst v0  }
0x25: {  	[spmem:s5] =	stream.linear.scatter [tilespmem:s19], [sflag:$0x7], $0x2000, $0x38;
	[tilespmem:$0x1C800] =	vst v63  }
0x26: {  	_ =	swait.ge [sflag:s20], $0x2000  }
0x27: {  	[sflag:s20] =	ssyncset.done $0x0  }
0x28: {  	[sflag:s20] =	ssyncadd.s32 $0xFFFFE000  }
0x29: {  	[spmem:s7] =	stream.linear.scatter [tilespmem:s19], [sflag:$0x7], $0x2000, $0x38;
	[tilespmem:$0x1C800] =	vst v63  }
0x2a: {  	_ =	swait.ge [sflag:s20], $0x2000  }
0x2b: {  	[sflag:s20] =	ssyncset.done $0x0  }
0x2c: {  	s6 =	rddreg [dreg:$0x4];
	[sflag:s20] =	ssyncadd.s32 $0xFFFFE000  }
0x2d: {  	[spmem:s6] =	stream.linear.scatter [tilespmem:s19], [sflag:$0x7], $0x2000, $0x38;
	[tilespmem:$0x1C800] =	vst v63  }
0x2e: {  	_ =	swait.ge [sflag:s20], $0x2000  }
0x2f: {  	[sflag:s20] =	ssyncset.done $0x0  }
0x30: {  	s8 =	rddreg [dreg:$0x5];
	[sflag:s20] =	ssyncadd.s32 $0xFFFFE000  }
0x31: {  	[spmem:s8] =	stream.linear.scatter [tilespmem:s19], [sflag:$0x7], $0x2000, $0x38;
	[tilespmem:$0x1C800] =	vst v63  }
0x32: {  	_ =	swait.ge [sflag:s20], $0x2000  }
0x33: {  	[sflag:s20] =	ssyncset.done $0x0  }
0x34: {  	[sflag:s20] =	ssyncadd.s32 $0xFFFFE000  }
0x35: {  	[spmem:s10] =	stream.linear.scatter [tilespmem:s19], [sflag:$0x7], $0x2000, $0x38;
	[tilespmem:$0x1C800] =	vst v63  }
0x36: {  	_ =	swait.ge [sflag:s20], $0x2000  }
0x37: {  	[sflag:s20] =	ssyncset.done $0x0  }
0x38: {  	[sflag:s20] =	ssyncadd.s32 $0xFFFFE000  }
0x39: {  	[spmem:s11] =	stream.linear.scatter [tilespmem:s19], [sflag:$0x7], $0x2000, $0x38;
	[tilespmem:$0x1C800] =	vst v63  }
0x3a: {  	_ =	swait.ge [sflag:s20], $0x2000  }
0x3b: {  	[sflag:s20] =	ssyncset.done $0x0  }
0x3c: {  	[sflag:s20] =	ssyncadd.s32 $0xFFFFE000  }
0x3d: {  	[spmem:s12] =	stream.linear.scatter [tilespmem:s19], [sflag:$0x7], $0x2000, $0x38;
	[tilespmem:$0x1C800] =	vst v63  }
0x3e: {  	_ =	swait.ge [sflag:s20], $0x2000  }
0x3f: {  	[sflag:s20] =	ssyncset.done $0x0  }
0x40: {  	[sflag:s20] =	ssyncadd.s32 $0xFFFFE000  }
0x41: {  	[spmem:s13] =	stream.linear.scatter [tilespmem:s19], [sflag:$0x7], $0x2000, $0x38;
	[tilespmem:$0x1C800] =	vst v63  }
0x42: {  	_ =	swait.ge [sflag:s20], $0x2000  }
0x43: {  	s9 =	simm.s32 $0x0;
	[sflag:s20] =	ssyncset.done $0x0  }
0x44: {  	s1 =	smul.u32 $0xCD, s9;
	[sflag:s20] =	ssyncadd.s32 $0xFFFFE000  }
0x45: {  	[spmem:s14] =	stream.linear.scatter [tilespmem:s19], [sflag:$0x7], $0x2000, $0x38;
	[tilespmem:$0x1C800] =	vst v63  }
0x46: {  	s1 =	sshrl.u32 s1, $0xA;
	_ =	swait.ge [sflag:s20], $0x2000  }
0x47: {  	s1 =	sand.u32 $0x3F, s1;
	[sflag:s20] =	ssyncset.done $0x0  }
0x48: {  	s1 =	smul.u32 $0x5, s1;
	[sflag:s20] =	ssyncadd.s32 $0xFFFFE000  }
0x49: {  	[spmem:s15] =	stream.linear.scatter [tilespmem:s19], [sflag:$0x7], $0x2000, $0x38;
	[tilespmem:$0x1C800] =	vst v63  }
0x4a: {  	s1 =	ssub.s32 $0x0, s1;
	_ =	swait.ge [sflag:s20], $0x2000  }
0x4b: {  	s1 =	sand.u32 $0xFF, s1;
	[sflag:s20] =	ssyncset.done $0x0  }
0x4c: {  	p0 =	sne.s32 s1, $0x0;
	[sflag:s20] =	ssyncadd.s32 $0xFFFFE000  }
0x4d: {  	s6 =	simm.s32 @!p0 $0x0;
	s8 =	simm.s32 @!p0 $0x7;
	[bflag:$0x0] =	sbarrier.arrive $0xFFFF  }
0x4e: {  	[tilespmem:s6], [sflag:$0x7] =	stream.linear.gather @!p0 [hbm4b:s0+s6], $0x2800, $0x38;
	[tilespmem:$0x1C800] =	vst v63  }
0x4f: {  	_ =	swait.ge @!p0 [sflag:s8], $0x2800  }
0x50: {  	[sflag:s8] =	ssyncset.done @!p0 $0x0  }
0x51: {  	s6 =	sshll.u32 s1, $0xB;
	[sflag:s8] =	ssyncadd.s32 @!p0 $0xFFFFD800  }
0x52: {  	[tilespmem:s22], [sflag:$0x1] =	stream.indirect.gather [hbm4b:s4+s21], $0x80, s6, s21, $0xb8;
	[tilespmem:$0x1C800] =	vst v63  }
0x53: {  	s1 =	sor.u32 $0x100, s6  }
0x54: {  	[tilespmem:s19], [sflag:$0x2] =	stream.indirect.gather [hbm4b:s4+s21], $0x80, s1, s21, $0xb8;
	[tilespmem:$0x1C800] =	vst v63  }
0x55: {  	s16 =	sor.u32 $0x200, s6  }
0x56: {  	[tilespmem:s23], [sflag:$0x3] =	stream.indirect.gather [hbm4b:s4+s21], $0x80, s16, s21, $0xb8;
	[tilespmem:$0x1C800] =	vst v63  }
0x57: {  	_ =	swait.ge [sflag:s24], $0x2000  }
0x58: {  	[sflag:s24] =	ssyncset.done $0x0  }
0x59: {  	s8 =	sor.u32 $0x80, s6;
	[sflag:s24] =	ssyncadd.s32 $0xFFFFE000  }
0x5a: {  	[spmem:s2] =	stream.indirect.scatter.add.f32 [tilespmem:s22], [sflag:$0x4], $0x80, s8, s21, $0xb8;
	[tilespmem:$0x1C800] =	vst v63  }
0x5b: {  	_ =	swait.ge [sflag:s25], $0x2000  }
0x5c: {  	[sflag:s25] =	ssyncset.done $0x0  }
0x5d: {  	s9 =	sor.u32 $0x300, s6;
	[sflag:s25] =	ssyncadd.s32 $0xFFFFE000  }
0x5e: {  	[tilespmem:s22], [sflag:$0x1] =	stream.indirect.gather [hbm4b:s4+s21], $0x80, s9, s21, $0xb8;
	[tilespmem:$0x1C800] =	vst v63  }
0x5f: {  	_ =	swait.ge [sflag:s26], $0x2000  }
0x60: {  	[sflag:s26] =	ssyncset.done $0x0  }
0x61: {  	s16 =	sor.u32 $0x180, s6;
	[sflag:s26] =	ssyncadd.s32 $0xFFFFE000  }
0x62: {  	[spmem:s2] =	stream.indirect.scatter.add.f32 [tilespmem:s19], [sflag:$0x5], $0x80, s16, s21, $0xb8;
	[tilespmem:$0x1C800] =	vst v63  }
0x63: {  	_ =	swait.ge [sflag:s28], $0x2000  }
0x64: {  	[sflag:s28] =	ssyncset.done $0x0  }
0x65: {  	s8 =	sor.u32 $0x400, s6;
	[sflag:s28] =	ssyncadd.s32 $0xFFFFE000  }
0x66: {  	[tilespmem:s19], [sflag:$0x2] =	stream.indirect.gather [hbm4b:s4+s21], $0x80, s8, s21, $0xb8;
	[tilespmem:$0x1C800] =	vst v63  }
0x67: {  	_ =	swait.ge [sflag:s29], $0x2000  }
0x68: {  	[sflag:s29] =	ssyncset.done $0x0  }
0x69: {  	s9 =	sor.u32 $0x280, s6;
	[sflag:s29] =	ssyncadd.s32 $0xFFFFE000  }
0x6a: {  	[spmem:s2] =	stream.indirect.scatter.add.f32 [tilespmem:s23], [sflag:$0x6], $0x80, s9, s21, $0xb8;
	[tilespmem:$0x1C800] =	vst v63  }
0x6b: {  	_ =	swait.ge [sflag:s30], $0x2000  }
0x6c: {  	[sflag:s30] =	ssyncset.done $0x0  }
0x6d: {  	s16 =	sor.u32 $0x500, s6;
	[sflag:s30] =	ssyncadd.s32 $0xFFFFE000  }
0x6e: {  	[tilespmem:s23], [sflag:$0x3] =	stream.indirect.gather [hbm4b:s4+s21], $0x80, s16, s21, $0xb8;
	[tilespmem:$0x1C800] =	vst v63  }
0x6f: {  	_ =	swait.ge [sflag:s24], $0x2000  }
0x70: {  	[sflag:s24] =	ssyncset.done $0x0  }
0x71: {  	s8 =	sor.u32 $0x380, s6;
	[sflag:s24] =	ssyncadd.s32 $0xFFFFE000  }
0x72: {  	[spmem:s2] =	stream.indirect.scatter.add.f32 [tilespmem:s22], [sflag:$0x4], $0x80, s8, s21, $0xb8;
	[tilespmem:$0x1C800] =	vst v63  }
0x73: {  	_ =	swait.ge [sflag:s25], $0x2000  }
0x74: {  	[sflag:s25] =	ssyncset.done $0x0  }
0x75: {  	s9 =	sor.u32 $0x600, s6;
	[sflag:s25] =	ssyncadd.s32 $0xFFFFE000  }
0x76: {  	[tilespmem:s22], [sflag:$0x1] =	stream.indirect.gather [hbm4b:s4+s21], $0x80, s9, s21, $0xb8;
	[tilespmem:$0x1C800] =	vst v63  }
0x77: {  	_ =	swait.ge [sflag:s26], $0x2000  }
0x78: {  	[sflag:s26] =	ssyncset.done $0x0  }
0x79: {  	s16 =	sor.u32 $0x480, s6;
	[sflag:s26] =	ssyncadd.s32 $0xFFFFE000  }
0x7a: {  	[spmem:s2] =	stream.indirect.scatter.add.f32 [tilespmem:s19], [sflag:$0x5], $0x80, s16, s21, $0xb8;
	[tilespmem:$0x1C800] =	vst v63  }
0x7b: {  	_ =	swait.ge [sflag:s28], $0x2000  }
0x7c: {  	[sflag:s28] =	ssyncset.done $0x0  }
0x7d: {  	s8 =	sor.u32 $0x700, s6;
	[sflag:s28] =	ssyncadd.s32 $0xFFFFE000  }
0x7e: {  	[tilespmem:s19], [sflag:$0x2] =	stream.indirect.gather [hbm4b:s4+s21], $0x80, s8, s21, $0xb8;
	[tilespmem:$0x1C800] =	vst v63  }
0x7f: {  	_ =	swait.ge [sflag:s29], $0x2000  }
0x80: {  	[sflag:s29] =	ssyncset.done $0x0  }
0x81: {  	s9 =	sor.u32 $0x580, s6;
	[sflag:s29] =	ssyncadd.s32 $0xFFFFE000  }
0x82: {  	[spmem:s2] =	stream.indirect.scatter.add.f32 [tilespmem:s23], [sflag:$0x6], $0x80, s9, s21, $0xb8;
	[tilespmem:$0x1C800] =	vst v63  }
0x83: {  	_ =	swait.ge [sflag:s24], $0x2000  }
0x84: {  	[sflag:s24] =	ssyncset.done $0x0  }
0x85: {  	s16 =	sor.u32 $0x680, s6;
	[sflag:s24] =	ssyncadd.s32 $0xFFFFE000  }
0x86: {  	[spmem:s2] =	stream.indirect.scatter.add.f32 [tilespmem:s22], [sflag:$0x4], $0x80, s16, s21, $0xb8;
	[tilespmem:$0x1C800] =	vst v63  }
0x87: {  	s1 =	simm.s32 $0x1;
	_ =	swait.ge [sflag:s26], $0x2000  }
0x88: {  	s6 =	sor.u32 $0x780, s6;
	s16 =	smov.u32 s0;
	[sflag:s26] =	ssyncset.done $0x0  }
.LBB2_4:
0x89: {  	s8 =	smul.u32 $0xCD, s1  }
0x8a: {  	[sflag:s26] =	ssyncadd.s32 $0xFFFFE000;
	s9 =	smov.u32 s1;
	s1 =	sadd.s32 $0x1, s1  }
0x8b: {  	[spmem:s2] =	stream.indirect.scatter.add.f32 [tilespmem:s19], [sflag:$0x5], $0x80, s6, s21, $0xb8;
	[tilespmem:$0x1C800] =	vst v63  }
0x8c: {  	p0 =	sne.s32 s1, $0x14;
	s6 =	sshrl.u32 s8, $0xA;
	_ =	swait.ge [sflag:s30], $0x2000  }
0x8d: {  	[sflag:s30] =	ssyncset.done $0x0  }
0x8e: {  	s6 =	sand.u32 $0x3F, s6;
	[sflag:s30] =	ssyncadd.s32 $0xFFFFE000  }
0x8f: {  	s6 =	smul.u32 $0x5, s6;
	_ =	swait.ge [sflag:s25], $0x2000  }
0x90: {  	[sflag:s25] =	ssyncset.done $0x0  }
0x91: {  	s6 =	ssub.s32 s9, s6;
	[sflag:s25] =	ssyncadd.s32 $0xFFFFE000  }
0x92: {  	s6 =	sand.u32 $0xFF, s6;
	_ =	swait.ge [sflag:s28], $0x2000  }
0x93: {  	s16 =	sadd.s32 $0x100, s16;
	p1 =	sne.s32 s6, $0x0;
	[sflag:s28] =	ssyncset.done $0x0  }
0x94: {  	s8 =	simm.s32 @!p1 $0x0;
	s9 =	simm.s32 @!p1 $0x7;
	[sflag:s28] =	ssyncadd.s32 $0xFFFFE000  }
0x95: {  	[tilespmem:s8], [sflag:$0x7] =	stream.linear.gather @!p1 [hbm4b:s16+s8], $0x2800, $0x38;
	[tilespmem:$0x1C800] =	vst v63  }
0x96: {  	_ =	swait.ge @!p1 [sflag:s9], $0x2800  }
0x97: {  	[sflag:s9] =	ssyncset.done @!p1 $0x0  }
0x98: {  	s8 =	sshll.u32 s6, $0xB;
	[sflag:s9] =	ssyncadd.s32 @!p1 $0xFFFFD800  }
0x99: {  	[tilespmem:s22], [sflag:$0x1] =	stream.indirect.gather [hbm4b:s4+s21], $0x80, s8, s21, $0xb8;
	[tilespmem:$0x1C800] =	vst v63  }
0x9a: {  	s6 =	sor.u32 $0x780, s8;
	s9 =	sor.u32 $0x100, s8  }
0x9b: {  	[tilespmem:s19], [sflag:$0x2] =	stream.indirect.gather [hbm4b:s4+s21], $0x80, s9, s21, $0xb8;
	[tilespmem:$0x1C800] =	vst v63  }
0x9c: {  	s9 =	sor.u32 $0x200, s8  }
0x9d: {  	[tilespmem:s23], [sflag:$0x3] =	stream.indirect.gather [hbm4b:s4+s21], $0x80, s9, s21, $0xb8;
	[tilespmem:$0x1C800] =	vst v63  }
0x9e: {  	_ =	swait.ge [sflag:s24], $0x2000  }
0x9f: {  	[sflag:s24] =	ssyncset.done $0x0  }
0xa0: {  	s9 =	sor.u32 $0x80, s8;
	[sflag:s24] =	ssyncadd.s32 $0xFFFFE000  }
0xa1: {  	[spmem:s2] =	stream.indirect.scatter.add.f32 [tilespmem:s22], [sflag:$0x4], $0x80, s9, s21, $0xb8;
	[tilespmem:$0x1C800] =	vst v63  }
0xa2: {  	_ =	swait.ge [sflag:s25], $0x2000  }
0xa3: {  	[sflag:s25] =	ssyncset.done $0x0  }
0xa4: {  	s9 =	sor.u32 $0x300, s8;
	[sflag:s25] =	ssyncadd.s32 $0xFFFFE000  }
0xa5: {  	[tilespmem:s22], [sflag:$0x1] =	stream.indirect.gather [hbm4b:s4+s21], $0x80, s9, s21, $0xb8;
	[tilespmem:$0x1C800] =	vst v63  }
0xa6: {  	_ =	swait.ge [sflag:s26], $0x2000  }
0xa7: {  	[sflag:s26] =	ssyncset.done $0x0  }
0xa8: {  	s9 =	sor.u32 $0x180, s8;
	[sflag:s26] =	ssyncadd.s32 $0xFFFFE000  }
0xa9: {  	[spmem:s2] =	stream.indirect.scatter.add.f32 [tilespmem:s19], [sflag:$0x5], $0x80, s9, s21, $0xb8;
	[tilespmem:$0x1C800] =	vst v63  }
0xaa: {  	_ =	swait.ge [sflag:s28], $0x2000  }
0xab: {  	[sflag:s28] =	ssyncset.done $0x0  }
0xac: {  	s9 =	sor.u32 $0x400, s8;
	[sflag:s28] =	ssyncadd.s32 $0xFFFFE000  }
0xad: {  	[tilespmem:s19], [sflag:$0x2] =	stream.indirect.gather [hbm4b:s4+s21], $0x80, s9, s21, $0xb8;
	[tilespmem:$0x1C800] =	vst v63  }
0xae: {  	_ =	swait.ge [sflag:s29], $0x2000  }
0xaf: {  	[sflag:s29] =	ssyncset.done $0x0  }
0xb0: {  	s9 =	sor.u32 $0x280, s8;
	[sflag:s29] =	ssyncadd.s32 $0xFFFFE000  }
0xb1: {  	[spmem:s2] =	stream.indirect.scatter.add.f32 [tilespmem:s23], [sflag:$0x6], $0x80, s9, s21, $0xb8;
	[tilespmem:$0x1C800] =	vst v63  }
0xb2: {  	_ =	swait.ge [sflag:s30], $0x2000  }
0xb3: {  	[sflag:s30] =	ssyncset.done $0x0  }
0xb4: {  	s9 =	sor.u32 $0x500, s8;
	[sflag:s30] =	ssyncadd.s32 $0xFFFFE000  }
0xb5: {  	[tilespmem:s23], [sflag:$0x3] =	stream.indirect.gather [hbm4b:s4+s21], $0x80, s9, s21, $0xb8;
	[tilespmem:$0x1C800] =	vst v63  }
0xb6: {  	_ =	swait.ge [sflag:s24], $0x2000  }
0xb7: {  	[sflag:s24] =	ssyncset.done $0x0  }
0xb8: {  	s9 =	sor.u32 $0x380, s8;
	[sflag:s24] =	ssyncadd.s32 $0xFFFFE000  }
0xb9: {  	[spmem:s2] =	stream.indirect.scatter.add.f32 [tilespmem:s22], [sflag:$0x4], $0x80, s9, s21, $0xb8;
	[tilespmem:$0x1C800] =	vst v63  }
0xba: {  	_ =	swait.ge [sflag:s25], $0x2000  }
0xbb: {  	[sflag:s25] =	ssyncset.done $0x0  }
0xbc: {  	s9 =	sor.u32 $0x600, s8;
	[sflag:s25] =	ssyncadd.s32 $0xFFFFE000  }
0xbd: {  	[tilespmem:s22], [sflag:$0x1] =	stream.indirect.gather [hbm4b:s4+s21], $0x80, s9, s21, $0xb8;
	[tilespmem:$0x1C800] =	vst v63  }
0xbe: {  	_ =	swait.ge [sflag:s26], $0x2000  }
0xbf: {  	[sflag:s26] =	ssyncset.done $0x0  }
0xc0: {  	s9 =	sor.u32 $0x480, s8;
	[sflag:s26] =	ssyncadd.s32 $0xFFFFE000  }
0xc1: {  	[spmem:s2] =	stream.indirect.scatter.add.f32 [tilespmem:s19], [sflag:$0x5], $0x80, s9, s21, $0xb8;
	[tilespmem:$0x1C800] =	vst v63  }
0xc2: {  	_ =	swait.ge [sflag:s28], $0x2000  }
0xc3: {  	[sflag:s28] =	ssyncset.done $0x0  }
0xc4: {  	s9 =	sor.u32 $0x700, s8;
	[sflag:s28] =	ssyncadd.s32 $0xFFFFE000  }
0xc5: {  	[tilespmem:s19], [sflag:$0x2] =	stream.indirect.gather [hbm4b:s4+s21], $0x80, s9, s21, $0xb8;
	[tilespmem:$0x1C800] =	vst v63  }
0xc6: {  	_ =	swait.ge [sflag:s29], $0x2000  }
0xc7: {  	[sflag:s29] =	ssyncset.done $0x0  }
0xc8: {  	s9 =	sor.u32 $0x580, s8;
	[sflag:s29] =	ssyncadd.s32 $0xFFFFE000  }
0xc9: {  	[spmem:s2] =	stream.indirect.scatter.add.f32 [tilespmem:s23], [sflag:$0x6], $0x80, s9, s21, $0xb8;
	[tilespmem:$0x1C800] =	vst v63  }
0xca: {  	_ =	swait.ge [sflag:s24], $0x2000  }
.Ltmp1:
0xcb: {  	[sflag:s24] =	ssyncset.done $0x0;
	(pc) =	sbr.rel @p0 .LBB2_4-.Ltmp1, $4  }
0xcc: {  	s8 =	sor.u32 $0x680, s8;
	[sflag:s24] =	ssyncadd.s32 $0xFFFFE000  }
0xcd: {  	[spmem:s2] =	stream.indirect.scatter.add.f32 [tilespmem:s22], [sflag:$0x4], $0x80, s8, s21, $0xb8;
	[tilespmem:$0x1C800] =	vst v63  }
0xce: {  	_ =	swait.ge [sflag:s26], $0x2000  }
0xcf: {  	[sflag:s26] =	ssyncset.done $0x0  }
0xd0: {  	[sflag:s26] =	ssyncadd.s32 $0xFFFFE000  }
0xd1: {  	[spmem:s2] =	stream.indirect.scatter.add.f32 [tilespmem:s19], [sflag:$0x5], $0x80, s6, s21, $0xb8;
	[tilespmem:$0x1C800] =	vst v63  }
0xd2: {  	_ =	swait.ge [sflag:s30], $0x2000  }
0xd3: {  	[sflag:s30] =	ssyncset.done $0x0  }
0xd4: {  	[sflag:s30] =	ssyncadd.s32 $0xFFFFE000  }
0xd5: {  	_ =	swait.ge [sflag:s25], $0x2000  }
0xd6: {  	[sflag:s25] =	ssyncset.done $0x0  }
0xd7: {  	[sflag:s25] =	ssyncadd.s32 $0xFFFFE000  }
0xd8: {  	_ =	swait.ge [sflag:s28], $0x2000  }
0xd9: {  	[sflag:s28] =	ssyncset.done $0x0  }
0xda: {  	[sflag:s28] =	ssyncadd.s32 $0xFFFFE000  }
0xdb: {  	s1 =	sadd.s32 $0xFFFFE000, s7;
	[bflag:$0x0] =	sbarrier.arrive $0xFFFF  }
0xdc: {  	[tilespmem:s22], [sflag:$0x7] =	stream.linear.gather [spmem:s1], $0x2000, $0x38;
	[tilespmem:$0x1C800] =	vst v63  }
0xdd: {  	_ =	swait.ge [sflag:s20], $0x2000  }
0xde: {  	[sflag:s20] =	ssyncset.done $0x0  }
0xdf: {  	s9 =	sadd.s32 $0x0, s17;
	[sflag:s20] =	ssyncadd.s32 $0xFFFFE000  }
0xe0: {  	[hbm4b:s9+s3] =	stream.linear.scatter [tilespmem:s22], [sflag:$0x1], $0x2000, $0x38;
	[tilespmem:$0x1C800] =	vst v63  }
0xe1: {  	_ = 	snop  }
0xe2: {  	[tilespmem:s19], [sflag:$0x7] =	stream.linear.gather [spmem:s7], $0x2000, $0x38;
	[tilespmem:$0x1C800] =	vst v63  }
0xe3: {  	_ =	swait.ge [sflag:s20], $0x2000  }
0xe4: {  	[sflag:s20] =	ssyncset.done $0x0  }
0xe5: {  	s16 =	sadd.s32 $0x0, s18;
	[sflag:s20] =	ssyncadd.s32 $0xFFFFE000  }
0xe6: {  	[hbm4b:s16+s3] =	stream.linear.scatter [tilespmem:s19], [sflag:$0x2], $0x2000, $0x38;
	[tilespmem:$0x1C800] =	vst v63  }
0xe7: {  	_ =	swait.ge [sflag:s24], $0x2000  }
0xe8: {  	[sflag:s24] =	ssyncset.done $0x0  }
0xe9: {  	[sflag:s24] =	ssyncadd.s32 $0xFFFFE000  }
0xea: {  	s8 =	simm.s32 $0x1000;
	_ =	swait.ge [sflag:s26], $0x2000  }
0xeb: {  	s6 =	sadd.s32 $0x4000, s7;
	s1 =	simm.s32 $0x800;
	[sflag:s26] =	ssyncset.done $0x0  }
.LBB2_6:
0xec: {  	p0 =	sne.s32 s8, $0x2000;
	s9 =	sadd.s32 $0xFFFFE000, s6;
	[sflag:s26] =	ssyncadd.s32 $0xFFFFE000  }
0xed: {  	[tilespmem:s22], [sflag:$0x7] =	stream.linear.gather [spmem:s9], $0x2000, $0x38;
	[tilespmem:$0x1C800] =	vst v63  }
0xee: {  	s9 =	smov.u32 s8;
	s8 =	sadd.s32 $0x800, s8;
	_ =	swait.ge [sflag:s20], $0x2000  }
0xef: {  	[sflag:s20] =	ssyncset.done $0x0  }
0xf0: {  	s16 =	sadd.s32 s1, s17;
	[sflag:s20] =	ssyncadd.s32 $0xFFFFE000  }
0xf1: {  	[hbm4b:s16+s3] =	stream.linear.scatter [tilespmem:s22], [sflag:$0x1], $0x2000, $0x38;
	[tilespmem:$0x1C800] =	vst v63  }
0xf2: {  	_ = 	snop  }
0xf3: {  	[tilespmem:s19], [sflag:$0x7] =	stream.linear.gather [spmem:s6], $0x2000, $0x38;
	[tilespmem:$0x1C800] =	vst v63  }
0xf4: {  	_ =	swait.ge [sflag:s20], $0x2000  }
0xf5: {  	[sflag:s20] =	ssyncset.done $0x0  }
0xf6: {  	s16 =	sadd.s32 s1, s18;
	s1 =	smov.u32 s9;
	[sflag:s20] =	ssyncadd.s32 $0xFFFFE000  }
0xf7: {  	[hbm4b:s16+s3] =	stream.linear.scatter [tilespmem:s19], [sflag:$0x2], $0x2000, $0x38;
	[tilespmem:$0x1C800] =	vst v63  }
.Ltmp2:
0xf8: {  	_ =	swait.ge [sflag:s24], $0x2000;
	(pc) =	sbr.rel @p0 .LBB2_6-.Ltmp2, $4  }
0xf9: {  	[sflag:s24] =	ssyncset.done $0x0  }
0xfa: {  	[sflag:s24] =	ssyncadd.s32 $0xFFFFE000  }
0xfb: {  	_ =	swait.ge [sflag:s26], $0x2000  }
0xfc: {  	s6 =	sadd.s32 $0x4000, s6;
	[sflag:s26] =	ssyncset.done $0x0  }
0xfd: {  	s8 =	sadd.s32 $0xFFFFE000, s6;
	[sflag:s26] =	ssyncadd.s32 $0xFFFFE000  }
0xfe: {  	[tilespmem:s22], [sflag:$0x7] =	stream.linear.gather [spmem:s8], $0x2000, $0x38;
	[tilespmem:$0x1C800] =	vst v63  }
0xff: {  	_ =	swait.ge [sflag:s20], $0x2000  }
0x100: {  	[sflag:s20] =	ssyncset.done $0x0  }
0x101: {  	s16 =	sadd.s32 s1, s17;
	[sflag:s20] =	ssyncadd.s32 $0xFFFFE000  }
0x102: {  	[hbm4b:s16+s3] =	stream.linear.scatter [tilespmem:s22], [sflag:$0x1], $0x2000, $0x38;
	[tilespmem:$0x1C800] =	vst v63  }
0x103: {  	_ = 	snop  }
0x104: {  	[tilespmem:s19], [sflag:$0x7] =	stream.linear.gather [spmem:s6], $0x2000, $0x38;
	[tilespmem:$0x1C800] =	vst v63  }
0x105: {  	_ =	swait.ge [sflag:s20], $0x2000  }
0x106: {  	[sflag:s20] =	ssyncset.done $0x0  }
0x107: {  	s9 =	sadd.s32 s1, s18;
	[sflag:s20] =	ssyncadd.s32 $0xFFFFE000  }
0x108: {  	[hbm4b:s9+s3] =	stream.linear.scatter [tilespmem:s19], [sflag:$0x2], $0x2000, $0x38;
	[tilespmem:$0x1C800] =	vst v63  }
0x109: {  	_ =	swait.ge [sflag:s24], $0x2000  }
0x10a: {  	[sflag:s24] =	ssyncset.done $0x0  }
0x10b: {  	[sflag:s24] =	ssyncadd.s32 $0xFFFFE000  }
0x10c: {  	_ =	swait.ge [sflag:s26], $0x2000  }
0x10d: {  	s31 =	sadd.s32 $0x1, s31;
	s16 =	rddreg [dreg:$0x3]  }
0x10e: {  	p0 =	sne.s32 s31, s16  }
.Ltmp3:
0x10f: {  	_ = 	snop;
	(pc) =	sbr.rel @p0 .LBB2_1-.Ltmp3, $3  }
0x110: {  	_ =	sdelay $0x1  }
0x111: {  	[sflag:s26] =	ssyncset.done $0x0  }
0x112: {  	[sflag:s26] =	ssyncadd.s32 $0xFFFFE000  }
0x113: {  	_ =	sfence.sel $0x180000  }
0x114: {  	[bflag:$0x0] =	sbarrier.arrive $0xFFFF  }
0x115: {  	_ =	strace $0x9000004A  }
0x116: {  	s0 =	stileid.u32;
	[bflag:$0x2] =	sbarrier.arrive $0xFFFF  }
0x117: {  	p0 =	sne.s32 s0, $0x0;
	s0 =	rddreg [dreg:$0x2]  }
0x118: {  	s0 =	sadd.s32 @!p0 $0x100000, s0  }
0x119: {  	[sflag:s0] =	ssyncadd.tile.s32 @!p0 $0x1;
	_ =	shalt  }
.Lfunc_end2:
_tile_overlayer_lowered:
.L_overlay_start_2:
0x11a: {  	(tag) =	ssettag $0x2  }
0x11b: {  	s0 =	rddreg [dreg:$0x0];
	s2 =	stileid.u32  }
0x11c: {  	s1 =	rddreg [dreg:$0x1];
	p0 =	sne.s32 s2, $0x0  }
0x11d: {  	s3 =	rddreg [dreg:$0x2];
	[bflag:$0x3] =	sbarrier.arrive $0xFFFF;
	s2 =	simm.s32 @!p0 $0x1C07  }
0x11e: {  	[timem:s3], [sflag:s2] =	dma.local @!p0 [hbm:s0], s1  }
0x11f: {  	s0 =	simm.s32 @!p0 $0x7  }
0x120: {  	_ =	swait.ge @!p0 [sflag:s0], s1  }
0x121: {  	s1 =	ssub.s32 @!p0 $0x0, s1;
	[sflag:s0] =	ssyncset.done @!p0 $0x0  }
0x122: {  	[sflag:s0] =	ssyncadd.s32 @!p0 s1  }
0x123: {  	[bflag:$0x3] =	sbarrier.arrive $0xFFFF  }
0x124: {  	_ =	shalt  }

// kernel: kernel.16.cloned.1.call-start
scs
__scs_entry_jumppad:
0x0: {  	(pc) =	sbr.rel $0x88, $3  }
0x1: {  	(tag) =	ssettag $0x0;
	lr =	simm.s32 $0x1  }
0x2: {  	[smem:$0x3F94] =	sst lr;
	_ =	strace $0xD0000000  }
0x3: {  	_ = 	snop  }
0x4: {  	_ = 	snop  }
0x5: {  	_ = 	snop  }
0x6: {  	_ = 	snop  }
0x7: {  	_ = 	snop  }
__scs_overlays_trampoline_lowered:
0x8: {  	[smem:$0x3FA3] =	sst s0  }
0x9: {  	[smem:$0x3FA4] =	sst s1  }
0xa: {  	[smem:$0x3FA5] =	sst s2  }
0xb: {  	[smem:$0x3FA6] =	sst s3  }
0xc: {  	[smem:$0x3FA7] =	sst s4  }
0xd: {  	[smem:$0x3FA8] =	sst s5  }
0xe: {  	[smem:$0x3FA9] =	sst s6  }
0xf: {  	[smem:$0x3FAA] =	sst s7  }
0x10: {  	[smem:$0x3FAB] =	sst s8  }
0x11: {  	[smem:$0x3FAC] =	sst s9;
	s0 =	simm.s32 @!p0 $0x0  }
0x12: {  	s1 =	sld [smem:$0x3F92];
	s0 =	simm.s32 @p0 $0x1  }
0x13: {  	[smem:$0x3FAD] =	sst s0;
	s0 =	simm.s32 @!p1 $0x0  }
0x14: {  	s2 =	sld [smem:$0x3F91];
	s0 =	simm.s32 @p1 $0x1  }
0x15: {  	[smem:$0x3FAE] =	sst s0;
	s0 =	simm.s32 @!p2 $0x0  }
0x16: {  	s3 =	sld [smem:$0x3FDB];
	s0 =	simm.s32 @p2 $0x1  }
0x17: {  	s4 =	simm.s32 $0x1BF5;
	[smem:$0x3FB0] =	sst s0  }
0x18: {  	s0 =	sld [smem:$0x3F93];
	_ =	swait.ge [sflag:s4], $0x0  }
0x19: {  	s7 =	sld [smem:$0x3F94]  }
0x1a: {  	s8 =	sadd.s32 $0xFFFFE003, lr  }
0x1b: {  	s9 =	sadd.s32 $0xFFFFFEF7, lr;
	s5 =	simm.s32 $0xFFFFFFFF;
	p2 =	slt.u32 s8, $0xFFFFF086  }
0x1c: {  	p1 =	slt.u32 s9, $0xF7A;
	s5 =	simm.s32 @!p2 $0x0  }
0x1d: {  	s5 =	simm.s32 @p1 $0x1;
	p0 =	seq.s32 s7, s2  }
0x1e: {  	s7 =	smul.u32 @!p0 $0xF7A, s2;
	p2 =	seq.s32 @!p0 s5, $0x0  }
0x1f: {  	s9 =	smul.u32 $0xF7A, s1;
	s8 =	simm.s32 @!p0 $0x1BF5;
	p2 =	por !p2, p0  }
0x20: {  	[sflag:s8] =	ssyncset.s32 @!p0 $0xFFFFF086;
	s6 =	sadd.s32 @!p0 s3, s7;
	s7 =	simm.s32 @!p0 $0x108  }
0x21: {  	s3 =	sadd.s32 s3, s9;
	s6 =	sadd.s32 @!p0 $0x88, s6;
	s7 =	simm.s32 @p2 $0x1082  }
0x22: {  	[simem:s7], [sflag:s8] =	dma.local @!p0 [hbm:s6], $0xF7A  }
0x23: {  	s9 =	sor.u32 $0xD0000000, s2;
	s6 =	simm.s32 $0x108;
	_ =	swait.ge @!p0 [sflag:s8], $0x0  }
0x24: {  	s3 =	sadd.s32 $0x88, s3;
	s6 =	simm.s32 @!p1 $0x1082;
	[sflag:s4] =	ssyncset.s32 $0xFFFFF086  }
0x25: {  	[simem:s6], [sflag:s4] =	dma.local [hbm:s3], $0xF7A  }
0x26: {  	[smem:$0x3F94] =	sst s1;
	(tag) =	ssettag s2;
	_ =	strace s9  }
0x27: {  	s1 =	sld [smem:$0x3FA4]  }
0x28: {  	s2 =	sld [smem:$0x3FA5]  }
0x29: {  	s4 =	sld [smem:$0x3FA7]  }
0x2a: {  	p0 =	seq.s32 s5, $0x0;
	s5 =	sld [smem:$0x3FA8]  }
0x2b: {  	s6 =	sld [smem:$0x3FA9]  }
0x2c: {  	s7 =	sld [smem:$0x3FAA]  }
0x2d: {  	s3 =	simm.s32 $0x108;
	s8 =	sld [smem:$0x3FAB]  }
0x2e: {  	s3 =	simm.s32 @!p0 $0x1082;
	s9 =	sld [smem:$0x3FAC]  }
0x2f: {  	lr =	sadd.s32 s0, s3;
	s0 =	sld [smem:$0x3FA3]  }
0x30: {  	s3 =	sld [smem:$0x3FA6]  }
0x31: {  	[smem:$0x3FAF] =	sst s10  }
0x32: {  	s10 =	sld [smem:$0x3FAD];
	_ =	sdelay $0x3  }
0x33: {  	p0 =	seq.s32 s10, $0x1;
	s10 =	sld [smem:$0x3FAF];
	_ =	sdelay $0x3  }
0x34: {  	[smem:$0x3FAF] =	sst s10  }
0x35: {  	s10 =	sld [smem:$0x3FAE];
	_ =	sdelay $0x3  }
0x36: {  	p1 =	seq.s32 s10, $0x1;
	s10 =	sld [smem:$0x3FAF];
	_ =	sdelay $0x3  }
0x37: {  	[smem:$0x3FAF] =	sst s10  }
0x38: {  	s10 =	sld [smem:$0x3FB0]  }
0x39: {  	_ = 	snop;
	(pc) =	sbr.ind lr, $3  }
0x3a: {  	_ = 	snop  }
0x3b: {  	_ = 	snop  }
0x3c: {  	p2 =	seq.s32 s10, $0x1;
	s10 =	sld [smem:$0x3FAF]  }
0x3d: {  	_ =	shalt  }
0x3e: {  	_ =	shalt  }
0x3f: {  	_ =	shalt  }
0x40: {  	_ =	shalt  }
0x41: {  	_ =	shalt  }
0x42: {  	_ =	shalt  }
0x43: {  	_ =	shalt  }
0x44: {  	_ =	shalt  }
0x45: {  	_ =	shalt  }
0x46: {  	_ =	shalt  }
0x47: {  	_ =	shalt  }
0x48: {  	_ =	shalt  }
0x49: {  	_ =	shalt  }
0x4a: {  	_ =	shalt  }
0x4b: {  	_ =	shalt  }
0x4c: {  	_ =	shalt  }
0x4d: {  	_ =	shalt  }
0x4e: {  	_ =	shalt  }
0x4f: {  	_ =	shalt  }
0x50: {  	_ =	shalt  }
0x51: {  	_ =	shalt  }
0x52: {  	_ =	shalt  }
0x53: {  	_ =	shalt  }
0x54: {  	_ =	shalt  }
0x55: {  	_ =	shalt  }
0x56: {  	_ =	shalt  }
0x57: {  	_ =	shalt  }
0x58: {  	_ =	shalt  }
0x59: {  	_ =	shalt  }
0x5a: {  	_ =	shalt  }
0x5b: {  	_ =	shalt  }
0x5c: {  	_ =	shalt  }
0x5d: {  	_ =	shalt  }
0x5e: {  	_ =	shalt  }
0x5f: {  	_ =	shalt  }
0x60: {  	_ =	shalt  }
0x61: {  	_ =	shalt  }
0x62: {  	_ =	shalt  }
0x63: {  	_ =	shalt  }
0x64: {  	_ =	shalt  }
0x65: {  	_ =	shalt  }
0x66: {  	_ =	shalt  }
0x67: {  	_ =	shalt  }
0x68: {  	_ =	shalt  }
0x69: {  	_ =	shalt  }
0x6a: {  	_ =	shalt  }
0x6b: {  	_ =	shalt  }
0x6c: {  	_ =	shalt  }
0x6d: {  	_ =	shalt  }
0x6e: {  	_ =	shalt  }
0x6f: {  	_ =	shalt  }
0x70: {  	_ =	shalt  }
0x71: {  	_ =	shalt  }
0x72: {  	_ =	shalt  }
0x73: {  	_ =	shalt  }
0x74: {  	_ =	shalt  }
0x75: {  	_ =	shalt  }
0x76: {  	_ =	shalt  }
0x77: {  	_ =	shalt  }
0x78: {  	_ =	shalt  }
0x79: {  	_ =	shalt  }
0x7a: {  	_ =	shalt  }
0x7b: {  	_ =	shalt  }
0x7c: {  	_ =	shalt  }
0x7d: {  	_ =	shalt  }
0x7e: {  	_ =	shalt  }
0x7f: {  	_ =	shalt  }
0x80: {  	_ =	shalt  }
0x81: {  	_ =	shalt  }
0x82: {  	_ =	shalt  }
0x83: {  	_ =	shalt  }
0x84: {  	_ =	shalt  }
0x85: {  	_ =	shalt  }
0x86: {  	_ =	shalt  }
0x87: {  	_ =	shalt  }
.Lfunc_end0:
.L_simem_size_0:
called_computation.2_lowered:
.L_overlay_start_0:
0x88: {  	s2 =	sld [smem:$0x3FD9]  }
0x89: {  	s3 =	sld [smem:$0x3FFE];
	_ =	sdelay $0x1  }
0x8a: {  	s1 =	srdreg.scid  }
0x8b: {  	s0 =	sand.u32 $0x1, s1  }
0x8c: {  	s16 =	sshll.u32 s0, $0xA;
	s2 =	sadd.s32 s3, s2  }
0x8d: {  	s2 =	sadd.s32 s2, s16  }
0x8e: {  	[smem:$0x3FBB] =	sst s2  }
0x8f: {  	_ = 	snop  }
0x90: {  	(tm) =	ssettm $0x1  }
0x91: {  	s17 =	sld [smem:$0x3FFB];
	_ =	sdelay $0x3  }
0x92: {  	_ =	strace s17  }
0x93: {  	s2 =	sld [smem:$0x3FFC];
	_ =	sdelay $0x3  }
0x94: {  	_ =	strace s2  }
0x95: {  	s2 =	sld [smem:$0x3FFD];
	_ =	sdelay $0x3  }
0x96: {  	_ =	strace s2  }
0x97: {  	_ =	strace $0x8FFFFFFF  }
0x98: {  	s18 =	sld [smem:$0x3FDB];
	_ =	sdelay $0x1  }
0x99: {  	s19 =	simm.s32 $_scs_section_size  }
0x9a: {  	s4 =	simm.s32 $_size__tile_overlayer_lowered;
	s5 =	simm.s32 $_tile_overlayer_lowered  }
0x9b: {  	s22 =	simm.s32 $0x1BFF;
	s21 =	sshll.u32 s5, $0x1;
	s2 =	sadd.s32 s19, s18  }
0x9c: {  	s6 =	simm.s32 $0x0;
	s20 =	sshll.u32 s4, $0x1;
	s4 =	sadd.s32 s21, s2  }
0x9d: {  	[timem:s6], [sflag:s22] =	dma.local [hbm:s4], s20  }
0x9e: {  	_ =	swait.ge [sflag:s22], s20  }
0x9f: {  	s3 =	ssub.s32 $0x0, s20;
	[sflag:s22] =	ssyncset.done $0x0  }
0xa0: {  	[sflag:s22] =	ssyncadd.s32 s3;
	_ =	sdelay $0x1  }
0xa1: {  	s23 =	simm.s32 $0x1B8B  }
0xa2: {  	_ =	swait.ge [sflag:s23], $0x1  }
0xa3: {  	[sflag:s23] =	ssyncset.done $0x0  }
0xa4: {  	s25 =	simm.s32 $0x1B8E;
	s24 =	sld [smem:$0x3FFE];
	[sflag:s23] =	ssyncadd.s32 $0xFFFFFFFF  }
0xa5: {  	s26 =	simm.s32 $execute0_lowered;
	[smem:$0x3FD2] =	sst s25  }
0xa6: {  	s4 =	sshll.u32 s26, $0x1;
	_ =	strace $0x8000004C;
	[dreg:$0x1] =	wrdreg $0xFFFFFFFF  }
0xa7: {  	s28 =	simm.s32 $_size_execute0_lowered;
	s2 =	sadd.s32 s2, s4;
	[dreg:$0x0] =	wrdreg $0x0  }
0xa8: {  	s4 =	sshll.u32 s28, $0x1;
	[dreg:$0x2] =	wrdreg s2  }
0xa9: {  	[dreg:$0x3] =	wrdreg s4  }
0xaa: {  	[dreg:$0x4] =	wrdreg $0xC0  }
0xab: {  	_ =	task [dreg:s6], $0x5FFFF  }
0xac: {  	[dreg:$0x1] =	wrdreg $0xFFFFFFFF  }
0xad: {  	[dreg:$0x0] =	wrdreg $0x60  }
0xae: {  	[dreg:$0x2] =	wrdreg s24  }
0xaf: {  	[dreg:$0x3] =	wrdreg $0x88000  }
0xb0: {  	[dreg:$0x4] =	wrdreg $0x9  }
0xb1: {  	_ =	task.clear_ibuf [dreg:s6], $0x5FFFF;
	_ =	strace $0x9000004C  }
0xb2: {  	s29 =	simm.s32 $0x9;
	_ =	strace $0x8000004E  }
0xb3: {  	_ =	swait.ge [sflag:s29], $0x1  }
0xb4: {  	[sflag:s29] =	ssyncadd.s32 $0xFFFFFFFF  }
0xb5: {  	_ =	strace $0x9000004E  }
0xb6: {  	_ =	sfence  }
0xb7: {  	s30 =	sld [smem:$0x0];
	_ =	sdelay $0x2  }
0xb8: {  	s31 =	sshll.u32 s1, $0xD;
	s1 =	sshrl.u32 s1, $0x2  }
0xb9: {  	s3 =	sand.u32 $0x4000, s31;
	s1 =	sadd.s32 s1, s30  }
0xba: {  	s0 =	sor.u32 s3, s0;
	s1 =	sshll.u32 s1, $0x11  }
0xbb: {  	s0 =	sor.u32 s1, s0  }
0xbc: {  	s0 =	sadd.s32 $0x8F2B, s0  }
0xbd: {  	[sflag:s0] =	ssyncadd.remote.s32 $0x1  }
0xbe: {  	_ =	sfence.sel $0xFFFF  }
0xbf: {  	[dreg:$0x0] =	wrdreg $0xFFFFFFFF;
	(pc) =	sbr.abs _section_cstart, $3  }
0xc0: {  	[dreg:$0x1] =	wrdreg $0xFFFFFFFF  }
0xc1: {  	_ =	task.clear_ibuf [dreg:s6], $0x2FFFF;
	_ =	strace $0x9FFFFFFF  }
0xc2: {  	(tm) =	ssettm $0x7FFFFFFF  }
0xc3: {  	_ =	shalt  }
tec
execute0_lowered:
.L_overlay_start_1:
0x0: {  	(tag) =	ssettag $0x1  }
0x1: {  	s0 =	srdreg.scid;
	s1 =	rddreg [dreg:$0x0]  }
0x2: {  	s9 =	stileid.u32;
	s2 =	rddreg [dreg:$0x1]  }
0x3: {  	s3 =	simm.s32 $0x0;
	s19 =	simm.s32 $0x4800;
	s20 =	simm.s32 $0x7  }
0x4: {  	s21 =	simm.s32 $0x40;
	s28 =	simm.s32 $0x5;
	s5 =	smul.u32 $0xA000, s9  }
0x5: {  	s29 =	simm.s32 $0x3;
	s30 =	simm.s32 $0x6;
	s6 =	smul.u32 $0x50000, s9  }
0x6: {  	s31 =	simm.s32 $0x0;
	s0 =	sand.u32 $0x1, s0;
	s24 =	smul.u32 $0x14000, s9  }
0x7: {  	[smem:$0x7FF] =	sst s3;
	s4 =	smul.u32 $0xA0000, s0;
	s22 =	ssub.s32 $0x2, s0  }
0x8: {  	_ =	strace $0x8000004D;
	s0 =	smul.u32 $0x140000, s0;
	s7 =	sshrl.u32 s22, $0x1  }
0x9: {  	s6 =	sshrl.u32 s6, $0x2;
	s4 =	sadd.s32 s5, s4;
	s7 =	ssub.s32 s22, s7  }
0xa: {  	s0 =	sadd.s32 s24, s0;
	s22 =	simm.s32 $0x2800;
	s24 =	simm.s32 $0x1  }
0xb: {  	s5 =	sshrl.u32 s4, $0x3;
	s4 =	sadd.s32 $0x2B400, s1;
	s23 =	smax.u32 s7, $0x1  }
0xc: {  	s16 =	sshrl.u32 s0, $0x3;
	s8 =	sadd.s32 s5, s1;
	s1 =	sadd.s32 $0x53400, s1  }
0xd: {  	s5 =	sadd.s32 s6, s2;
	[dreg:$0x3] =	wrdreg s23;
	s6 =	sor.u32 $0x2000, s0  }
0xe: {  	s23 =	simm.s32 $0x6800;
	s7 =	sadd.s32 $0x2000, s5;
	s25 =	sadd.s32 $0x4000, s5  }
0xf: {  	s26 =	sadd.s32 $0x6000, s5;
	s10 =	sadd.s32 $0x8000, s5;
	s11 =	sadd.s32 $0xA000, s5  }
0x10: {  	s12 =	sadd.s32 $0xC000, s5;
	s13 =	sadd.s32 $0xE000, s5;
	s14 =	sadd.s32 $0x10000, s5  }
0x11: {  	s15 =	sadd.s32 $0x12000, s5;
	s6 =	sshrl.u32 s6, $0x3;
	[dreg:$0x4] =	wrdreg s25  }
0x12: {  	s0 =	sadd.s32 $0x3400, s8;
	s17 =	sadd.s32 s16, s1;
	[dreg:$0x5] =	wrdreg s26  }
0x13: {  	v0 =	vimm.f32 $0.0e+00;
	s18 =	sadd.s32 s6, s1;
	s25 =	simm.s32 $0x4;
	s26 =	simm.s32 $0x2  }
.LBB2_1:
0x14: {  	s1 =	simm.s32 $0x0;
	s6 =	simm.s32 $0x200  }
.LBB2_2:
0x15: {  	p0 =	sne.s32 s6, $0x7E00;
	[tilespmem:s1+$0x4870] =	vst v0  }
0x16: {  	[tilespmem:s1+$0x4800] =	vst v0  }
0x17: {  	[tilespmem:s1+$0x4810] =	vst v0  }
.Ltmp0:
0x18: {  	[tilespmem:s1+$0x4820] =	vst v0;
	(pc) =	sbr.rel @p0 .LBB2_2-.Ltmp0, $4  }
0x19: {  	[tilespmem:s1+$0x4830] =	vst v0  }
0x1a: {  	[tilespmem:s1+$0x4840] =	vst v0  }
0x1b: {  	[tilespmem:s1+$0x4850] =	vst v0  }
0x1c: {  	[tilespmem:s1+$0x4860] =	vst v0;
	s1 =	sshra.s32 s6, $0x2;
	s6 =	sadd.s32 $0x200, s6  }
0x1d: {  	[tilespmem:s1+$0x4870] =	vst v0  }
0x1e: {  	[tilespmem:s1+$0x4800] =	vst v0  }
0x1f: {  	[tilespmem:s1+$0x4810] =	vst v0  }
0x20: {  	[tilespmem:s1+$0x4820] =	vst v0  }
0x21: {  	[tilespmem:s1+$0x4830] =	vst v0  }
0x22: {  	[tilespmem:s1+$0x4840] =	vst v0  }
0x23: {  	[tilespmem:s1+$0x4850] =	vst v0  }
0x24: {  	[tilespmem:s1+$0x4860] =	vst v0  }
0x25: {  	[spmem:s5] =	stream.linear.scatter [tilespmem:s19], [sflag:$0x7], $0x2000, $0x38;
	[tilespmem:$0x1C800] =	vst v63  }
0x26: {  	_ =	swait.ge [sflag:s20], $0x2000  }
0x27: {  	[sflag:s20] =	ssyncset.done $0x0  }
0x28: {  	[sflag:s20] =	ssyncadd.s32 $0xFFFFE000  }
0x29: {  	[spmem:s7] =	stream.linear.scatter [tilespmem:s19], [sflag:$0x7], $0x2000, $0x38;
	[tilespmem:$0x1C800] =	vst v63  }
0x2a: {  	_ =	swait.ge [sflag:s20], $0x2000  }
0x2b: {  	[sflag:s20] =	ssyncset.done $0x0  }
0x2c: {  	s6 =	rddreg [dreg:$0x4];
	[sflag:s20] =	ssyncadd.s32 $0xFFFFE000  }
0x2d: {  	[spmem:s6] =	stream.linear.scatter [tilespmem:s19], [sflag:$0x7], $0x2000, $0x38;
	[tilespmem:$0x1C800] =	vst v63  }
0x2e: {  	_ =	swait.ge [sflag:s20], $0x2000  }
0x2f: {  	[sflag:s20] =	ssyncset.done $0x0  }
0x30: {  	s8 =	rddreg [dreg:$0x5];
	[sflag:s20] =	ssyncadd.s32 $0xFFFFE000  }
0x31: {  	[spmem:s8] =	stream.linear.scatter [tilespmem:s19], [sflag:$0x7], $0x2000, $0x38;
	[tilespmem:$0x1C800] =	vst v63  }
0x32: {  	_ =	swait.ge [sflag:s20], $0x2000  }
0x33: {  	[sflag:s20] =	ssyncset.done $0x0  }
0x34: {  	[sflag:s20] =	ssyncadd.s32 $0xFFFFE000  }
0x35: {  	[spmem:s10] =	stream.linear.scatter [tilespmem:s19], [sflag:$0x7], $0x2000, $0x38;
	[tilespmem:$0x1C800] =	vst v63  }
0x36: {  	_ =	swait.ge [sflag:s20], $0x2000  }
0x37: {  	[sflag:s20] =	ssyncset.done $0x0  }
0x38: {  	[sflag:s20] =	ssyncadd.s32 $0xFFFFE000  }
0x39: {  	[spmem:s11] =	stream.linear.scatter [tilespmem:s19], [sflag:$0x7], $0x2000, $0x38;
	[tilespmem:$0x1C800] =	vst v63  }
0x3a: {  	_ =	swait.ge [sflag:s20], $0x2000  }
0x3b: {  	[sflag:s20] =	ssyncset.done $0x0  }
0x3c: {  	[sflag:s20] =	ssyncadd.s32 $0xFFFFE000  }
0x3d: {  	[spmem:s12] =	stream.linear.scatter [tilespmem:s19], [sflag:$0x7], $0x2000, $0x38;
	[tilespmem:$0x1C800] =	vst v63  }
0x3e: {  	_ =	swait.ge [sflag:s20], $0x2000  }
0x3f: {  	[sflag:s20] =	ssyncset.done $0x0  }
0x40: {  	[sflag:s20] =	ssyncadd.s32 $0xFFFFE000  }
0x41: {  	[spmem:s13] =	stream.linear.scatter [tilespmem:s19], [sflag:$0x7], $0x2000, $0x38;
	[tilespmem:$0x1C800] =	vst v63  }
0x42: {  	_ =	swait.ge [sflag:s20], $0x2000  }
0x43: {  	s9 =	simm.s32 $0x0;
	[sflag:s20] =	ssyncset.done $0x0  }
0x44: {  	s1 =	smul.u32 $0xCD, s9;
	[sflag:s20] =	ssyncadd.s32 $0xFFFFE000  }
0x45: {  	[spmem:s14] =	stream.linear.scatter [tilespmem:s19], [sflag:$0x7], $0x2000, $0x38;
	[tilespmem:$0x1C800] =	vst v63  }
0x46: {  	s1 =	sshrl.u32 s1, $0xA;
	_ =	swait.ge [sflag:s20], $0x2000  }
0x47: {  	s1 =	sand.u32 $0x3F, s1;
	[sflag:s20] =	ssyncset.done $0x0  }
0x48: {  	s1 =	smul.u32 $0x5, s1;
	[sflag:s20] =	ssyncadd.s32 $0xFFFFE000  }
0x49: {  	[spmem:s15] =	stream.linear.scatter [tilespmem:s19], [sflag:$0x7], $0x2000, $0x38;
	[tilespmem:$0x1C800] =	vst v63  }
0x4a: {  	s1 =	ssub.s32 $0x0, s1;
	_ =	swait.ge [sflag:s20], $0x2000  }
0x4b: {  	s1 =	sand.u32 $0xFF, s1;
	[sflag:s20] =	ssyncset.done $0x0  }
0x4c: {  	p0 =	sne.s32 s1, $0x0;
	[sflag:s20] =	ssyncadd.s32 $0xFFFFE000  }
0x4d: {  	s6 =	simm.s32 @!p0 $0x0;
	s8 =	simm.s32 @!p0 $0x7;
	[bflag:$0x0] =	sbarrier.arrive $0xFFFF  }
0x4e: {  	[tilespmem:s6], [sflag:$0x7] =	stream.linear.gather @!p0 [hbm4b:s0+s6], $0x2800, $0x38;
	[tilespmem:$0x1C800] =	vst v63  }
0x4f: {  	_ =	swait.ge @!p0 [sflag:s8], $0x2800  }
0x50: {  	[sflag:s8] =	ssyncset.done @!p0 $0x0  }
0x51: {  	s6 =	sshll.u32 s1, $0xB;
	[sflag:s8] =	ssyncadd.s32 @!p0 $0xFFFFD800  }
0x52: {  	[tilespmem:s22], [sflag:$0x1] =	stream.indirect.gather [hbm4b:s4+s21], $0x80, s6, s21, $0xb8;
	[tilespmem:$0x1C800] =	vst v63  }
0x53: {  	s1 =	sor.u32 $0x100, s6  }
0x54: {  	[tilespmem:s19], [sflag:$0x2] =	stream.indirect.gather [hbm4b:s4+s21], $0x80, s1, s21, $0xb8;
	[tilespmem:$0x1C800] =	vst v63  }
0x55: {  	s16 =	sor.u32 $0x200, s6  }
0x56: {  	[tilespmem:s23], [sflag:$0x3] =	stream.indirect.gather [hbm4b:s4+s21], $0x80, s16, s21, $0xb8;
	[tilespmem:$0x1C800] =	vst v63  }
0x57: {  	_ =	swait.ge [sflag:s24], $0x2000  }
0x58: {  	[sflag:s24] =	ssyncset.done $0x0  }
0x59: {  	s8 =	sor.u32 $0x80, s6;
	[sflag:s24] =	ssyncadd.s32 $0xFFFFE000  }
0x5a: {  	[spmem:s2] =	stream.indirect.scatter.add.f32 [tilespmem:s22], [sflag:$0x4], $0x80, s8, s21, $0xb8;
	[tilespmem:$0x1C800] =	vst v63  }
0x5b: {  	_ =	swait.ge [sflag:s25], $0x2000  }
0x5c: {  	[sflag:s25] =	ssyncset.done $0x0  }
0x5d: {  	s9 =	sor.u32 $0x300, s6;
	[sflag:s25] =	ssyncadd.s32 $0xFFFFE000  }
0x5e: {  	[tilespmem:s22], [sflag:$0x1] =	stream.indirect.gather [hbm4b:s4+s21], $0x80, s9, s21, $0xb8;
	[tilespmem:$0x1C800] =	vst v63  }
0x5f: {  	_ =	swait.ge [sflag:s26], $0x2000  }
0x60: {  	[sflag:s26] =	ssyncset.done $0x0  }
0x61: {  	s16 =	sor.u32 $0x180, s6;
	[sflag:s26] =	ssyncadd.s32 $0xFFFFE000  }
0x62: {  	[spmem:s2] =	stream.indirect.scatter.add.f32 [tilespmem:s19], [sflag:$0x5], $0x80, s16, s21, $0xb8;
	[tilespmem:$0x1C800] =	vst v63  }
0x63: {  	_ =	swait.ge [sflag:s28], $0x2000  }
0x64: {  	[sflag:s28] =	ssyncset.done $0x0  }
0x65: {  	s8 =	sor.u32 $0x400, s6;
	[sflag:s28] =	ssyncadd.s32 $0xFFFFE000  }
0x66: {  	[tilespmem:s19], [sflag:$0x2] =	stream.indirect.gather [hbm4b:s4+s21], $0x80, s8, s21, $0xb8;
	[tilespmem:$0x1C800] =	vst v63  }
0x67: {  	_ =	swait.ge [sflag:s29], $0x2000  }
0x68: {  	[sflag:s29] =	ssyncset.done $0x0  }
0x69: {  	s9 =	sor.u32 $0x280, s6;
	[sflag:s29] =	ssyncadd.s32 $0xFFFFE000  }
0x6a: {  	[spmem:s2] =	stream.indirect.scatter.add.f32 [tilespmem:s23], [sflag:$0x6], $0x80, s9, s21, $0xb8;
	[tilespmem:$0x1C800] =	vst v63  }
0x6b: {  	_ =	swait.ge [sflag:s30], $0x2000  }
0x6c: {  	[sflag:s30] =	ssyncset.done $0x0  }
0x6d: {  	s16 =	sor.u32 $0x500, s6;
	[sflag:s30] =	ssyncadd.s32 $0xFFFFE000  }
0x6e: {  	[tilespmem:s23], [sflag:$0x3] =	stream.indirect.gather [hbm4b:s4+s21], $0x80, s16, s21, $0xb8;
	[tilespmem:$0x1C800] =	vst v63  }
0x6f: {  	_ =	swait.ge [sflag:s24], $0x2000  }
0x70: {  	[sflag:s24] =	ssyncset.done $0x0  }
0x71: {  	s8 =	sor.u32 $0x380, s6;
	[sflag:s24] =	ssyncadd.s32 $0xFFFFE000  }
0x72: {  	[spmem:s2] =	stream.indirect.scatter.add.f32 [tilespmem:s22], [sflag:$0x4], $0x80, s8, s21, $0xb8;
	[tilespmem:$0x1C800] =	vst v63  }
0x73: {  	_ =	swait.ge [sflag:s25], $0x2000  }
0x74: {  	[sflag:s25] =	ssyncset.done $0x0  }
0x75: {  	s9 =	sor.u32 $0x600, s6;
	[sflag:s25] =	ssyncadd.s32 $0xFFFFE000  }
0x76: {  	[tilespmem:s22], [sflag:$0x1] =	stream.indirect.gather [hbm4b:s4+s21], $0x80, s9, s21, $0xb8;
	[tilespmem:$0x1C800] =	vst v63  }
0x77: {  	_ =	swait.ge [sflag:s26], $0x2000  }
0x78: {  	[sflag:s26] =	ssyncset.done $0x0  }
0x79: {  	s16 =	sor.u32 $0x480, s6;
	[sflag:s26] =	ssyncadd.s32 $0xFFFFE000  }
0x7a: {  	[spmem:s2] =	stream.indirect.scatter.add.f32 [tilespmem:s19], [sflag:$0x5], $0x80, s16, s21, $0xb8;
	[tilespmem:$0x1C800] =	vst v63  }
0x7b: {  	_ =	swait.ge [sflag:s28], $0x2000  }
0x7c: {  	[sflag:s28] =	ssyncset.done $0x0  }
0x7d: {  	s8 =	sor.u32 $0x700, s6;
	[sflag:s28] =	ssyncadd.s32 $0xFFFFE000  }
0x7e: {  	[tilespmem:s19], [sflag:$0x2] =	stream.indirect.gather [hbm4b:s4+s21], $0x80, s8, s21, $0xb8;
	[tilespmem:$0x1C800] =	vst v63  }
0x7f: {  	_ =	swait.ge [sflag:s29], $0x2000  }
0x80: {  	[sflag:s29] =	ssyncset.done $0x0  }
0x81: {  	s9 =	sor.u32 $0x580, s6;
	[sflag:s29] =	ssyncadd.s32 $0xFFFFE000  }
0x82: {  	[spmem:s2] =	stream.indirect.scatter.add.f32 [tilespmem:s23], [sflag:$0x6], $0x80, s9, s21, $0xb8;
	[tilespmem:$0x1C800] =	vst v63  }
0x83: {  	_ =	swait.ge [sflag:s24], $0x2000  }
0x84: {  	[sflag:s24] =	ssyncset.done $0x0  }
0x85: {  	s16 =	sor.u32 $0x680, s6;
	[sflag:s24] =	ssyncadd.s32 $0xFFFFE000  }
0x86: {  	[spmem:s2] =	stream.indirect.scatter.add.f32 [tilespmem:s22], [sflag:$0x4], $0x80, s16, s21, $0xb8;
	[tilespmem:$0x1C800] =	vst v63  }
0x87: {  	s1 =	simm.s32 $0x1;
	_ =	swait.ge [sflag:s26], $0x2000  }
0x88: {  	s6 =	sor.u32 $0x780, s6;
	s16 =	smov.u32 s0;
	[sflag:s26] =	ssyncset.done $0x0  }
.LBB2_4:
0x89: {  	s8 =	smul.u32 $0xCD, s1  }
0x8a: {  	[sflag:s26] =	ssyncadd.s32 $0xFFFFE000;
	s9 =	smov.u32 s1;
	s1 =	sadd.s32 $0x1, s1  }
0x8b: {  	[spmem:s2] =	stream.indirect.scatter.add.f32 [tilespmem:s19], [sflag:$0x5], $0x80, s6, s21, $0xb8;
	[tilespmem:$0x1C800] =	vst v63  }
0x8c: {  	p0 =	sne.s32 s1, $0x14;
	s6 =	sshrl.u32 s8, $0xA;
	_ =	swait.ge [sflag:s30], $0x2000  }
0x8d: {  	[sflag:s30] =	ssyncset.done $0x0  }
0x8e: {  	s6 =	sand.u32 $0x3F, s6;
	[sflag:s30] =	ssyncadd.s32 $0xFFFFE000  }
0x8f: {  	s6 =	smul.u32 $0x5, s6;
	_ =	swait.ge [sflag:s25], $0x2000  }
0x90: {  	[sflag:s25] =	ssyncset.done $0x0  }
0x91: {  	s6 =	ssub.s32 s9, s6;
	[sflag:s25] =	ssyncadd.s32 $0xFFFFE000  }
0x92: {  	s6 =	sand.u32 $0xFF, s6;
	_ =	swait.ge [sflag:s28], $0x2000  }
0x93: {  	s16 =	sadd.s32 $0x100, s16;
	p1 =	sne.s32 s6, $0x0;
	[sflag:s28] =	ssyncset.done $0x0  }
0x94: {  	s8 =	simm.s32 @!p1 $0x0;
	s9 =	simm.s32 @!p1 $0x7;
	[sflag:s28] =	ssyncadd.s32 $0xFFFFE000  }
0x95: {  	[tilespmem:s8], [sflag:$0x7] =	stream.linear.gather @!p1 [hbm4b:s16+s8], $0x2800, $0x38;
	[tilespmem:$0x1C800] =	vst v63  }
0x96: {  	_ =	swait.ge @!p1 [sflag:s9], $0x2800  }
0x97: {  	[sflag:s9] =	ssyncset.done @!p1 $0x0  }
0x98: {  	s8 =	sshll.u32 s6, $0xB;
	[sflag:s9] =	ssyncadd.s32 @!p1 $0xFFFFD800  }
0x99: {  	[tilespmem:s22], [sflag:$0x1] =	stream.indirect.gather [hbm4b:s4+s21], $0x80, s8, s21, $0xb8;
	[tilespmem:$0x1C800] =	vst v63  }
0x9a: {  	s6 =	sor.u32 $0x780, s8;
	s9 =	sor.u32 $0x100, s8  }
0x9b: {  	[tilespmem:s19], [sflag:$0x2] =	stream.indirect.gather [hbm4b:s4+s21], $0x80, s9, s21, $0xb8;
	[tilespmem:$0x1C800] =	vst v63  }
0x9c: {  	s9 =	sor.u32 $0x200, s8  }
0x9d: {  	[tilespmem:s23], [sflag:$0x3] =	stream.indirect.gather [hbm4b:s4+s21], $0x80, s9, s21, $0xb8;
	[tilespmem:$0x1C800] =	vst v63  }
0x9e: {  	_ =	swait.ge [sflag:s24], $0x2000  }
0x9f: {  	[sflag:s24] =	ssyncset.done $0x0  }
0xa0: {  	s9 =	sor.u32 $0x80, s8;
	[sflag:s24] =	ssyncadd.s32 $0xFFFFE000  }
0xa1: {  	[spmem:s2] =	stream.indirect.scatter.add.f32 [tilespmem:s22], [sflag:$0x4], $0x80, s9, s21, $0xb8;
	[tilespmem:$0x1C800] =	vst v63  }
0xa2: {  	_ =	swait.ge [sflag:s25], $0x2000  }
0xa3: {  	[sflag:s25] =	ssyncset.done $0x0  }
0xa4: {  	s9 =	sor.u32 $0x300, s8;
	[sflag:s25] =	ssyncadd.s32 $0xFFFFE000  }
0xa5: {  	[tilespmem:s22], [sflag:$0x1] =	stream.indirect.gather [hbm4b:s4+s21], $0x80, s9, s21, $0xb8;
	[tilespmem:$0x1C800] =	vst v63  }
0xa6: {  	_ =	swait.ge [sflag:s26], $0x2000  }
0xa7: {  	[sflag:s26] =	ssyncset.done $0x0  }
0xa8: {  	s9 =	sor.u32 $0x180, s8;
	[sflag:s26] =	ssyncadd.s32 $0xFFFFE000  }
0xa9: {  	[spmem:s2] =	stream.indirect.scatter.add.f32 [tilespmem:s19], [sflag:$0x5], $0x80, s9, s21, $0xb8;
	[tilespmem:$0x1C800] =	vst v63  }
0xaa: {  	_ =	swait.ge [sflag:s28], $0x2000  }
0xab: {  	[sflag:s28] =	ssyncset.done $0x0  }
0xac: {  	s9 =	sor.u32 $0x400, s8;
	[sflag:s28] =	ssyncadd.s32 $0xFFFFE000  }
0xad: {  	[tilespmem:s19], [sflag:$0x2] =	stream.indirect.gather [hbm4b:s4+s21], $0x80, s9, s21, $0xb8;
	[tilespmem:$0x1C800] =	vst v63  }
0xae: {  	_ =	swait.ge [sflag:s29], $0x2000  }
0xaf: {  	[sflag:s29] =	ssyncset.done $0x0  }
0xb0: {  	s9 =	sor.u32 $0x280, s8;
	[sflag:s29] =	ssyncadd.s32 $0xFFFFE000  }
0xb1: {  	[spmem:s2] =	stream.indirect.scatter.add.f32 [tilespmem:s23], [sflag:$0x6], $0x80, s9, s21, $0xb8;
	[tilespmem:$0x1C800] =	vst v63  }
0xb2: {  	_ =	swait.ge [sflag:s30], $0x2000  }
0xb3: {  	[sflag:s30] =	ssyncset.done $0x0  }
0xb4: {  	s9 =	sor.u32 $0x500, s8;
	[sflag:s30] =	ssyncadd.s32 $0xFFFFE000  }
0xb5: {  	[tilespmem:s23], [sflag:$0x3] =	stream.indirect.gather [hbm4b:s4+s21], $0x80, s9, s21, $0xb8;
	[tilespmem:$0x1C800] =	vst v63  }
0xb6: {  	_ =	swait.ge [sflag:s24], $0x2000  }
0xb7: {  	[sflag:s24] =	ssyncset.done $0x0  }
0xb8: {  	s9 =	sor.u32 $0x380, s8;
	[sflag:s24] =	ssyncadd.s32 $0xFFFFE000  }
0xb9: {  	[spmem:s2] =	stream.indirect.scatter.add.f32 [tilespmem:s22], [sflag:$0x4], $0x80, s9, s21, $0xb8;
	[tilespmem:$0x1C800] =	vst v63  }
0xba: {  	_ =	swait.ge [sflag:s25], $0x2000  }
0xbb: {  	[sflag:s25] =	ssyncset.done $0x0  }
0xbc: {  	s9 =	sor.u32 $0x600, s8;
	[sflag:s25] =	ssyncadd.s32 $0xFFFFE000  }
0xbd: {  	[tilespmem:s22], [sflag:$0x1] =	stream.indirect.gather [hbm4b:s4+s21], $0x80, s9, s21, $0xb8;
	[tilespmem:$0x1C800] =	vst v63  }
0xbe: {  	_ =	swait.ge [sflag:s26], $0x2000  }
0xbf: {  	[sflag:s26] =	ssyncset.done $0x0  }
0xc0: {  	s9 =	sor.u32 $0x480, s8;
	[sflag:s26] =	ssyncadd.s32 $0xFFFFE000  }
0xc1: {  	[spmem:s2] =	stream.indirect.scatter.add.f32 [tilespmem:s19], [sflag:$0x5], $0x80, s9, s21, $0xb8;
	[tilespmem:$0x1C800] =	vst v63  }
0xc2: {  	_ =	swait.ge [sflag:s28], $0x2000  }
0xc3: {  	[sflag:s28] =	ssyncset.done $0x0  }
0xc4: {  	s9 =	sor.u32 $0x700, s8;
	[sflag:s28] =	ssyncadd.s32 $0xFFFFE000  }
0xc5: {  	[tilespmem:s19], [sflag:$0x2] =	stream.indirect.gather [hbm4b:s4+s21], $0x80, s9, s21, $0xb8;
	[tilespmem:$0x1C800] =	vst v63  }
0xc6: {  	_ =	swait.ge [sflag:s29], $0x2000  }
0xc7: {  	[sflag:s29] =	ssyncset.done $0x0  }
0xc8: {  	s9 =	sor.u32 $0x580, s8;
	[sflag:s29] =	ssyncadd.s32 $0xFFFFE000  }
0xc9: {  	[spmem:s2] =	stream.indirect.scatter.add.f32 [tilespmem:s23], [sflag:$0x6], $0x80, s9, s21, $0xb8;
	[tilespmem:$0x1C800] =	vst v63  }
0xca: {  	_ =	swait.ge [sflag:s24], $0x2000  }
.Ltmp1:
0xcb: {  	[sflag:s24] =	ssyncset.done $0x0;
	(pc) =	sbr.rel @p0 .LBB2_4-.Ltmp1, $4  }
0xcc: {  	s8 =	sor.u32 $0x680, s8;
	[sflag:s24] =	ssyncadd.s32 $0xFFFFE000  }
0xcd: {  	[spmem:s2] =	stream.indirect.scatter.add.f32 [tilespmem:s22], [sflag:$0x4], $0x80, s8, s21, $0xb8;
	[tilespmem:$0x1C800] =	vst v63  }
0xce: {  	_ =	swait.ge [sflag:s26], $0x2000  }
0xcf: {  	[sflag:s26] =	ssyncset.done $0x0  }
0xd0: {  	[sflag:s26] =	ssyncadd.s32 $0xFFFFE000  }
0xd1: {  	[spmem:s2] =	stream.indirect.scatter.add.f32 [tilespmem:s19], [sflag:$0x5], $0x80, s6, s21, $0xb8;
	[tilespmem:$0x1C800] =	vst v63  }
0xd2: {  	_ =	swait.ge [sflag:s30], $0x2000  }
0xd3: {  	[sflag:s30] =	ssyncset.done $0x0  }
0xd4: {  	[sflag:s30] =	ssyncadd.s32 $0xFFFFE000  }
0xd5: {  	_ =	swait.ge [sflag:s25], $0x2000  }
0xd6: {  	[sflag:s25] =	ssyncset.done $0x0  }
0xd7: {  	[sflag:s25] =	ssyncadd.s32 $0xFFFFE000  }
0xd8: {  	_ =	swait.ge [sflag:s28], $0x2000  }
0xd9: {  	[sflag:s28] =	ssyncset.done $0x0  }
0xda: {  	[sflag:s28] =	ssyncadd.s32 $0xFFFFE000  }
0xdb: {  	s1 =	sadd.s32 $0xFFFFE000, s7;
	[bflag:$0x0] =	sbarrier.arrive $0xFFFF  }
0xdc: {  	[tilespmem:s22], [sflag:$0x7] =	stream.linear.gather [spmem:s1], $0x2000, $0x38;
	[tilespmem:$0x1C800] =	vst v63  }
0xdd: {  	_ =	swait.ge [sflag:s20], $0x2000  }
0xde: {  	[sflag:s20] =	ssyncset.done $0x0  }
0xdf: {  	s9 =	sadd.s32 $0x0, s17;
	[sflag:s20] =	ssyncadd.s32 $0xFFFFE000  }
0xe0: {  	[hbm4b:s9+s3] =	stream.linear.scatter [tilespmem:s22], [sflag:$0x1], $0x2000, $0x38;
	[tilespmem:$0x1C800] =	vst v63  }
0xe1: {  	_ = 	snop  }
0xe2: {  	[tilespmem:s19], [sflag:$0x7] =	stream.linear.gather [spmem:s7], $0x2000, $0x38;
	[tilespmem:$0x1C800] =	vst v63  }
0xe3: {  	_ =	swait.ge [sflag:s20], $0x2000  }
0xe4: {  	[sflag:s20] =	ssyncset.done $0x0  }
0xe5: {  	s16 =	sadd.s32 $0x0, s18;
	[sflag:s20] =	ssyncadd.s32 $0xFFFFE000  }
0xe6: {  	[hbm4b:s16+s3] =	stream.linear.scatter [tilespmem:s19], [sflag:$0x2], $0x2000, $0x38;
	[tilespmem:$0x1C800] =	vst v63  }
0xe7: {  	_ =	swait.ge [sflag:s24], $0x2000  }
0xe8: {  	[sflag:s24] =	ssyncset.done $0x0  }
0xe9: {  	[sflag:s24] =	ssyncadd.s32 $0xFFFFE000  }
0xea: {  	s8 =	simm.s32 $0x1000;
	_ =	swait.ge [sflag:s26], $0x2000  }
0xeb: {  	s6 =	sadd.s32 $0x4000, s7;
	s1 =	simm.s32 $0x800;
	[sflag:s26] =	ssyncset.done $0x0  }
.LBB2_6:
0xec: {  	p0 =	sne.s32 s8, $0x2000;
	s9 =	sadd.s32 $0xFFFFE000, s6;
	[sflag:s26] =	ssyncadd.s32 $0xFFFFE000  }
0xed: {  	[tilespmem:s22], [sflag:$0x7] =	stream.linear.gather [spmem:s9], $0x2000, $0x38;
	[tilespmem:$0x1C800] =	vst v63  }
0xee: {  	s9 =	smov.u32 s8;
	s8 =	sadd.s32 $0x800, s8;
	_ =	swait.ge [sflag:s20], $0x2000  }
0xef: {  	[sflag:s20] =	ssyncset.done $0x0  }
0xf0: {  	s16 =	sadd.s32 s1, s17;
	[sflag:s20] =	ssyncadd.s32 $0xFFFFE000  }
0xf1: {  	[hbm4b:s16+s3] =	stream.linear.scatter [tilespmem:s22], [sflag:$0x1], $0x2000, $0x38;
	[tilespmem:$0x1C800] =	vst v63  }
0xf2: {  	_ = 	snop  }
0xf3: {  	[tilespmem:s19], [sflag:$0x7] =	stream.linear.gather [spmem:s6], $0x2000, $0x38;
	[tilespmem:$0x1C800] =	vst v63  }
0xf4: {  	_ =	swait.ge [sflag:s20], $0x2000  }
0xf5: {  	[sflag:s20] =	ssyncset.done $0x0  }
0xf6: {  	s16 =	sadd.s32 s1, s18;
	s1 =	smov.u32 s9;
	[sflag:s20] =	ssyncadd.s32 $0xFFFFE000  }
0xf7: {  	[hbm4b:s16+s3] =	stream.linear.scatter [tilespmem:s19], [sflag:$0x2], $0x2000, $0x38;
	[tilespmem:$0x1C800] =	vst v63  }
.Ltmp2:
0xf8: {  	_ =	swait.ge [sflag:s24], $0x2000;
	(pc) =	sbr.rel @p0 .LBB2_6-.Ltmp2, $4  }
0xf9: {  	[sflag:s24] =	ssyncset.done $0x0  }
0xfa: {  	[sflag:s24] =	ssyncadd.s32 $0xFFFFE000  }
0xfb: {  	_ =	swait.ge [sflag:s26], $0x2000  }
0xfc: {  	s6 =	sadd.s32 $0x4000, s6;
	[sflag:s26] =	ssyncset.done $0x0  }
0xfd: {  	s8 =	sadd.s32 $0xFFFFE000, s6;
	[sflag:s26] =	ssyncadd.s32 $0xFFFFE000  }
0xfe: {  	[tilespmem:s22], [sflag:$0x7] =	stream.linear.gather [spmem:s8], $0x2000, $0x38;
	[tilespmem:$0x1C800] =	vst v63  }
0xff: {  	_ =	swait.ge [sflag:s20], $0x2000  }
0x100: {  	[sflag:s20] =	ssyncset.done $0x0  }
0x101: {  	s16 =	sadd.s32 s1, s17;
	[sflag:s20] =	ssyncadd.s32 $0xFFFFE000  }
0x102: {  	[hbm4b:s16+s3] =	stream.linear.scatter [tilespmem:s22], [sflag:$0x1], $0x2000, $0x38;
	[tilespmem:$0x1C800] =	vst v63  }
0x103: {  	_ = 	snop  }
0x104: {  	[tilespmem:s19], [sflag:$0x7] =	stream.linear.gather [spmem:s6], $0x2000, $0x38;
	[tilespmem:$0x1C800] =	vst v63  }
0x105: {  	_ =	swait.ge [sflag:s20], $0x2000  }
0x106: {  	[sflag:s20] =	ssyncset.done $0x0  }
0x107: {  	s9 =	sadd.s32 s1, s18;
	[sflag:s20] =	ssyncadd.s32 $0xFFFFE000  }
0x108: {  	[hbm4b:s9+s3] =	stream.linear.scatter [tilespmem:s19], [sflag:$0x2], $0x2000, $0x38;
	[tilespmem:$0x1C800] =	vst v63  }
0x109: {  	_ =	swait.ge [sflag:s24], $0x2000  }
0x10a: {  	[sflag:s24] =	ssyncset.done $0x0  }
0x10b: {  	[sflag:s24] =	ssyncadd.s32 $0xFFFFE000  }
0x10c: {  	_ =	swait.ge [sflag:s26], $0x2000  }
0x10d: {  	s31 =	sadd.s32 $0x1, s31;
	s16 =	rddreg [dreg:$0x3]  }
0x10e: {  	p0 =	sne.s32 s31, s16  }
.Ltmp3:
0x10f: {  	_ = 	snop;
	(pc) =	sbr.rel @p0 .LBB2_1-.Ltmp3, $3  }
0x110: {  	_ =	sdelay $0x1  }
0x111: {  	[sflag:s26] =	ssyncset.done $0x0  }
0x112: {  	[sflag:s26] =	ssyncadd.s32 $0xFFFFE000  }
0x113: {  	_ =	sfence.sel $0x180000  }
0x114: {  	[bflag:$0x0] =	sbarrier.arrive $0xFFFF  }
0x115: {  	_ =	strace $0x9000004D  }
0x116: {  	s0 =	stileid.u32;
	[bflag:$0x2] =	sbarrier.arrive $0xFFFF  }
0x117: {  	p0 =	sne.s32 s0, $0x0;
	s0 =	rddreg [dreg:$0x2]  }
0x118: {  	s0 =	sadd.s32 @!p0 $0x100000, s0  }
0x119: {  	[sflag:s0] =	ssyncadd.tile.s32 @!p0 $0x1;
	_ =	shalt  }
.Lfunc_end2:
_tile_overlayer_lowered:
.L_overlay_start_2:
0x11a: {  	(tag) =	ssettag $0x2  }
0x11b: {  	s0 =	rddreg [dreg:$0x0];
	s2 =	stileid.u32  }
0x11c: {  	s1 =	rddreg [dreg:$0x1];
	p0 =	sne.s32 s2, $0x0  }
0x11d: {  	s3 =	rddreg [dreg:$0x2];
	[bflag:$0x3] =	sbarrier.arrive $0xFFFF;
	s2 =	simm.s32 @!p0 $0x1C07  }
0x11e: {  	[timem:s3], [sflag:s2] =	dma.local @!p0 [hbm:s0], s1  }
0x11f: {  	s0 =	simm.s32 @!p0 $0x7  }
0x120: {  	_ =	swait.ge @!p0 [sflag:s0], s1  }
0x121: {  	s1 =	ssub.s32 @!p0 $0x0, s1;
	[sflag:s0] =	ssyncset.done @!p0 $0x0  }
0x122: {  	[sflag:s0] =	ssyncadd.s32 @!p0 s1  }
0x123: {  	[bflag:$0x3] =	sbarrier.arrive $0xFFFF  }
0x124: {  	_ =	shalt  }

// kernel: kernel.19.cloned.1.call-start
scs
__scs_entry_jumppad:
0x0: {  	(pc) =	sbr.rel $0x88, $3  }
0x1: {  	(tag) =	ssettag $0x0;
	lr =	simm.s32 $0x1  }
0x2: {  	[smem:$0x3F94] =	sst lr;
	_ =	strace $0xD0000000  }
0x3: {  	_ = 	snop  }
0x4: {  	_ = 	snop  }
0x5: {  	_ = 	snop  }
0x6: {  	_ = 	snop  }
0x7: {  	_ = 	snop  }
__scs_overlays_trampoline_lowered:
0x8: {  	[smem:$0x3FA3] =	sst s0  }
0x9: {  	[smem:$0x3FA4] =	sst s1  }
0xa: {  	[smem:$0x3FA5] =	sst s2  }
0xb: {  	[smem:$0x3FA6] =	sst s3  }
0xc: {  	[smem:$0x3FA7] =	sst s4  }
0xd: {  	[smem:$0x3FA8] =	sst s5  }
0xe: {  	[smem:$0x3FA9] =	sst s6  }
0xf: {  	[smem:$0x3FAA] =	sst s7  }
0x10: {  	[smem:$0x3FAB] =	sst s8  }
0x11: {  	[smem:$0x3FAC] =	sst s9;
	s0 =	simm.s32 @!p0 $0x0  }
0x12: {  	s1 =	sld [smem:$0x3F92];
	s0 =	simm.s32 @p0 $0x1  }
0x13: {  	[smem:$0x3FAD] =	sst s0;
	s0 =	simm.s32 @!p1 $0x0  }
0x14: {  	s2 =	sld [smem:$0x3F91];
	s0 =	simm.s32 @p1 $0x1  }
0x15: {  	[smem:$0x3FAE] =	sst s0;
	s0 =	simm.s32 @!p2 $0x0  }
0x16: {  	s3 =	sld [smem:$0x3FDB];
	s0 =	simm.s32 @p2 $0x1  }
0x17: {  	s4 =	simm.s32 $0x1BF5;
	[smem:$0x3FB0] =	sst s0  }
0x18: {  	s0 =	sld [smem:$0x3F93];
	_ =	swait.ge [sflag:s4], $0x0  }
0x19: {  	s7 =	sld [smem:$0x3F94]  }
0x1a: {  	s8 =	sadd.s32 $0xFFFFE003, lr  }
0x1b: {  	s9 =	sadd.s32 $0xFFFFFEF7, lr;
	s5 =	simm.s32 $0xFFFFFFFF;
	p2 =	slt.u32 s8, $0xFFFFF086  }
0x1c: {  	p1 =	slt.u32 s9, $0xF7A;
	s5 =	simm.s32 @!p2 $0x0  }
0x1d: {  	s5 =	simm.s32 @p1 $0x1;
	p0 =	seq.s32 s7, s2  }
0x1e: {  	s7 =	smul.u32 @!p0 $0xF7A, s2;
	p2 =	seq.s32 @!p0 s5, $0x0  }
0x1f: {  	s9 =	smul.u32 $0xF7A, s1;
	s8 =	simm.s32 @!p0 $0x1BF5;
	p2 =	por !p2, p0  }
0x20: {  	[sflag:s8] =	ssyncset.s32 @!p0 $0xFFFFF086;
	s6 =	sadd.s32 @!p0 s3, s7;
	s7 =	simm.s32 @!p0 $0x108  }
0x21: {  	s3 =	sadd.s32 s3, s9;
	s6 =	sadd.s32 @!p0 $0x88, s6;
	s7 =	simm.s32 @p2 $0x1082  }
0x22: {  	[simem:s7], [sflag:s8] =	dma.local @!p0 [hbm:s6], $0xF7A  }
0x23: {  	s9 =	sor.u32 $0xD0000000, s2;
	s6 =	simm.s32 $0x108;
	_ =	swait.ge @!p0 [sflag:s8], $0x0  }
0x24: {  	s3 =	sadd.s32 $0x88, s3;
	s6 =	simm.s32 @!p1 $0x1082;
	[sflag:s4] =	ssyncset.s32 $0xFFFFF086  }
0x25: {  	[simem:s6], [sflag:s4] =	dma.local [hbm:s3], $0xF7A  }
0x26: {  	[smem:$0x3F94] =	sst s1;
	(tag) =	ssettag s2;
	_ =	strace s9  }
0x27: {  	s1 =	sld [smem:$0x3FA4]  }
0x28: {  	s2 =	sld [smem:$0x3FA5]  }
0x29: {  	s4 =	sld [smem:$0x3FA7]  }
0x2a: {  	p0 =	seq.s32 s5, $0x0;
	s5 =	sld [smem:$0x3FA8]  }
0x2b: {  	s6 =	sld [smem:$0x3FA9]  }
0x2c: {  	s7 =	sld [smem:$0x3FAA]  }
0x2d: {  	s3 =	simm.s32 $0x108;
	s8 =	sld [smem:$0x3FAB]  }
0x2e: {  	s3 =	simm.s32 @!p0 $0x1082;
	s9 =	sld [smem:$0x3FAC]  }
0x2f: {  	lr =	sadd.s32 s0, s3;
	s0 =	sld [smem:$0x3FA3]  }
0x30: {  	s3 =	sld [smem:$0x3FA6]  }
0x31: {  	[smem:$0x3FAF] =	sst s10  }
0x32: {  	s10 =	sld [smem:$0x3FAD];
	_ =	sdelay $0x3  }
0x33: {  	p0 =	seq.s32 s10, $0x1;
	s10 =	sld [smem:$0x3FAF];
	_ =	sdelay $0x3  }
0x34: {  	[smem:$0x3FAF] =	sst s10  }
0x35: {  	s10 =	sld [smem:$0x3FAE];
	_ =	sdelay $0x3  }
0x36: {  	p1 =	seq.s32 s10, $0x1;
	s10 =	sld [smem:$0x3FAF];
	_ =	sdelay $0x3  }
0x37: {  	[smem:$0x3FAF] =	sst s10  }
0x38: {  	s10 =	sld [smem:$0x3FB0]  }
0x39: {  	_ = 	snop;
	(pc) =	sbr.ind lr, $3  }
0x3a: {  	_ = 	snop  }
0x3b: {  	_ = 	snop  }
0x3c: {  	p2 =	seq.s32 s10, $0x1;
	s10 =	sld [smem:$0x3FAF]  }
0x3d: {  	_ =	shalt  }
0x3e: {  	_ =	shalt  }
0x3f: {  	_ =	shalt  }
0x40: {  	_ =	shalt  }
0x41: {  	_ =	shalt  }
0x42: {  	_ =	shalt  }
0x43: {  	_ =	shalt  }
0x44: {  	_ =	shalt  }
0x45: {  	_ =	shalt  }
0x46: {  	_ =	shalt  }
0x47: {  	_ =	shalt  }
0x48: {  	_ =	shalt  }
0x49: {  	_ =	shalt  }
0x4a: {  	_ =	shalt  }
0x4b: {  	_ =	shalt  }
0x4c: {  	_ =	shalt  }
0x4d: {  	_ =	shalt  }
0x4e: {  	_ =	shalt  }
0x4f: {  	_ =	shalt  }
0x50: {  	_ =	shalt  }
0x51: {  	_ =	shalt  }
0x52: {  	_ =	shalt  }
0x53: {  	_ =	shalt  }
0x54: {  	_ =	shalt  }
0x55: {  	_ =	shalt  }
0x56: {  	_ =	shalt  }
0x57: {  	_ =	shalt  }
0x58: {  	_ =	shalt  }
0x59: {  	_ =	shalt  }
0x5a: {  	_ =	shalt  }
0x5b: {  	_ =	shalt  }
0x5c: {  	_ =	shalt  }
0x5d: {  	_ =	shalt  }
0x5e: {  	_ =	shalt  }
0x5f: {  	_ =	shalt  }
0x60: {  	_ =	shalt  }
0x61: {  	_ =	shalt  }
0x62: {  	_ =	shalt  }
0x63: {  	_ =	shalt  }
0x64: {  	_ =	shalt  }
0x65: {  	_ =	shalt  }
0x66: {  	_ =	shalt  }
0x67: {  	_ =	shalt  }
0x68: {  	_ =	shalt  }
0x69: {  	_ =	shalt  }
0x6a: {  	_ =	shalt  }
0x6b: {  	_ =	shalt  }
0x6c: {  	_ =	shalt  }
0x6d: {  	_ =	shalt  }
0x6e: {  	_ =	shalt  }
0x6f: {  	_ =	shalt  }
0x70: {  	_ =	shalt  }
0x71: {  	_ =	shalt  }
0x72: {  	_ =	shalt  }
0x73: {  	_ =	shalt  }
0x74: {  	_ =	shalt  }
0x75: {  	_ =	shalt  }
0x76: {  	_ =	shalt  }
0x77: {  	_ =	shalt  }
0x78: {  	_ =	shalt  }
0x79: {  	_ =	shalt  }
0x7a: {  	_ =	shalt  }
0x7b: {  	_ =	shalt  }
0x7c: {  	_ =	shalt  }
0x7d: {  	_ =	shalt  }
0x7e: {  	_ =	shalt  }
0x7f: {  	_ =	shalt  }
0x80: {  	_ =	shalt  }
0x81: {  	_ =	shalt  }
0x82: {  	_ =	shalt  }
0x83: {  	_ =	shalt  }
0x84: {  	_ =	shalt  }
0x85: {  	_ =	shalt  }
0x86: {  	_ =	shalt  }
0x87: {  	_ =	shalt  }
.Lfunc_end0:
.L_simem_size_0:
called_computation.3_lowered:
.L_overlay_start_0:
0x88: {  	s2 =	sld [smem:$0x3FD9]  }
0x89: {  	s3 =	sld [smem:$0x3FFE];
	_ =	sdelay $0x1  }
0x8a: {  	s1 =	srdreg.scid  }
0x8b: {  	s0 =	sand.u32 $0x1, s1  }
0x8c: {  	s16 =	sshll.u32 s0, $0xA;
	s2 =	sadd.s32 s3, s2  }
0x8d: {  	s2 =	sadd.s32 s2, s16  }
0x8e: {  	[smem:$0x3FBB] =	sst s2  }
0x8f: {  	_ = 	snop  }
0x90: {  	(tm) =	ssettm $0x1  }
0x91: {  	s17 =	sld [smem:$0x3FFB];
	_ =	sdelay $0x3  }
0x92: {  	_ =	strace s17  }
0x93: {  	s2 =	sld [smem:$0x3FFC];
	_ =	sdelay $0x3  }
0x94: {  	_ =	strace s2  }
0x95: {  	s2 =	sld [smem:$0x3FFD];
	_ =	sdelay $0x3  }
0x96: {  	_ =	strace s2  }
0x97: {  	_ =	strace $0x8FFFFFFF  }
0x98: {  	s18 =	sld [smem:$0x3FDB];
	_ =	sdelay $0x1  }
0x99: {  	s19 =	simm.s32 $_scs_section_size  }
0x9a: {  	s4 =	simm.s32 $_size__tile_overlayer_lowered;
	s5 =	simm.s32 $_tile_overlayer_lowered  }
0x9b: {  	s22 =	simm.s32 $0x1BFF;
	s21 =	sshll.u32 s5, $0x1;
	s2 =	sadd.s32 s19, s18  }
0x9c: {  	s6 =	simm.s32 $0x0;
	s20 =	sshll.u32 s4, $0x1;
	s4 =	sadd.s32 s21, s2  }
0x9d: {  	[timem:s6], [sflag:s22] =	dma.local [hbm:s4], s20  }
0x9e: {  	_ =	swait.ge [sflag:s22], s20  }
0x9f: {  	s3 =	ssub.s32 $0x0, s20;
	[sflag:s22] =	ssyncset.done $0x0  }
0xa0: {  	[sflag:s22] =	ssyncadd.s32 s3;
	_ =	sdelay $0x1  }
0xa1: {  	s23 =	simm.s32 $0x1B8B  }
0xa2: {  	_ =	swait.ge [sflag:s23], $0x1  }
0xa3: {  	[sflag:s23] =	ssyncset.done $0x0  }
0xa4: {  	s25 =	simm.s32 $0x1B8E;
	s24 =	sld [smem:$0x3FFE];
	[sflag:s23] =	ssyncadd.s32 $0xFFFFFFFF  }
0xa5: {  	s26 =	simm.s32 $execute0_lowered;
	[smem:$0x3FD2] =	sst s25  }
0xa6: {  	s4 =	sshll.u32 s26, $0x1;
	_ =	strace $0x8000004F;
	[dreg:$0x1] =	wrdreg $0xFFFFFFFF  }
0xa7: {  	s28 =	simm.s32 $_size_execute0_lowered;
	s2 =	sadd.s32 s2, s4;
	[dreg:$0x0] =	wrdreg $0x0  }
0xa8: {  	s4 =	sshll.u32 s28, $0x1;
	[dreg:$0x2] =	wrdreg s2  }
0xa9: {  	[dreg:$0x3] =	wrdreg s4  }
0xaa: {  	[dreg:$0x4] =	wrdreg $0xC0  }
0xab: {  	_ =	task [dreg:s6], $0x5FFFF  }
0xac: {  	[dreg:$0x1] =	wrdreg $0xFFFFFFFF  }
0xad: {  	[dreg:$0x0] =	wrdreg $0x60  }
0xae: {  	[dreg:$0x2] =	wrdreg s24  }
0xaf: {  	[dreg:$0x3] =	wrdreg $0x88000  }
0xb0: {  	[dreg:$0x4] =	wrdreg $0x9  }
0xb1: {  	_ =	task.clear_ibuf [dreg:s6], $0x5FFFF;
	_ =	strace $0x9000004F  }
0xb2: {  	s29 =	simm.s32 $0x9;
	_ =	strace $0x80000051  }
0xb3: {  	_ =	swait.ge [sflag:s29], $0x1  }
0xb4: {  	[sflag:s29] =	ssyncadd.s32 $0xFFFFFFFF  }
0xb5: {  	_ =	strace $0x90000051  }
0xb6: {  	_ =	sfence  }
0xb7: {  	s30 =	sld [smem:$0x0];
	_ =	sdelay $0x2  }
0xb8: {  	s31 =	sshll.u32 s1, $0xD;
	s1 =	sshrl.u32 s1, $0x2  }
0xb9: {  	s3 =	sand.u32 $0x4000, s31;
	s1 =	sadd.s32 s1, s30  }
0xba: {  	s0 =	sor.u32 s3, s0;
	s1 =	sshll.u32 s1, $0x11  }
0xbb: {  	s0 =	sor.u32 s1, s0  }
0xbc: {  	s0 =	sadd.s32 $0x8F2B, s0  }
0xbd: {  	[sflag:s0] =	ssyncadd.remote.s32 $0x1  }
0xbe: {  	_ =	sfence.sel $0xFFFF  }
0xbf: {  	[dreg:$0x0] =	wrdreg $0xFFFFFFFF;
	(pc) =	sbr.abs _section_cstart, $3  }
0xc0: {  	[dreg:$0x1] =	wrdreg $0xFFFFFFFF  }
0xc1: {  	_ =	task.clear_ibuf [dreg:s6], $0x2FFFF;
	_ =	strace $0x9FFFFFFF  }
0xc2: {  	(tm) =	ssettm $0x7FFFFFFF  }
0xc3: {  	_ =	shalt  }
tec
execute0_lowered:
.L_overlay_start_1:
0x0: {  	(tag) =	ssettag $0x1  }
0x1: {  	s0 =	srdreg.scid;
	s1 =	rddreg [dreg:$0x0]  }
0x2: {  	s9 =	stileid.u32;
	s2 =	rddreg [dreg:$0x1]  }
0x3: {  	s3 =	simm.s32 $0x0;
	s19 =	simm.s32 $0x4800;
	s20 =	simm.s32 $0x7  }
0x4: {  	s21 =	simm.s32 $0x40;
	s28 =	simm.s32 $0x5;
	s5 =	smul.u32 $0xA000, s9  }
0x5: {  	s29 =	simm.s32 $0x3;
	s30 =	simm.s32 $0x6;
	s6 =	smul.u32 $0x50000, s9  }
0x6: {  	s31 =	simm.s32 $0x0;
	s0 =	sand.u32 $0x1, s0;
	s24 =	smul.u32 $0x14000, s9  }
0x7: {  	[smem:$0x7FF] =	sst s3;
	s4 =	smul.u32 $0xA0000, s0;
	s22 =	ssub.s32 $0x2, s0  }
0x8: {  	_ =	strace $0x80000050;
	s0 =	smul.u32 $0x140000, s0;
	s7 =	sshrl.u32 s22, $0x1  }
0x9: {  	s6 =	sshrl.u32 s6, $0x2;
	s4 =	sadd.s32 s5, s4;
	s7 =	ssub.s32 s22, s7  }
0xa: {  	s0 =	sadd.s32 s24, s0;
	s22 =	simm.s32 $0x2800;
	s24 =	simm.s32 $0x1  }
0xb: {  	s5 =	sshrl.u32 s4, $0x3;
	s4 =	sadd.s32 $0x2B400, s1;
	s23 =	smax.u32 s7, $0x1  }
0xc: {  	s16 =	sshrl.u32 s0, $0x3;
	s8 =	sadd.s32 s5, s1;
	s1 =	sadd.s32 $0x53400, s1  }
0xd: {  	s5 =	sadd.s32 s6, s2;
	[dreg:$0x3] =	wrdreg s23;
	s6 =	sor.u32 $0x2000, s0  }
0xe: {  	s23 =	simm.s32 $0x6800;
	s7 =	sadd.s32 $0x2000, s5;
	s25 =	sadd.s32 $0x4000, s5  }
0xf: {  	s26 =	sadd.s32 $0x6000, s5;
	s10 =	sadd.s32 $0x8000, s5;
	s11 =	sadd.s32 $0xA000, s5  }
0x10: {  	s12 =	sadd.s32 $0xC000, s5;
	s13 =	sadd.s32 $0xE000, s5;
	s14 =	sadd.s32 $0x10000, s5  }
0x11: {  	s15 =	sadd.s32 $0x12000, s5;
	s6 =	sshrl.u32 s6, $0x3;
	[dreg:$0x4] =	wrdreg s25  }
0x12: {  	s0 =	sadd.s32 $0x3400, s8;
	s17 =	sadd.s32 s16, s1;
	[dreg:$0x5] =	wrdreg s26  }
0x13: {  	v0 =	vimm.f32 $0.0e+00;
	s18 =	sadd.s32 s6, s1;
	s25 =	simm.s32 $0x4;
	s26 =	simm.s32 $0x2  }
.LBB2_1:
0x14: {  	s1 =	simm.s32 $0x0;
	s6 =	simm.s32 $0x200  }
.LBB2_2:
0x15: {  	p0 =	sne.s32 s6, $0x7E00;
	[tilespmem:s1+$0x4870] =	vst v0  }
0x16: {  	[tilespmem:s1+$0x4800] =	vst v0  }
0x17: {  	[tilespmem:s1+$0x4810] =	vst v0  }
.Ltmp0:
0x18: {  	[tilespmem:s1+$0x4820] =	vst v0;
	(pc) =	sbr.rel @p0 .LBB2_2-.Ltmp0, $4  }
0x19: {  	[tilespmem:s1+$0x4830] =	vst v0  }
0x1a: {  	[tilespmem:s1+$0x4840] =	vst v0  }
0x1b: {  	[tilespmem:s1+$0x4850] =	vst v0  }
0x1c: {  	[tilespmem:s1+$0x4860] =	vst v0;
	s1 =	sshra.s32 s6, $0x2;
	s6 =	sadd.s32 $0x200, s6  }
0x1d: {  	[tilespmem:s1+$0x4870] =	vst v0  }
0x1e: {  	[tilespmem:s1+$0x4800] =	vst v0  }
0x1f: {  	[tilespmem:s1+$0x4810] =	vst v0  }
0x20: {  	[tilespmem:s1+$0x4820] =	vst v0  }
0x21: {  	[tilespmem:s1+$0x4830] =	vst v0  }
0x22: {  	[tilespmem:s1+$0x4840] =	vst v0  }
0x23: {  	[tilespmem:s1+$0x4850] =	vst v0  }
0x24: {  	[tilespmem:s1+$0x4860] =	vst v0  }
0x25: {  	[spmem:s5] =	stream.linear.scatter [tilespmem:s19], [sflag:$0x7], $0x2000, $0x38;
	[tilespmem:$0x1C800] =	vst v63  }
0x26: {  	_ =	swait.ge [sflag:s20], $0x2000  }
0x27: {  	[sflag:s20] =	ssyncset.done $0x0  }
0x28: {  	[sflag:s20] =	ssyncadd.s32 $0xFFFFE000  }
0x29: {  	[spmem:s7] =	stream.linear.scatter [tilespmem:s19], [sflag:$0x7], $0x2000, $0x38;
	[tilespmem:$0x1C800] =	vst v63  }
0x2a: {  	_ =	swait.ge [sflag:s20], $0x2000  }
0x2b: {  	[sflag:s20] =	ssyncset.done $0x0  }
0x2c: {  	s6 =	rddreg [dreg:$0x4];
	[sflag:s20] =	ssyncadd.s32 $0xFFFFE000  }
0x2d: {  	[spmem:s6] =	stream.linear.scatter [tilespmem:s19], [sflag:$0x7], $0x2000, $0x38;
	[tilespmem:$0x1C800] =	vst v63  }
0x2e: {  	_ =	swait.ge [sflag:s20], $0x2000  }
0x2f: {  	[sflag:s20] =	ssyncset.done $0x0  }
0x30: {  	s8 =	rddreg [dreg:$0x5];
	[sflag:s20] =	ssyncadd.s32 $0xFFFFE000  }
0x31: {  	[spmem:s8] =	stream.linear.scatter [tilespmem:s19], [sflag:$0x7], $0x2000, $0x38;
	[tilespmem:$0x1C800] =	vst v63  }
0x32: {  	_ =	swait.ge [sflag:s20], $0x2000  }
0x33: {  	[sflag:s20] =	ssyncset.done $0x0  }
0x34: {  	[sflag:s20] =	ssyncadd.s32 $0xFFFFE000  }
0x35: {  	[spmem:s10] =	stream.linear.scatter [tilespmem:s19], [sflag:$0x7], $0x2000, $0x38;
	[tilespmem:$0x1C800] =	vst v63  }
0x36: {  	_ =	swait.ge [sflag:s20], $0x2000  }
0x37: {  	[sflag:s20] =	ssyncset.done $0x0  }
0x38: {  	[sflag:s20] =	ssyncadd.s32 $0xFFFFE000  }
0x39: {  	[spmem:s11] =	stream.linear.scatter [tilespmem:s19], [sflag:$0x7], $0x2000, $0x38;
	[tilespmem:$0x1C800] =	vst v63  }
0x3a: {  	_ =	swait.ge [sflag:s20], $0x2000  }
0x3b: {  	[sflag:s20] =	ssyncset.done $0x0  }
0x3c: {  	[sflag:s20] =	ssyncadd.s32 $0xFFFFE000  }
0x3d: {  	[spmem:s12] =	stream.linear.scatter [tilespmem:s19], [sflag:$0x7], $0x2000, $0x38;
	[tilespmem:$0x1C800] =	vst v63  }
0x3e: {  	_ =	swait.ge [sflag:s20], $0x2000  }
0x3f: {  	[sflag:s20] =	ssyncset.done $0x0  }
0x40: {  	[sflag:s20] =	ssyncadd.s32 $0xFFFFE000  }
0x41: {  	[spmem:s13] =	stream.linear.scatter [tilespmem:s19], [sflag:$0x7], $0x2000, $0x38;
	[tilespmem:$0x1C800] =	vst v63  }
0x42: {  	_ =	swait.ge [sflag:s20], $0x2000  }
0x43: {  	s9 =	simm.s32 $0x0;
	[sflag:s20] =	ssyncset.done $0x0  }
0x44: {  	s1 =	smul.u32 $0xCD, s9;
	[sflag:s20] =	ssyncadd.s32 $0xFFFFE000  }
0x45: {  	[spmem:s14] =	stream.linear.scatter [tilespmem:s19], [sflag:$0x7], $0x2000, $0x38;
	[tilespmem:$0x1C800] =	vst v63  }
0x46: {  	s1 =	sshrl.u32 s1, $0xA;
	_ =	swait.ge [sflag:s20], $0x2000  }
0x47: {  	s1 =	sand.u32 $0x3F, s1;
	[sflag:s20] =	ssyncset.done $0x0  }
0x48: {  	s1 =	smul.u32 $0x5, s1;
	[sflag:s20] =	ssyncadd.s32 $0xFFFFE000  }
0x49: {  	[spmem:s15] =	stream.linear.scatter [tilespmem:s19], [sflag:$0x7], $0x2000, $0x38;
	[tilespmem:$0x1C800] =	vst v63  }
0x4a: {  	s1 =	ssub.s32 $0x0, s1;
	_ =	swait.ge [sflag:s20], $0x2000  }
0x4b: {  	s1 =	sand.u32 $0xFF, s1;
	[sflag:s20] =	ssyncset.done $0x0  }
0x4c: {  	p0 =	sne.s32 s1, $0x0;
	[sflag:s20] =	ssyncadd.s32 $0xFFFFE000  }
0x4d: {  	s6 =	simm.s32 @!p0 $0x0;
	s8 =	simm.s32 @!p0 $0x7;
	[bflag:$0x0] =	sbarrier.arrive $0xFFFF  }
0x4e: {  	[tilespmem:s6], [sflag:$0x7] =	stream.linear.gather @!p0 [hbm4b:s0+s6], $0x2800, $0x38;
	[tilespmem:$0x1C800] =	vst v63  }
0x4f: {  	_ =	swait.ge @!p0 [sflag:s8], $0x2800  }
0x50: {  	[sflag:s8] =	ssyncset.done @!p0 $0x0  }
0x51: {  	s6 =	sshll.u32 s1, $0xB;
	[sflag:s8] =	ssyncadd.s32 @!p0 $0xFFFFD800  }
0x52: {  	[tilespmem:s22], [sflag:$0x1] =	stream.indirect.gather [hbm4b:s4+s21], $0x80, s6, s21, $0xb8;
	[tilespmem:$0x1C800] =	vst v63  }
0x53: {  	s1 =	sor.u32 $0x100, s6  }
0x54: {  	[tilespmem:s19], [sflag:$0x2] =	stream.indirect.gather [hbm4b:s4+s21], $0x80, s1, s21, $0xb8;
	[tilespmem:$0x1C800] =	vst v63  }
0x55: {  	s16 =	sor.u32 $0x200, s6  }
0x56: {  	[tilespmem:s23], [sflag:$0x3] =	stream.indirect.gather [hbm4b:s4+s21], $0x80, s16, s21, $0xb8;
	[tilespmem:$0x1C800] =	vst v63  }
0x57: {  	_ =	swait.ge [sflag:s24], $0x2000  }
0x58: {  	[sflag:s24] =	ssyncset.done $0x0  }
0x59: {  	s8 =	sor.u32 $0x80, s6;
	[sflag:s24] =	ssyncadd.s32 $0xFFFFE000  }
0x5a: {  	[spmem:s2] =	stream.indirect.scatter.add.f32 [tilespmem:s22], [sflag:$0x4], $0x80, s8, s21, $0xb8;
	[tilespmem:$0x1C800] =	vst v63  }
0x5b: {  	_ =	swait.ge [sflag:s25], $0x2000  }
0x5c: {  	[sflag:s25] =	ssyncset.done $0x0  }
0x5d: {  	s9 =	sor.u32 $0x300, s6;
	[sflag:s25] =	ssyncadd.s32 $0xFFFFE000  }
0x5e: {  	[tilespmem:s22], [sflag:$0x1] =	stream.indirect.gather [hbm4b:s4+s21], $0x80, s9, s21, $0xb8;
	[tilespmem:$0x1C800] =	vst v63  }
0x5f: {  	_ =	swait.ge [sflag:s26], $0x2000  }
0x60: {  	[sflag:s26] =	ssyncset.done $0x0  }
0x61: {  	s16 =	sor.u32 $0x180, s6;
	[sflag:s26] =	ssyncadd.s32 $0xFFFFE000  }
0x62: {  	[spmem:s2] =	stream.indirect.scatter.add.f32 [tilespmem:s19], [sflag:$0x5], $0x80, s16, s21, $0xb8;
	[tilespmem:$0x1C800] =	vst v63  }
0x63: {  	_ =	swait.ge [sflag:s28], $0x2000  }
0x64: {  	[sflag:s28] =	ssyncset.done $0x0  }
0x65: {  	s8 =	sor.u32 $0x400, s6;
	[sflag:s28] =	ssyncadd.s32 $0xFFFFE000  }
0x66: {  	[tilespmem:s19], [sflag:$0x2] =	stream.indirect.gather [hbm4b:s4+s21], $0x80, s8, s21, $0xb8;
	[tilespmem:$0x1C800] =	vst v63  }
0x67: {  	_ =	swait.ge [sflag:s29], $0x2000  }
0x68: {  	[sflag:s29] =	ssyncset.done $0x0  }
0x69: {  	s9 =	sor.u32 $0x280, s6;
	[sflag:s29] =	ssyncadd.s32 $0xFFFFE000  }
0x6a: {  	[spmem:s2] =	stream.indirect.scatter.add.f32 [tilespmem:s23], [sflag:$0x6], $0x80, s9, s21, $0xb8;
	[tilespmem:$0x1C800] =	vst v63  }
0x6b: {  	_ =	swait.ge [sflag:s30], $0x2000  }
0x6c: {  	[sflag:s30] =	ssyncset.done $0x0  }
0x6d: {  	s16 =	sor.u32 $0x500, s6;
	[sflag:s30] =	ssyncadd.s32 $0xFFFFE000  }
0x6e: {  	[tilespmem:s23], [sflag:$0x3] =	stream.indirect.gather [hbm4b:s4+s21], $0x80, s16, s21, $0xb8;
	[tilespmem:$0x1C800] =	vst v63  }
0x6f: {  	_ =	swait.ge [sflag:s24], $0x2000  }
0x70: {  	[sflag:s24] =	ssyncset.done $0x0  }
0x71: {  	s8 =	sor.u32 $0x380, s6;
	[sflag:s24] =	ssyncadd.s32 $0xFFFFE000  }
0x72: {  	[spmem:s2] =	stream.indirect.scatter.add.f32 [tilespmem:s22], [sflag:$0x4], $0x80, s8, s21, $0xb8;
	[tilespmem:$0x1C800] =	vst v63  }
0x73: {  	_ =	swait.ge [sflag:s25], $0x2000  }
0x74: {  	[sflag:s25] =	ssyncset.done $0x0  }
0x75: {  	s9 =	sor.u32 $0x600, s6;
	[sflag:s25] =	ssyncadd.s32 $0xFFFFE000  }
0x76: {  	[tilespmem:s22], [sflag:$0x1] =	stream.indirect.gather [hbm4b:s4+s21], $0x80, s9, s21, $0xb8;
	[tilespmem:$0x1C800] =	vst v63  }
0x77: {  	_ =	swait.ge [sflag:s26], $0x2000  }
0x78: {  	[sflag:s26] =	ssyncset.done $0x0  }
0x79: {  	s16 =	sor.u32 $0x480, s6;
	[sflag:s26] =	ssyncadd.s32 $0xFFFFE000  }
0x7a: {  	[spmem:s2] =	stream.indirect.scatter.add.f32 [tilespmem:s19], [sflag:$0x5], $0x80, s16, s21, $0xb8;
	[tilespmem:$0x1C800] =	vst v63  }
0x7b: {  	_ =	swait.ge [sflag:s28], $0x2000  }
0x7c: {  	[sflag:s28] =	ssyncset.done $0x0  }
0x7d: {  	s8 =	sor.u32 $0x700, s6;
	[sflag:s28] =	ssyncadd.s32 $0xFFFFE000  }
0x7e: {  	[tilespmem:s19], [sflag:$0x2] =	stream.indirect.gather [hbm4b:s4+s21], $0x80, s8, s21, $0xb8;
	[tilespmem:$0x1C800] =	vst v63  }
0x7f: {  	_ =	swait.ge [sflag:s29], $0x2000  }
0x80: {  	[sflag:s29] =	ssyncset.done $0x0  }
0x81: {  	s9 =	sor.u32 $0x580, s6;
	[sflag:s29] =	ssyncadd.s32 $0xFFFFE000  }
0x82: {  	[spmem:s2] =	stream.indirect.scatter.add.f32 [tilespmem:s23], [sflag:$0x6], $0x80, s9, s21, $0xb8;
	[tilespmem:$0x1C800] =	vst v63  }
0x83: {  	_ =	swait.ge [sflag:s24], $0x2000  }
0x84: {  	[sflag:s24] =	ssyncset.done $0x0  }
0x85: {  	s16 =	sor.u32 $0x680, s6;
	[sflag:s24] =	ssyncadd.s32 $0xFFFFE000  }
0x86: {  	[spmem:s2] =	stream.indirect.scatter.add.f32 [tilespmem:s22], [sflag:$0x4], $0x80, s16, s21, $0xb8;
	[tilespmem:$0x1C800] =	vst v63  }
0x87: {  	s1 =	simm.s32 $0x1;
	_ =	swait.ge [sflag:s26], $0x2000  }
0x88: {  	s6 =	sor.u32 $0x780, s6;
	s16 =	smov.u32 s0;
	[sflag:s26] =	ssyncset.done $0x0  }
.LBB2_4:
0x89: {  	s8 =	smul.u32 $0xCD, s1  }
0x8a: {  	[sflag:s26] =	ssyncadd.s32 $0xFFFFE000;
	s9 =	smov.u32 s1;
	s1 =	sadd.s32 $0x1, s1  }
0x8b: {  	[spmem:s2] =	stream.indirect.scatter.add.f32 [tilespmem:s19], [sflag:$0x5], $0x80, s6, s21, $0xb8;
	[tilespmem:$0x1C800] =	vst v63  }
0x8c: {  	p0 =	sne.s32 s1, $0x14;
	s6 =	sshrl.u32 s8, $0xA;
	_ =	swait.ge [sflag:s30], $0x2000  }
0x8d: {  	[sflag:s30] =	ssyncset.done $0x0  }
0x8e: {  	s6 =	sand.u32 $0x3F, s6;
	[sflag:s30] =	ssyncadd.s32 $0xFFFFE000  }
0x8f: {  	s6 =	smul.u32 $0x5, s6;
	_ =	swait.ge [sflag:s25], $0x2000  }
0x90: {  	[sflag:s25] =	ssyncset.done $0x0  }
0x91: {  	s6 =	ssub.s32 s9, s6;
	[sflag:s25] =	ssyncadd.s32 $0xFFFFE000  }
0x92: {  	s6 =	sand.u32 $0xFF, s6;
	_ =	swait.ge [sflag:s28], $0x2000  }
0x93: {  	s16 =	sadd.s32 $0x100, s16;
	p1 =	sne.s32 s6, $0x0;
	[sflag:s28] =	ssyncset.done $0x0  }
0x94: {  	s8 =	simm.s32 @!p1 $0x0;
	s9 =	simm.s32 @!p1 $0x7;
	[sflag:s28] =	ssyncadd.s32 $0xFFFFE000  }
0x95: {  	[tilespmem:s8], [sflag:$0x7] =	stream.linear.gather @!p1 [hbm4b:s16+s8], $0x2800, $0x38;
	[tilespmem:$0x1C800] =	vst v63  }
0x96: {  	_ =	swait.ge @!p1 [sflag:s9], $0x2800  }
0x97: {  	[sflag:s9] =	ssyncset.done @!p1 $0x0  }
0x98: {  	s8 =	sshll.u32 s6, $0xB;
	[sflag:s9] =	ssyncadd.s32 @!p1 $0xFFFFD800  }
0x99: {  	[tilespmem:s22], [sflag:$0x1] =	stream.indirect.gather [hbm4b:s4+s21], $0x80, s8, s21, $0xb8;
	[tilespmem:$0x1C800] =	vst v63  }
0x9a: {  	s6 =	sor.u32 $0x780, s8;
	s9 =	sor.u32 $0x100, s8  }
0x9b: {  	[tilespmem:s19], [sflag:$0x2] =	stream.indirect.gather [hbm4b:s4+s21], $0x80, s9, s21, $0xb8;
	[tilespmem:$0x1C800] =	vst v63  }
0x9c: {  	s9 =	sor.u32 $0x200, s8  }
0x9d: {  	[tilespmem:s23], [sflag:$0x3] =	stream.indirect.gather [hbm4b:s4+s21], $0x80, s9, s21, $0xb8;
	[tilespmem:$0x1C800] =	vst v63  }
0x9e: {  	_ =	swait.ge [sflag:s24], $0x2000  }
0x9f: {  	[sflag:s24] =	ssyncset.done $0x0  }
0xa0: {  	s9 =	sor.u32 $0x80, s8;
	[sflag:s24] =	ssyncadd.s32 $0xFFFFE000  }
0xa1: {  	[spmem:s2] =	stream.indirect.scatter.add.f32 [tilespmem:s22], [sflag:$0x4], $0x80, s9, s21, $0xb8;
	[tilespmem:$0x1C800] =	vst v63  }
0xa2: {  	_ =	swait.ge [sflag:s25], $0x2000  }
0xa3: {  	[sflag:s25] =	ssyncset.done $0x0  }
0xa4: {  	s9 =	sor.u32 $0x300, s8;
	[sflag:s25] =	ssyncadd.s32 $0xFFFFE000  }
0xa5: {  	[tilespmem:s22], [sflag:$0x1] =	stream.indirect.gather [hbm4b:s4+s21], $0x80, s9, s21, $0xb8;
	[tilespmem:$0x1C800] =	vst v63  }
0xa6: {  	_ =	swait.ge [sflag:s26], $0x2000  }
0xa7: {  	[sflag:s26] =	ssyncset.done $0x0  }
0xa8: {  	s9 =	sor.u32 $0x180, s8;
	[sflag:s26] =	ssyncadd.s32 $0xFFFFE000  }
0xa9: {  	[spmem:s2] =	stream.indirect.scatter.add.f32 [tilespmem:s19], [sflag:$0x5], $0x80, s9, s21, $0xb8;
	[tilespmem:$0x1C800] =	vst v63  }
0xaa: {  	_ =	swait.ge [sflag:s28], $0x2000  }
0xab: {  	[sflag:s28] =	ssyncset.done $0x0  }
0xac: {  	s9 =	sor.u32 $0x400, s8;
	[sflag:s28] =	ssyncadd.s32 $0xFFFFE000  }
0xad: {  	[tilespmem:s19], [sflag:$0x2] =	stream.indirect.gather [hbm4b:s4+s21], $0x80, s9, s21, $0xb8;
	[tilespmem:$0x1C800] =	vst v63  }
0xae: {  	_ =	swait.ge [sflag:s29], $0x2000  }
0xaf: {  	[sflag:s29] =	ssyncset.done $0x0  }
0xb0: {  	s9 =	sor.u32 $0x280, s8;
	[sflag:s29] =	ssyncadd.s32 $0xFFFFE000  }
0xb1: {  	[spmem:s2] =	stream.indirect.scatter.add.f32 [tilespmem:s23], [sflag:$0x6], $0x80, s9, s21, $0xb8;
	[tilespmem:$0x1C800] =	vst v63  }
0xb2: {  	_ =	swait.ge [sflag:s30], $0x2000  }
0xb3: {  	[sflag:s30] =	ssyncset.done $0x0  }
0xb4: {  	s9 =	sor.u32 $0x500, s8;
	[sflag:s30] =	ssyncadd.s32 $0xFFFFE000  }
0xb5: {  	[tilespmem:s23], [sflag:$0x3] =	stream.indirect.gather [hbm4b:s4+s21], $0x80, s9, s21, $0xb8;
	[tilespmem:$0x1C800] =	vst v63  }
0xb6: {  	_ =	swait.ge [sflag:s24], $0x2000  }
0xb7: {  	[sflag:s24] =	ssyncset.done $0x0  }
0xb8: {  	s9 =	sor.u32 $0x380, s8;
	[sflag:s24] =	ssyncadd.s32 $0xFFFFE000  }
0xb9: {  	[spmem:s2] =	stream.indirect.scatter.add.f32 [tilespmem:s22], [sflag:$0x4], $0x80, s9, s21, $0xb8;
	[tilespmem:$0x1C800] =	vst v63  }
0xba: {  	_ =	swait.ge [sflag:s25], $0x2000  }
0xbb: {  	[sflag:s25] =	ssyncset.done $0x0  }
0xbc: {  	s9 =	sor.u32 $0x600, s8;
	[sflag:s25] =	ssyncadd.s32 $0xFFFFE000  }
0xbd: {  	[tilespmem:s22], [sflag:$0x1] =	stream.indirect.gather [hbm4b:s4+s21], $0x80, s9, s21, $0xb8;
	[tilespmem:$0x1C800] =	vst v63  }
0xbe: {  	_ =	swait.ge [sflag:s26], $0x2000  }
0xbf: {  	[sflag:s26] =	ssyncset.done $0x0  }
0xc0: {  	s9 =	sor.u32 $0x480, s8;
	[sflag:s26] =	ssyncadd.s32 $0xFFFFE000  }
0xc1: {  	[spmem:s2] =	stream.indirect.scatter.add.f32 [tilespmem:s19], [sflag:$0x5], $0x80, s9, s21, $0xb8;
	[tilespmem:$0x1C800] =	vst v63  }
0xc2: {  	_ =	swait.ge [sflag:s28], $0x2000  }
0xc3: {  	[sflag:s28] =	ssyncset.done $0x0  }
0xc4: {  	s9 =	sor.u32 $0x700, s8;
	[sflag:s28] =	ssyncadd.s32 $0xFFFFE000  }
0xc5: {  	[tilespmem:s19], [sflag:$0x2] =	stream.indirect.gather [hbm4b:s4+s21], $0x80, s9, s21, $0xb8;
	[tilespmem:$0x1C800] =	vst v63  }
0xc6: {  	_ =	swait.ge [sflag:s29], $0x2000  }
0xc7: {  	[sflag:s29] =	ssyncset.done $0x0  }
0xc8: {  	s9 =	sor.u32 $0x580, s8;
	[sflag:s29] =	ssyncadd.s32 $0xFFFFE000  }
0xc9: {  	[spmem:s2] =	stream.indirect.scatter.add.f32 [tilespmem:s23], [sflag:$0x6], $0x80, s9, s21, $0xb8;
	[tilespmem:$0x1C800] =	vst v63  }
0xca: {  	_ =	swait.ge [sflag:s24], $0x2000  }
.Ltmp1:
0xcb: {  	[sflag:s24] =	ssyncset.done $0x0;
	(pc) =	sbr.rel @p0 .LBB2_4-.Ltmp1, $4  }
0xcc: {  	s8 =	sor.u32 $0x680, s8;
	[sflag:s24] =	ssyncadd.s32 $0xFFFFE000  }
0xcd: {  	[spmem:s2] =	stream.indirect.scatter.add.f32 [tilespmem:s22], [sflag:$0x4], $0x80, s8, s21, $0xb8;
	[tilespmem:$0x1C800] =	vst v63  }
0xce: {  	_ =	swait.ge [sflag:s26], $0x2000  }
0xcf: {  	[sflag:s26] =	ssyncset.done $0x0  }
0xd0: {  	[sflag:s26] =	ssyncadd.s32 $0xFFFFE000  }
0xd1: {  	[spmem:s2] =	stream.indirect.scatter.add.f32 [tilespmem:s19], [sflag:$0x5], $0x80, s6, s21, $0xb8;
	[tilespmem:$0x1C800] =	vst v63  }
0xd2: {  	_ =	swait.ge [sflag:s30], $0x2000  }
0xd3: {  	[sflag:s30] =	ssyncset.done $0x0  }
0xd4: {  	[sflag:s30] =	ssyncadd.s32 $0xFFFFE000  }
0xd5: {  	_ =	swait.ge [sflag:s25], $0x2000  }
0xd6: {  	[sflag:s25] =	ssyncset.done $0x0  }
0xd7: {  	[sflag:s25] =	ssyncadd.s32 $0xFFFFE000  }
0xd8: {  	_ =	swait.ge [sflag:s28], $0x2000  }
0xd9: {  	[sflag:s28] =	ssyncset.done $0x0  }
0xda: {  	[sflag:s28] =	ssyncadd.s32 $0xFFFFE000  }
0xdb: {  	s1 =	sadd.s32 $0xFFFFE000, s7;
	[bflag:$0x0] =	sbarrier.arrive $0xFFFF  }
0xdc: {  	[tilespmem:s22], [sflag:$0x7] =	stream.linear.gather [spmem:s1], $0x2000, $0x38;
	[tilespmem:$0x1C800] =	vst v63  }
0xdd: {  	_ =	swait.ge [sflag:s20], $0x2000  }
0xde: {  	[sflag:s20] =	ssyncset.done $0x0  }
0xdf: {  	s9 =	sadd.s32 $0x0, s17;
	[sflag:s20] =	ssyncadd.s32 $0xFFFFE000  }
0xe0: {  	[hbm4b:s9+s3] =	stream.linear.scatter [tilespmem:s22], [sflag:$0x1], $0x2000, $0x38;
	[tilespmem:$0x1C800] =	vst v63  }
0xe1: {  	_ = 	snop  }
0xe2: {  	[tilespmem:s19], [sflag:$0x7] =	stream.linear.gather [spmem:s7], $0x2000, $0x38;
	[tilespmem:$0x1C800] =	vst v63  }
0xe3: {  	_ =	swait.ge [sflag:s20], $0x2000  }
0xe4: {  	[sflag:s20] =	ssyncset.done $0x0  }
0xe5: {  	s16 =	sadd.s32 $0x0, s18;
	[sflag:s20] =	ssyncadd.s32 $0xFFFFE000  }
0xe6: {  	[hbm4b:s16+s3] =	stream.linear.scatter [tilespmem:s19], [sflag:$0x2], $0x2000, $0x38;
	[tilespmem:$0x1C800] =	vst v63  }
0xe7: {  	_ =	swait.ge [sflag:s24], $0x2000  }
0xe8: {  	[sflag:s24] =	ssyncset.done $0x0  }
0xe9: {  	[sflag:s24] =	ssyncadd.s32 $0xFFFFE000  }
0xea: {  	s8 =	simm.s32 $0x1000;
	_ =	swait.ge [sflag:s26], $0x2000  }
0xeb: {  	s6 =	sadd.s32 $0x4000, s7;
	s1 =	simm.s32 $0x800;
	[sflag:s26] =	ssyncset.done $0x0  }
.LBB2_6:
0xec: {  	p0 =	sne.s32 s8, $0x2000;
	s9 =	sadd.s32 $0xFFFFE000, s6;
	[sflag:s26] =	ssyncadd.s32 $0xFFFFE000  }
0xed: {  	[tilespmem:s22], [sflag:$0x7] =	stream.linear.gather [spmem:s9], $0x2000, $0x38;
	[tilespmem:$0x1C800] =	vst v63  }
0xee: {  	s9 =	smov.u32 s8;
	s8 =	sadd.s32 $0x800, s8;
	_ =	swait.ge [sflag:s20], $0x2000  }
0xef: {  	[sflag:s20] =	ssyncset.done $0x0  }
0xf0: {  	s16 =	sadd.s32 s1, s17;
	[sflag:s20] =	ssyncadd.s32 $0xFFFFE000  }
0xf1: {  	[hbm4b:s16+s3] =	stream.linear.scatter [tilespmem:s22], [sflag:$0x1], $0x2000, $0x38;
	[tilespmem:$0x1C800] =	vst v63  }
0xf2: {  	_ = 	snop  }
0xf3: {  	[tilespmem:s19], [sflag:$0x7] =	stream.linear.gather [spmem:s6], $0x2000, $0x38;
	[tilespmem:$0x1C800] =	vst v63  }
0xf4: {  	_ =	swait.ge [sflag:s20], $0x2000  }
0xf5: {  	[sflag:s20] =	ssyncset.done $0x0  }
0xf6: {  	s16 =	sadd.s32 s1, s18;
	s1 =	smov.u32 s9;
	[sflag:s20] =	ssyncadd.s32 $0xFFFFE000  }
0xf7: {  	[hbm4b:s16+s3] =	stream.linear.scatter [tilespmem:s19], [sflag:$0x2], $0x2000, $0x38;
	[tilespmem:$0x1C800] =	vst v63  }
.Ltmp2:
0xf8: {  	_ =	swait.ge [sflag:s24], $0x2000;
	(pc) =	sbr.rel @p0 .LBB2_6-.Ltmp2, $4  }
0xf9: {  	[sflag:s24] =	ssyncset.done $0x0  }
0xfa: {  	[sflag:s24] =	ssyncadd.s32 $0xFFFFE000  }
0xfb: {  	_ =	swait.ge [sflag:s26], $0x2000  }
0xfc: {  	s6 =	sadd.s32 $0x4000, s6;
	[sflag:s26] =	ssyncset.done $0x0  }
0xfd: {  	s8 =	sadd.s32 $0xFFFFE000, s6;
	[sflag:s26] =	ssyncadd.s32 $0xFFFFE000  }
0xfe: {  	[tilespmem:s22], [sflag:$0x7] =	stream.linear.gather [spmem:s8], $0x2000, $0x38;
	[tilespmem:$0x1C800] =	vst v63  }
0xff: {  	_ =	swait.ge [sflag:s20], $0x2000  }
0x100: {  	[sflag:s20] =	ssyncset.done $0x0  }
0x101: {  	s16 =	sadd.s32 s1, s17;
	[sflag:s20] =	ssyncadd.s32 $0xFFFFE000  }
0x102: {  	[hbm4b:s16+s3] =	stream.linear.scatter [tilespmem:s22], [sflag:$0x1], $0x2000, $0x38;
	[tilespmem:$0x1C800] =	vst v63  }
0x103: {  	_ = 	snop  }
0x104: {  	[tilespmem:s19], [sflag:$0x7] =	stream.linear.gather [spmem:s6], $0x2000, $0x38;
	[tilespmem:$0x1C800] =	vst v63  }
0x105: {  	_ =	swait.ge [sflag:s20], $0x2000  }
0x106: {  	[sflag:s20] =	ssyncset.done $0x0  }
0x107: {  	s9 =	sadd.s32 s1, s18;
	[sflag:s20] =	ssyncadd.s32 $0xFFFFE000  }
0x108: {  	[hbm4b:s9+s3] =	stream.linear.scatter [tilespmem:s19], [sflag:$0x2], $0x2000, $0x38;
	[tilespmem:$0x1C800] =	vst v63  }
0x109: {  	_ =	swait.ge [sflag:s24], $0x2000  }
0x10a: {  	[sflag:s24] =	ssyncset.done $0x0  }
0x10b: {  	[sflag:s24] =	ssyncadd.s32 $0xFFFFE000  }
0x10c: {  	_ =	swait.ge [sflag:s26], $0x2000  }
0x10d: {  	s31 =	sadd.s32 $0x1, s31;
	s16 =	rddreg [dreg:$0x3]  }
0x10e: {  	p0 =	sne.s32 s31, s16  }
.Ltmp3:
0x10f: {  	_ = 	snop;
	(pc) =	sbr.rel @p0 .LBB2_1-.Ltmp3, $3  }
0x110: {  	_ =	sdelay $0x1  }
0x111: {  	[sflag:s26] =	ssyncset.done $0x0  }
0x112: {  	[sflag:s26] =	ssyncadd.s32 $0xFFFFE000  }
0x113: {  	_ =	sfence.sel $0x180000  }
0x114: {  	[bflag:$0x0] =	sbarrier.arrive $0xFFFF  }
0x115: {  	_ =	strace $0x90000050  }
0x116: {  	s0 =	stileid.u32;
	[bflag:$0x2] =	sbarrier.arrive $0xFFFF  }
0x117: {  	p0 =	sne.s32 s0, $0x0;
	s0 =	rddreg [dreg:$0x2]  }
0x118: {  	s0 =	sadd.s32 @!p0 $0x100000, s0  }
0x119: {  	[sflag:s0] =	ssyncadd.tile.s32 @!p0 $0x1;
	_ =	shalt  }
.Lfunc_end2:
_tile_overlayer_lowered:
.L_overlay_start_2:
0x11a: {  	(tag) =	ssettag $0x2  }
0x11b: {  	s0 =	rddreg [dreg:$0x0];
	s2 =	stileid.u32  }
0x11c: {  	s1 =	rddreg [dreg:$0x1];
	p0 =	sne.s32 s2, $0x0  }
0x11d: {  	s3 =	rddreg [dreg:$0x2];
	[bflag:$0x3] =	sbarrier.arrive $0xFFFF;
	s2 =	simm.s32 @!p0 $0x1C07  }
0x11e: {  	[timem:s3], [sflag:s2] =	dma.local @!p0 [hbm:s0], s1  }
0x11f: {  	s0 =	simm.s32 @!p0 $0x7  }
0x120: {  	_ =	swait.ge @!p0 [sflag:s0], s1  }
0x121: {  	s1 =	ssub.s32 @!p0 $0x0, s1;
	[sflag:s0] =	ssyncset.done @!p0 $0x0  }
0x122: {  	[sflag:s0] =	ssyncadd.s32 @!p0 s1  }
0x123: {  	[bflag:$0x3] =	sbarrier.arrive $0xFFFF  }
0x124: {  	_ =	shalt  }

</sc_bundles>
